<compile_context>
chip_gen: v7x
topology: tpu7x:2x2x1
jax: 0.10.2.dev20260603
libtpu: 0.0.44.dev20260713+nightly
codegen_flags: <defaults>
</compile_context>

<pallas_src>
import math

import jax
import jax.numpy as jnp
from jax import lax
from jax.experimental import pallas as pl
from jax.experimental.pallas import tpu as pltpu
from jax.experimental.pallas import tpu_sc as plsc

N_ATOMS = 10000
N_EDGES = 320000
EMB = 128
EMB_RBF = 16

NC = 2
NS = 16
NW = NC * NS

CHUNK = 80
BLOCK1 = 12800
NBLK_A = 12
NBLK_B = 13
E_PART_A = NBLK_A * BLOCK1
CHUNKS_A = E_PART_A // NW // CHUNK
CHUNKS_B = (NBLK_B * BLOCK1) // NW // CHUNK
A_PAD = 10240
A_PER_S = A_PAD // NS
ZROWS = 40

_INV_SQRT2 = 1.0 / math.sqrt(2.0)


def _scaled_silu(x):
    return x * jax.lax.logistic(x) * (1.0 / 0.6)


def _edge_msg_body(basis_ref, m_ref, w_ref, out_ref):
    bases = jnp.dot(basis_ref[...], w_ref[...], preferred_element_type=jnp.float32)
    x = m_ref[...] * bases
    bits = lax.bitcast_convert_type(x.astype(jnp.bfloat16), jnp.uint16)
    bits = bits.astype(jnp.uint32)
    nb = bits.shape[0]
    g = bits.reshape(nb // CHUNK, CHUNK, EMB)
    lo = g[:, : CHUNK // 2, :]
    hi = g[:, CHUNK // 2 :, :]
    out_ref[...] = (lo | (hi << 16)).reshape(nb // 2, EMB)


def _edge_messages(basis_rad, m, W_rbf, off_blocks, n_blocks):
    return pl.pallas_call(
        _edge_msg_body,
        grid=(n_blocks,),
        in_specs=[
            pl.BlockSpec((BLOCK1, EMB_RBF), lambda i: (i + off_blocks, 0)),
            pl.BlockSpec((BLOCK1, EMB), lambda i: (i + off_blocks, 0)),
            pl.BlockSpec((EMB_RBF, EMB), lambda i: (0, 0)),
        ],
        out_specs=pl.BlockSpec((BLOCK1 // 2, EMB), lambda i: (i, 0)),
        out_shape=jax.ShapeDtypeStruct((n_blocks * BLOCK1 // 2, EMB), jnp.uint32),
    )(basis_rad, m, W_rbf)


def _make_scatter_body(e_base, n_chunks):
    e_per_w = n_chunks * CHUNK

    def _scatter_body(x_hbm, idx_hbm, out_hbm, idx0, idx1, idxsc0, idxsc1,
                      raw0, raw1, rows0, rows1,
                      zero_v, acc_sh, si0, si1, sr0, sr1, ss0, ss1):
        cid = lax.axis_index("c")
        sid = lax.axis_index("s")
        wid = sid * NC + cid
        base_e = e_base + wid * e_per_w
        base_h = wid * (e_per_w // 2)

        idxs = (idx0, idx1)
        idxscs = (idxsc0, idxsc1)
        raws = (raw0, raw1)
        rows = (rows0, rows1)
        sis = (si0, si1)
        srs = (sr0, sr1)
        sss = (ss0, ss1)

        def _fill_zero(i, _):
            r = i // 8
            c = lax.rem(i, 8)
            zero_v[r, pl.ds(c * 16, 16)] = jnp.zeros((16,), jnp.float32)
            return 0

        lax.fori_loop(0, ZROWS * 8, _fill_zero, 0)

        def _zero_acc(j, _):
            pltpu.sync_copy(zero_v,
                            acc_sh.at[pl.ds(sid * A_PER_S + j * ZROWS, ZROWS)])
            return 0

        lax.fori_loop(0, A_PER_S // ZROWS, _zero_acc, 0)
        plsc.subcore_barrier()

        def _start_gather(g, b):
            e0 = base_e + g * CHUNK
            h0 = base_h + g * (CHUNK // 2)
            pltpu.async_copy(idx_hbm.at[pl.ds(e0, CHUNK)], idxs[b], sis[b])
            pltpu.async_copy(x_hbm.at[pl.ds(h0, CHUNK // 2)], raws[b], srs[b])

        def _wait_gather(g, b):
            e0 = base_e + g * CHUNK
            h0 = base_h + g * (CHUNK // 2)
            pltpu.make_async_copy(idx_hbm.at[pl.ds(e0, CHUNK)], idxs[b],
                                  sis[b]).wait()
            pltpu.make_async_copy(x_hbm.at[pl.ds(h0, CHUNK // 2)], raws[b],
                                  srs[b]).wait()

        def _unpack(b):
            raw = raws[b]
            dst = rows[b]

            def _rowpair(r2, _):
                for g8 in range(EMB // 16):
                    w = raw[r2, pl.ds(g8 * 16, 16)]
                    bb = plsc.bitcast(w, jnp.bfloat16)
                    lo, hi = plsc.unpack(bb, format=plsc.PackFormat.INTERLEAVED)
                    dst[r2, pl.ds(g8 * 16, 16)] = lo
                    dst[r2 + CHUNK // 2, pl.ds(g8 * 16, 16)] = hi
                return 0

            lax.fori_loop(0, CHUNK // 2, _rowpair, 0)

        def _copy_idx(b):
            for j in range(CHUNK // 16):
                idxscs[b][pl.ds(j * 16, 16)] = idxs[b][pl.ds(j * 16, 16)]

        def _start_scatter(b):
            pltpu.async_copy(rows[b], acc_sh.at[idxscs[b]], sss[b], add=True)

        def _wait_scatter(b):
            pltpu.make_async_copy(rows[b], acc_sh.at[idxscs[b]], sss[b]).wait()

        _start_gather(0, 0)
        _start_gather(1, 1)
        _wait_gather(0, 0)
        _unpack(0)
        _copy_idx(0)
        _start_gather(2, 0)
        _start_scatter(0)
        _wait_gather(1, 1)
        _unpack(1)
        _copy_idx(1)
        _start_gather(3, 1)
        _start_scatter(1)

        def _pair(p, _):
            ga = 2 * p
            gb = 2 * p + 1
            _wait_gather(ga, 0)
            _wait_scatter(0)
            _unpack(0)
            _copy_idx(0)
            _start_gather(ga + 2, 0)
            _start_scatter(0)
            _wait_gather(gb, 1)
            _wait_scatter(1)
            _unpack(1)
            _copy_idx(1)
            _start_gather(gb + 2, 1)
            _start_scatter(1)
            return 0

        if n_chunks % 2:
            lax.fori_loop(1, (n_chunks - 3) // 2, _pair, 0)
            _wait_gather(n_chunks - 3, 0)
            _wait_scatter(0)
            _unpack(0)
            _copy_idx(0)
            _start_gather(n_chunks - 1, 0)
            _start_scatter(0)
            _wait_gather(n_chunks - 2, 1)
            _wait_scatter(1)
            _unpack(1)
            _copy_idx(1)
            _start_scatter(1)
            _wait_gather(n_chunks - 1, 0)
            _wait_scatter(0)
            _unpack(0)
            _copy_idx(0)
            _start_scatter(0)
            _wait_scatter(1)
            _wait_scatter(0)
        else:
            lax.fori_loop(1, (n_chunks - 2) // 2, _pair, 0)
            _wait_gather(n_chunks - 2, 0)
            _wait_scatter(0)
            _unpack(0)
            _copy_idx(0)
            _start_scatter(0)
            _wait_gather(n_chunks - 1, 1)
            _wait_scatter(1)
            _unpack(1)
            _copy_idx(1)
            _start_scatter(1)
            _wait_scatter(0)
            _wait_scatter(1)
        plsc.subcore_barrier()

        pltpu.sync_copy(
            acc_sh.at[pl.ds(sid * A_PER_S, A_PER_S)],
            out_hbm.at[cid, pl.ds(sid * A_PER_S, A_PER_S)],
        )

    return _scatter_body


def _scatter_partials(x, idx_atom, e_base, n_chunks):
    mesh = plsc.VectorSubcoreMesh(core_axis_name="c", subcore_axis_name="s")
    k = pl.kernel(
        _make_scatter_body(e_base, n_chunks),
        out_type=jax.ShapeDtypeStruct((NC, A_PAD, EMB), jnp.float32),
        mesh=mesh,
        scratch_types=[
            pltpu.VMEM((CHUNK,), jnp.int32),
            pltpu.VMEM((CHUNK,), jnp.int32),
            pltpu.VMEM((CHUNK,), jnp.int32),
            pltpu.VMEM((CHUNK,), jnp.int32),
            pltpu.VMEM((CHUNK // 2, EMB), jnp.uint32),
            pltpu.VMEM((CHUNK // 2, EMB), jnp.uint32),
            pltpu.VMEM((CHUNK, EMB), jnp.float32),
            pltpu.VMEM((CHUNK, EMB), jnp.float32),
            pltpu.VMEM((ZROWS, EMB), jnp.float32),
            pltpu.VMEM_SHARED((A_PAD, EMB), jnp.float32),
            pltpu.SemaphoreType.DMA,
            pltpu.SemaphoreType.DMA,
            pltpu.SemaphoreType.DMA,
            pltpu.SemaphoreType.DMA,
            pltpu.SemaphoreType.DMA,
            pltpu.SemaphoreType.DMA,
        ],
        compiler_params=pltpu.CompilerParams(needs_layout_passes=False),
    )
    return k(x, idx_atom)


def _mlp_body(scale_ref, pa_ref, pb_ref, w10_ref, w20_ref, w11_ref, w21_ref,
              out_ref):
    x = (pa_ref[0] + pa_ref[1] + pb_ref[0] + pb_ref[1]) * scale_ref[0]
    for wa_ref, wb_ref in ((w10_ref, w20_ref), (w11_ref, w21_ref)):
        y = _scaled_silu(jnp.dot(x, wa_ref[...], preferred_element_type=jnp.float32))
        y = _scaled_silu(jnp.dot(y, wb_ref[...], preferred_element_type=jnp.float32))
        x = (x + y) * _INV_SQRT2
    out_ref[...] = x


def _residual_mlp(pa, pb, scale, W1_0, W2_0, W1_1, W2_1, block=2000):
    grid = (N_ATOMS // block,)
    wspec = pl.BlockSpec((EMB, EMB), lambda i: (0, 0))
    pspec = pl.BlockSpec((NC, block, EMB), lambda i: (0, i, 0))
    return pl.pallas_call(
        _mlp_body,
        grid=grid,
        in_specs=[
            pl.BlockSpec(memory_space=pltpu.SMEM),
            pspec, pspec,
            wspec, wspec, wspec, wspec,
        ],
        out_specs=pl.BlockSpec((block, EMB), lambda i: (i, 0)),
        out_shape=jax.ShapeDtypeStruct((N_ATOMS, EMB), jnp.float32),
    )(scale.reshape((1,)), pa, pb, W1_0, W2_0, W1_1, W2_1)


def kernel(h, m, basis_rad, idx_atom, W_rbf, W1_0, W2_0, W1_1, W2_1, scale):
    idx32 = idx_atom.astype(jnp.int32)
    xa = _edge_messages(basis_rad, m, W_rbf, 0, NBLK_A)
    pa = _scatter_partials(xa, idx32, 0, CHUNKS_A)
    xb = _edge_messages(basis_rad, m, W_rbf, NBLK_A, NBLK_B)
    pb = _scatter_partials(xb, idx32, E_PART_A, CHUNKS_B)
    return _residual_mlp(pa, pb, scale, W1_0, W2_0, W1_1, W2_1)

# --- scband reference (transcript-rebuilt; emitter-appended) ---
"""Pipeline reference for scband-atom-update-block-69999376990647 (READ-ONLY COPY).

The authoritative reference and input builder live on the scoring server;
editing this copy changes nothing except your own understanding.
"""

import jax, jax.numpy as jnp
import numpy as np
import math

N_ATOMS = 10000
N_EDGES = 320000
EMB_ATOM = 128
EMB_EDGE = 128
EMB_RBF = 16
N_HIDDEN = 2

# GemNet-style ScaledSiLU activation (silu scaled by 1/0.6)

def scaled_silu(x):
    return jax.nn.silu(x) * (1.0 / 0.6)


def setup_inputs(seed: int = 0) -> dict:
    key = jax.random.key(seed)
    ks = jax.random.split(key, 12)
    h = jax.random.normal(ks[0], (N_ATOMS, EMB_ATOM), dtype=jnp.float32)
    m = jax.random.normal(ks[1], (N_EDGES, EMB_EDGE), dtype=jnp.float32)
    basis_rad = jax.random.normal(ks[2], (N_EDGES, EMB_RBF), dtype=jnp.float32)
    idx_atom = jax.random.randint(ks[3], (N_EDGES,), 0, N_ATOMS, dtype=jnp.int64 if jax.config.jax_enable_x64 else jnp.int32)
    # Parameters
    W_rbf = jax.random.normal(ks[4], (EMB_RBF, EMB_EDGE), dtype=jnp.float32) / math.sqrt(EMB_RBF)
    # emb_size_edge == emb_size_atom -> no projection dense; 2 residual layers, each with 2 dense (bias=False)
    W1_0 = jax.random.normal(ks[5], (EMB_ATOM, EMB_ATOM), dtype=jnp.float32) / math.sqrt(EMB_ATOM)
    W2_0 = jax.random.normal(ks[6], (EMB_ATOM, EMB_ATOM), dtype=jnp.float32) / math.sqrt(EMB_ATOM)
    W1_1 = jax.random.normal(ks[7], (EMB_ATOM, EMB_ATOM), dtype=jnp.float32) / math.sqrt(EMB_ATOM)
    W2_1 = jax.random.normal(ks[8], (EMB_ATOM, EMB_ATOM), dtype=jnp.float32) / math.sqrt(EMB_ATOM)
    scale = jnp.ones((), dtype=jnp.float32)  # ScaleFactor fitted scalar
    return {"h": h, "m": m, "basis_rad": basis_rad, "idx_atom": idx_atom,
            "W_rbf": W_rbf, "W1_0": W1_0, "W2_0": W2_0, "W1_1": W1_1, "W2_1": W2_1,
            "scale": scale}


def reference(h, m, basis_rad, idx_atom, W_rbf, W1_0, W2_0, W1_1, W2_1, scale):
    nAtoms = h.shape[0]
    inv_sqrt2 = 1.0 / math.sqrt(2.0)
    # dense_rbf: Dense(emb_size_rbf, emb_size_edge, activation=None, bias=False)
    bases_emb = basis_rad @ W_rbf                       # (nEdges, emb_size_edge)
    x = m * bases_emb                                   # elementwise scale of edge messages
    # scatter(x, idx_atom, dim=0, dim_size=nAtoms, reduce='sum')
    x2 = jax.ops.segment_sum(x, idx_atom, num_segments=nAtoms)
    # ScaleFactor
    x = x2 * scale
    # Residual MLP: nHidden=2 ResidualLayers, each with 2 Dense(activation=silu, bias=False)
    for (Wa, Wb) in ((W1_0, W2_0), (W1_1, W2_1)):
        y = scaled_silu(x @ Wa)
        y = scaled_silu(y @ Wb)
        x = (x + y) * inv_sqrt2
    return x

if __name__ == "__main__":
    import jax
    _d = setup_inputs()
    print(jax.jit(kernel)(*tuple(_d.values())))

</pallas_src>

<mosaic_0001>
#map = affine_map<(d0, d1) -> (0, 0)>
#map1 = affine_map<(d0, d1) -> (0)>
#map2 = affine_map<(d0, d1) -> (0, 0, 0)>
module attributes {stable_mosaic.version = 14 : i64} {
  func.func @_scatter_body(%arg0: i32, %arg1: i32, %arg2: memref<83200x128xi32, #tpu.memory_space<hbm>>, %arg3: memref<320000xi32, #tpu.memory_space<hbm>>, %arg4: memref<2x10240x128xf32, #tpu.memory_space<hbm>>, %arg5: memref<80xi32, #tpu.memory_space<vmem>>, %arg6: memref<80xi32, #tpu.memory_space<vmem>>, %arg7: memref<80xi32, #tpu.memory_space<vmem>>, %arg8: memref<80xi32, #tpu.memory_space<vmem>>, %arg9: memref<40x128xi32, #tpu.memory_space<vmem>>, %arg10: memref<40x128xi32, #tpu.memory_space<vmem>>, %arg11: memref<80x128xf32, #tpu.memory_space<vmem>>, %arg12: memref<80x128xf32, #tpu.memory_space<vmem>>, %arg13: memref<40x128xf32, #tpu.memory_space<vmem>>, %arg14: memref<10240x128xf32, #tpu.memory_space<vmem_shared>>, %arg15: memref<!tpu.dma_semaphore, #tpu.memory_space<semaphore_mem>>, %arg16: memref<!tpu.dma_semaphore, #tpu.memory_space<semaphore_mem>>, %arg17: memref<!tpu.dma_semaphore, #tpu.memory_space<semaphore_mem>>, %arg18: memref<!tpu.dma_semaphore, #tpu.memory_space<semaphore_mem>>, %arg19: memref<!tpu.dma_semaphore, #tpu.memory_space<semaphore_mem>>, %arg20: memref<!tpu.dma_semaphore, #tpu.memory_space<semaphore_mem>>) attributes {dimension_semantics = [#tpu.dimension_semantics<core_parallel>, #tpu.dimension_semantics<subcore_parallel>], iteration_bounds = array<i64: 2, 16>, scalar_prefetch = 0 : i64, scratch_operands = 16 : i64, tpu.core_type = #tpu.core_type<sc_vector_subcore>, window_params = [{transform_indices = #map}, {transform_indices = #map1}, {transform_indices = #map2}]} {
    %mul3A = arith.constant 2 : i32
    %mul3A_0 = arith.muli %arg1, %mul3A : i32
    %add3A = arith.addi %mul3A_0, %arg0 : i32
    %mul3A_1 = arith.constant 5200 : i32
    %mul3A_2 = arith.muli %add3A, %mul3A_1 : i32
    %add3A_3 = arith.constant 153600 : i32
    %add3A_4 = arith.addi %add3A_3, %mul3A_2 : i32
    %mul3A_5 = arith.constant 2600 : i32
    %mul3A_6 = arith.muli %add3A, %mul3A_5 : i32
    %scan3A = arith.constant 0 : i32
    %scan3A_7 = arith.constant 0 : i32
    %scan3A_8 = arith.constant 320 : i32
    %scan3A_9 = arith.addi %scan3A_7, %scan3A_8 : i32
    %scan3A_10 = arith.constant 1 : i32
    %scan3A_11 = scf.for %scan3A_293 = %scan3A_7 to %scan3A_9 step %scan3A_10 iter_args(%scan3A_294 = %scan3A) -> (i32)  : i32 {
      %jit3A = arith.constant 8 : i32
      %div3A = arith.divsi %scan3A_293, %jit3A : i32
      %sign3A = arith.constant 0 : i32
      %sign3A_295 = arith.cmpi sgt, %scan3A_293, %sign3A : i32
      %sign3A_296 = arith.extui %sign3A_295 : i1 to i32
      %sign3A_297 = arith.constant 0 : i32
      %sign3A_298 = arith.cmpi slt, %scan3A_293, %sign3A_297 : i32
      %sign3A_299 = arith.extui %sign3A_298 : i1 to i32
      %sign3A_300 = arith.subi %sign3A_296, %sign3A_299 : i32
      %sign3A_301 = arith.constant 0 : i32
      %sign3A_302 = arith.cmpi sgt, %jit3A, %sign3A_301 : i32
      %sign3A_303 = arith.extui %sign3A_302 : i1 to i32
      %sign3A_304 = arith.constant 0 : i32
      %sign3A_305 = arith.cmpi slt, %jit3A, %sign3A_304 : i32
      %sign3A_306 = arith.extui %sign3A_305 : i1 to i32
      %sign3A_307 = arith.subi %sign3A_303, %sign3A_306 : i32
      %ne3A = arith.cmpi ne, %sign3A_300, %sign3A_307 : i32
      %rem3A = arith.remsi %scan3A_293, %jit3A : i32
      %ne3A_308 = arith.constant 0 : i32
      %ne3A_309 = arith.cmpi ne, %rem3A, %ne3A_308 : i32
      %and3A = arith.andi %ne3A, %ne3A_309 : i1
      %sub3A = arith.constant 1 : i32
      %sub3A_310 = arith.subi %div3A, %sub3A : i32
      %select_n3A = arith.select %and3A, %sub3A_310, %div3A : i32
      %rem3A_311 = arith.constant 8 : i32
      %rem3A_312 = arith.remsi %scan3A_293, %rem3A_311 : i32
      %broadcast_in_dim3A = arith.constant 0.000000e+00 : f32
      %broadcast_in_dim3A_313 = vector.broadcast %broadcast_in_dim3A : f32 to vector<16xf32>
      %mul3A_314 = arith.constant 16 : i32
      %mul3A_315 = arith.muli %rem3A_312, %mul3A_314 : i32
      %swap3A_316 = arith.index_cast %select_n3A : i32 to index
      %swap3A_317 = arith.index_cast %mul3A_315 : i32 to index
      %swap3A_318 = tpu.vector_load %arg13[%swap3A_316, %swap3A_317] {strides = array<i32>} : memref<40x128xf32, #tpu.memory_space<vmem>>, vector<16xf32>,
      tpu.vector_store %arg13[%swap3A_316, %swap3A_317], %broadcast_in_dim3A_313 {strides = array<i32>} : memref<40x128xf32, #tpu.memory_space<vmem>>, vector<16xf32>,
      %scan3A_319 = arith.constant 0 : i32
      scf.yield %scan3A_319 : i32
    }
    %scan3A_12 = arith.constant 320 : i32
    %scan3A_13 = arith.constant 0 : i32
    %scan3A_14 = arith.constant 0 : i32
    %scan3A_15 = arith.constant 16 : i32
    %scan3A_16 = arith.addi %scan3A_14, %scan3A_15 : i32
    %scan3A_17 = arith.constant 1 : i32
    %scan3A_18 = scf.for %scan3A_293 = %scan3A_14 to %scan3A_16 step %scan3A_17 iter_args(%scan3A_294 = %scan3A_13) -> (i32)  : i32 {
      %mul3A_295 = arith.constant 640 : i32
      %mul3A_296 = arith.muli %arg1, %mul3A_295 : i32
      %mul3A_297 = arith.constant 40 : i32
      %mul3A_298 = arith.muli %scan3A_293, %mul3A_297 : i32
      %add3A_299 = arith.addi %mul3A_296, %mul3A_298 : i32
      "tpu.region"() ({
        %run_scoped3A = tpu.sem_alloc : memref<!tpu.dma_semaphore, #tpu.memory_space<semaphore_mem>>
        %dma_start3A_301 = arith.constant 0 : i32
        %dma_start3A_302 = tpu.memref_slice %arg14[%add3A_299, %dma_start3A_301] : memref<10240x128xf32, #tpu.memory_space<vmem_shared>> -> memref<40x128xf32, #tpu.memory_space<vmem_shared>>
        %dma_start3A_303 = arith.constant 0 : i32
        %dma_start3A_304 = tpu.memref_slice %arg14[%add3A_299, %dma_start3A_303] : memref<10240x128xf32, #tpu.memory_space<vmem_shared>> -> memref<40x128xf32, #tpu.memory_space<vmem_shared>>
        tpu.enqueue_dma source(%arg13 : memref<40x128xf32, #tpu.memory_space<vmem>>) target(%dma_start3A_304 : memref<40x128xf32, #tpu.memory_space<vmem_shared>>) target_semaphore(%run_scoped3A : memref<!tpu.dma_semaphore, #tpu.memory_space<semaphore_mem>>)
        %dma_wait3A_305 = arith.constant 0 : i32
        %dma_wait3A_306 = tpu.memref_slice %arg14[%add3A_299, %dma_wait3A_305] : memref<10240x128xf32, #tpu.memory_space<vmem_shared>> -> memref<40x128xf32, #tpu.memory_space<vmem_shared>>
        %dma_wait3A_307 = arith.constant 0 : i32
        %dma_wait3A_308 = tpu.memref_slice %arg14[%add3A_299, %dma_wait3A_307] : memref<10240x128xf32, #tpu.memory_space<vmem_shared>> -> memref<40x128xf32, #tpu.memory_space<vmem_shared>>
        tpu.wait_dma2 semaphore(%run_scoped3A : memref<!tpu.dma_semaphore, #tpu.memory_space<semaphore_mem>>) src(%arg13 : memref<40x128xf32, #tpu.memory_space<vmem>>) dst(%dma_wait3A_308 : memref<40x128xf32, #tpu.memory_space<vmem_shared>>)
        tpu.yield
      }) : () -> ()
      %scan3A_300 = arith.constant 0 : i32
      scf.yield %scan3A_300 : i32
    }
    %scan3A_19 = arith.constant 16 : i32
    %barrier3A = arith.constant 0 : index
    tpu.barrier barrier_id(%barrier3A)
    %add3A_20 = arith.constant 0 : i32
    %add3A_21 = arith.addi %add3A_4, %add3A_20 : i32
    %add3A_22 = arith.constant 0 : i32
    %add3A_23 = arith.addi %mul3A_6, %add3A_22 : i32
    %dma_start3A = tpu.memref_slice %arg3[%add3A_21] : memref<320000xi32, #tpu.memory_space<hbm>> -> memref<80xi32, #tpu.memory_space<hbm>>
    %dma_start3A_24 = tpu.memref_slice %arg3[%add3A_21] : memref<320000xi32, #tpu.memory_space<hbm>> -> memref<80xi32, #tpu.memory_space<hbm>>
    tpu.enqueue_dma source(%dma_start3A_24 : memref<80xi32, #tpu.memory_space<hbm>>) target(%arg5 : memref<80xi32, #tpu.memory_space<vmem>>) target_semaphore(%arg15 : memref<!tpu.dma_semaphore, #tpu.memory_space<semaphore_mem>>)
    %dma_start3A_25 = arith.constant 0 : i32
    %dma_start3A_26 = tpu.memref_slice %arg2[%add3A_23, %dma_start3A_25] : memref<83200x128xi32, #tpu.memory_space<hbm>> -> memref<40x128xi32, #tpu.memory_space<hbm>>
    %dma_start3A_27 = arith.constant 0 : i32
    %dma_start3A_28 = tpu.memref_slice %arg2[%add3A_23, %dma_start3A_27] : memref<83200x128xi32, #tpu.memory_space<hbm>> -> memref<40x128xi32, #tpu.memory_space<hbm>>
    tpu.enqueue_dma source(%dma_start3A_28 : memref<40x128xi32, #tpu.memory_space<hbm>>) target(%arg9 : memref<40x128xi32, #tpu.memory_space<vmem>>) target_semaphore(%arg17 : memref<!tpu.dma_semaphore, #tpu.memory_space<semaphore_mem>>)
    %add3A_29 = arith.constant 80 : i32
    %add3A_30 = arith.addi %add3A_4, %add3A_29 : i32
    %add3A_31 = arith.constant 40 : i32
    %add3A_32 = arith.addi %mul3A_6, %add3A_31 : i32
    %dma_start3A_33 = tpu.memref_slice %arg3[%add3A_30] : memref<320000xi32, #tpu.memory_space<hbm>> -> memref<80xi32, #tpu.memory_space<hbm>>
    %dma_start3A_34 = tpu.memref_slice %arg3[%add3A_30] : memref<320000xi32, #tpu.memory_space<hbm>> -> memref<80xi32, #tpu.memory_space<hbm>>
    tpu.enqueue_dma source(%dma_start3A_34 : memref<80xi32, #tpu.memory_space<hbm>>) target(%arg6 : memref<80xi32, #tpu.memory_space<vmem>>) target_semaphore(%arg16 : memref<!tpu.dma_semaphore, #tpu.memory_space<semaphore_mem>>)
    %dma_start3A_35 = arith.constant 0 : i32
    %dma_start3A_36 = tpu.memref_slice %arg2[%add3A_32, %dma_start3A_35] : memref<83200x128xi32, #tpu.memory_space<hbm>> -> memref<40x128xi32, #tpu.memory_space<hbm>>
    %dma_start3A_37 = arith.constant 0 : i32
    %dma_start3A_38 = tpu.memref_slice %arg2[%add3A_32, %dma_start3A_37] : memref<83200x128xi32, #tpu.memory_space<hbm>> -> memref<40x128xi32, #tpu.memory_space<hbm>>
    tpu.enqueue_dma source(%dma_start3A_38 : memref<40x128xi32, #tpu.memory_space<hbm>>) target(%arg10 : memref<40x128xi32, #tpu.memory_space<vmem>>) target_semaphore(%arg18 : memref<!tpu.dma_semaphore, #tpu.memory_space<semaphore_mem>>)
    %add3A_39 = arith.constant 0 : i32
    %add3A_40 = arith.addi %add3A_4, %add3A_39 : i32
    %add3A_41 = arith.constant 0 : i32
    %add3A_42 = arith.addi %mul3A_6, %add3A_41 : i32
    %dma_wait3A = tpu.memref_slice %arg3[%add3A_40] : memref<320000xi32, #tpu.memory_space<hbm>> -> memref<80xi32, #tpu.memory_space<hbm>>
    %dma_wait3A_43 = tpu.memref_slice %arg3[%add3A_40] : memref<320000xi32, #tpu.memory_space<hbm>> -> memref<80xi32, #tpu.memory_space<hbm>>
    tpu.wait_dma2 semaphore(%arg15 : memref<!tpu.dma_semaphore, #tpu.memory_space<semaphore_mem>>) src(%dma_wait3A_43 : memref<80xi32, #tpu.memory_space<hbm>>) dst(%arg5 : memref<80xi32, #tpu.memory_space<vmem>>)
    %dma_wait3A_44 = arith.constant 0 : i32
    %dma_wait3A_45 = tpu.memref_slice %arg2[%add3A_42, %dma_wait3A_44] : memref<83200x128xi32, #tpu.memory_space<hbm>> -> memref<40x128xi32, #tpu.memory_space<hbm>>
    %dma_wait3A_46 = arith.constant 0 : i32
    %dma_wait3A_47 = tpu.memref_slice %arg2[%add3A_42, %dma_wait3A_46] : memref<83200x128xi32, #tpu.memory_space<hbm>> -> memref<40x128xi32, #tpu.memory_space<hbm>>
    tpu.wait_dma2 semaphore(%arg17 : memref<!tpu.dma_semaphore, #tpu.memory_space<semaphore_mem>>) src(%dma_wait3A_47 : memref<40x128xi32, #tpu.memory_space<hbm>>) dst(%arg9 : memref<40x128xi32, #tpu.memory_space<vmem>>)
    %scan3A_48 = arith.constant 0 : i32
    %scan3A_49 = arith.constant 0 : i32
    %scan3A_50 = arith.constant 40 : i32
    %scan3A_51 = arith.addi %scan3A_49, %scan3A_50 : i32
    %scan3A_52 = arith.constant 1 : i32
    %scan3A_53 = scf.for %scan3A_293 = %scan3A_49 to %scan3A_51 step %scan3A_52 iter_args(%scan3A_294 = %scan3A_48) -> (i32)  : i32 {
      %get3A_295 = arith.index_cast %scan3A_293 : i32 to index
      %get3A_296 = arith.constant 0 : index
      %get3A_297 = tpu.vector_load %arg9[%get3A_295, %get3A_296] {strides = array<i32>} : memref<40x128xi32, #tpu.memory_space<vmem>>, vector<16xi32>,
      %bitcast3A = vector.bitcast %get3A_297 : vector<16xi32> to vector<32xbf16>
      %unpack3A = tpu.unpack_subelements %bitcast3A, 0 {pack_format = #tpu.pack_format<interleaved>} : vector<32xbf16> -> vector<16xf32>
      %unpack3A_298 = tpu.unpack_subelements %bitcast3A, 1 {pack_format = #tpu.pack_format<interleaved>} : vector<32xbf16> -> vector<16xf32>
      %swap3A_299 = arith.index_cast %scan3A_293 : i32 to index
      %swap3A_300 = arith.constant 0 : index
      %swap3A_301 = tpu.vector_load %arg11[%swap3A_299, %swap3A_300] {strides = array<i32>} : memref<80x128xf32, #tpu.memory_space<vmem>>, vector<16xf32>,
      tpu.vector_store %arg11[%swap3A_299, %swap3A_300], %unpack3A {strides = array<i32>} : memref<80x128xf32, #tpu.memory_space<vmem>>, vector<16xf32>,
      %add3A_302 = arith.constant 40 : i32
      %add3A_303 = arith.addi %scan3A_293, %add3A_302 : i32
      %swap3A_304 = arith.index_cast %add3A_303 : i32 to index
      %swap3A_305 = arith.constant 0 : index
      %swap3A_306 = tpu.vector_load %arg11[%swap3A_304, %swap3A_305] {strides = array<i32>} : memref<80x128xf32, #tpu.memory_space<vmem>>, vector<16xf32>,
      tpu.vector_store %arg11[%swap3A_304, %swap3A_305], %unpack3A_298 {strides = array<i32>} : memref<80x128xf32, #tpu.memory_space<vmem>>, vector<16xf32>,
      %get3A_307 = arith.index_cast %scan3A_293 : i32 to index
      %get3A_308 = arith.constant 16 : index
      %get3A_309 = tpu.vector_load %arg9[%get3A_307, %get3A_308] {strides = array<i32>} : memref<40x128xi32, #tpu.memory_space<vmem>>, vector<16xi32>,
      %bitcast3A_310 = vector.bitcast %get3A_309 : vector<16xi32> to vector<32xbf16>
      %unpack3A_311 = tpu.unpack_subelements %bitcast3A_310, 0 {pack_format = #tpu.pack_format<interleaved>} : vector<32xbf16> -> vector<16xf32>
      %unpack3A_312 = tpu.unpack_subelements %bitcast3A_310, 1 {pack_format = #tpu.pack_format<interleaved>} : vector<32xbf16> -> vector<16xf32>
      %swap3A_313 = arith.index_cast %scan3A_293 : i32 to index
      %swap3A_314 = arith.constant 16 : index
      %swap3A_315 = tpu.vector_load %arg11[%swap3A_313, %swap3A_314] {strides = array<i32>} : memref<80x128xf32, #tpu.memory_space<vmem>>, vector<16xf32>,
      tpu.vector_store %arg11[%swap3A_313, %swap3A_314], %unpack3A_311 {strides = array<i32>} : memref<80x128xf32, #tpu.memory_space<vmem>>, vector<16xf32>,
      %add3A_316 = arith.constant 40 : i32
      %add3A_317 = arith.addi %scan3A_293, %add3A_316 : i32
      %swap3A_318 = arith.index_cast %add3A_317 : i32 to index
      %swap3A_319 = arith.constant 16 : index
      %swap3A_320 = tpu.vector_load %arg11[%swap3A_318, %swap3A_319] {strides = array<i32>} : memref<80x128xf32, #tpu.memory_space<vmem>>, vector<16xf32>,
      tpu.vector_store %arg11[%swap3A_318, %swap3A_319], %unpack3A_312 {strides = array<i32>} : memref<80x128xf32, #tpu.memory_space<vmem>>, vector<16xf32>,
      %get3A_321 = arith.index_cast %scan3A_293 : i32 to index
      %get3A_322 = arith.constant 32 : index
      %get3A_323 = tpu.vector_load %arg9[%get3A_321, %get3A_322] {strides = array<i32>} : memref<40x128xi32, #tpu.memory_space<vmem>>, vector<16xi32>,
      %bitcast3A_324 = vector.bitcast %get3A_323 : vector<16xi32> to vector<32xbf16>
      %unpack3A_325 = tpu.unpack_subelements %bitcast3A_324, 0 {pack_format = #tpu.pack_format<interleaved>} : vector<32xbf16> -> vector<16xf32>
      %unpack3A_326 = tpu.unpack_subelements %bitcast3A_324, 1 {pack_format = #tpu.pack_format<interleaved>} : vector<32xbf16> -> vector<16xf32>
      %swap3A_327 = arith.index_cast %scan3A_293 : i32 to index
      %swap3A_328 = arith.constant 32 : index
      %swap3A_329 = tpu.vector_load %arg11[%swap3A_327, %swap3A_328] {strides = array<i32>} : memref<80x128xf32, #tpu.memory_space<vmem>>, vector<16xf32>,
      tpu.vector_store %arg11[%swap3A_327, %swap3A_328], %unpack3A_325 {strides = array<i32>} : memref<80x128xf32, #tpu.memory_space<vmem>>, vector<16xf32>,
      %add3A_330 = arith.constant 40 : i32
      %add3A_331 = arith.addi %scan3A_293, %add3A_330 : i32
      %swap3A_332 = arith.index_cast %add3A_331 : i32 to index
      %swap3A_333 = arith.constant 32 : index
      %swap3A_334 = tpu.vector_load %arg11[%swap3A_332, %swap3A_333] {strides = array<i32>} : memref<80x128xf32, #tpu.memory_space<vmem>>, vector<16xf32>,
      tpu.vector_store %arg11[%swap3A_332, %swap3A_333], %unpack3A_326 {strides = array<i32>} : memref<80x128xf32, #tpu.memory_space<vmem>>, vector<16xf32>,
      %get3A_335 = arith.index_cast %scan3A_293 : i32 to index
      %get3A_336 = arith.constant 48 : index
      %get3A_337 = tpu.vector_load %arg9[%get3A_335, %get3A_336] {strides = array<i32>} : memref<40x128xi32, #tpu.memory_space<vmem>>, vector<16xi32>,
      %bitcast3A_338 = vector.bitcast %get3A_337 : vector<16xi32> to vector<32xbf16>
      %unpack3A_339 = tpu.unpack_subelements %bitcast3A_338, 0 {pack_format = #tpu.pack_format<interleaved>} : vector<32xbf16> -> vector<16xf32>
      %unpack3A_340 = tpu.unpack_subelements %bitcast3A_338, 1 {pack_format = #tpu.pack_format<interleaved>} : vector<32xbf16> -> vector<16xf32>
      %swap3A_341 = arith.index_cast %scan3A_293 : i32 to index
      %swap3A_342 = arith.constant 48 : index
      %swap3A_343 = tpu.vector_load %arg11[%swap3A_341, %swap3A_342] {strides = array<i32>} : memref<80x128xf32, #tpu.memory_space<vmem>>, vector<16xf32>,
      tpu.vector_store %arg11[%swap3A_341, %swap3A_342], %unpack3A_339 {strides = array<i32>} : memref<80x128xf32, #tpu.memory_space<vmem>>, vector<16xf32>,
      %add3A_344 = arith.constant 40 : i32
      %add3A_345 = arith.addi %scan3A_293, %add3A_344 : i32
      %swap3A_346 = arith.index_cast %add3A_345 : i32 to index
      %swap3A_347 = arith.constant 48 : index
      %swap3A_348 = tpu.vector_load %arg11[%swap3A_346, %swap3A_347] {strides = array<i32>} : memref<80x128xf32, #tpu.memory_space<vmem>>, vector<16xf32>,
      tpu.vector_store %arg11[%swap3A_346, %swap3A_347], %unpack3A_340 {strides = array<i32>} : memref<80x128xf32, #tpu.memory_space<vmem>>, vector<16xf32>,
      %get3A_349 = arith.index_cast %scan3A_293 : i32 to index
      %get3A_350 = arith.constant 64 : index
      %get3A_351 = tpu.vector_load %arg9[%get3A_349, %get3A_350] {strides = array<i32>} : memref<40x128xi32, #tpu.memory_space<vmem>>, vector<16xi32>,
      %bitcast3A_352 = vector.bitcast %get3A_351 : vector<16xi32> to vector<32xbf16>
      %unpack3A_353 = tpu.unpack_subelements %bitcast3A_352, 0 {pack_format = #tpu.pack_format<interleaved>} : vector<32xbf16> -> vector<16xf32>
      %unpack3A_354 = tpu.unpack_subelements %bitcast3A_352, 1 {pack_format = #tpu.pack_format<interleaved>} : vector<32xbf16> -> vector<16xf32>
      %swap3A_355 = arith.index_cast %scan3A_293 : i32 to index
      %swap3A_356 = arith.constant 64 : index
      %swap3A_357 = tpu.vector_load %arg11[%swap3A_355, %swap3A_356] {strides = array<i32>} : memref<80x128xf32, #tpu.memory_space<vmem>>, vector<16xf32>,
      tpu.vector_store %arg11[%swap3A_355, %swap3A_356], %unpack3A_353 {strides = array<i32>} : memref<80x128xf32, #tpu.memory_space<vmem>>, vector<16xf32>,
      %add3A_358 = arith.constant 40 : i32
      %add3A_359 = arith.addi %scan3A_293, %add3A_358 : i32
      %swap3A_360 = arith.index_cast %add3A_359 : i32 to index
      %swap3A_361 = arith.constant 64 : index
      %swap3A_362 = tpu.vector_load %arg11[%swap3A_360, %swap3A_361] {strides = array<i32>} : memref<80x128xf32, #tpu.memory_space<vmem>>, vector<16xf32>,
      tpu.vector_store %arg11[%swap3A_360, %swap3A_361], %unpack3A_354 {strides = array<i32>} : memref<80x128xf32, #tpu.memory_space<vmem>>, vector<16xf32>,
      %get3A_363 = arith.index_cast %scan3A_293 : i32 to index
      %get3A_364 = arith.constant 80 : index
      %get3A_365 = tpu.vector_load %arg9[%get3A_363, %get3A_364] {strides = array<i32>} : memref<40x128xi32, #tpu.memory_space<vmem>>, vector<16xi32>,
      %bitcast3A_366 = vector.bitcast %get3A_365 : vector<16xi32> to vector<32xbf16>
      %unpack3A_367 = tpu.unpack_subelements %bitcast3A_366, 0 {pack_format = #tpu.pack_format<interleaved>} : vector<32xbf16> -> vector<16xf32>
      %unpack3A_368 = tpu.unpack_subelements %bitcast3A_366, 1 {pack_format = #tpu.pack_format<interleaved>} : vector<32xbf16> -> vector<16xf32>
      %swap3A_369 = arith.index_cast %scan3A_293 : i32 to index
      %swap3A_370 = arith.constant 80 : index
      %swap3A_371 = tpu.vector_load %arg11[%swap3A_369, %swap3A_370] {strides = array<i32>} : memref<80x128xf32, #tpu.memory_space<vmem>>, vector<16xf32>,
      tpu.vector_store %arg11[%swap3A_369, %swap3A_370], %unpack3A_367 {strides = array<i32>} : memref<80x128xf32, #tpu.memory_space<vmem>>, vector<16xf32>,
      %add3A_372 = arith.constant 40 : i32
      %add3A_373 = arith.addi %scan3A_293, %add3A_372 : i32
      %swap3A_374 = arith.index_cast %add3A_373 : i32 to index
      %swap3A_375 = arith.constant 80 : index
      %swap3A_376 = tpu.vector_load %arg11[%swap3A_374, %swap3A_375] {strides = array<i32>} : memref<80x128xf32, #tpu.memory_space<vmem>>, vector<16xf32>,
      tpu.vector_store %arg11[%swap3A_374, %swap3A_375], %unpack3A_368 {strides = array<i32>} : memref<80x128xf32, #tpu.memory_space<vmem>>, vector<16xf32>,
      %get3A_377 = arith.index_cast %scan3A_293 : i32 to index
      %get3A_378 = arith.constant 96 : index
      %get3A_379 = tpu.vector_load %arg9[%get3A_377, %get3A_378] {strides = array<i32>} : memref<40x128xi32, #tpu.memory_space<vmem>>, vector<16xi32>,
      %bitcast3A_380 = vector.bitcast %get3A_379 : vector<16xi32> to vector<32xbf16>
      %unpack3A_381 = tpu.unpack_subelements %bitcast3A_380, 0 {pack_format = #tpu.pack_format<interleaved>} : vector<32xbf16> -> vector<16xf32>
      %unpack3A_382 = tpu.unpack_subelements %bitcast3A_380, 1 {pack_format = #tpu.pack_format<interleaved>} : vector<32xbf16> -> vector<16xf32>
      %swap3A_383 = arith.index_cast %scan3A_293 : i32 to index
      %swap3A_384 = arith.constant 96 : index
      %swap3A_385 = tpu.vector_load %arg11[%swap3A_383, %swap3A_384] {strides = array<i32>} : memref<80x128xf32, #tpu.memory_space<vmem>>, vector<16xf32>,
      tpu.vector_store %arg11[%swap3A_383, %swap3A_384], %unpack3A_381 {strides = array<i32>} : memref<80x128xf32, #tpu.memory_space<vmem>>, vector<16xf32>,
      %add3A_386 = arith.constant 40 : i32
      %add3A_387 = arith.addi %scan3A_293, %add3A_386 : i32
      %swap3A_388 = arith.index_cast %add3A_387 : i32 to index
      %swap3A_389 = arith.constant 96 : index
      %swap3A_390 = tpu.vector_load %arg11[%swap3A_388, %swap3A_389] {strides = array<i32>} : memref<80x128xf32, #tpu.memory_space<vmem>>, vector<16xf32>,
      tpu.vector_store %arg11[%swap3A_388, %swap3A_389], %unpack3A_382 {strides = array<i32>} : memref<80x128xf32, #tpu.memory_space<vmem>>, vector<16xf32>,
      %get3A_391 = arith.index_cast %scan3A_293 : i32 to index
      %get3A_392 = arith.constant 112 : index
      %get3A_393 = tpu.vector_load %arg9[%get3A_391, %get3A_392] {strides = array<i32>} : memref<40x128xi32, #tpu.memory_space<vmem>>, vector<16xi32>,
      %bitcast3A_394 = vector.bitcast %get3A_393 : vector<16xi32> to vector<32xbf16>
      %unpack3A_395 = tpu.unpack_subelements %bitcast3A_394, 0 {pack_format = #tpu.pack_format<interleaved>} : vector<32xbf16> -> vector<16xf32>
      %unpack3A_396 = tpu.unpack_subelements %bitcast3A_394, 1 {pack_format = #tpu.pack_format<interleaved>} : vector<32xbf16> -> vector<16xf32>
      %swap3A_397 = arith.index_cast %scan3A_293 : i32 to index
      %swap3A_398 = arith.constant 112 : index
      %swap3A_399 = tpu.vector_load %arg11[%swap3A_397, %swap3A_398] {strides = array<i32>} : memref<80x128xf32, #tpu.memory_space<vmem>>, vector<16xf32>,
      tpu.vector_store %arg11[%swap3A_397, %swap3A_398], %unpack3A_395 {strides = array<i32>} : memref<80x128xf32, #tpu.memory_space<vmem>>, vector<16xf32>,
      %add3A_400 = arith.constant 40 : i32
      %add3A_401 = arith.addi %scan3A_293, %add3A_400 : i32
      %swap3A_402 = arith.index_cast %add3A_401 : i32 to index
      %swap3A_403 = arith.constant 112 : index
      %swap3A_404 = tpu.vector_load %arg11[%swap3A_402, %swap3A_403] {strides = array<i32>} : memref<80x128xf32, #tpu.memory_space<vmem>>, vector<16xf32>,
      tpu.vector_store %arg11[%swap3A_402, %swap3A_403], %unpack3A_396 {strides = array<i32>} : memref<80x128xf32, #tpu.memory_space<vmem>>, vector<16xf32>,
      %scan3A_405 = arith.constant 0 : i32
      scf.yield %scan3A_405 : i32
    }
    %scan3A_54 = arith.constant 40 : i32
    %get3A = arith.constant 0 : index
    %get3A_55 = tpu.vector_load %arg5[%get3A] {strides = array<i32>} : memref<80xi32, #tpu.memory_space<vmem>>, vector<16xi32>,
    %swap3A = arith.constant 0 : index
    %swap3A_56 = tpu.vector_load %arg7[%swap3A] {strides = array<i32>} : memref<80xi32, #tpu.memory_space<vmem>>, vector<16xi32>,
    tpu.vector_store %arg7[%swap3A], %get3A_55 {strides = array<i32>} : memref<80xi32, #tpu.memory_space<vmem>>, vector<16xi32>,
    %get3A_57 = arith.constant 16 : index
    %get3A_58 = tpu.vector_load %arg5[%get3A_57] {strides = array<i32>} : memref<80xi32, #tpu.memory_space<vmem>>, vector<16xi32>,
    %swap3A_59 = arith.constant 16 : index
    %swap3A_60 = tpu.vector_load %arg7[%swap3A_59] {strides = array<i32>} : memref<80xi32, #tpu.memory_space<vmem>>, vector<16xi32>,
    tpu.vector_store %arg7[%swap3A_59], %get3A_58 {strides = array<i32>} : memref<80xi32, #tpu.memory_space<vmem>>, vector<16xi32>,
    %get3A_61 = arith.constant 32 : index
    %get3A_62 = tpu.vector_load %arg5[%get3A_61] {strides = array<i32>} : memref<80xi32, #tpu.memory_space<vmem>>, vector<16xi32>,
    %swap3A_63 = arith.constant 32 : index
    %swap3A_64 = tpu.vector_load %arg7[%swap3A_63] {strides = array<i32>} : memref<80xi32, #tpu.memory_space<vmem>>, vector<16xi32>,
    tpu.vector_store %arg7[%swap3A_63], %get3A_62 {strides = array<i32>} : memref<80xi32, #tpu.memory_space<vmem>>, vector<16xi32>,
    %get3A_65 = arith.constant 48 : index
    %get3A_66 = tpu.vector_load %arg5[%get3A_65] {strides = array<i32>} : memref<80xi32, #tpu.memory_space<vmem>>, vector<16xi32>,
    %swap3A_67 = arith.constant 48 : index
    %swap3A_68 = tpu.vector_load %arg7[%swap3A_67] {strides = array<i32>} : memref<80xi32, #tpu.memory_space<vmem>>, vector<16xi32>,
    tpu.vector_store %arg7[%swap3A_67], %get3A_66 {strides = array<i32>} : memref<80xi32, #tpu.memory_space<vmem>>, vector<16xi32>,
    %get3A_69 = arith.constant 64 : index
    %get3A_70 = tpu.vector_load %arg5[%get3A_69] {strides = array<i32>} : memref<80xi32, #tpu.memory_space<vmem>>, vector<16xi32>,
    %swap3A_71 = arith.constant 64 : index
    %swap3A_72 = tpu.vector_load %arg7[%swap3A_71] {strides = array<i32>} : memref<80xi32, #tpu.memory_space<vmem>>, vector<16xi32>,
    tpu.vector_store %arg7[%swap3A_71], %get3A_70 {strides = array<i32>} : memref<80xi32, #tpu.memory_space<vmem>>, vector<16xi32>,
    %add3A_73 = arith.constant 160 : i32
    %add3A_74 = arith.addi %add3A_4, %add3A_73 : i32
    %add3A_75 = arith.constant 80 : i32
    %add3A_76 = arith.addi %mul3A_6, %add3A_75 : i32
    %dma_start3A_77 = tpu.memref_slice %arg3[%add3A_74] : memref<320000xi32, #tpu.memory_space<hbm>> -> memref<80xi32, #tpu.memory_space<hbm>>
    %dma_start3A_78 = tpu.memref_slice %arg3[%add3A_74] : memref<320000xi32, #tpu.memory_space<hbm>> -> memref<80xi32, #tpu.memory_space<hbm>>
    tpu.enqueue_dma source(%dma_start3A_78 : memref<80xi32, #tpu.memory_space<hbm>>) target(%arg5 : memref<80xi32, #tpu.memory_space<vmem>>) target_semaphore(%arg15 : memref<!tpu.dma_semaphore, #tpu.memory_space<semaphore_mem>>)
    %dma_start3A_79 = arith.constant 0 : i32
    %dma_start3A_80 = tpu.memref_slice %arg2[%add3A_76, %dma_start3A_79] : memref<83200x128xi32, #tpu.memory_space<hbm>> -> memref<40x128xi32, #tpu.memory_space<hbm>>
    %dma_start3A_81 = arith.constant 0 : i32
    %dma_start3A_82 = tpu.memref_slice %arg2[%add3A_76, %dma_start3A_81] : memref<83200x128xi32, #tpu.memory_space<hbm>> -> memref<40x128xi32, #tpu.memory_space<hbm>>
    tpu.enqueue_dma source(%dma_start3A_82 : memref<40x128xi32, #tpu.memory_space<hbm>>) target(%arg9 : memref<40x128xi32, #tpu.memory_space<vmem>>) target_semaphore(%arg17 : memref<!tpu.dma_semaphore, #tpu.memory_space<semaphore_mem>>)
    %dma_start3A_83 = arith.constant 0 : i32
    %dma_start3A_84 = arith.constant 0 : i32
    %dma_start3A_85 = tpu.memref_slice %arg14[%dma_start3A_83, %dma_start3A_84] : memref<10240x128xf32, #tpu.memory_space<vmem_shared>> -> memref<10240x128xf32, #tpu.memory_space<vmem_shared>>
    tpu.enqueue_indirect_dma source(%arg11 : memref<80x128xf32, #tpu.memory_space<vmem>>) target(%dma_start3A_85 : memref<10240x128xf32, #tpu.memory_space<vmem_shared>>) offsets(%arg7 : memref<80xi32, #tpu.memory_space<vmem>>) semaphore(%arg19 : memref<!tpu.dma_semaphore, #tpu.memory_space<semaphore_mem>>) {add = true}
    %add3A_86 = arith.constant 80 : i32
    %add3A_87 = arith.addi %add3A_4, %add3A_86 : i32
    %add3A_88 = arith.constant 40 : i32
    %add3A_89 = arith.addi %mul3A_6, %add3A_88 : i32
    %dma_wait3A_90 = tpu.memref_slice %arg3[%add3A_87] : memref<320000xi32, #tpu.memory_space<hbm>> -> memref<80xi32, #tpu.memory_space<hbm>>
    %dma_wait3A_91 = tpu.memref_slice %arg3[%add3A_87] : memref<320000xi32, #tpu.memory_space<hbm>> -> memref<80xi32, #tpu.memory_space<hbm>>
    tpu.wait_dma2 semaphore(%arg16 : memref<!tpu.dma_semaphore, #tpu.memory_space<semaphore_mem>>) src(%dma_wait3A_91 : memref<80xi32, #tpu.memory_space<hbm>>) dst(%arg6 : memref<80xi32, #tpu.memory_space<vmem>>)
    %dma_wait3A_92 = arith.constant 0 : i32
    %dma_wait3A_93 = tpu.memref_slice %arg2[%add3A_89, %dma_wait3A_92] : memref<83200x128xi32, #tpu.memory_space<hbm>> -> memref<40x128xi32, #tpu.memory_space<hbm>>
    %dma_wait3A_94 = arith.constant 0 : i32
    %dma_wait3A_95 = tpu.memref_slice %arg2[%add3A_89, %dma_wait3A_94] : memref<83200x128xi32, #tpu.memory_space<hbm>> -> memref<40x128xi32, #tpu.memory_space<hbm>>
    tpu.wait_dma2 semaphore(%arg18 : memref<!tpu.dma_semaphore, #tpu.memory_space<semaphore_mem>>) src(%dma_wait3A_95 : memref<40x128xi32, #tpu.memory_space<hbm>>) dst(%arg10 : memref<40x128xi32, #tpu.memory_space<vmem>>)
    %scan3A_96 = arith.constant 0 : i32
    %scan3A_97 = arith.constant 0 : i32
    %scan3A_98 = arith.constant 40 : i32
    %scan3A_99 = arith.addi %scan3A_97, %scan3A_98 : i32
    %scan3A_100 = arith.constant 1 : i32
    %scan3A_101 = scf.for %scan3A_293 = %scan3A_97 to %scan3A_99 step %scan3A_100 iter_args(%scan3A_294 = %scan3A_96) -> (i32)  : i32 {
      %get3A_295 = arith.index_cast %scan3A_293 : i32 to index
      %get3A_296 = arith.constant 0 : index
      %get3A_297 = tpu.vector_load %arg10[%get3A_295, %get3A_296] {strides = array<i32>} : memref<40x128xi32, #tpu.memory_space<vmem>>, vector<16xi32>,
      %bitcast3A = vector.bitcast %get3A_297 : vector<16xi32> to vector<32xbf16>
      %unpack3A = tpu.unpack_subelements %bitcast3A, 0 {pack_format = #tpu.pack_format<interleaved>} : vector<32xbf16> -> vector<16xf32>
      %unpack3A_298 = tpu.unpack_subelements %bitcast3A, 1 {pack_format = #tpu.pack_format<interleaved>} : vector<32xbf16> -> vector<16xf32>
      %swap3A_299 = arith.index_cast %scan3A_293 : i32 to index
      %swap3A_300 = arith.constant 0 : index
      %swap3A_301 = tpu.vector_load %arg12[%swap3A_299, %swap3A_300] {strides = array<i32>} : memref<80x128xf32, #tpu.memory_space<vmem>>, vector<16xf32>,
      tpu.vector_store %arg12[%swap3A_299, %swap3A_300], %unpack3A {strides = array<i32>} : memref<80x128xf32, #tpu.memory_space<vmem>>, vector<16xf32>,
      %add3A_302 = arith.constant 40 : i32
      %add3A_303 = arith.addi %scan3A_293, %add3A_302 : i32
      %swap3A_304 = arith.index_cast %add3A_303 : i32 to index
      %swap3A_305 = arith.constant 0 : index
      %swap3A_306 = tpu.vector_load %arg12[%swap3A_304, %swap3A_305] {strides = array<i32>} : memref<80x128xf32, #tpu.memory_space<vmem>>, vector<16xf32>,
      tpu.vector_store %arg12[%swap3A_304, %swap3A_305], %unpack3A_298 {strides = array<i32>} : memref<80x128xf32, #tpu.memory_space<vmem>>, vector<16xf32>,
      %get3A_307 = arith.index_cast %scan3A_293 : i32 to index
      %get3A_308 = arith.constant 16 : index
      %get3A_309 = tpu.vector_load %arg10[%get3A_307, %get3A_308] {strides = array<i32>} : memref<40x128xi32, #tpu.memory_space<vmem>>, vector<16xi32>,
      %bitcast3A_310 = vector.bitcast %get3A_309 : vector<16xi32> to vector<32xbf16>
      %unpack3A_311 = tpu.unpack_subelements %bitcast3A_310, 0 {pack_format = #tpu.pack_format<interleaved>} : vector<32xbf16> -> vector<16xf32>
      %unpack3A_312 = tpu.unpack_subelements %bitcast3A_310, 1 {pack_format = #tpu.pack_format<interleaved>} : vector<32xbf16> -> vector<16xf32>
      %swap3A_313 = arith.index_cast %scan3A_293 : i32 to index
      %swap3A_314 = arith.constant 16 : index
      %swap3A_315 = tpu.vector_load %arg12[%swap3A_313, %swap3A_314] {strides = array<i32>} : memref<80x128xf32, #tpu.memory_space<vmem>>, vector<16xf32>,
      tpu.vector_store %arg12[%swap3A_313, %swap3A_314], %unpack3A_311 {strides = array<i32>} : memref<80x128xf32, #tpu.memory_space<vmem>>, vector<16xf32>,
      %add3A_316 = arith.constant 40 : i32
      %add3A_317 = arith.addi %scan3A_293, %add3A_316 : i32
      %swap3A_318 = arith.index_cast %add3A_317 : i32 to index
      %swap3A_319 = arith.constant 16 : index
      %swap3A_320 = tpu.vector_load %arg12[%swap3A_318, %swap3A_319] {strides = array<i32>} : memref<80x128xf32, #tpu.memory_space<vmem>>, vector<16xf32>,
      tpu.vector_store %arg12[%swap3A_318, %swap3A_319], %unpack3A_312 {strides = array<i32>} : memref<80x128xf32, #tpu.memory_space<vmem>>, vector<16xf32>,
      %get3A_321 = arith.index_cast %scan3A_293 : i32 to index
      %get3A_322 = arith.constant 32 : index
      %get3A_323 = tpu.vector_load %arg10[%get3A_321, %get3A_322] {strides = array<i32>} : memref<40x128xi32, #tpu.memory_space<vmem>>, vector<16xi32>,
      %bitcast3A_324 = vector.bitcast %get3A_323 : vector<16xi32> to vector<32xbf16>
      %unpack3A_325 = tpu.unpack_subelements %bitcast3A_324, 0 {pack_format = #tpu.pack_format<interleaved>} : vector<32xbf16> -> vector<16xf32>
      %unpack3A_326 = tpu.unpack_subelements %bitcast3A_324, 1 {pack_format = #tpu.pack_format<interleaved>} : vector<32xbf16> -> vector<16xf32>
      %swap3A_327 = arith.index_cast %scan3A_293 : i32 to index
      %swap3A_328 = arith.constant 32 : index
      %swap3A_329 = tpu.vector_load %arg12[%swap3A_327, %swap3A_328] {strides = array<i32>} : memref<80x128xf32, #tpu.memory_space<vmem>>, vector<16xf32>,
      tpu.vector_store %arg12[%swap3A_327, %swap3A_328], %unpack3A_325 {strides = array<i32>} : memref<80x128xf32, #tpu.memory_space<vmem>>, vector<16xf32>,
      %add3A_330 = arith.constant 40 : i32
      %add3A_331 = arith.addi %scan3A_293, %add3A_330 : i32
      %swap3A_332 = arith.index_cast %add3A_331 : i32 to index
      %swap3A_333 = arith.constant 32 : index
      %swap3A_334 = tpu.vector_load %arg12[%swap3A_332, %swap3A_333] {strides = array<i32>} : memref<80x128xf32, #tpu.memory_space<vmem>>, vector<16xf32>,
      tpu.vector_store %arg12[%swap3A_332, %swap3A_333], %unpack3A_326 {strides = array<i32>} : memref<80x128xf32, #tpu.memory_space<vmem>>, vector<16xf32>,
      %get3A_335 = arith.index_cast %scan3A_293 : i32 to index
      %get3A_336 = arith.constant 48 : index
      %get3A_337 = tpu.vector_load %arg10[%get3A_335, %get3A_336] {strides = array<i32>} : memref<40x128xi32, #tpu.memory_space<vmem>>, vector<16xi32>,
      %bitcast3A_338 = vector.bitcast %get3A_337 : vector<16xi32> to vector<32xbf16>
      %unpack3A_339 = tpu.unpack_subelements %bitcast3A_338, 0 {pack_format = #tpu.pack_format<interleaved>} : vector<32xbf16> -> vector<16xf32>
      %unpack3A_340 = tpu.unpack_subelements %bitcast3A_338, 1 {pack_format = #tpu.pack_format<interleaved>} : vector<32xbf16> -> vector<16xf32>
      %swap3A_341 = arith.index_cast %scan3A_293 : i32 to index
      %swap3A_342 = arith.constant 48 : index
      %swap3A_343 = tpu.vector_load %arg12[%swap3A_341, %swap3A_342] {strides = array<i32>} : memref<80x128xf32, #tpu.memory_space<vmem>>, vector<16xf32>,
      tpu.vector_store %arg12[%swap3A_341, %swap3A_342], %unpack3A_339 {strides = array<i32>} : memref<80x128xf32, #tpu.memory_space<vmem>>, vector<16xf32>,
      %add3A_344 = arith.constant 40 : i32
      %add3A_345 = arith.addi %scan3A_293, %add3A_344 : i32
      %swap3A_346 = arith.index_cast %add3A_345 : i32 to index
      %swap3A_347 = arith.constant 48 : index
      %swap3A_348 = tpu.vector_load %arg12[%swap3A_346, %swap3A_347] {strides = array<i32>} : memref<80x128xf32, #tpu.memory_space<vmem>>, vector<16xf32>,
      tpu.vector_store %arg12[%swap3A_346, %swap3A_347], %unpack3A_340 {strides = array<i32>} : memref<80x128xf32, #tpu.memory_space<vmem>>, vector<16xf32>,
      %get3A_349 = arith.index_cast %scan3A_293 : i32 to index
      %get3A_350 = arith.constant 64 : index
      %get3A_351 = tpu.vector_load %arg10[%get3A_349, %get3A_350] {strides = array<i32>} : memref<40x128xi32, #tpu.memory_space<vmem>>, vector<16xi32>,
      %bitcast3A_352 = vector.bitcast %get3A_351 : vector<16xi32> to vector<32xbf16>
      %unpack3A_353 = tpu.unpack_subelements %bitcast3A_352, 0 {pack_format = #tpu.pack_format<interleaved>} : vector<32xbf16> -> vector<16xf32>
      %unpack3A_354 = tpu.unpack_subelements %bitcast3A_352, 1 {pack_format = #tpu.pack_format<interleaved>} : vector<32xbf16> -> vector<16xf32>
      %swap3A_355 = arith.index_cast %scan3A_293 : i32 to index
      %swap3A_356 = arith.constant 64 : index
      %swap3A_357 = tpu.vector_load %arg12[%swap3A_355, %swap3A_356] {strides = array<i32>} : memref<80x128xf32, #tpu.memory_space<vmem>>, vector<16xf32>,
      tpu.vector_store %arg12[%swap3A_355, %swap3A_356], %unpack3A_353 {strides = array<i32>} : memref<80x128xf32, #tpu.memory_space<vmem>>, vector<16xf32>,
      %add3A_358 = arith.constant 40 : i32
      %add3A_359 = arith.addi %scan3A_293, %add3A_358 : i32
      %swap3A_360 = arith.index_cast %add3A_359 : i32 to index
      %swap3A_361 = arith.constant 64 : index
      %swap3A_362 = tpu.vector_load %arg12[%swap3A_360, %swap3A_361] {strides = array<i32>} : memref<80x128xf32, #tpu.memory_space<vmem>>, vector<16xf32>,
      tpu.vector_store %arg12[%swap3A_360, %swap3A_361], %unpack3A_354 {strides = array<i32>} : memref<80x128xf32, #tpu.memory_space<vmem>>, vector<16xf32>,
      %get3A_363 = arith.index_cast %scan3A_293 : i32 to index
      %get3A_364 = arith.constant 80 : index
      %get3A_365 = tpu.vector_load %arg10[%get3A_363, %get3A_364] {strides = array<i32>} : memref<40x128xi32, #tpu.memory_space<vmem>>, vector<16xi32>,
      %bitcast3A_366 = vector.bitcast %get3A_365 : vector<16xi32> to vector<32xbf16>
      %unpack3A_367 = tpu.unpack_subelements %bitcast3A_366, 0 {pack_format = #tpu.pack_format<interleaved>} : vector<32xbf16> -> vector<16xf32>
      %unpack3A_368 = tpu.unpack_subelements %bitcast3A_366, 1 {pack_format = #tpu.pack_format<interleaved>} : vector<32xbf16> -> vector<16xf32>
      %swap3A_369 = arith.index_cast %scan3A_293 : i32 to index
      %swap3A_370 = arith.constant 80 : index
      %swap3A_371 = tpu.vector_load %arg12[%swap3A_369, %swap3A_370] {strides = array<i32>} : memref<80x128xf32, #tpu.memory_space<vmem>>, vector<16xf32>,
      tpu.vector_store %arg12[%swap3A_369, %swap3A_370], %unpack3A_367 {strides = array<i32>} : memref<80x128xf32, #tpu.memory_space<vmem>>, vector<16xf32>,
      %add3A_372 = arith.constant 40 : i32
      %add3A_373 = arith.addi %scan3A_293, %add3A_372 : i32
      %swap3A_374 = arith.index_cast %add3A_373 : i32 to index
      %swap3A_375 = arith.constant 80 : index
      %swap3A_376 = tpu.vector_load %arg12[%swap3A_374, %swap3A_375] {strides = array<i32>} : memref<80x128xf32, #tpu.memory_space<vmem>>, vector<16xf32>,
      tpu.vector_store %arg12[%swap3A_374, %swap3A_375], %unpack3A_368 {strides = array<i32>} : memref<80x128xf32, #tpu.memory_space<vmem>>, vector<16xf32>,
      %get3A_377 = arith.index_cast %scan3A_293 : i32 to index
      %get3A_378 = arith.constant 96 : index
      %get3A_379 = tpu.vector_load %arg10[%get3A_377, %get3A_378] {strides = array<i32>} : memref<40x128xi32, #tpu.memory_space<vmem>>, vector<16xi32>,
      %bitcast3A_380 = vector.bitcast %get3A_379 : vector<16xi32> to vector<32xbf16>
      %unpack3A_381 = tpu.unpack_subelements %bitcast3A_380, 0 {pack_format = #tpu.pack_format<interleaved>} : vector<32xbf16> -> vector<16xf32>
      %unpack3A_382 = tpu.unpack_subelements %bitcast3A_380, 1 {pack_format = #tpu.pack_format<interleaved>} : vector<32xbf16> -> vector<16xf32>
      %swap3A_383 = arith.index_cast %scan3A_293 : i32 to index
      %swap3A_384 = arith.constant 96 : index
      %swap3A_385 = tpu.vector_load %arg12[%swap3A_383, %swap3A_384] {strides = array<i32>} : memref<80x128xf32, #tpu.memory_space<vmem>>, vector<16xf32>,
      tpu.vector_store %arg12[%swap3A_383, %swap3A_384], %unpack3A_381 {strides = array<i32>} : memref<80x128xf32, #tpu.memory_space<vmem>>, vector<16xf32>,
      %add3A_386 = arith.constant 40 : i32
      %add3A_387 = arith.addi %scan3A_293, %add3A_386 : i32
      %swap3A_388 = arith.index_cast %add3A_387 : i32 to index
      %swap3A_389 = arith.constant 96 : index
      %swap3A_390 = tpu.vector_load %arg12[%swap3A_388, %swap3A_389] {strides = array<i32>} : memref<80x128xf32, #tpu.memory_space<vmem>>, vector<16xf32>,
      tpu.vector_store %arg12[%swap3A_388, %swap3A_389], %unpack3A_382 {strides = array<i32>} : memref<80x128xf32, #tpu.memory_space<vmem>>, vector<16xf32>,
      %get3A_391 = arith.index_cast %scan3A_293 : i32 to index
      %get3A_392 = arith.constant 112 : index
      %get3A_393 = tpu.vector_load %arg10[%get3A_391, %get3A_392] {strides = array<i32>} : memref<40x128xi32, #tpu.memory_space<vmem>>, vector<16xi32>,
      %bitcast3A_394 = vector.bitcast %get3A_393 : vector<16xi32> to vector<32xbf16>
      %unpack3A_395 = tpu.unpack_subelements %bitcast3A_394, 0 {pack_format = #tpu.pack_format<interleaved>} : vector<32xbf16> -> vector<16xf32>
      %unpack3A_396 = tpu.unpack_subelements %bitcast3A_394, 1 {pack_format = #tpu.pack_format<interleaved>} : vector<32xbf16> -> vector<16xf32>
      %swap3A_397 = arith.index_cast %scan3A_293 : i32 to index
      %swap3A_398 = arith.constant 112 : index
      %swap3A_399 = tpu.vector_load %arg12[%swap3A_397, %swap3A_398] {strides = array<i32>} : memref<80x128xf32, #tpu.memory_space<vmem>>, vector<16xf32>,
      tpu.vector_store %arg12[%swap3A_397, %swap3A_398], %unpack3A_395 {strides = array<i32>} : memref<80x128xf32, #tpu.memory_space<vmem>>, vector<16xf32>,
      %add3A_400 = arith.constant 40 : i32
      %add3A_401 = arith.addi %scan3A_293, %add3A_400 : i32
      %swap3A_402 = arith.index_cast %add3A_401 : i32 to index
      %swap3A_403 = arith.constant 112 : index
      %swap3A_404 = tpu.vector_load %arg12[%swap3A_402, %swap3A_403] {strides = array<i32>} : memref<80x128xf32, #tpu.memory_space<vmem>>, vector<16xf32>,
      tpu.vector_store %arg12[%swap3A_402, %swap3A_403], %unpack3A_396 {strides = array<i32>} : memref<80x128xf32, #tpu.memory_space<vmem>>, vector<16xf32>,
      %scan3A_405 = arith.constant 0 : i32
      scf.yield %scan3A_405 : i32
    }
    %scan3A_102 = arith.constant 40 : i32
    %get3A_103 = arith.constant 0 : index
    %get3A_104 = tpu.vector_load %arg6[%get3A_103] {strides = array<i32>} : memref<80xi32, #tpu.memory_space<vmem>>, vector<16xi32>,
    %swap3A_105 = arith.constant 0 : index
    %swap3A_106 = tpu.vector_load %arg8[%swap3A_105] {strides = array<i32>} : memref<80xi32, #tpu.memory_space<vmem>>, vector<16xi32>,
    tpu.vector_store %arg8[%swap3A_105], %get3A_104 {strides = array<i32>} : memref<80xi32, #tpu.memory_space<vmem>>, vector<16xi32>,
    %get3A_107 = arith.constant 16 : index
    %get3A_108 = tpu.vector_load %arg6[%get3A_107] {strides = array<i32>} : memref<80xi32, #tpu.memory_space<vmem>>, vector<16xi32>,
    %swap3A_109 = arith.constant 16 : index
    %swap3A_110 = tpu.vector_load %arg8[%swap3A_109] {strides = array<i32>} : memref<80xi32, #tpu.memory_space<vmem>>, vector<16xi32>,
    tpu.vector_store %arg8[%swap3A_109], %get3A_108 {strides = array<i32>} : memref<80xi32, #tpu.memory_space<vmem>>, vector<16xi32>,
    %get3A_111 = arith.constant 32 : index
    %get3A_112 = tpu.vector_load %arg6[%get3A_111] {strides = array<i32>} : memref<80xi32, #tpu.memory_space<vmem>>, vector<16xi32>,
    %swap3A_113 = arith.constant 32 : index
    %swap3A_114 = tpu.vector_load %arg8[%swap3A_113] {strides = array<i32>} : memref<80xi32, #tpu.memory_space<vmem>>, vector<16xi32>,
    tpu.vector_store %arg8[%swap3A_113], %get3A_112 {strides = array<i32>} : memref<80xi32, #tpu.memory_space<vmem>>, vector<16xi32>,
    %get3A_115 = arith.constant 48 : index
    %get3A_116 = tpu.vector_load %arg6[%get3A_115] {strides = array<i32>} : memref<80xi32, #tpu.memory_space<vmem>>, vector<16xi32>,
    %swap3A_117 = arith.constant 48 : index
    %swap3A_118 = tpu.vector_load %arg8[%swap3A_117] {strides = array<i32>} : memref<80xi32, #tpu.memory_space<vmem>>, vector<16xi32>,
    tpu.vector_store %arg8[%swap3A_117], %get3A_116 {strides = array<i32>} : memref<80xi32, #tpu.memory_space<vmem>>, vector<16xi32>,
    %get3A_119 = arith.constant 64 : index
    %get3A_120 = tpu.vector_load %arg6[%get3A_119] {strides = array<i32>} : memref<80xi32, #tpu.memory_space<vmem>>, vector<16xi32>,
    %swap3A_121 = arith.constant 64 : index
    %swap3A_122 = tpu.vector_load %arg8[%swap3A_121] {strides = array<i32>} : memref<80xi32, #tpu.memory_space<vmem>>, vector<16xi32>,
    tpu.vector_store %arg8[%swap3A_121], %get3A_120 {strides = array<i32>} : memref<80xi32, #tpu.memory_space<vmem>>, vector<16xi32>,
    %add3A_123 = arith.constant 240 : i32
    %add3A_124 = arith.addi %add3A_4, %add3A_123 : i32
    %add3A_125 = arith.constant 120 : i32
    %add3A_126 = arith.addi %mul3A_6, %add3A_125 : i32
    %dma_start3A_127 = tpu.memref_slice %arg3[%add3A_124] : memref<320000xi32, #tpu.memory_space<hbm>> -> memref<80xi32, #tpu.memory_space<hbm>>
    %dma_start3A_128 = tpu.memref_slice %arg3[%add3A_124] : memref<320000xi32, #tpu.memory_space<hbm>> -> memref<80xi32, #tpu.memory_space<hbm>>
    tpu.enqueue_dma source(%dma_start3A_128 : memref<80xi32, #tpu.memory_space<hbm>>) target(%arg6 : memref<80xi32, #tpu.memory_space<vmem>>) target_semaphore(%arg16 : memref<!tpu.dma_semaphore, #tpu.memory_space<semaphore_mem>>)
    %dma_start3A_129 = arith.constant 0 : i32
    %dma_start3A_130 = tpu.memref_slice %arg2[%add3A_126, %dma_start3A_129] : memref<83200x128xi32, #tpu.memory_space<hbm>> -> memref<40x128xi32, #tpu.memory_space<hbm>>
    %dma_start3A_131 = arith.constant 0 : i32
    %dma_start3A_132 = tpu.memref_slice %arg2[%add3A_126, %dma_start3A_131] : memref<83200x128xi32, #tpu.memory_space<hbm>> -> memref<40x128xi32, #tpu.memory_space<hbm>>
    tpu.enqueue_dma source(%dma_start3A_132 : memref<40x128xi32, #tpu.memory_space<hbm>>) target(%arg10 : memref<40x128xi32, #tpu.memory_space<vmem>>) target_semaphore(%arg18 : memref<!tpu.dma_semaphore, #tpu.memory_space<semaphore_mem>>)
    %dma_start3A_133 = arith.constant 0 : i32
    %dma_start3A_134 = arith.constant 0 : i32
    %dma_start3A_135 = tpu.memref_slice %arg14[%dma_start3A_133, %dma_start3A_134] : memref<10240x128xf32, #tpu.memory_space<vmem_shared>> -> memref<10240x128xf32, #tpu.memory_space<vmem_shared>>
    tpu.enqueue_indirect_dma source(%arg12 : memref<80x128xf32, #tpu.memory_space<vmem>>) target(%dma_start3A_135 : memref<10240x128xf32, #tpu.memory_space<vmem_shared>>) offsets(%arg8 : memref<80xi32, #tpu.memory_space<vmem>>) semaphore(%arg20 : memref<!tpu.dma_semaphore, #tpu.memory_space<semaphore_mem>>) {add = true}
    %scan3A_136 = arith.constant 0 : i32
    %scan3A_137 = arith.constant 1 : i32
    %scan3A_138 = arith.constant 30 : i32
    %scan3A_139 = arith.addi %scan3A_137, %scan3A_138 : i32
    %scan3A_140 = arith.constant 1 : i32
    %scan3A_141 = scf.for %scan3A_293 = %scan3A_137 to %scan3A_139 step %scan3A_140 iter_args(%scan3A_294 = %scan3A_136) -> (i32)  : i32 {
      %mul3A_295 = arith.constant 2 : i32
      %mul3A_296 = arith.muli %mul3A_295, %scan3A_293 : i32
      %mul3A_297 = arith.constant 2 : i32
      %mul3A_298 = arith.muli %mul3A_297, %scan3A_293 : i32
      %add3A_299 = arith.constant 1 : i32
      %add3A_300 = arith.addi %mul3A_298, %add3A_299 : i32
      %mul3A_301 = arith.constant 80 : i32
      %mul3A_302 = arith.muli %mul3A_296, %mul3A_301 : i32
      %add3A_303 = arith.addi %add3A_4, %mul3A_302 : i32
      %mul3A_304 = arith.constant 40 : i32
      %mul3A_305 = arith.muli %mul3A_296, %mul3A_304 : i32
      %add3A_306 = arith.addi %mul3A_6, %mul3A_305 : i32
      %dma_wait3A_307 = tpu.memref_slice %arg3[%add3A_303] : memref<320000xi32, #tpu.memory_space<hbm>> -> memref<80xi32, #tpu.memory_space<hbm>>
      %dma_wait3A_308 = tpu.memref_slice %arg3[%add3A_303] : memref<320000xi32, #tpu.memory_space<hbm>> -> memref<80xi32, #tpu.memory_space<hbm>>
      tpu.wait_dma2 semaphore(%arg15 : memref<!tpu.dma_semaphore, #tpu.memory_space<semaphore_mem>>) src(%dma_wait3A_308 : memref<80xi32, #tpu.memory_space<hbm>>) dst(%arg5 : memref<80xi32, #tpu.memory_space<vmem>>)
      %dma_wait3A_309 = arith.constant 0 : i32
      %dma_wait3A_310 = tpu.memref_slice %arg2[%add3A_306, %dma_wait3A_309] : memref<83200x128xi32, #tpu.memory_space<hbm>> -> memref<40x128xi32, #tpu.memory_space<hbm>>
      %dma_wait3A_311 = arith.constant 0 : i32
      %dma_wait3A_312 = tpu.memref_slice %arg2[%add3A_306, %dma_wait3A_311] : memref<83200x128xi32, #tpu.memory_space<hbm>> -> memref<40x128xi32, #tpu.memory_space<hbm>>
      tpu.wait_dma2 semaphore(%arg17 : memref<!tpu.dma_semaphore, #tpu.memory_space<semaphore_mem>>) src(%dma_wait3A_312 : memref<40x128xi32, #tpu.memory_space<hbm>>) dst(%arg9 : memref<40x128xi32, #tpu.memory_space<vmem>>)
      %dma_wait3A_313 = arith.constant 0 : i32
      %dma_wait3A_314 = arith.constant 0 : i32
      %dma_wait3A_315 = tpu.memref_slice %arg14[%dma_wait3A_313, %dma_wait3A_314] : memref<10240x128xf32, #tpu.memory_space<vmem_shared>> -> memref<10240x128xf32, #tpu.memory_space<vmem_shared>>
      tpu.wait_indirect_dma semaphore(%arg19 : memref<!tpu.dma_semaphore, #tpu.memory_space<semaphore_mem>>) src(%arg11 : memref<80x128xf32, #tpu.memory_space<vmem>>) dst(%dma_wait3A_315 : memref<10240x128xf32, #tpu.memory_space<vmem_shared>>)
      %scan3A_316 = arith.constant 0 : i32
      %scan3A_317 = arith.constant 0 : i32
      %scan3A_318 = arith.constant 40 : i32
      %scan3A_319 = arith.addi %scan3A_317, %scan3A_318 : i32
      %scan3A_320 = arith.constant 1 : i32
      %scan3A_321 = scf.for %scan3A_420 = %scan3A_317 to %scan3A_319 step %scan3A_320 iter_args(%scan3A_421 = %scan3A_316) -> (i32)  : i32 {
        %get3A_422 = arith.index_cast %scan3A_420 : i32 to index
        %get3A_423 = arith.constant 0 : index
        %get3A_424 = tpu.vector_load %arg9[%get3A_422, %get3A_423] {strides = array<i32>} : memref<40x128xi32, #tpu.memory_space<vmem>>, vector<16xi32>,
        %bitcast3A = vector.bitcast %get3A_424 : vector<16xi32> to vector<32xbf16>
        %unpack3A = tpu.unpack_subelements %bitcast3A, 0 {pack_format = #tpu.pack_format<interleaved>} : vector<32xbf16> -> vector<16xf32>
        %unpack3A_425 = tpu.unpack_subelements %bitcast3A, 1 {pack_format = #tpu.pack_format<interleaved>} : vector<32xbf16> -> vector<16xf32>
        %swap3A_426 = arith.index_cast %scan3A_420 : i32 to index
        %swap3A_427 = arith.constant 0 : index
        %swap3A_428 = tpu.vector_load %arg11[%swap3A_426, %swap3A_427] {strides = array<i32>} : memref<80x128xf32, #tpu.memory_space<vmem>>, vector<16xf32>,
        tpu.vector_store %arg11[%swap3A_426, %swap3A_427], %unpack3A {strides = array<i32>} : memref<80x128xf32, #tpu.memory_space<vmem>>, vector<16xf32>,
        %add3A_429 = arith.constant 40 : i32
        %add3A_430 = arith.addi %scan3A_420, %add3A_429 : i32
        %swap3A_431 = arith.index_cast %add3A_430 : i32 to index
        %swap3A_432 = arith.constant 0 : index
        %swap3A_433 = tpu.vector_load %arg11[%swap3A_431, %swap3A_432] {strides = array<i32>} : memref<80x128xf32, #tpu.memory_space<vmem>>, vector<16xf32>,
        tpu.vector_store %arg11[%swap3A_431, %swap3A_432], %unpack3A_425 {strides = array<i32>} : memref<80x128xf32, #tpu.memory_space<vmem>>, vector<16xf32>,
        %get3A_434 = arith.index_cast %scan3A_420 : i32 to index
        %get3A_435 = arith.constant 16 : index
        %get3A_436 = tpu.vector_load %arg9[%get3A_434, %get3A_435] {strides = array<i32>} : memref<40x128xi32, #tpu.memory_space<vmem>>, vector<16xi32>,
        %bitcast3A_437 = vector.bitcast %get3A_436 : vector<16xi32> to vector<32xbf16>
        %unpack3A_438 = tpu.unpack_subelements %bitcast3A_437, 0 {pack_format = #tpu.pack_format<interleaved>} : vector<32xbf16> -> vector<16xf32>
        %unpack3A_439 = tpu.unpack_subelements %bitcast3A_437, 1 {pack_format = #tpu.pack_format<interleaved>} : vector<32xbf16> -> vector<16xf32>
        %swap3A_440 = arith.index_cast %scan3A_420 : i32 to index
        %swap3A_441 = arith.constant 16 : index
        %swap3A_442 = tpu.vector_load %arg11[%swap3A_440, %swap3A_441] {strides = array<i32>} : memref<80x128xf32, #tpu.memory_space<vmem>>, vector<16xf32>,
        tpu.vector_store %arg11[%swap3A_440, %swap3A_441], %unpack3A_438 {strides = array<i32>} : memref<80x128xf32, #tpu.memory_space<vmem>>, vector<16xf32>,
        %add3A_443 = arith.constant 40 : i32
        %add3A_444 = arith.addi %scan3A_420, %add3A_443 : i32
        %swap3A_445 = arith.index_cast %add3A_444 : i32 to index
        %swap3A_446 = arith.constant 16 : index
        %swap3A_447 = tpu.vector_load %arg11[%swap3A_445, %swap3A_446] {strides = array<i32>} : memref<80x128xf32, #tpu.memory_space<vmem>>, vector<16xf32>,
        tpu.vector_store %arg11[%swap3A_445, %swap3A_446], %unpack3A_439 {strides = array<i32>} : memref<80x128xf32, #tpu.memory_space<vmem>>, vector<16xf32>,
        %get3A_448 = arith.index_cast %scan3A_420 : i32 to index
        %get3A_449 = arith.constant 32 : index
        %get3A_450 = tpu.vector_load %arg9[%get3A_448, %get3A_449] {strides = array<i32>} : memref<40x128xi32, #tpu.memory_space<vmem>>, vector<16xi32>,
        %bitcast3A_451 = vector.bitcast %get3A_450 : vector<16xi32> to vector<32xbf16>
        %unpack3A_452 = tpu.unpack_subelements %bitcast3A_451, 0 {pack_format = #tpu.pack_format<interleaved>} : vector<32xbf16> -> vector<16xf32>
        %unpack3A_453 = tpu.unpack_subelements %bitcast3A_451, 1 {pack_format = #tpu.pack_format<interleaved>} : vector<32xbf16> -> vector<16xf32>
        %swap3A_454 = arith.index_cast %scan3A_420 : i32 to index
        %swap3A_455 = arith.constant 32 : index
        %swap3A_456 = tpu.vector_load %arg11[%swap3A_454, %swap3A_455] {strides = array<i32>} : memref<80x128xf32, #tpu.memory_space<vmem>>, vector<16xf32>,
        tpu.vector_store %arg11[%swap3A_454, %swap3A_455], %unpack3A_452 {strides = array<i32>} : memref<80x128xf32, #tpu.memory_space<vmem>>, vector<16xf32>,
        %add3A_457 = arith.constant 40 : i32
        %add3A_458 = arith.addi %scan3A_420, %add3A_457 : i32
        %swap3A_459 = arith.index_cast %add3A_458 : i32 to index
        %swap3A_460 = arith.constant 32 : index
        %swap3A_461 = tpu.vector_load %arg11[%swap3A_459, %swap3A_460] {strides = array<i32>} : memref<80x128xf32, #tpu.memory_space<vmem>>, vector<16xf32>,
        tpu.vector_store %arg11[%swap3A_459, %swap3A_460], %unpack3A_453 {strides = array<i32>} : memref<80x128xf32, #tpu.memory_space<vmem>>, vector<16xf32>,
        %get3A_462 = arith.index_cast %scan3A_420 : i32 to index
        %get3A_463 = arith.constant 48 : index
        %get3A_464 = tpu.vector_load %arg9[%get3A_462, %get3A_463] {strides = array<i32>} : memref<40x128xi32, #tpu.memory_space<vmem>>, vector<16xi32>,
        %bitcast3A_465 = vector.bitcast %get3A_464 : vector<16xi32> to vector<32xbf16>
        %unpack3A_466 = tpu.unpack_subelements %bitcast3A_465, 0 {pack_format = #tpu.pack_format<interleaved>} : vector<32xbf16> -> vector<16xf32>
        %unpack3A_467 = tpu.unpack_subelements %bitcast3A_465, 1 {pack_format = #tpu.pack_format<interleaved>} : vector<32xbf16> -> vector<16xf32>
        %swap3A_468 = arith.index_cast %scan3A_420 : i32 to index
        %swap3A_469 = arith.constant 48 : index
        %swap3A_470 = tpu.vector_load %arg11[%swap3A_468, %swap3A_469] {strides = array<i32>} : memref<80x128xf32, #tpu.memory_space<vmem>>, vector<16xf32>,
        tpu.vector_store %arg11[%swap3A_468, %swap3A_469], %unpack3A_466 {strides = array<i32>} : memref<80x128xf32, #tpu.memory_space<vmem>>, vector<16xf32>,
        %add3A_471 = arith.constant 40 : i32
        %add3A_472 = arith.addi %scan3A_420, %add3A_471 : i32
        %swap3A_473 = arith.index_cast %add3A_472 : i32 to index
        %swap3A_474 = arith.constant 48 : index
        %swap3A_475 = tpu.vector_load %arg11[%swap3A_473, %swap3A_474] {strides = array<i32>} : memref<80x128xf32, #tpu.memory_space<vmem>>, vector<16xf32>,
        tpu.vector_store %arg11[%swap3A_473, %swap3A_474], %unpack3A_467 {strides = array<i32>} : memref<80x128xf32, #tpu.memory_space<vmem>>, vector<16xf32>,
        %get3A_476 = arith.index_cast %scan3A_420 : i32 to index
        %get3A_477 = arith.constant 64 : index
        %get3A_478 = tpu.vector_load %arg9[%get3A_476, %get3A_477] {strides = array<i32>} : memref<40x128xi32, #tpu.memory_space<vmem>>, vector<16xi32>,
        %bitcast3A_479 = vector.bitcast %get3A_478 : vector<16xi32> to vector<32xbf16>
        %unpack3A_480 = tpu.unpack_subelements %bitcast3A_479, 0 {pack_format = #tpu.pack_format<interleaved>} : vector<32xbf16> -> vector<16xf32>
        %unpack3A_481 = tpu.unpack_subelements %bitcast3A_479, 1 {pack_format = #tpu.pack_format<interleaved>} : vector<32xbf16> -> vector<16xf32>
        %swap3A_482 = arith.index_cast %scan3A_420 : i32 to index
        %swap3A_483 = arith.constant 64 : index
        %swap3A_484 = tpu.vector_load %arg11[%swap3A_482, %swap3A_483] {strides = array<i32>} : memref<80x128xf32, #tpu.memory_space<vmem>>, vector<16xf32>,
        tpu.vector_store %arg11[%swap3A_482, %swap3A_483], %unpack3A_480 {strides = array<i32>} : memref<80x128xf32, #tpu.memory_space<vmem>>, vector<16xf32>,
        %add3A_485 = arith.constant 40 : i32
        %add3A_486 = arith.addi %scan3A_420, %add3A_485 : i32
        %swap3A_487 = arith.index_cast %add3A_486 : i32 to index
        %swap3A_488 = arith.constant 64 : index
        %swap3A_489 = tpu.vector_load %arg11[%swap3A_487, %swap3A_488] {strides = array<i32>} : memref<80x128xf32, #tpu.memory_space<vmem>>, vector<16xf32>,
        tpu.vector_store %arg11[%swap3A_487, %swap3A_488], %unpack3A_481 {strides = array<i32>} : memref<80x128xf32, #tpu.memory_space<vmem>>, vector<16xf32>,
        %get3A_490 = arith.index_cast %scan3A_420 : i32 to index
        %get3A_491 = arith.constant 80 : index
        %get3A_492 = tpu.vector_load %arg9[%get3A_490, %get3A_491] {strides = array<i32>} : memref<40x128xi32, #tpu.memory_space<vmem>>, vector<16xi32>,
        %bitcast3A_493 = vector.bitcast %get3A_492 : vector<16xi32> to vector<32xbf16>
        %unpack3A_494 = tpu.unpack_subelements %bitcast3A_493, 0 {pack_format = #tpu.pack_format<interleaved>} : vector<32xbf16> -> vector<16xf32>
        %unpack3A_495 = tpu.unpack_subelements %bitcast3A_493, 1 {pack_format = #tpu.pack_format<interleaved>} : vector<32xbf16> -> vector<16xf32>
        %swap3A_496 = arith.index_cast %scan3A_420 : i32 to index
        %swap3A_497 = arith.constant 80 : index
        %swap3A_498 = tpu.vector_load %arg11[%swap3A_496, %swap3A_497] {strides = array<i32>} : memref<80x128xf32, #tpu.memory_space<vmem>>, vector<16xf32>,
        tpu.vector_store %arg11[%swap3A_496, %swap3A_497], %unpack3A_494 {strides = array<i32>} : memref<80x128xf32, #tpu.memory_space<vmem>>, vector<16xf32>,
        %add3A_499 = arith.constant 40 : i32
        %add3A_500 = arith.addi %scan3A_420, %add3A_499 : i32
        %swap3A_501 = arith.index_cast %add3A_500 : i32 to index
        %swap3A_502 = arith.constant 80 : index
        %swap3A_503 = tpu.vector_load %arg11[%swap3A_501, %swap3A_502] {strides = array<i32>} : memref<80x128xf32, #tpu.memory_space<vmem>>, vector<16xf32>,
        tpu.vector_store %arg11[%swap3A_501, %swap3A_502], %unpack3A_495 {strides = array<i32>} : memref<80x128xf32, #tpu.memory_space<vmem>>, vector<16xf32>,
        %get3A_504 = arith.index_cast %scan3A_420 : i32 to index
        %get3A_505 = arith.constant 96 : index
        %get3A_506 = tpu.vector_load %arg9[%get3A_504, %get3A_505] {strides = array<i32>} : memref<40x128xi32, #tpu.memory_space<vmem>>, vector<16xi32>,
        %bitcast3A_507 = vector.bitcast %get3A_506 : vector<16xi32> to vector<32xbf16>
        %unpack3A_508 = tpu.unpack_subelements %bitcast3A_507, 0 {pack_format = #tpu.pack_format<interleaved>} : vector<32xbf16> -> vector<16xf32>
        %unpack3A_509 = tpu.unpack_subelements %bitcast3A_507, 1 {pack_format = #tpu.pack_format<interleaved>} : vector<32xbf16> -> vector<16xf32>
        %swap3A_510 = arith.index_cast %scan3A_420 : i32 to index
        %swap3A_511 = arith.constant 96 : index
        %swap3A_512 = tpu.vector_load %arg11[%swap3A_510, %swap3A_511] {strides = array<i32>} : memref<80x128xf32, #tpu.memory_space<vmem>>, vector<16xf32>,
        tpu.vector_store %arg11[%swap3A_510, %swap3A_511], %unpack3A_508 {strides = array<i32>} : memref<80x128xf32, #tpu.memory_space<vmem>>, vector<16xf32>,
        %add3A_513 = arith.constant 40 : i32
        %add3A_514 = arith.addi %scan3A_420, %add3A_513 : i32
        %swap3A_515 = arith.index_cast %add3A_514 : i32 to index
        %swap3A_516 = arith.constant 96 : index
        %swap3A_517 = tpu.vector_load %arg11[%swap3A_515, %swap3A_516] {strides = array<i32>} : memref<80x128xf32, #tpu.memory_space<vmem>>, vector<16xf32>,
        tpu.vector_store %arg11[%swap3A_515, %swap3A_516], %unpack3A_509 {strides = array<i32>} : memref<80x128xf32, #tpu.memory_space<vmem>>, vector<16xf32>,
        %get3A_518 = arith.index_cast %scan3A_420 : i32 to index
        %get3A_519 = arith.constant 112 : index
        %get3A_520 = tpu.vector_load %arg9[%get3A_518, %get3A_519] {strides = array<i32>} : memref<40x128xi32, #tpu.memory_space<vmem>>, vector<16xi32>,
        %bitcast3A_521 = vector.bitcast %get3A_520 : vector<16xi32> to vector<32xbf16>
        %unpack3A_522 = tpu.unpack_subelements %bitcast3A_521, 0 {pack_format = #tpu.pack_format<interleaved>} : vector<32xbf16> -> vector<16xf32>
        %unpack3A_523 = tpu.unpack_subelements %bitcast3A_521, 1 {pack_format = #tpu.pack_format<interleaved>} : vector<32xbf16> -> vector<16xf32>
        %swap3A_524 = arith.index_cast %scan3A_420 : i32 to index
        %swap3A_525 = arith.constant 112 : index
        %swap3A_526 = tpu.vector_load %arg11[%swap3A_524, %swap3A_525] {strides = array<i32>} : memref<80x128xf32, #tpu.memory_space<vmem>>, vector<16xf32>,
        tpu.vector_store %arg11[%swap3A_524, %swap3A_525], %unpack3A_522 {strides = array<i32>} : memref<80x128xf32, #tpu.memory_space<vmem>>, vector<16xf32>,
        %add3A_527 = arith.constant 40 : i32
        %add3A_528 = arith.addi %scan3A_420, %add3A_527 : i32
        %swap3A_529 = arith.index_cast %add3A_528 : i32 to index
        %swap3A_530 = arith.constant 112 : index
        %swap3A_531 = tpu.vector_load %arg11[%swap3A_529, %swap3A_530] {strides = array<i32>} : memref<80x128xf32, #tpu.memory_space<vmem>>, vector<16xf32>,
        tpu.vector_store %arg11[%swap3A_529, %swap3A_530], %unpack3A_523 {strides = array<i32>} : memref<80x128xf32, #tpu.memory_space<vmem>>, vector<16xf32>,
        %scan3A_532 = arith.constant 0 : i32
        scf.yield %scan3A_532 : i32
      }
      %scan3A_322 = arith.constant 40 : i32
      %get3A_323 = arith.constant 0 : index
      %get3A_324 = tpu.vector_load %arg5[%get3A_323] {strides = array<i32>} : memref<80xi32, #tpu.memory_space<vmem>>, vector<16xi32>,
      %swap3A_325 = arith.constant 0 : index
      %swap3A_326 = tpu.vector_load %arg7[%swap3A_325] {strides = array<i32>} : memref<80xi32, #tpu.memory_space<vmem>>, vector<16xi32>,
      tpu.vector_store %arg7[%swap3A_325], %get3A_324 {strides = array<i32>} : memref<80xi32, #tpu.memory_space<vmem>>, vector<16xi32>,
      %get3A_327 = arith.constant 16 : index
      %get3A_328 = tpu.vector_load %arg5[%get3A_327] {strides = array<i32>} : memref<80xi32, #tpu.memory_space<vmem>>, vector<16xi32>,
      %swap3A_329 = arith.constant 16 : index
      %swap3A_330 = tpu.vector_load %arg7[%swap3A_329] {strides = array<i32>} : memref<80xi32, #tpu.memory_space<vmem>>, vector<16xi32>,
      tpu.vector_store %arg7[%swap3A_329], %get3A_328 {strides = array<i32>} : memref<80xi32, #tpu.memory_space<vmem>>, vector<16xi32>,
      %get3A_331 = arith.constant 32 : index
      %get3A_332 = tpu.vector_load %arg5[%get3A_331] {strides = array<i32>} : memref<80xi32, #tpu.memory_space<vmem>>, vector<16xi32>,
      %swap3A_333 = arith.constant 32 : index
      %swap3A_334 = tpu.vector_load %arg7[%swap3A_333] {strides = array<i32>} : memref<80xi32, #tpu.memory_space<vmem>>, vector<16xi32>,
      tpu.vector_store %arg7[%swap3A_333], %get3A_332 {strides = array<i32>} : memref<80xi32, #tpu.memory_space<vmem>>, vector<16xi32>,
      %get3A_335 = arith.constant 48 : index
      %get3A_336 = tpu.vector_load %arg5[%get3A_335] {strides = array<i32>} : memref<80xi32, #tpu.memory_space<vmem>>, vector<16xi32>,
      %swap3A_337 = arith.constant 48 : index
      %swap3A_338 = tpu.vector_load %arg7[%swap3A_337] {strides = array<i32>} : memref<80xi32, #tpu.memory_space<vmem>>, vector<16xi32>,
      tpu.vector_store %arg7[%swap3A_337], %get3A_336 {strides = array<i32>} : memref<80xi32, #tpu.memory_space<vmem>>, vector<16xi32>,
      %get3A_339 = arith.constant 64 : index
      %get3A_340 = tpu.vector_load %arg5[%get3A_339] {strides = array<i32>} : memref<80xi32, #tpu.memory_space<vmem>>, vector<16xi32>,
      %swap3A_341 = arith.constant 64 : index
      %swap3A_342 = tpu.vector_load %arg7[%swap3A_341] {strides = array<i32>} : memref<80xi32, #tpu.memory_space<vmem>>, vector<16xi32>,
      tpu.vector_store %arg7[%swap3A_341], %get3A_340 {strides = array<i32>} : memref<80xi32, #tpu.memory_space<vmem>>, vector<16xi32>,
      %add3A_343 = arith.constant 2 : i32
      %add3A_344 = arith.addi %mul3A_296, %add3A_343 : i32
      %mul3A_345 = arith.constant 80 : i32
      %mul3A_346 = arith.muli %add3A_344, %mul3A_345 : i32
      %add3A_347 = arith.addi %add3A_4, %mul3A_346 : i32
      %mul3A_348 = arith.constant 40 : i32
      %mul3A_349 = arith.muli %add3A_344, %mul3A_348 : i32
      %add3A_350 = arith.addi %mul3A_6, %mul3A_349 : i32
      %dma_start3A_351 = tpu.memref_slice %arg3[%add3A_347] : memref<320000xi32, #tpu.memory_space<hbm>> -> memref<80xi32, #tpu.memory_space<hbm>>
      %dma_start3A_352 = tpu.memref_slice %arg3[%add3A_347] : memref<320000xi32, #tpu.memory_space<hbm>> -> memref<80xi32, #tpu.memory_space<hbm>>
      tpu.enqueue_dma source(%dma_start3A_352 : memref<80xi32, #tpu.memory_space<hbm>>) target(%arg5 : memref<80xi32, #tpu.memory_space<vmem>>) target_semaphore(%arg15 : memref<!tpu.dma_semaphore, #tpu.memory_space<semaphore_mem>>)
      %dma_start3A_353 = arith.constant 0 : i32
      %dma_start3A_354 = tpu.memref_slice %arg2[%add3A_350, %dma_start3A_353] : memref<83200x128xi32, #tpu.memory_space<hbm>> -> memref<40x128xi32, #tpu.memory_space<hbm>>
      %dma_start3A_355 = arith.constant 0 : i32
      %dma_start3A_356 = tpu.memref_slice %arg2[%add3A_350, %dma_start3A_355] : memref<83200x128xi32, #tpu.memory_space<hbm>> -> memref<40x128xi32, #tpu.memory_space<hbm>>
      tpu.enqueue_dma source(%dma_start3A_356 : memref<40x128xi32, #tpu.memory_space<hbm>>) target(%arg9 : memref<40x128xi32, #tpu.memory_space<vmem>>) target_semaphore(%arg17 : memref<!tpu.dma_semaphore, #tpu.memory_space<semaphore_mem>>)
      %dma_start3A_357 = arith.constant 0 : i32
      %dma_start3A_358 = arith.constant 0 : i32
      %dma_start3A_359 = tpu.memref_slice %arg14[%dma_start3A_357, %dma_start3A_358] : memref<10240x128xf32, #tpu.memory_space<vmem_shared>> -> memref<10240x128xf32, #tpu.memory_space<vmem_shared>>
      tpu.enqueue_indirect_dma source(%arg11 : memref<80x128xf32, #tpu.memory_space<vmem>>) target(%dma_start3A_359 : memref<10240x128xf32, #tpu.memory_space<vmem_shared>>) offsets(%arg7 : memref<80xi32, #tpu.memory_space<vmem>>) semaphore(%arg19 : memref<!tpu.dma_semaphore, #tpu.memory_space<semaphore_mem>>) {add = true}
      %mul3A_360 = arith.constant 80 : i32
      %mul3A_361 = arith.muli %add3A_300, %mul3A_360 : i32
      %add3A_362 = arith.addi %add3A_4, %mul3A_361 : i32
      %mul3A_363 = arith.constant 40 : i32
      %mul3A_364 = arith.muli %add3A_300, %mul3A_363 : i32
      %add3A_365 = arith.addi %mul3A_6, %mul3A_364 : i32
      %dma_wait3A_366 = tpu.memref_slice %arg3[%add3A_362] : memref<320000xi32, #tpu.memory_space<hbm>> -> memref<80xi32, #tpu.memory_space<hbm>>
      %dma_wait3A_367 = tpu.memref_slice %arg3[%add3A_362] : memref<320000xi32, #tpu.memory_space<hbm>> -> memref<80xi32, #tpu.memory_space<hbm>>
      tpu.wait_dma2 semaphore(%arg16 : memref<!tpu.dma_semaphore, #tpu.memory_space<semaphore_mem>>) src(%dma_wait3A_367 : memref<80xi32, #tpu.memory_space<hbm>>) dst(%arg6 : memref<80xi32, #tpu.memory_space<vmem>>)
      %dma_wait3A_368 = arith.constant 0 : i32
      %dma_wait3A_369 = tpu.memref_slice %arg2[%add3A_365, %dma_wait3A_368] : memref<83200x128xi32, #tpu.memory_space<hbm>> -> memref<40x128xi32, #tpu.memory_space<hbm>>
      %dma_wait3A_370 = arith.constant 0 : i32
      %dma_wait3A_371 = tpu.memref_slice %arg2[%add3A_365, %dma_wait3A_370] : memref<83200x128xi32, #tpu.memory_space<hbm>> -> memref<40x128xi32, #tpu.memory_space<hbm>>
      tpu.wait_dma2 semaphore(%arg18 : memref<!tpu.dma_semaphore, #tpu.memory_space<semaphore_mem>>) src(%dma_wait3A_371 : memref<40x128xi32, #tpu.memory_space<hbm>>) dst(%arg10 : memref<40x128xi32, #tpu.memory_space<vmem>>)
      %dma_wait3A_372 = arith.constant 0 : i32
      %dma_wait3A_373 = arith.constant 0 : i32
      %dma_wait3A_374 = tpu.memref_slice %arg14[%dma_wait3A_372, %dma_wait3A_373] : memref<10240x128xf32, #tpu.memory_space<vmem_shared>> -> memref<10240x128xf32, #tpu.memory_space<vmem_shared>>
      tpu.wait_indirect_dma semaphore(%arg20 : memref<!tpu.dma_semaphore, #tpu.memory_space<semaphore_mem>>) src(%arg12 : memref<80x128xf32, #tpu.memory_space<vmem>>) dst(%dma_wait3A_374 : memref<10240x128xf32, #tpu.memory_space<vmem_shared>>)
      %scan3A_375 = arith.constant 0 : i32
      %scan3A_376 = arith.constant 0 : i32
      %scan3A_377 = arith.constant 40 : i32
      %scan3A_378 = arith.addi %scan3A_376, %scan3A_377 : i32
      %scan3A_379 = arith.constant 1 : i32
      %scan3A_380 = scf.for %scan3A_420 = %scan3A_376 to %scan3A_378 step %scan3A_379 iter_args(%scan3A_421 = %scan3A_375) -> (i32)  : i32 {
        %get3A_422 = arith.index_cast %scan3A_420 : i32 to index
        %get3A_423 = arith.constant 0 : index
        %get3A_424 = tpu.vector_load %arg10[%get3A_422, %get3A_423] {strides = array<i32>} : memref<40x128xi32, #tpu.memory_space<vmem>>, vector<16xi32>,
        %bitcast3A = vector.bitcast %get3A_424 : vector<16xi32> to vector<32xbf16>
        %unpack3A = tpu.unpack_subelements %bitcast3A, 0 {pack_format = #tpu.pack_format<interleaved>} : vector<32xbf16> -> vector<16xf32>
        %unpack3A_425 = tpu.unpack_subelements %bitcast3A, 1 {pack_format = #tpu.pack_format<interleaved>} : vector<32xbf16> -> vector<16xf32>
        %swap3A_426 = arith.index_cast %scan3A_420 : i32 to index
        %swap3A_427 = arith.constant 0 : index
        %swap3A_428 = tpu.vector_load %arg12[%swap3A_426, %swap3A_427] {strides = array<i32>} : memref<80x128xf32, #tpu.memory_space<vmem>>, vector<16xf32>,
        tpu.vector_store %arg12[%swap3A_426, %swap3A_427], %unpack3A {strides = array<i32>} : memref<80x128xf32, #tpu.memory_space<vmem>>, vector<16xf32>,
        %add3A_429 = arith.constant 40 : i32
        %add3A_430 = arith.addi %scan3A_420, %add3A_429 : i32
        %swap3A_431 = arith.index_cast %add3A_430 : i32 to index
        %swap3A_432 = arith.constant 0 : index
        %swap3A_433 = tpu.vector_load %arg12[%swap3A_431, %swap3A_432] {strides = array<i32>} : memref<80x128xf32, #tpu.memory_space<vmem>>, vector<16xf32>,
        tpu.vector_store %arg12[%swap3A_431, %swap3A_432], %unpack3A_425 {strides = array<i32>} : memref<80x128xf32, #tpu.memory_space<vmem>>, vector<16xf32>,
        %get3A_434 = arith.index_cast %scan3A_420 : i32 to index
        %get3A_435 = arith.constant 16 : index
        %get3A_436 = tpu.vector_load %arg10[%get3A_434, %get3A_435] {strides = array<i32>} : memref<40x128xi32, #tpu.memory_space<vmem>>, vector<16xi32>,
        %bitcast3A_437 = vector.bitcast %get3A_436 : vector<16xi32> to vector<32xbf16>
        %unpack3A_438 = tpu.unpack_subelements %bitcast3A_437, 0 {pack_format = #tpu.pack_format<interleaved>} : vector<32xbf16> -> vector<16xf32>
        %unpack3A_439 = tpu.unpack_subelements %bitcast3A_437, 1 {pack_format = #tpu.pack_format<interleaved>} : vector<32xbf16> -> vector<16xf32>
        %swap3A_440 = arith.index_cast %scan3A_420 : i32 to index
        %swap3A_441 = arith.constant 16 : index
        %swap3A_442 = tpu.vector_load %arg12[%swap3A_440, %swap3A_441] {strides = array<i32>} : memref<80x128xf32, #tpu.memory_space<vmem>>, vector<16xf32>,
        tpu.vector_store %arg12[%swap3A_440, %swap3A_441], %unpack3A_438 {strides = array<i32>} : memref<80x128xf32, #tpu.memory_space<vmem>>, vector<16xf32>,
        %add3A_443 = arith.constant 40 : i32
        %add3A_444 = arith.addi %scan3A_420, %add3A_443 : i32
        %swap3A_445 = arith.index_cast %add3A_444 : i32 to index
        %swap3A_446 = arith.constant 16 : index
        %swap3A_447 = tpu.vector_load %arg12[%swap3A_445, %swap3A_446] {strides = array<i32>} : memref<80x128xf32, #tpu.memory_space<vmem>>, vector<16xf32>,
        tpu.vector_store %arg12[%swap3A_445, %swap3A_446], %unpack3A_439 {strides = array<i32>} : memref<80x128xf32, #tpu.memory_space<vmem>>, vector<16xf32>,
        %get3A_448 = arith.index_cast %scan3A_420 : i32 to index
        %get3A_449 = arith.constant 32 : index
        %get3A_450 = tpu.vector_load %arg10[%get3A_448, %get3A_449] {strides = array<i32>} : memref<40x128xi32, #tpu.memory_space<vmem>>, vector<16xi32>,
        %bitcast3A_451 = vector.bitcast %get3A_450 : vector<16xi32> to vector<32xbf16>
        %unpack3A_452 = tpu.unpack_subelements %bitcast3A_451, 0 {pack_format = #tpu.pack_format<interleaved>} : vector<32xbf16> -> vector<16xf32>
        %unpack3A_453 = tpu.unpack_subelements %bitcast3A_451, 1 {pack_format = #tpu.pack_format<interleaved>} : vector<32xbf16> -> vector<16xf32>
        %swap3A_454 = arith.index_cast %scan3A_420 : i32 to index
        %swap3A_455 = arith.constant 32 : index
        %swap3A_456 = tpu.vector_load %arg12[%swap3A_454, %swap3A_455] {strides = array<i32>} : memref<80x128xf32, #tpu.memory_space<vmem>>, vector<16xf32>,
        tpu.vector_store %arg12[%swap3A_454, %swap3A_455], %unpack3A_452 {strides = array<i32>} : memref<80x128xf32, #tpu.memory_space<vmem>>, vector<16xf32>,
        %add3A_457 = arith.constant 40 : i32
        %add3A_458 = arith.addi %scan3A_420, %add3A_457 : i32
        %swap3A_459 = arith.index_cast %add3A_458 : i32 to index
        %swap3A_460 = arith.constant 32 : index
        %swap3A_461 = tpu.vector_load %arg12[%swap3A_459, %swap3A_460] {strides = array<i32>} : memref<80x128xf32, #tpu.memory_space<vmem>>, vector<16xf32>,
        tpu.vector_store %arg12[%swap3A_459, %swap3A_460], %unpack3A_453 {strides = array<i32>} : memref<80x128xf32, #tpu.memory_space<vmem>>, vector<16xf32>,
        %get3A_462 = arith.index_cast %scan3A_420 : i32 to index
        %get3A_463 = arith.constant 48 : index
        %get3A_464 = tpu.vector_load %arg10[%get3A_462, %get3A_463] {strides = array<i32>} : memref<40x128xi32, #tpu.memory_space<vmem>>, vector<16xi32>,
        %bitcast3A_465 = vector.bitcast %get3A_464 : vector<16xi32> to vector<32xbf16>
        %unpack3A_466 = tpu.unpack_subelements %bitcast3A_465, 0 {pack_format = #tpu.pack_format<interleaved>} : vector<32xbf16> -> vector<16xf32>
        %unpack3A_467 = tpu.unpack_subelements %bitcast3A_465, 1 {pack_format = #tpu.pack_format<interleaved>} : vector<32xbf16> -> vector<16xf32>
        %swap3A_468 = arith.index_cast %scan3A_420 : i32 to index
        %swap3A_469 = arith.constant 48 : index
        %swap3A_470 = tpu.vector_load %arg12[%swap3A_468, %swap3A_469] {strides = array<i32>} : memref<80x128xf32, #tpu.memory_space<vmem>>, vector<16xf32>,
        tpu.vector_store %arg12[%swap3A_468, %swap3A_469], %unpack3A_466 {strides = array<i32>} : memref<80x128xf32, #tpu.memory_space<vmem>>, vector<16xf32>,
        %add3A_471 = arith.constant 40 : i32
        %add3A_472 = arith.addi %scan3A_420, %add3A_471 : i32
        %swap3A_473 = arith.index_cast %add3A_472 : i32 to index
        %swap3A_474 = arith.constant 48 : index
        %swap3A_475 = tpu.vector_load %arg12[%swap3A_473, %swap3A_474] {strides = array<i32>} : memref<80x128xf32, #tpu.memory_space<vmem>>, vector<16xf32>,
        tpu.vector_store %arg12[%swap3A_473, %swap3A_474], %unpack3A_467 {strides = array<i32>} : memref<80x128xf32, #tpu.memory_space<vmem>>, vector<16xf32>,
        %get3A_476 = arith.index_cast %scan3A_420 : i32 to index
        %get3A_477 = arith.constant 64 : index
        %get3A_478 = tpu.vector_load %arg10[%get3A_476, %get3A_477] {strides = array<i32>} : memref<40x128xi32, #tpu.memory_space<vmem>>, vector<16xi32>,
        %bitcast3A_479 = vector.bitcast %get3A_478 : vector<16xi32> to vector<32xbf16>
        %unpack3A_480 = tpu.unpack_subelements %bitcast3A_479, 0 {pack_format = #tpu.pack_format<interleaved>} : vector<32xbf16> -> vector<16xf32>
        %unpack3A_481 = tpu.unpack_subelements %bitcast3A_479, 1 {pack_format = #tpu.pack_format<interleaved>} : vector<32xbf16> -> vector<16xf32>
        %swap3A_482 = arith.index_cast %scan3A_420 : i32 to index
        %swap3A_483 = arith.constant 64 : index
        %swap3A_484 = tpu.vector_load %arg12[%swap3A_482, %swap3A_483] {strides = array<i32>} : memref<80x128xf32, #tpu.memory_space<vmem>>, vector<16xf32>,
        tpu.vector_store %arg12[%swap3A_482, %swap3A_483], %unpack3A_480 {strides = array<i32>} : memref<80x128xf32, #tpu.memory_space<vmem>>, vector<16xf32>,
        %add3A_485 = arith.constant 40 : i32
        %add3A_486 = arith.addi %scan3A_420, %add3A_485 : i32
        %swap3A_487 = arith.index_cast %add3A_486 : i32 to index
        %swap3A_488 = arith.constant 64 : index
        %swap3A_489 = tpu.vector_load %arg12[%swap3A_487, %swap3A_488] {strides = array<i32>} : memref<80x128xf32, #tpu.memory_space<vmem>>, vector<16xf32>,
        tpu.vector_store %arg12[%swap3A_487, %swap3A_488], %unpack3A_481 {strides = array<i32>} : memref<80x128xf32, #tpu.memory_space<vmem>>, vector<16xf32>,
        %get3A_490 = arith.index_cast %scan3A_420 : i32 to index
        %get3A_491 = arith.constant 80 : index
        %get3A_492 = tpu.vector_load %arg10[%get3A_490, %get3A_491] {strides = array<i32>} : memref<40x128xi32, #tpu.memory_space<vmem>>, vector<16xi32>,
        %bitcast3A_493 = vector.bitcast %get3A_492 : vector<16xi32> to vector<32xbf16>
        %unpack3A_494 = tpu.unpack_subelements %bitcast3A_493, 0 {pack_format = #tpu.pack_format<interleaved>} : vector<32xbf16> -> vector<16xf32>
        %unpack3A_495 = tpu.unpack_subelements %bitcast3A_493, 1 {pack_format = #tpu.pack_format<interleaved>} : vector<32xbf16> -> vector<16xf32>
        %swap3A_496 = arith.index_cast %scan3A_420 : i32 to index
        %swap3A_497 = arith.constant 80 : index
        %swap3A_498 = tpu.vector_load %arg12[%swap3A_496, %swap3A_497] {strides = array<i32>} : memref<80x128xf32, #tpu.memory_space<vmem>>, vector<16xf32>,
        tpu.vector_store %arg12[%swap3A_496, %swap3A_497], %unpack3A_494 {strides = array<i32>} : memref<80x128xf32, #tpu.memory_space<vmem>>, vector<16xf32>,
        %add3A_499 = arith.constant 40 : i32
        %add3A_500 = arith.addi %scan3A_420, %add3A_499 : i32
        %swap3A_501 = arith.index_cast %add3A_500 : i32 to index
        %swap3A_502 = arith.constant 80 : index
        %swap3A_503 = tpu.vector_load %arg12[%swap3A_501, %swap3A_502] {strides = array<i32>} : memref<80x128xf32, #tpu.memory_space<vmem>>, vector<16xf32>,
        tpu.vector_store %arg12[%swap3A_501, %swap3A_502], %unpack3A_495 {strides = array<i32>} : memref<80x128xf32, #tpu.memory_space<vmem>>, vector<16xf32>,
        %get3A_504 = arith.index_cast %scan3A_420 : i32 to index
        %get3A_505 = arith.constant 96 : index
        %get3A_506 = tpu.vector_load %arg10[%get3A_504, %get3A_505] {strides = array<i32>} : memref<40x128xi32, #tpu.memory_space<vmem>>, vector<16xi32>,
        %bitcast3A_507 = vector.bitcast %get3A_506 : vector<16xi32> to vector<32xbf16>
        %unpack3A_508 = tpu.unpack_subelements %bitcast3A_507, 0 {pack_format = #tpu.pack_format<interleaved>} : vector<32xbf16> -> vector<16xf32>
        %unpack3A_509 = tpu.unpack_subelements %bitcast3A_507, 1 {pack_format = #tpu.pack_format<interleaved>} : vector<32xbf16> -> vector<16xf32>
        %swap3A_510 = arith.index_cast %scan3A_420 : i32 to index
        %swap3A_511 = arith.constant 96 : index
        %swap3A_512 = tpu.vector_load %arg12[%swap3A_510, %swap3A_511] {strides = array<i32>} : memref<80x128xf32, #tpu.memory_space<vmem>>, vector<16xf32>,
        tpu.vector_store %arg12[%swap3A_510, %swap3A_511], %unpack3A_508 {strides = array<i32>} : memref<80x128xf32, #tpu.memory_space<vmem>>, vector<16xf32>,
        %add3A_513 = arith.constant 40 : i32
        %add3A_514 = arith.addi %scan3A_420, %add3A_513 : i32
        %swap3A_515 = arith.index_cast %add3A_514 : i32 to index
        %swap3A_516 = arith.constant 96 : index
        %swap3A_517 = tpu.vector_load %arg12[%swap3A_515, %swap3A_516] {strides = array<i32>} : memref<80x128xf32, #tpu.memory_space<vmem>>, vector<16xf32>,
        tpu.vector_store %arg12[%swap3A_515, %swap3A_516], %unpack3A_509 {strides = array<i32>} : memref<80x128xf32, #tpu.memory_space<vmem>>, vector<16xf32>,
        %get3A_518 = arith.index_cast %scan3A_420 : i32 to index
        %get3A_519 = arith.constant 112 : index
        %get3A_520 = tpu.vector_load %arg10[%get3A_518, %get3A_519] {strides = array<i32>} : memref<40x128xi32, #tpu.memory_space<vmem>>, vector<16xi32>,
        %bitcast3A_521 = vector.bitcast %get3A_520 : vector<16xi32> to vector<32xbf16>
        %unpack3A_522 = tpu.unpack_subelements %bitcast3A_521, 0 {pack_format = #tpu.pack_format<interleaved>} : vector<32xbf16> -> vector<16xf32>
        %unpack3A_523 = tpu.unpack_subelements %bitcast3A_521, 1 {pack_format = #tpu.pack_format<interleaved>} : vector<32xbf16> -> vector<16xf32>
        %swap3A_524 = arith.index_cast %scan3A_420 : i32 to index
        %swap3A_525 = arith.constant 112 : index
        %swap3A_526 = tpu.vector_load %arg12[%swap3A_524, %swap3A_525] {strides = array<i32>} : memref<80x128xf32, #tpu.memory_space<vmem>>, vector<16xf32>,
        tpu.vector_store %arg12[%swap3A_524, %swap3A_525], %unpack3A_522 {strides = array<i32>} : memref<80x128xf32, #tpu.memory_space<vmem>>, vector<16xf32>,
        %add3A_527 = arith.constant 40 : i32
        %add3A_528 = arith.addi %scan3A_420, %add3A_527 : i32
        %swap3A_529 = arith.index_cast %add3A_528 : i32 to index
        %swap3A_530 = arith.constant 112 : index
        %swap3A_531 = tpu.vector_load %arg12[%swap3A_529, %swap3A_530] {strides = array<i32>} : memref<80x128xf32, #tpu.memory_space<vmem>>, vector<16xf32>,
        tpu.vector_store %arg12[%swap3A_529, %swap3A_530], %unpack3A_523 {strides = array<i32>} : memref<80x128xf32, #tpu.memory_space<vmem>>, vector<16xf32>,
        %scan3A_532 = arith.constant 0 : i32
        scf.yield %scan3A_532 : i32
      }
      %scan3A_381 = arith.constant 40 : i32
      %get3A_382 = arith.constant 0 : index
      %get3A_383 = tpu.vector_load %arg6[%get3A_382] {strides = array<i32>} : memref<80xi32, #tpu.memory_space<vmem>>, vector<16xi32>,
      %swap3A_384 = arith.constant 0 : index
      %swap3A_385 = tpu.vector_load %arg8[%swap3A_384] {strides = array<i32>} : memref<80xi32, #tpu.memory_space<vmem>>, vector<16xi32>,
      tpu.vector_store %arg8[%swap3A_384], %get3A_383 {strides = array<i32>} : memref<80xi32, #tpu.memory_space<vmem>>, vector<16xi32>,
      %get3A_386 = arith.constant 16 : index
      %get3A_387 = tpu.vector_load %arg6[%get3A_386] {strides = array<i32>} : memref<80xi32, #tpu.memory_space<vmem>>, vector<16xi32>,
      %swap3A_388 = arith.constant 16 : index
      %swap3A_389 = tpu.vector_load %arg8[%swap3A_388] {strides = array<i32>} : memref<80xi32, #tpu.memory_space<vmem>>, vector<16xi32>,
      tpu.vector_store %arg8[%swap3A_388], %get3A_387 {strides = array<i32>} : memref<80xi32, #tpu.memory_space<vmem>>, vector<16xi32>,
      %get3A_390 = arith.constant 32 : index
      %get3A_391 = tpu.vector_load %arg6[%get3A_390] {strides = array<i32>} : memref<80xi32, #tpu.memory_space<vmem>>, vector<16xi32>,
      %swap3A_392 = arith.constant 32 : index
      %swap3A_393 = tpu.vector_load %arg8[%swap3A_392] {strides = array<i32>} : memref<80xi32, #tpu.memory_space<vmem>>, vector<16xi32>,
      tpu.vector_store %arg8[%swap3A_392], %get3A_391 {strides = array<i32>} : memref<80xi32, #tpu.memory_space<vmem>>, vector<16xi32>,
      %get3A_394 = arith.constant 48 : index
      %get3A_395 = tpu.vector_load %arg6[%get3A_394] {strides = array<i32>} : memref<80xi32, #tpu.memory_space<vmem>>, vector<16xi32>,
      %swap3A_396 = arith.constant 48 : index
      %swap3A_397 = tpu.vector_load %arg8[%swap3A_396] {strides = array<i32>} : memref<80xi32, #tpu.memory_space<vmem>>, vector<16xi32>,
      tpu.vector_store %arg8[%swap3A_396], %get3A_395 {strides = array<i32>} : memref<80xi32, #tpu.memory_space<vmem>>, vector<16xi32>,
      %get3A_398 = arith.constant 64 : index
      %get3A_399 = tpu.vector_load %arg6[%get3A_398] {strides = array<i32>} : memref<80xi32, #tpu.memory_space<vmem>>, vector<16xi32>,
      %swap3A_400 = arith.constant 64 : index
      %swap3A_401 = tpu.vector_load %arg8[%swap3A_400] {strides = array<i32>} : memref<80xi32, #tpu.memory_space<vmem>>, vector<16xi32>,
      tpu.vector_store %arg8[%swap3A_400], %get3A_399 {strides = array<i32>} : memref<80xi32, #tpu.memory_space<vmem>>, vector<16xi32>,
      %add3A_402 = arith.constant 2 : i32
      %add3A_403 = arith.addi %add3A_300, %add3A_402 : i32
      %mul3A_404 = arith.constant 80 : i32
      %mul3A_405 = arith.muli %add3A_403, %mul3A_404 : i32
      %add3A_406 = arith.addi %add3A_4, %mul3A_405 : i32
      %mul3A_407 = arith.constant 40 : i32
      %mul3A_408 = arith.muli %add3A_403, %mul3A_407 : i32
      %add3A_409 = arith.addi %mul3A_6, %mul3A_408 : i32
      %dma_start3A_410 = tpu.memref_slice %arg3[%add3A_406] : memref<320000xi32, #tpu.memory_space<hbm>> -> memref<80xi32, #tpu.memory_space<hbm>>
      %dma_start3A_411 = tpu.memref_slice %arg3[%add3A_406] : memref<320000xi32, #tpu.memory_space<hbm>> -> memref<80xi32, #tpu.memory_space<hbm>>
      tpu.enqueue_dma source(%dma_start3A_411 : memref<80xi32, #tpu.memory_space<hbm>>) target(%arg6 : memref<80xi32, #tpu.memory_space<vmem>>) target_semaphore(%arg16 : memref<!tpu.dma_semaphore, #tpu.memory_space<semaphore_mem>>)
      %dma_start3A_412 = arith.constant 0 : i32
      %dma_start3A_413 = tpu.memref_slice %arg2[%add3A_409, %dma_start3A_412] : memref<83200x128xi32, #tpu.memory_space<hbm>> -> memref<40x128xi32, #tpu.memory_space<hbm>>
      %dma_start3A_414 = arith.constant 0 : i32
      %dma_start3A_415 = tpu.memref_slice %arg2[%add3A_409, %dma_start3A_414] : memref<83200x128xi32, #tpu.memory_space<hbm>> -> memref<40x128xi32, #tpu.memory_space<hbm>>
      tpu.enqueue_dma source(%dma_start3A_415 : memref<40x128xi32, #tpu.memory_space<hbm>>) target(%arg10 : memref<40x128xi32, #tpu.memory_space<vmem>>) target_semaphore(%arg18 : memref<!tpu.dma_semaphore, #tpu.memory_space<semaphore_mem>>)
      %dma_start3A_416 = arith.constant 0 : i32
      %dma_start3A_417 = arith.constant 0 : i32
      %dma_start3A_418 = tpu.memref_slice %arg14[%dma_start3A_416, %dma_start3A_417] : memref<10240x128xf32, #tpu.memory_space<vmem_shared>> -> memref<10240x128xf32, #tpu.memory_space<vmem_shared>>
      tpu.enqueue_indirect_dma source(%arg12 : memref<80x128xf32, #tpu.memory_space<vmem>>) target(%dma_start3A_418 : memref<10240x128xf32, #tpu.memory_space<vmem_shared>>) offsets(%arg8 : memref<80xi32, #tpu.memory_space<vmem>>) semaphore(%arg20 : memref<!tpu.dma_semaphore, #tpu.memory_space<semaphore_mem>>) {add = true}
      %scan3A_419 = arith.constant 0 : i32
      scf.yield %scan3A_419 : i32
    }
    %scan3A_142 = arith.constant 30 : i32
    %add3A_143 = arith.constant 4960 : i32
    %add3A_144 = arith.addi %add3A_4, %add3A_143 : i32
    %add3A_145 = arith.constant 2480 : i32
    %add3A_146 = arith.addi %mul3A_6, %add3A_145 : i32
    %dma_wait3A_147 = tpu.memref_slice %arg3[%add3A_144] : memref<320000xi32, #tpu.memory_space<hbm>> -> memref<80xi32, #tpu.memory_space<hbm>>
    %dma_wait3A_148 = tpu.memref_slice %arg3[%add3A_144] : memref<320000xi32, #tpu.memory_space<hbm>> -> memref<80xi32, #tpu.memory_space<hbm>>
    tpu.wait_dma2 semaphore(%arg15 : memref<!tpu.dma_semaphore, #tpu.memory_space<semaphore_mem>>) src(%dma_wait3A_148 : memref<80xi32, #tpu.memory_space<hbm>>) dst(%arg5 : memref<80xi32, #tpu.memory_space<vmem>>)
    %dma_wait3A_149 = arith.constant 0 : i32
    %dma_wait3A_150 = tpu.memref_slice %arg2[%add3A_146, %dma_wait3A_149] : memref<83200x128xi32, #tpu.memory_space<hbm>> -> memref<40x128xi32, #tpu.memory_space<hbm>>
    %dma_wait3A_151 = arith.constant 0 : i32
    %dma_wait3A_152 = tpu.memref_slice %arg2[%add3A_146, %dma_wait3A_151] : memref<83200x128xi32, #tpu.memory_space<hbm>> -> memref<40x128xi32, #tpu.memory_space<hbm>>
    tpu.wait_dma2 semaphore(%arg17 : memref<!tpu.dma_semaphore, #tpu.memory_space<semaphore_mem>>) src(%dma_wait3A_152 : memref<40x128xi32, #tpu.memory_space<hbm>>) dst(%arg9 : memref<40x128xi32, #tpu.memory_space<vmem>>)
    %dma_wait3A_153 = arith.constant 0 : i32
    %dma_wait3A_154 = arith.constant 0 : i32
    %dma_wait3A_155 = tpu.memref_slice %arg14[%dma_wait3A_153, %dma_wait3A_154] : memref<10240x128xf32, #tpu.memory_space<vmem_shared>> -> memref<10240x128xf32, #tpu.memory_space<vmem_shared>>
    tpu.wait_indirect_dma semaphore(%arg19 : memref<!tpu.dma_semaphore, #tpu.memory_space<semaphore_mem>>) src(%arg11 : memref<80x128xf32, #tpu.memory_space<vmem>>) dst(%dma_wait3A_155 : memref<10240x128xf32, #tpu.memory_space<vmem_shared>>)
    %scan3A_156 = arith.constant 0 : i32
    %scan3A_157 = arith.constant 0 : i32
    %scan3A_158 = arith.constant 40 : i32
    %scan3A_159 = arith.addi %scan3A_157, %scan3A_158 : i32
    %scan3A_160 = arith.constant 1 : i32
    %scan3A_161 = scf.for %scan3A_293 = %scan3A_157 to %scan3A_159 step %scan3A_160 iter_args(%scan3A_294 = %scan3A_156) -> (i32)  : i32 {
      %get3A_295 = arith.index_cast %scan3A_293 : i32 to index
      %get3A_296 = arith.constant 0 : index
      %get3A_297 = tpu.vector_load %arg9[%get3A_295, %get3A_296] {strides = array<i32>} : memref<40x128xi32, #tpu.memory_space<vmem>>, vector<16xi32>,
      %bitcast3A = vector.bitcast %get3A_297 : vector<16xi32> to vector<32xbf16>
      %unpack3A = tpu.unpack_subelements %bitcast3A, 0 {pack_format = #tpu.pack_format<interleaved>} : vector<32xbf16> -> vector<16xf32>
      %unpack3A_298 = tpu.unpack_subelements %bitcast3A, 1 {pack_format = #tpu.pack_format<interleaved>} : vector<32xbf16> -> vector<16xf32>
      %swap3A_299 = arith.index_cast %scan3A_293 : i32 to index
      %swap3A_300 = arith.constant 0 : index
      %swap3A_301 = tpu.vector_load %arg11[%swap3A_299, %swap3A_300] {strides = array<i32>} : memref<80x128xf32, #tpu.memory_space<vmem>>, vector<16xf32>,
      tpu.vector_store %arg11[%swap3A_299, %swap3A_300], %unpack3A {strides = array<i32>} : memref<80x128xf32, #tpu.memory_space<vmem>>, vector<16xf32>,
      %add3A_302 = arith.constant 40 : i32
      %add3A_303 = arith.addi %scan3A_293, %add3A_302 : i32
      %swap3A_304 = arith.index_cast %add3A_303 : i32 to index
      %swap3A_305 = arith.constant 0 : index
      %swap3A_306 = tpu.vector_load %arg11[%swap3A_304, %swap3A_305] {strides = array<i32>} : memref<80x128xf32, #tpu.memory_space<vmem>>, vector<16xf32>,
      tpu.vector_store %arg11[%swap3A_304, %swap3A_305], %unpack3A_298 {strides = array<i32>} : memref<80x128xf32, #tpu.memory_space<vmem>>, vector<16xf32>,
      %get3A_307 = arith.index_cast %scan3A_293 : i32 to index
      %get3A_308 = arith.constant 16 : index
      %get3A_309 = tpu.vector_load %arg9[%get3A_307, %get3A_308] {strides = array<i32>} : memref<40x128xi32, #tpu.memory_space<vmem>>, vector<16xi32>,
      %bitcast3A_310 = vector.bitcast %get3A_309 : vector<16xi32> to vector<32xbf16>
      %unpack3A_311 = tpu.unpack_subelements %bitcast3A_310, 0 {pack_format = #tpu.pack_format<interleaved>} : vector<32xbf16> -> vector<16xf32>
      %unpack3A_312 = tpu.unpack_subelements %bitcast3A_310, 1 {pack_format = #tpu.pack_format<interleaved>} : vector<32xbf16> -> vector<16xf32>
      %swap3A_313 = arith.index_cast %scan3A_293 : i32 to index
      %swap3A_314 = arith.constant 16 : index
      %swap3A_315 = tpu.vector_load %arg11[%swap3A_313, %swap3A_314] {strides = array<i32>} : memref<80x128xf32, #tpu.memory_space<vmem>>, vector<16xf32>,
      tpu.vector_store %arg11[%swap3A_313, %swap3A_314], %unpack3A_311 {strides = array<i32>} : memref<80x128xf32, #tpu.memory_space<vmem>>, vector<16xf32>,
      %add3A_316 = arith.constant 40 : i32
      %add3A_317 = arith.addi %scan3A_293, %add3A_316 : i32
      %swap3A_318 = arith.index_cast %add3A_317 : i32 to index
      %swap3A_319 = arith.constant 16 : index
      %swap3A_320 = tpu.vector_load %arg11[%swap3A_318, %swap3A_319] {strides = array<i32>} : memref<80x128xf32, #tpu.memory_space<vmem>>, vector<16xf32>,
      tpu.vector_store %arg11[%swap3A_318, %swap3A_319], %unpack3A_312 {strides = array<i32>} : memref<80x128xf32, #tpu.memory_space<vmem>>, vector<16xf32>,
      %get3A_321 = arith.index_cast %scan3A_293 : i32 to index
      %get3A_322 = arith.constant 32 : index
      %get3A_323 = tpu.vector_load %arg9[%get3A_321, %get3A_322] {strides = array<i32>} : memref<40x128xi32, #tpu.memory_space<vmem>>, vector<16xi32>,
      %bitcast3A_324 = vector.bitcast %get3A_323 : vector<16xi32> to vector<32xbf16>
      %unpack3A_325 = tpu.unpack_subelements %bitcast3A_324, 0 {pack_format = #tpu.pack_format<interleaved>} : vector<32xbf16> -> vector<16xf32>
      %unpack3A_326 = tpu.unpack_subelements %bitcast3A_324, 1 {pack_format = #tpu.pack_format<interleaved>} : vector<32xbf16> -> vector<16xf32>
      %swap3A_327 = arith.index_cast %scan3A_293 : i32 to index
      %swap3A_328 = arith.constant 32 : index
      %swap3A_329 = tpu.vector_load %arg11[%swap3A_327, %swap3A_328] {strides = array<i32>} : memref<80x128xf32, #tpu.memory_space<vmem>>, vector<16xf32>,
      tpu.vector_store %arg11[%swap3A_327, %swap3A_328], %unpack3A_325 {strides = array<i32>} : memref<80x128xf32, #tpu.memory_space<vmem>>, vector<16xf32>,
      %add3A_330 = arith.constant 40 : i32
      %add3A_331 = arith.addi %scan3A_293, %add3A_330 : i32
      %swap3A_332 = arith.index_cast %add3A_331 : i32 to index
      %swap3A_333 = arith.constant 32 : index
      %swap3A_334 = tpu.vector_load %arg11[%swap3A_332, %swap3A_333] {strides = array<i32>} : memref<80x128xf32, #tpu.memory_space<vmem>>, vector<16xf32>,
      tpu.vector_store %arg11[%swap3A_332, %swap3A_333], %unpack3A_326 {strides = array<i32>} : memref<80x128xf32, #tpu.memory_space<vmem>>, vector<16xf32>,
      %get3A_335 = arith.index_cast %scan3A_293 : i32 to index
      %get3A_336 = arith.constant 48 : index
      %get3A_337 = tpu.vector_load %arg9[%get3A_335, %get3A_336] {strides = array<i32>} : memref<40x128xi32, #tpu.memory_space<vmem>>, vector<16xi32>,
      %bitcast3A_338 = vector.bitcast %get3A_337 : vector<16xi32> to vector<32xbf16>
      %unpack3A_339 = tpu.unpack_subelements %bitcast3A_338, 0 {pack_format = #tpu.pack_format<interleaved>} : vector<32xbf16> -> vector<16xf32>
      %unpack3A_340 = tpu.unpack_subelements %bitcast3A_338, 1 {pack_format = #tpu.pack_format<interleaved>} : vector<32xbf16> -> vector<16xf32>
      %swap3A_341 = arith.index_cast %scan3A_293 : i32 to index
      %swap3A_342 = arith.constant 48 : index
      %swap3A_343 = tpu.vector_load %arg11[%swap3A_341, %swap3A_342] {strides = array<i32>} : memref<80x128xf32, #tpu.memory_space<vmem>>, vector<16xf32>,
      tpu.vector_store %arg11[%swap3A_341, %swap3A_342], %unpack3A_339 {strides = array<i32>} : memref<80x128xf32, #tpu.memory_space<vmem>>, vector<16xf32>,
      %add3A_344 = arith.constant 40 : i32
      %add3A_345 = arith.addi %scan3A_293, %add3A_344 : i32
      %swap3A_346 = arith.index_cast %add3A_345 : i32 to index
      %swap3A_347 = arith.constant 48 : index
      %swap3A_348 = tpu.vector_load %arg11[%swap3A_346, %swap3A_347] {strides = array<i32>} : memref<80x128xf32, #tpu.memory_space<vmem>>, vector<16xf32>,
      tpu.vector_store %arg11[%swap3A_346, %swap3A_347], %unpack3A_340 {strides = array<i32>} : memref<80x128xf32, #tpu.memory_space<vmem>>, vector<16xf32>,
      %get3A_349 = arith.index_cast %scan3A_293 : i32 to index
      %get3A_350 = arith.constant 64 : index
      %get3A_351 = tpu.vector_load %arg9[%get3A_349, %get3A_350] {strides = array<i32>} : memref<40x128xi32, #tpu.memory_space<vmem>>, vector<16xi32>,
      %bitcast3A_352 = vector.bitcast %get3A_351 : vector<16xi32> to vector<32xbf16>
      %unpack3A_353 = tpu.unpack_subelements %bitcast3A_352, 0 {pack_format = #tpu.pack_format<interleaved>} : vector<32xbf16> -> vector<16xf32>
      %unpack3A_354 = tpu.unpack_subelements %bitcast3A_352, 1 {pack_format = #tpu.pack_format<interleaved>} : vector<32xbf16> -> vector<16xf32>
      %swap3A_355 = arith.index_cast %scan3A_293 : i32 to index
      %swap3A_356 = arith.constant 64 : index
      %swap3A_357 = tpu.vector_load %arg11[%swap3A_355, %swap3A_356] {strides = array<i32>} : memref<80x128xf32, #tpu.memory_space<vmem>>, vector<16xf32>,
      tpu.vector_store %arg11[%swap3A_355, %swap3A_356], %unpack3A_353 {strides = array<i32>} : memref<80x128xf32, #tpu.memory_space<vmem>>, vector<16xf32>,
      %add3A_358 = arith.constant 40 : i32
      %add3A_359 = arith.addi %scan3A_293, %add3A_358 : i32
      %swap3A_360 = arith.index_cast %add3A_359 : i32 to index
      %swap3A_361 = arith.constant 64 : index
      %swap3A_362 = tpu.vector_load %arg11[%swap3A_360, %swap3A_361] {strides = array<i32>} : memref<80x128xf32, #tpu.memory_space<vmem>>, vector<16xf32>,
      tpu.vector_store %arg11[%swap3A_360, %swap3A_361], %unpack3A_354 {strides = array<i32>} : memref<80x128xf32, #tpu.memory_space<vmem>>, vector<16xf32>,
      %get3A_363 = arith.index_cast %scan3A_293 : i32 to index
      %get3A_364 = arith.constant 80 : index
      %get3A_365 = tpu.vector_load %arg9[%get3A_363, %get3A_364] {strides = array<i32>} : memref<40x128xi32, #tpu.memory_space<vmem>>, vector<16xi32>,
      %bitcast3A_366 = vector.bitcast %get3A_365 : vector<16xi32> to vector<32xbf16>
      %unpack3A_367 = tpu.unpack_subelements %bitcast3A_366, 0 {pack_format = #tpu.pack_format<interleaved>} : vector<32xbf16> -> vector<16xf32>
      %unpack3A_368 = tpu.unpack_subelements %bitcast3A_366, 1 {pack_format = #tpu.pack_format<interleaved>} : vector<32xbf16> -> vector<16xf32>
      %swap3A_369 = arith.index_cast %scan3A_293 : i32 to index
      %swap3A_370 = arith.constant 80 : index
      %swap3A_371 = tpu.vector_load %arg11[%swap3A_369, %swap3A_370] {strides = array<i32>} : memref<80x128xf32, #tpu.memory_space<vmem>>, vector<16xf32>,
      tpu.vector_store %arg11[%swap3A_369, %swap3A_370], %unpack3A_367 {strides = array<i32>} : memref<80x128xf32, #tpu.memory_space<vmem>>, vector<16xf32>,
      %add3A_372 = arith.constant 40 : i32
      %add3A_373 = arith.addi %scan3A_293, %add3A_372 : i32
      %swap3A_374 = arith.index_cast %add3A_373 : i32 to index
      %swap3A_375 = arith.constant 80 : index
      %swap3A_376 = tpu.vector_load %arg11[%swap3A_374, %swap3A_375] {strides = array<i32>} : memref<80x128xf32, #tpu.memory_space<vmem>>, vector<16xf32>,
      tpu.vector_store %arg11[%swap3A_374, %swap3A_375], %unpack3A_368 {strides = array<i32>} : memref<80x128xf32, #tpu.memory_space<vmem>>, vector<16xf32>,
      %get3A_377 = arith.index_cast %scan3A_293 : i32 to index
      %get3A_378 = arith.constant 96 : index
      %get3A_379 = tpu.vector_load %arg9[%get3A_377, %get3A_378] {strides = array<i32>} : memref<40x128xi32, #tpu.memory_space<vmem>>, vector<16xi32>,
      %bitcast3A_380 = vector.bitcast %get3A_379 : vector<16xi32> to vector<32xbf16>
      %unpack3A_381 = tpu.unpack_subelements %bitcast3A_380, 0 {pack_format = #tpu.pack_format<interleaved>} : vector<32xbf16> -> vector<16xf32>
      %unpack3A_382 = tpu.unpack_subelements %bitcast3A_380, 1 {pack_format = #tpu.pack_format<interleaved>} : vector<32xbf16> -> vector<16xf32>
      %swap3A_383 = arith.index_cast %scan3A_293 : i32 to index
      %swap3A_384 = arith.constant 96 : index
      %swap3A_385 = tpu.vector_load %arg11[%swap3A_383, %swap3A_384] {strides = array<i32>} : memref<80x128xf32, #tpu.memory_space<vmem>>, vector<16xf32>,
      tpu.vector_store %arg11[%swap3A_383, %swap3A_384], %unpack3A_381 {strides = array<i32>} : memref<80x128xf32, #tpu.memory_space<vmem>>, vector<16xf32>,
      %add3A_386 = arith.constant 40 : i32
      %add3A_387 = arith.addi %scan3A_293, %add3A_386 : i32
      %swap3A_388 = arith.index_cast %add3A_387 : i32 to index
      %swap3A_389 = arith.constant 96 : index
      %swap3A_390 = tpu.vector_load %arg11[%swap3A_388, %swap3A_389] {strides = array<i32>} : memref<80x128xf32, #tpu.memory_space<vmem>>, vector<16xf32>,
      tpu.vector_store %arg11[%swap3A_388, %swap3A_389], %unpack3A_382 {strides = array<i32>} : memref<80x128xf32, #tpu.memory_space<vmem>>, vector<16xf32>,
      %get3A_391 = arith.index_cast %scan3A_293 : i32 to index
      %get3A_392 = arith.constant 112 : index
      %get3A_393 = tpu.vector_load %arg9[%get3A_391, %get3A_392] {strides = array<i32>} : memref<40x128xi32, #tpu.memory_space<vmem>>, vector<16xi32>,
      %bitcast3A_394 = vector.bitcast %get3A_393 : vector<16xi32> to vector<32xbf16>
      %unpack3A_395 = tpu.unpack_subelements %bitcast3A_394, 0 {pack_format = #tpu.pack_format<interleaved>} : vector<32xbf16> -> vector<16xf32>
      %unpack3A_396 = tpu.unpack_subelements %bitcast3A_394, 1 {pack_format = #tpu.pack_format<interleaved>} : vector<32xbf16> -> vector<16xf32>
      %swap3A_397 = arith.index_cast %scan3A_293 : i32 to index
      %swap3A_398 = arith.constant 112 : index
      %swap3A_399 = tpu.vector_load %arg11[%swap3A_397, %swap3A_398] {strides = array<i32>} : memref<80x128xf32, #tpu.memory_space<vmem>>, vector<16xf32>,
      tpu.vector_store %arg11[%swap3A_397, %swap3A_398], %unpack3A_395 {strides = array<i32>} : memref<80x128xf32, #tpu.memory_space<vmem>>, vector<16xf32>,
      %add3A_400 = arith.constant 40 : i32
      %add3A_401 = arith.addi %scan3A_293, %add3A_400 : i32
      %swap3A_402 = arith.index_cast %add3A_401 : i32 to index
      %swap3A_403 = arith.constant 112 : index
      %swap3A_404 = tpu.vector_load %arg11[%swap3A_402, %swap3A_403] {strides = array<i32>} : memref<80x128xf32, #tpu.memory_space<vmem>>, vector<16xf32>,
      tpu.vector_store %arg11[%swap3A_402, %swap3A_403], %unpack3A_396 {strides = array<i32>} : memref<80x128xf32, #tpu.memory_space<vmem>>, vector<16xf32>,
      %scan3A_405 = arith.constant 0 : i32
      scf.yield %scan3A_405 : i32
    }
    %scan3A_162 = arith.constant 40 : i32
    %get3A_163 = arith.constant 0 : index
    %get3A_164 = tpu.vector_load %arg5[%get3A_163] {strides = array<i32>} : memref<80xi32, #tpu.memory_space<vmem>>, vector<16xi32>,
    %swap3A_165 = arith.constant 0 : index
    %swap3A_166 = tpu.vector_load %arg7[%swap3A_165] {strides = array<i32>} : memref<80xi32, #tpu.memory_space<vmem>>, vector<16xi32>,
    tpu.vector_store %arg7[%swap3A_165], %get3A_164 {strides = array<i32>} : memref<80xi32, #tpu.memory_space<vmem>>, vector<16xi32>,
    %get3A_167 = arith.constant 16 : index
    %get3A_168 = tpu.vector_load %arg5[%get3A_167] {strides = array<i32>} : memref<80xi32, #tpu.memory_space<vmem>>, vector<16xi32>,
    %swap3A_169 = arith.constant 16 : index
    %swap3A_170 = tpu.vector_load %arg7[%swap3A_169] {strides = array<i32>} : memref<80xi32, #tpu.memory_space<vmem>>, vector<16xi32>,
    tpu.vector_store %arg7[%swap3A_169], %get3A_168 {strides = array<i32>} : memref<80xi32, #tpu.memory_space<vmem>>, vector<16xi32>,
    %get3A_171 = arith.constant 32 : index
    %get3A_172 = tpu.vector_load %arg5[%get3A_171] {strides = array<i32>} : memref<80xi32, #tpu.memory_space<vmem>>, vector<16xi32>,
    %swap3A_173 = arith.constant 32 : index
    %swap3A_174 = tpu.vector_load %arg7[%swap3A_173] {strides = array<i32>} : memref<80xi32, #tpu.memory_space<vmem>>, vector<16xi32>,
    tpu.vector_store %arg7[%swap3A_173], %get3A_172 {strides = array<i32>} : memref<80xi32, #tpu.memory_space<vmem>>, vector<16xi32>,
    %get3A_175 = arith.constant 48 : index
    %get3A_176 = tpu.vector_load %arg5[%get3A_175] {strides = array<i32>} : memref<80xi32, #tpu.memory_space<vmem>>, vector<16xi32>,
    %swap3A_177 = arith.constant 48 : index
    %swap3A_178 = tpu.vector_load %arg7[%swap3A_177] {strides = array<i32>} : memref<80xi32, #tpu.memory_space<vmem>>, vector<16xi32>,
    tpu.vector_store %arg7[%swap3A_177], %get3A_176 {strides = array<i32>} : memref<80xi32, #tpu.memory_space<vmem>>, vector<16xi32>,
    %get3A_179 = arith.constant 64 : index
    %get3A_180 = tpu.vector_load %arg5[%get3A_179] {strides = array<i32>} : memref<80xi32, #tpu.memory_space<vmem>>, vector<16xi32>,
    %swap3A_181 = arith.constant 64 : index
    %swap3A_182 = tpu.vector_load %arg7[%swap3A_181] {strides = array<i32>} : memref<80xi32, #tpu.memory_space<vmem>>, vector<16xi32>,
    tpu.vector_store %arg7[%swap3A_181], %get3A_180 {strides = array<i32>} : memref<80xi32, #tpu.memory_space<vmem>>, vector<16xi32>,
    %add3A_183 = arith.constant 5120 : i32
    %add3A_184 = arith.addi %add3A_4, %add3A_183 : i32
    %add3A_185 = arith.constant 2560 : i32
    %add3A_186 = arith.addi %mul3A_6, %add3A_185 : i32
    %dma_start3A_187 = tpu.memref_slice %arg3[%add3A_184] : memref<320000xi32, #tpu.memory_space<hbm>> -> memref<80xi32, #tpu.memory_space<hbm>>
    %dma_start3A_188 = tpu.memref_slice %arg3[%add3A_184] : memref<320000xi32, #tpu.memory_space<hbm>> -> memref<80xi32, #tpu.memory_space<hbm>>
    tpu.enqueue_dma source(%dma_start3A_188 : memref<80xi32, #tpu.memory_space<hbm>>) target(%arg5 : memref<80xi32, #tpu.memory_space<vmem>>) target_semaphore(%arg15 : memref<!tpu.dma_semaphore, #tpu.memory_space<semaphore_mem>>)
    %dma_start3A_189 = arith.constant 0 : i32
    %dma_start3A_190 = tpu.memref_slice %arg2[%add3A_186, %dma_start3A_189] : memref<83200x128xi32, #tpu.memory_space<hbm>> -> memref<40x128xi32, #tpu.memory_space<hbm>>
    %dma_start3A_191 = arith.constant 0 : i32
    %dma_start3A_192 = tpu.memref_slice %arg2[%add3A_186, %dma_start3A_191] : memref<83200x128xi32, #tpu.memory_space<hbm>> -> memref<40x128xi32, #tpu.memory_space<hbm>>
    tpu.enqueue_dma source(%dma_start3A_192 : memref<40x128xi32, #tpu.memory_space<hbm>>) target(%arg9 : memref<40x128xi32, #tpu.memory_space<vmem>>) target_semaphore(%arg17 : memref<!tpu.dma_semaphore, #tpu.memory_space<semaphore_mem>>)
    %dma_start3A_193 = arith.constant 0 : i32
    %dma_start3A_194 = arith.constant 0 : i32
    %dma_start3A_195 = tpu.memref_slice %arg14[%dma_start3A_193, %dma_start3A_194] : memref<10240x128xf32, #tpu.memory_space<vmem_shared>> -> memref<10240x128xf32, #tpu.memory_space<vmem_shared>>
    tpu.enqueue_indirect_dma source(%arg11 : memref<80x128xf32, #tpu.memory_space<vmem>>) target(%dma_start3A_195 : memref<10240x128xf32, #tpu.memory_space<vmem_shared>>) offsets(%arg7 : memref<80xi32, #tpu.memory_space<vmem>>) semaphore(%arg19 : memref<!tpu.dma_semaphore, #tpu.memory_space<semaphore_mem>>) {add = true}
    %add3A_196 = arith.constant 5040 : i32
    %add3A_197 = arith.addi %add3A_4, %add3A_196 : i32
    %add3A_198 = arith.constant 2520 : i32
    %add3A_199 = arith.addi %mul3A_6, %add3A_198 : i32
    %dma_wait3A_200 = tpu.memref_slice %arg3[%add3A_197] : memref<320000xi32, #tpu.memory_space<hbm>> -> memref<80xi32, #tpu.memory_space<hbm>>
    %dma_wait3A_201 = tpu.memref_slice %arg3[%add3A_197] : memref<320000xi32, #tpu.memory_space<hbm>> -> memref<80xi32, #tpu.memory_space<hbm>>
    tpu.wait_dma2 semaphore(%arg16 : memref<!tpu.dma_semaphore, #tpu.memory_space<semaphore_mem>>) src(%dma_wait3A_201 : memref<80xi32, #tpu.memory_space<hbm>>) dst(%arg6 : memref<80xi32, #tpu.memory_space<vmem>>)
    %dma_wait3A_202 = arith.constant 0 : i32
    %dma_wait3A_203 = tpu.memref_slice %arg2[%add3A_199, %dma_wait3A_202] : memref<83200x128xi32, #tpu.memory_space<hbm>> -> memref<40x128xi32, #tpu.memory_space<hbm>>
    %dma_wait3A_204 = arith.constant 0 : i32
    %dma_wait3A_205 = tpu.memref_slice %arg2[%add3A_199, %dma_wait3A_204] : memref<83200x128xi32, #tpu.memory_space<hbm>> -> memref<40x128xi32, #tpu.memory_space<hbm>>
    tpu.wait_dma2 semaphore(%arg18 : memref<!tpu.dma_semaphore, #tpu.memory_space<semaphore_mem>>) src(%dma_wait3A_205 : memref<40x128xi32, #tpu.memory_space<hbm>>) dst(%arg10 : memref<40x128xi32, #tpu.memory_space<vmem>>)
    %dma_wait3A_206 = arith.constant 0 : i32
    %dma_wait3A_207 = arith.constant 0 : i32
    %dma_wait3A_208 = tpu.memref_slice %arg14[%dma_wait3A_206, %dma_wait3A_207] : memref<10240x128xf32, #tpu.memory_space<vmem_shared>> -> memref<10240x128xf32, #tpu.memory_space<vmem_shared>>
    tpu.wait_indirect_dma semaphore(%arg20 : memref<!tpu.dma_semaphore, #tpu.memory_space<semaphore_mem>>) src(%arg12 : memref<80x128xf32, #tpu.memory_space<vmem>>) dst(%dma_wait3A_208 : memref<10240x128xf32, #tpu.memory_space<vmem_shared>>)
    %scan3A_209 = arith.constant 0 : i32
    %scan3A_210 = arith.constant 0 : i32
    %scan3A_211 = arith.constant 40 : i32
    %scan3A_212 = arith.addi %scan3A_210, %scan3A_211 : i32
    %scan3A_213 = arith.constant 1 : i32
    %scan3A_214 = scf.for %scan3A_293 = %scan3A_210 to %scan3A_212 step %scan3A_213 iter_args(%scan3A_294 = %scan3A_209) -> (i32)  : i32 {
      %get3A_295 = arith.index_cast %scan3A_293 : i32 to index
      %get3A_296 = arith.constant 0 : index
      %get3A_297 = tpu.vector_load %arg10[%get3A_295, %get3A_296] {strides = array<i32>} : memref<40x128xi32, #tpu.memory_space<vmem>>, vector<16xi32>,
      %bitcast3A = vector.bitcast %get3A_297 : vector<16xi32> to vector<32xbf16>
      %unpack3A = tpu.unpack_subelements %bitcast3A, 0 {pack_format = #tpu.pack_format<interleaved>} : vector<32xbf16> -> vector<16xf32>
      %unpack3A_298 = tpu.unpack_subelements %bitcast3A, 1 {pack_format = #tpu.pack_format<interleaved>} : vector<32xbf16> -> vector<16xf32>
      %swap3A_299 = arith.index_cast %scan3A_293 : i32 to index
      %swap3A_300 = arith.constant 0 : index
      %swap3A_301 = tpu.vector_load %arg12[%swap3A_299, %swap3A_300] {strides = array<i32>} : memref<80x128xf32, #tpu.memory_space<vmem>>, vector<16xf32>,
      tpu.vector_store %arg12[%swap3A_299, %swap3A_300], %unpack3A {strides = array<i32>} : memref<80x128xf32, #tpu.memory_space<vmem>>, vector<16xf32>,
      %add3A_302 = arith.constant 40 : i32
      %add3A_303 = arith.addi %scan3A_293, %add3A_302 : i32
      %swap3A_304 = arith.index_cast %add3A_303 : i32 to index
      %swap3A_305 = arith.constant 0 : index
      %swap3A_306 = tpu.vector_load %arg12[%swap3A_304, %swap3A_305] {strides = array<i32>} : memref<80x128xf32, #tpu.memory_space<vmem>>, vector<16xf32>,
      tpu.vector_store %arg12[%swap3A_304, %swap3A_305], %unpack3A_298 {strides = array<i32>} : memref<80x128xf32, #tpu.memory_space<vmem>>, vector<16xf32>,
      %get3A_307 = arith.index_cast %scan3A_293 : i32 to index
      %get3A_308 = arith.constant 16 : index
      %get3A_309 = tpu.vector_load %arg10[%get3A_307, %get3A_308] {strides = array<i32>} : memref<40x128xi32, #tpu.memory_space<vmem>>, vector<16xi32>,
      %bitcast3A_310 = vector.bitcast %get3A_309 : vector<16xi32> to vector<32xbf16>
      %unpack3A_311 = tpu.unpack_subelements %bitcast3A_310, 0 {pack_format = #tpu.pack_format<interleaved>} : vector<32xbf16> -> vector<16xf32>
      %unpack3A_312 = tpu.unpack_subelements %bitcast3A_310, 1 {pack_format = #tpu.pack_format<interleaved>} : vector<32xbf16> -> vector<16xf32>
      %swap3A_313 = arith.index_cast %scan3A_293 : i32 to index
      %swap3A_314 = arith.constant 16 : index
      %swap3A_315 = tpu.vector_load %arg12[%swap3A_313, %swap3A_314] {strides = array<i32>} : memref<80x128xf32, #tpu.memory_space<vmem>>, vector<16xf32>,
      tpu.vector_store %arg12[%swap3A_313, %swap3A_314], %unpack3A_311 {strides = array<i32>} : memref<80x128xf32, #tpu.memory_space<vmem>>, vector<16xf32>,
      %add3A_316 = arith.constant 40 : i32
      %add3A_317 = arith.addi %scan3A_293, %add3A_316 : i32
      %swap3A_318 = arith.index_cast %add3A_317 : i32 to index
      %swap3A_319 = arith.constant 16 : index
      %swap3A_320 = tpu.vector_load %arg12[%swap3A_318, %swap3A_319] {strides = array<i32>} : memref<80x128xf32, #tpu.memory_space<vmem>>, vector<16xf32>,
      tpu.vector_store %arg12[%swap3A_318, %swap3A_319], %unpack3A_312 {strides = array<i32>} : memref<80x128xf32, #tpu.memory_space<vmem>>, vector<16xf32>,
      %get3A_321 = arith.index_cast %scan3A_293 : i32 to index
      %get3A_322 = arith.constant 32 : index
      %get3A_323 = tpu.vector_load %arg10[%get3A_321, %get3A_322] {strides = array<i32>} : memref<40x128xi32, #tpu.memory_space<vmem>>, vector<16xi32>,
      %bitcast3A_324 = vector.bitcast %get3A_323 : vector<16xi32> to vector<32xbf16>
      %unpack3A_325 = tpu.unpack_subelements %bitcast3A_324, 0 {pack_format = #tpu.pack_format<interleaved>} : vector<32xbf16> -> vector<16xf32>
      %unpack3A_326 = tpu.unpack_subelements %bitcast3A_324, 1 {pack_format = #tpu.pack_format<interleaved>} : vector<32xbf16> -> vector<16xf32>
      %swap3A_327 = arith.index_cast %scan3A_293 : i32 to index
      %swap3A_328 = arith.constant 32 : index
      %swap3A_329 = tpu.vector_load %arg12[%swap3A_327, %swap3A_328] {strides = array<i32>} : memref<80x128xf32, #tpu.memory_space<vmem>>, vector<16xf32>,
      tpu.vector_store %arg12[%swap3A_327, %swap3A_328], %unpack3A_325 {strides = array<i32>} : memref<80x128xf32, #tpu.memory_space<vmem>>, vector<16xf32>,
      %add3A_330 = arith.constant 40 : i32
      %add3A_331 = arith.addi %scan3A_293, %add3A_330 : i32
      %swap3A_332 = arith.index_cast %add3A_331 : i32 to index
      %swap3A_333 = arith.constant 32 : index
      %swap3A_334 = tpu.vector_load %arg12[%swap3A_332, %swap3A_333] {strides = array<i32>} : memref<80x128xf32, #tpu.memory_space<vmem>>, vector<16xf32>,
      tpu.vector_store %arg12[%swap3A_332, %swap3A_333], %unpack3A_326 {strides = array<i32>} : memref<80x128xf32, #tpu.memory_space<vmem>>, vector<16xf32>,
      %get3A_335 = arith.index_cast %scan3A_293 : i32 to index
      %get3A_336 = arith.constant 48 : index
      %get3A_337 = tpu.vector_load %arg10[%get3A_335, %get3A_336] {strides = array<i32>} : memref<40x128xi32, #tpu.memory_space<vmem>>, vector<16xi32>,
      %bitcast3A_338 = vector.bitcast %get3A_337 : vector<16xi32> to vector<32xbf16>
      %unpack3A_339 = tpu.unpack_subelements %bitcast3A_338, 0 {pack_format = #tpu.pack_format<interleaved>} : vector<32xbf16> -> vector<16xf32>
      %unpack3A_340 = tpu.unpack_subelements %bitcast3A_338, 1 {pack_format = #tpu.pack_format<interleaved>} : vector<32xbf16> -> vector<16xf32>
      %swap3A_341 = arith.index_cast %scan3A_293 : i32 to index
      %swap3A_342 = arith.constant 48 : index
      %swap3A_343 = tpu.vector_load %arg12[%swap3A_341, %swap3A_342] {strides = array<i32>} : memref<80x128xf32, #tpu.memory_space<vmem>>, vector<16xf32>,
      tpu.vector_store %arg12[%swap3A_341, %swap3A_342], %unpack3A_339 {strides = array<i32>} : memref<80x128xf32, #tpu.memory_space<vmem>>, vector<16xf32>,
      %add3A_344 = arith.constant 40 : i32
      %add3A_345 = arith.addi %scan3A_293, %add3A_344 : i32
      %swap3A_346 = arith.index_cast %add3A_345 : i32 to index
      %swap3A_347 = arith.constant 48 : index
      %swap3A_348 = tpu.vector_load %arg12[%swap3A_346, %swap3A_347] {strides = array<i32>} : memref<80x128xf32, #tpu.memory_space<vmem>>, vector<16xf32>,
      tpu.vector_store %arg12[%swap3A_346, %swap3A_347], %unpack3A_340 {strides = array<i32>} : memref<80x128xf32, #tpu.memory_space<vmem>>, vector<16xf32>,
      %get3A_349 = arith.index_cast %scan3A_293 : i32 to index
      %get3A_350 = arith.constant 64 : index
      %get3A_351 = tpu.vector_load %arg10[%get3A_349, %get3A_350] {strides = array<i32>} : memref<40x128xi32, #tpu.memory_space<vmem>>, vector<16xi32>,
      %bitcast3A_352 = vector.bitcast %get3A_351 : vector<16xi32> to vector<32xbf16>
      %unpack3A_353 = tpu.unpack_subelements %bitcast3A_352, 0 {pack_format = #tpu.pack_format<interleaved>} : vector<32xbf16> -> vector<16xf32>
      %unpack3A_354 = tpu.unpack_subelements %bitcast3A_352, 1 {pack_format = #tpu.pack_format<interleaved>} : vector<32xbf16> -> vector<16xf32>
      %swap3A_355 = arith.index_cast %scan3A_293 : i32 to index
      %swap3A_356 = arith.constant 64 : index
      %swap3A_357 = tpu.vector_load %arg12[%swap3A_355, %swap3A_356] {strides = array<i32>} : memref<80x128xf32, #tpu.memory_space<vmem>>, vector<16xf32>,
      tpu.vector_store %arg12[%swap3A_355, %swap3A_356], %unpack3A_353 {strides = array<i32>} : memref<80x128xf32, #tpu.memory_space<vmem>>, vector<16xf32>,
      %add3A_358 = arith.constant 40 : i32
      %add3A_359 = arith.addi %scan3A_293, %add3A_358 : i32
      %swap3A_360 = arith.index_cast %add3A_359 : i32 to index
      %swap3A_361 = arith.constant 64 : index
      %swap3A_362 = tpu.vector_load %arg12[%swap3A_360, %swap3A_361] {strides = array<i32>} : memref<80x128xf32, #tpu.memory_space<vmem>>, vector<16xf32>,
      tpu.vector_store %arg12[%swap3A_360, %swap3A_361], %unpack3A_354 {strides = array<i32>} : memref<80x128xf32, #tpu.memory_space<vmem>>, vector<16xf32>,
      %get3A_363 = arith.index_cast %scan3A_293 : i32 to index
      %get3A_364 = arith.constant 80 : index
      %get3A_365 = tpu.vector_load %arg10[%get3A_363, %get3A_364] {strides = array<i32>} : memref<40x128xi32, #tpu.memory_space<vmem>>, vector<16xi32>,
      %bitcast3A_366 = vector.bitcast %get3A_365 : vector<16xi32> to vector<32xbf16>
      %unpack3A_367 = tpu.unpack_subelements %bitcast3A_366, 0 {pack_format = #tpu.pack_format<interleaved>} : vector<32xbf16> -> vector<16xf32>
      %unpack3A_368 = tpu.unpack_subelements %bitcast3A_366, 1 {pack_format = #tpu.pack_format<interleaved>} : vector<32xbf16> -> vector<16xf32>
      %swap3A_369 = arith.index_cast %scan3A_293 : i32 to index
      %swap3A_370 = arith.constant 80 : index
      %swap3A_371 = tpu.vector_load %arg12[%swap3A_369, %swap3A_370] {strides = array<i32>} : memref<80x128xf32, #tpu.memory_space<vmem>>, vector<16xf32>,
      tpu.vector_store %arg12[%swap3A_369, %swap3A_370], %unpack3A_367 {strides = array<i32>} : memref<80x128xf32, #tpu.memory_space<vmem>>, vector<16xf32>,
      %add3A_372 = arith.constant 40 : i32
      %add3A_373 = arith.addi %scan3A_293, %add3A_372 : i32
      %swap3A_374 = arith.index_cast %add3A_373 : i32 to index
      %swap3A_375 = arith.constant 80 : index
      %swap3A_376 = tpu.vector_load %arg12[%swap3A_374, %swap3A_375] {strides = array<i32>} : memref<80x128xf32, #tpu.memory_space<vmem>>, vector<16xf32>,
      tpu.vector_store %arg12[%swap3A_374, %swap3A_375], %unpack3A_368 {strides = array<i32>} : memref<80x128xf32, #tpu.memory_space<vmem>>, vector<16xf32>,
      %get3A_377 = arith.index_cast %scan3A_293 : i32 to index
      %get3A_378 = arith.constant 96 : index
      %get3A_379 = tpu.vector_load %arg10[%get3A_377, %get3A_378] {strides = array<i32>} : memref<40x128xi32, #tpu.memory_space<vmem>>, vector<16xi32>,
      %bitcast3A_380 = vector.bitcast %get3A_379 : vector<16xi32> to vector<32xbf16>
      %unpack3A_381 = tpu.unpack_subelements %bitcast3A_380, 0 {pack_format = #tpu.pack_format<interleaved>} : vector<32xbf16> -> vector<16xf32>
      %unpack3A_382 = tpu.unpack_subelements %bitcast3A_380, 1 {pack_format = #tpu.pack_format<interleaved>} : vector<32xbf16> -> vector<16xf32>
      %swap3A_383 = arith.index_cast %scan3A_293 : i32 to index
      %swap3A_384 = arith.constant 96 : index
      %swap3A_385 = tpu.vector_load %arg12[%swap3A_383, %swap3A_384] {strides = array<i32>} : memref<80x128xf32, #tpu.memory_space<vmem>>, vector<16xf32>,
      tpu.vector_store %arg12[%swap3A_383, %swap3A_384], %unpack3A_381 {strides = array<i32>} : memref<80x128xf32, #tpu.memory_space<vmem>>, vector<16xf32>,
      %add3A_386 = arith.constant 40 : i32
      %add3A_387 = arith.addi %scan3A_293, %add3A_386 : i32
      %swap3A_388 = arith.index_cast %add3A_387 : i32 to index
      %swap3A_389 = arith.constant 96 : index
      %swap3A_390 = tpu.vector_load %arg12[%swap3A_388, %swap3A_389] {strides = array<i32>} : memref<80x128xf32, #tpu.memory_space<vmem>>, vector<16xf32>,
      tpu.vector_store %arg12[%swap3A_388, %swap3A_389], %unpack3A_382 {strides = array<i32>} : memref<80x128xf32, #tpu.memory_space<vmem>>, vector<16xf32>,
      %get3A_391 = arith.index_cast %scan3A_293 : i32 to index
      %get3A_392 = arith.constant 112 : index
      %get3A_393 = tpu.vector_load %arg10[%get3A_391, %get3A_392] {strides = array<i32>} : memref<40x128xi32, #tpu.memory_space<vmem>>, vector<16xi32>,
      %bitcast3A_394 = vector.bitcast %get3A_393 : vector<16xi32> to vector<32xbf16>
      %unpack3A_395 = tpu.unpack_subelements %bitcast3A_394, 0 {pack_format = #tpu.pack_format<interleaved>} : vector<32xbf16> -> vector<16xf32>
      %unpack3A_396 = tpu.unpack_subelements %bitcast3A_394, 1 {pack_format = #tpu.pack_format<interleaved>} : vector<32xbf16> -> vector<16xf32>
      %swap3A_397 = arith.index_cast %scan3A_293 : i32 to index
      %swap3A_398 = arith.constant 112 : index
      %swap3A_399 = tpu.vector_load %arg12[%swap3A_397, %swap3A_398] {strides = array<i32>} : memref<80x128xf32, #tpu.memory_space<vmem>>, vector<16xf32>,
      tpu.vector_store %arg12[%swap3A_397, %swap3A_398], %unpack3A_395 {strides = array<i32>} : memref<80x128xf32, #tpu.memory_space<vmem>>, vector<16xf32>,
      %add3A_400 = arith.constant 40 : i32
      %add3A_401 = arith.addi %scan3A_293, %add3A_400 : i32
      %swap3A_402 = arith.index_cast %add3A_401 : i32 to index
      %swap3A_403 = arith.constant 112 : index
      %swap3A_404 = tpu.vector_load %arg12[%swap3A_402, %swap3A_403] {strides = array<i32>} : memref<80x128xf32, #tpu.memory_space<vmem>>, vector<16xf32>,
      tpu.vector_store %arg12[%swap3A_402, %swap3A_403], %unpack3A_396 {strides = array<i32>} : memref<80x128xf32, #tpu.memory_space<vmem>>, vector<16xf32>,
      %scan3A_405 = arith.constant 0 : i32
      scf.yield %scan3A_405 : i32
    }
    %scan3A_215 = arith.constant 40 : i32
    %get3A_216 = arith.constant 0 : index
    %get3A_217 = tpu.vector_load %arg6[%get3A_216] {strides = array<i32>} : memref<80xi32, #tpu.memory_space<vmem>>, vector<16xi32>,
    %swap3A_218 = arith.constant 0 : index
    %swap3A_219 = tpu.vector_load %arg8[%swap3A_218] {strides = array<i32>} : memref<80xi32, #tpu.memory_space<vmem>>, vector<16xi32>,
    tpu.vector_store %arg8[%swap3A_218], %get3A_217 {strides = array<i32>} : memref<80xi32, #tpu.memory_space<vmem>>, vector<16xi32>,
    %get3A_220 = arith.constant 16 : index
    %get3A_221 = tpu.vector_load %arg6[%get3A_220] {strides = array<i32>} : memref<80xi32, #tpu.memory_space<vmem>>, vector<16xi32>,
    %swap3A_222 = arith.constant 16 : index
    %swap3A_223 = tpu.vector_load %arg8[%swap3A_222] {strides = array<i32>} : memref<80xi32, #tpu.memory_space<vmem>>, vector<16xi32>,
    tpu.vector_store %arg8[%swap3A_222], %get3A_221 {strides = array<i32>} : memref<80xi32, #tpu.memory_space<vmem>>, vector<16xi32>,
    %get3A_224 = arith.constant 32 : index
    %get3A_225 = tpu.vector_load %arg6[%get3A_224] {strides = array<i32>} : memref<80xi32, #tpu.memory_space<vmem>>, vector<16xi32>,
    %swap3A_226 = arith.constant 32 : index
    %swap3A_227 = tpu.vector_load %arg8[%swap3A_226] {strides = array<i32>} : memref<80xi32, #tpu.memory_space<vmem>>, vector<16xi32>,
    tpu.vector_store %arg8[%swap3A_226], %get3A_225 {strides = array<i32>} : memref<80xi32, #tpu.memory_space<vmem>>, vector<16xi32>,
    %get3A_228 = arith.constant 48 : index
    %get3A_229 = tpu.vector_load %arg6[%get3A_228] {strides = array<i32>} : memref<80xi32, #tpu.memory_space<vmem>>, vector<16xi32>,
    %swap3A_230 = arith.constant 48 : index
    %swap3A_231 = tpu.vector_load %arg8[%swap3A_230] {strides = array<i32>} : memref<80xi32, #tpu.memory_space<vmem>>, vector<16xi32>,
    tpu.vector_store %arg8[%swap3A_230], %get3A_229 {strides = array<i32>} : memref<80xi32, #tpu.memory_space<vmem>>, vector<16xi32>,
    %get3A_232 = arith.constant 64 : index
    %get3A_233 = tpu.vector_load %arg6[%get3A_232] {strides = array<i32>} : memref<80xi32, #tpu.memory_space<vmem>>, vector<16xi32>,
    %swap3A_234 = arith.constant 64 : index
    %swap3A_235 = tpu.vector_load %arg8[%swap3A_234] {strides = array<i32>} : memref<80xi32, #tpu.memory_space<vmem>>, vector<16xi32>,
    tpu.vector_store %arg8[%swap3A_234], %get3A_233 {strides = array<i32>} : memref<80xi32, #tpu.memory_space<vmem>>, vector<16xi32>,
    %dma_start3A_236 = arith.constant 0 : i32
    %dma_start3A_237 = arith.constant 0 : i32
    %dma_start3A_238 = tpu.memref_slice %arg14[%dma_start3A_236, %dma_start3A_237] : memref<10240x128xf32, #tpu.memory_space<vmem_shared>> -> memref<10240x128xf32, #tpu.memory_space<vmem_shared>>
    tpu.enqueue_indirect_dma source(%arg12 : memref<80x128xf32, #tpu.memory_space<vmem>>) target(%dma_start3A_238 : memref<10240x128xf32, #tpu.memory_space<vmem_shared>>) offsets(%arg8 : memref<80xi32, #tpu.memory_space<vmem>>) semaphore(%arg20 : memref<!tpu.dma_semaphore, #tpu.memory_space<semaphore_mem>>) {add = true}
    %add3A_239 = arith.constant 5120 : i32
    %add3A_240 = arith.addi %add3A_4, %add3A_239 : i32
    %add3A_241 = arith.constant 2560 : i32
    %add3A_242 = arith.addi %mul3A_6, %add3A_241 : i32
    %dma_wait3A_243 = tpu.memref_slice %arg3[%add3A_240] : memref<320000xi32, #tpu.memory_space<hbm>> -> memref<80xi32, #tpu.memory_space<hbm>>
    %dma_wait3A_244 = tpu.memref_slice %arg3[%add3A_240] : memref<320000xi32, #tpu.memory_space<hbm>> -> memref<80xi32, #tpu.memory_space<hbm>>
    tpu.wait_dma2 semaphore(%arg15 : memref<!tpu.dma_semaphore, #tpu.memory_space<semaphore_mem>>) src(%dma_wait3A_244 : memref<80xi32, #tpu.memory_space<hbm>>) dst(%arg5 : memref<80xi32, #tpu.memory_space<vmem>>)
    %dma_wait3A_245 = arith.constant 0 : i32
    %dma_wait3A_246 = tpu.memref_slice %arg2[%add3A_242, %dma_wait3A_245] : memref<83200x128xi32, #tpu.memory_space<hbm>> -> memref<40x128xi32, #tpu.memory_space<hbm>>
    %dma_wait3A_247 = arith.constant 0 : i32
    %dma_wait3A_248 = tpu.memref_slice %arg2[%add3A_242, %dma_wait3A_247] : memref<83200x128xi32, #tpu.memory_space<hbm>> -> memref<40x128xi32, #tpu.memory_space<hbm>>
    tpu.wait_dma2 semaphore(%arg17 : memref<!tpu.dma_semaphore, #tpu.memory_space<semaphore_mem>>) src(%dma_wait3A_248 : memref<40x128xi32, #tpu.memory_space<hbm>>) dst(%arg9 : memref<40x128xi32, #tpu.memory_space<vmem>>)
    %dma_wait3A_249 = arith.constant 0 : i32
    %dma_wait3A_250 = arith.constant 0 : i32
    %dma_wait3A_251 = tpu.memref_slice %arg14[%dma_wait3A_249, %dma_wait3A_250] : memref<10240x128xf32, #tpu.memory_space<vmem_shared>> -> memref<10240x128xf32, #tpu.memory_space<vmem_shared>>
    tpu.wait_indirect_dma semaphore(%arg19 : memref<!tpu.dma_semaphore, #tpu.memory_space<semaphore_mem>>) src(%arg11 : memref<80x128xf32, #tpu.memory_space<vmem>>) dst(%dma_wait3A_251 : memref<10240x128xf32, #tpu.memory_space<vmem_shared>>)
    %scan3A_252 = arith.constant 0 : i32
    %scan3A_253 = arith.constant 0 : i32
    %scan3A_254 = arith.constant 40 : i32
    %scan3A_255 = arith.addi %scan3A_253, %scan3A_254 : i32
    %scan3A_256 = arith.constant 1 : i32
    %scan3A_257 = scf.for %scan3A_293 = %scan3A_253 to %scan3A_255 step %scan3A_256 iter_args(%scan3A_294 = %scan3A_252) -> (i32)  : i32 {
      %get3A_295 = arith.index_cast %scan3A_293 : i32 to index
      %get3A_296 = arith.constant 0 : index
      %get3A_297 = tpu.vector_load %arg9[%get3A_295, %get3A_296] {strides = array<i32>} : memref<40x128xi32, #tpu.memory_space<vmem>>, vector<16xi32>,
      %bitcast3A = vector.bitcast %get3A_297 : vector<16xi32> to vector<32xbf16>
      %unpack3A = tpu.unpack_subelements %bitcast3A, 0 {pack_format = #tpu.pack_format<interleaved>} : vector<32xbf16> -> vector<16xf32>
      %unpack3A_298 = tpu.unpack_subelements %bitcast3A, 1 {pack_format = #tpu.pack_format<interleaved>} : vector<32xbf16> -> vector<16xf32>
      %swap3A_299 = arith.index_cast %scan3A_293 : i32 to index
      %swap3A_300 = arith.constant 0 : index
      %swap3A_301 = tpu.vector_load %arg11[%swap3A_299, %swap3A_300] {strides = array<i32>} : memref<80x128xf32, #tpu.memory_space<vmem>>, vector<16xf32>,
      tpu.vector_store %arg11[%swap3A_299, %swap3A_300], %unpack3A {strides = array<i32>} : memref<80x128xf32, #tpu.memory_space<vmem>>, vector<16xf32>,
      %add3A_302 = arith.constant 40 : i32
      %add3A_303 = arith.addi %scan3A_293, %add3A_302 : i32
      %swap3A_304 = arith.index_cast %add3A_303 : i32 to index
      %swap3A_305 = arith.constant 0 : index
      %swap3A_306 = tpu.vector_load %arg11[%swap3A_304, %swap3A_305] {strides = array<i32>} : memref<80x128xf32, #tpu.memory_space<vmem>>, vector<16xf32>,
      tpu.vector_store %arg11[%swap3A_304, %swap3A_305], %unpack3A_298 {strides = array<i32>} : memref<80x128xf32, #tpu.memory_space<vmem>>, vector<16xf32>,
      %get3A_307 = arith.index_cast %scan3A_293 : i32 to index
      %get3A_308 = arith.constant 16 : index
      %get3A_309 = tpu.vector_load %arg9[%get3A_307, %get3A_308] {strides = array<i32>} : memref<40x128xi32, #tpu.memory_space<vmem>>, vector<16xi32>,
      %bitcast3A_310 = vector.bitcast %get3A_309 : vector<16xi32> to vector<32xbf16>
      %unpack3A_311 = tpu.unpack_subelements %bitcast3A_310, 0 {pack_format = #tpu.pack_format<interleaved>} : vector<32xbf16> -> vector<16xf32>
      %unpack3A_312 = tpu.unpack_subelements %bitcast3A_310, 1 {pack_format = #tpu.pack_format<interleaved>} : vector<32xbf16> -> vector<16xf32>
      %swap3A_313 = arith.index_cast %scan3A_293 : i32 to index
      %swap3A_314 = arith.constant 16 : index
      %swap3A_315 = tpu.vector_load %arg11[%swap3A_313, %swap3A_314] {strides = array<i32>} : memref<80x128xf32, #tpu.memory_space<vmem>>, vector<16xf32>,
      tpu.vector_store %arg11[%swap3A_313, %swap3A_314], %unpack3A_311 {strides = array<i32>} : memref<80x128xf32, #tpu.memory_space<vmem>>, vector<16xf32>,
      %add3A_316 = arith.constant 40 : i32
      %add3A_317 = arith.addi %scan3A_293, %add3A_316 : i32
      %swap3A_318 = arith.index_cast %add3A_317 : i32 to index
      %swap3A_319 = arith.constant 16 : index
      %swap3A_320 = tpu.vector_load %arg11[%swap3A_318, %swap3A_319] {strides = array<i32>} : memref<80x128xf32, #tpu.memory_space<vmem>>, vector<16xf32>,
      tpu.vector_store %arg11[%swap3A_318, %swap3A_319], %unpack3A_312 {strides = array<i32>} : memref<80x128xf32, #tpu.memory_space<vmem>>, vector<16xf32>,
      %get3A_321 = arith.index_cast %scan3A_293 : i32 to index
      %get3A_322 = arith.constant 32 : index
      %get3A_323 = tpu.vector_load %arg9[%get3A_321, %get3A_322] {strides = array<i32>} : memref<40x128xi32, #tpu.memory_space<vmem>>, vector<16xi32>,
      %bitcast3A_324 = vector.bitcast %get3A_323 : vector<16xi32> to vector<32xbf16>
      %unpack3A_325 = tpu.unpack_subelements %bitcast3A_324, 0 {pack_format = #tpu.pack_format<interleaved>} : vector<32xbf16> -> vector<16xf32>
      %unpack3A_326 = tpu.unpack_subelements %bitcast3A_324, 1 {pack_format = #tpu.pack_format<interleaved>} : vector<32xbf16> -> vector<16xf32>
      %swap3A_327 = arith.index_cast %scan3A_293 : i32 to index
      %swap3A_328 = arith.constant 32 : index
      %swap3A_329 = tpu.vector_load %arg11[%swap3A_327, %swap3A_328] {strides = array<i32>} : memref<80x128xf32, #tpu.memory_space<vmem>>, vector<16xf32>,
      tpu.vector_store %arg11[%swap3A_327, %swap3A_328], %unpack3A_325 {strides = array<i32>} : memref<80x128xf32, #tpu.memory_space<vmem>>, vector<16xf32>,
      %add3A_330 = arith.constant 40 : i32
      %add3A_331 = arith.addi %scan3A_293, %add3A_330 : i32
      %swap3A_332 = arith.index_cast %add3A_331 : i32 to index
      %swap3A_333 = arith.constant 32 : index
      %swap3A_334 = tpu.vector_load %arg11[%swap3A_332, %swap3A_333] {strides = array<i32>} : memref<80x128xf32, #tpu.memory_space<vmem>>, vector<16xf32>,
      tpu.vector_store %arg11[%swap3A_332, %swap3A_333], %unpack3A_326 {strides = array<i32>} : memref<80x128xf32, #tpu.memory_space<vmem>>, vector<16xf32>,
      %get3A_335 = arith.index_cast %scan3A_293 : i32 to index
      %get3A_336 = arith.constant 48 : index
      %get3A_337 = tpu.vector_load %arg9[%get3A_335, %get3A_336] {strides = array<i32>} : memref<40x128xi32, #tpu.memory_space<vmem>>, vector<16xi32>,
      %bitcast3A_338 = vector.bitcast %get3A_337 : vector<16xi32> to vector<32xbf16>
      %unpack3A_339 = tpu.unpack_subelements %bitcast3A_338, 0 {pack_format = #tpu.pack_format<interleaved>} : vector<32xbf16> -> vector<16xf32>
      %unpack3A_340 = tpu.unpack_subelements %bitcast3A_338, 1 {pack_format = #tpu.pack_format<interleaved>} : vector<32xbf16> -> vector<16xf32>
      %swap3A_341 = arith.index_cast %scan3A_293 : i32 to index
      %swap3A_342 = arith.constant 48 : index
      %swap3A_343 = tpu.vector_load %arg11[%swap3A_341, %swap3A_342] {strides = array<i32>} : memref<80x128xf32, #tpu.memory_space<vmem>>, vector<16xf32>,
      tpu.vector_store %arg11[%swap3A_341, %swap3A_342], %unpack3A_339 {strides = array<i32>} : memref<80x128xf32, #tpu.memory_space<vmem>>, vector<16xf32>,
      %add3A_344 = arith.constant 40 : i32
      %add3A_345 = arith.addi %scan3A_293, %add3A_344 : i32
      %swap3A_346 = arith.index_cast %add3A_345 : i32 to index
      %swap3A_347 = arith.constant 48 : index
      %swap3A_348 = tpu.vector_load %arg11[%swap3A_346, %swap3A_347] {strides = array<i32>} : memref<80x128xf32, #tpu.memory_space<vmem>>, vector<16xf32>,
      tpu.vector_store %arg11[%swap3A_346, %swap3A_347], %unpack3A_340 {strides = array<i32>} : memref<80x128xf32, #tpu.memory_space<vmem>>, vector<16xf32>,
      %get3A_349 = arith.index_cast %scan3A_293 : i32 to index
      %get3A_350 = arith.constant 64 : index
      %get3A_351 = tpu.vector_load %arg9[%get3A_349, %get3A_350] {strides = array<i32>} : memref<40x128xi32, #tpu.memory_space<vmem>>, vector<16xi32>,
      %bitcast3A_352 = vector.bitcast %get3A_351 : vector<16xi32> to vector<32xbf16>
      %unpack3A_353 = tpu.unpack_subelements %bitcast3A_352, 0 {pack_format = #tpu.pack_format<interleaved>} : vector<32xbf16> -> vector<16xf32>
      %unpack3A_354 = tpu.unpack_subelements %bitcast3A_352, 1 {pack_format = #tpu.pack_format<interleaved>} : vector<32xbf16> -> vector<16xf32>
      %swap3A_355 = arith.index_cast %scan3A_293 : i32 to index
      %swap3A_356 = arith.constant 64 : index
      %swap3A_357 = tpu.vector_load %arg11[%swap3A_355, %swap3A_356] {strides = array<i32>} : memref<80x128xf32, #tpu.memory_space<vmem>>, vector<16xf32>,
      tpu.vector_store %arg11[%swap3A_355, %swap3A_356], %unpack3A_353 {strides = array<i32>} : memref<80x128xf32, #tpu.memory_space<vmem>>, vector<16xf32>,
      %add3A_358 = arith.constant 40 : i32
      %add3A_359 = arith.addi %scan3A_293, %add3A_358 : i32
      %swap3A_360 = arith.index_cast %add3A_359 : i32 to index
      %swap3A_361 = arith.constant 64 : index
      %swap3A_362 = tpu.vector_load %arg11[%swap3A_360, %swap3A_361] {strides = array<i32>} : memref<80x128xf32, #tpu.memory_space<vmem>>, vector<16xf32>,
      tpu.vector_store %arg11[%swap3A_360, %swap3A_361], %unpack3A_354 {strides = array<i32>} : memref<80x128xf32, #tpu.memory_space<vmem>>, vector<16xf32>,
      %get3A_363 = arith.index_cast %scan3A_293 : i32 to index
      %get3A_364 = arith.constant 80 : index
      %get3A_365 = tpu.vector_load %arg9[%get3A_363, %get3A_364] {strides = array<i32>} : memref<40x128xi32, #tpu.memory_space<vmem>>, vector<16xi32>,
      %bitcast3A_366 = vector.bitcast %get3A_365 : vector<16xi32> to vector<32xbf16>
      %unpack3A_367 = tpu.unpack_subelements %bitcast3A_366, 0 {pack_format = #tpu.pack_format<interleaved>} : vector<32xbf16> -> vector<16xf32>
      %unpack3A_368 = tpu.unpack_subelements %bitcast3A_366, 1 {pack_format = #tpu.pack_format<interleaved>} : vector<32xbf16> -> vector<16xf32>
      %swap3A_369 = arith.index_cast %scan3A_293 : i32 to index
      %swap3A_370 = arith.constant 80 : index
      %swap3A_371 = tpu.vector_load %arg11[%swap3A_369, %swap3A_370] {strides = array<i32>} : memref<80x128xf32, #tpu.memory_space<vmem>>, vector<16xf32>,
      tpu.vector_store %arg11[%swap3A_369, %swap3A_370], %unpack3A_367 {strides = array<i32>} : memref<80x128xf32, #tpu.memory_space<vmem>>, vector<16xf32>,
      %add3A_372 = arith.constant 40 : i32
      %add3A_373 = arith.addi %scan3A_293, %add3A_372 : i32
      %swap3A_374 = arith.index_cast %add3A_373 : i32 to index
      %swap3A_375 = arith.constant 80 : index
      %swap3A_376 = tpu.vector_load %arg11[%swap3A_374, %swap3A_375] {strides = array<i32>} : memref<80x128xf32, #tpu.memory_space<vmem>>, vector<16xf32>,
      tpu.vector_store %arg11[%swap3A_374, %swap3A_375], %unpack3A_368 {strides = array<i32>} : memref<80x128xf32, #tpu.memory_space<vmem>>, vector<16xf32>,
      %get3A_377 = arith.index_cast %scan3A_293 : i32 to index
      %get3A_378 = arith.constant 96 : index
      %get3A_379 = tpu.vector_load %arg9[%get3A_377, %get3A_378] {strides = array<i32>} : memref<40x128xi32, #tpu.memory_space<vmem>>, vector<16xi32>,
      %bitcast3A_380 = vector.bitcast %get3A_379 : vector<16xi32> to vector<32xbf16>
      %unpack3A_381 = tpu.unpack_subelements %bitcast3A_380, 0 {pack_format = #tpu.pack_format<interleaved>} : vector<32xbf16> -> vector<16xf32>
      %unpack3A_382 = tpu.unpack_subelements %bitcast3A_380, 1 {pack_format = #tpu.pack_format<interleaved>} : vector<32xbf16> -> vector<16xf32>
      %swap3A_383 = arith.index_cast %scan3A_293 : i32 to index
      %swap3A_384 = arith.constant 96 : index
      %swap3A_385 = tpu.vector_load %arg11[%swap3A_383, %swap3A_384] {strides = array<i32>} : memref<80x128xf32, #tpu.memory_space<vmem>>, vector<16xf32>,
      tpu.vector_store %arg11[%swap3A_383, %swap3A_384], %unpack3A_381 {strides = array<i32>} : memref<80x128xf32, #tpu.memory_space<vmem>>, vector<16xf32>,
      %add3A_386 = arith.constant 40 : i32
      %add3A_387 = arith.addi %scan3A_293, %add3A_386 : i32
      %swap3A_388 = arith.index_cast %add3A_387 : i32 to index
      %swap3A_389 = arith.constant 96 : index
      %swap3A_390 = tpu.vector_load %arg11[%swap3A_388, %swap3A_389] {strides = array<i32>} : memref<80x128xf32, #tpu.memory_space<vmem>>, vector<16xf32>,
      tpu.vector_store %arg11[%swap3A_388, %swap3A_389], %unpack3A_382 {strides = array<i32>} : memref<80x128xf32, #tpu.memory_space<vmem>>, vector<16xf32>,
      %get3A_391 = arith.index_cast %scan3A_293 : i32 to index
      %get3A_392 = arith.constant 112 : index
      %get3A_393 = tpu.vector_load %arg9[%get3A_391, %get3A_392] {strides = array<i32>} : memref<40x128xi32, #tpu.memory_space<vmem>>, vector<16xi32>,
      %bitcast3A_394 = vector.bitcast %get3A_393 : vector<16xi32> to vector<32xbf16>
      %unpack3A_395 = tpu.unpack_subelements %bitcast3A_394, 0 {pack_format = #tpu.pack_format<interleaved>} : vector<32xbf16> -> vector<16xf32>
      %unpack3A_396 = tpu.unpack_subelements %bitcast3A_394, 1 {pack_format = #tpu.pack_format<interleaved>} : vector<32xbf16> -> vector<16xf32>
      %swap3A_397 = arith.index_cast %scan3A_293 : i32 to index
      %swap3A_398 = arith.constant 112 : index
      %swap3A_399 = tpu.vector_load %arg11[%swap3A_397, %swap3A_398] {strides = array<i32>} : memref<80x128xf32, #tpu.memory_space<vmem>>, vector<16xf32>,
      tpu.vector_store %arg11[%swap3A_397, %swap3A_398], %unpack3A_395 {strides = array<i32>} : memref<80x128xf32, #tpu.memory_space<vmem>>, vector<16xf32>,
      %add3A_400 = arith.constant 40 : i32
      %add3A_401 = arith.addi %scan3A_293, %add3A_400 : i32
      %swap3A_402 = arith.index_cast %add3A_401 : i32 to index
      %swap3A_403 = arith.constant 112 : index
      %swap3A_404 = tpu.vector_load %arg11[%swap3A_402, %swap3A_403] {strides = array<i32>} : memref<80x128xf32, #tpu.memory_space<vmem>>, vector<16xf32>,
      tpu.vector_store %arg11[%swap3A_402, %swap3A_403], %unpack3A_396 {strides = array<i32>} : memref<80x128xf32, #tpu.memory_space<vmem>>, vector<16xf32>,
      %scan3A_405 = arith.constant 0 : i32
      scf.yield %scan3A_405 : i32
    }
    %scan3A_258 = arith.constant 40 : i32
    %get3A_259 = arith.constant 0 : index
    %get3A_260 = tpu.vector_load %arg5[%get3A_259] {strides = array<i32>} : memref<80xi32, #tpu.memory_space<vmem>>, vector<16xi32>,
    %swap3A_261 = arith.constant 0 : index
    %swap3A_262 = tpu.vector_load %arg7[%swap3A_261] {strides = array<i32>} : memref<80xi32, #tpu.memory_space<vmem>>, vector<16xi32>,
    tpu.vector_store %arg7[%swap3A_261], %get3A_260 {strides = array<i32>} : memref<80xi32, #tpu.memory_space<vmem>>, vector<16xi32>,
    %get3A_263 = arith.constant 16 : index
    %get3A_264 = tpu.vector_load %arg5[%get3A_263] {strides = array<i32>} : memref<80xi32, #tpu.memory_space<vmem>>, vector<16xi32>,
    %swap3A_265 = arith.constant 16 : index
    %swap3A_266 = tpu.vector_load %arg7[%swap3A_265] {strides = array<i32>} : memref<80xi32, #tpu.memory_space<vmem>>, vector<16xi32>,
    tpu.vector_store %arg7[%swap3A_265], %get3A_264 {strides = array<i32>} : memref<80xi32, #tpu.memory_space<vmem>>, vector<16xi32>,
    %get3A_267 = arith.constant 32 : index
    %get3A_268 = tpu.vector_load %arg5[%get3A_267] {strides = array<i32>} : memref<80xi32, #tpu.memory_space<vmem>>, vector<16xi32>,
    %swap3A_269 = arith.constant 32 : index
    %swap3A_270 = tpu.vector_load %arg7[%swap3A_269] {strides = array<i32>} : memref<80xi32, #tpu.memory_space<vmem>>, vector<16xi32>,
    tpu.vector_store %arg7[%swap3A_269], %get3A_268 {strides = array<i32>} : memref<80xi32, #tpu.memory_space<vmem>>, vector<16xi32>,
    %get3A_271 = arith.constant 48 : index
    %get3A_272 = tpu.vector_load %arg5[%get3A_271] {strides = array<i32>} : memref<80xi32, #tpu.memory_space<vmem>>, vector<16xi32>,
    %swap3A_273 = arith.constant 48 : index
    %swap3A_274 = tpu.vector_load %arg7[%swap3A_273] {strides = array<i32>} : memref<80xi32, #tpu.memory_space<vmem>>, vector<16xi32>,
    tpu.vector_store %arg7[%swap3A_273], %get3A_272 {strides = array<i32>} : memref<80xi32, #tpu.memory_space<vmem>>, vector<16xi32>,
    %get3A_275 = arith.constant 64 : index
    %get3A_276 = tpu.vector_load %arg5[%get3A_275] {strides = array<i32>} : memref<80xi32, #tpu.memory_space<vmem>>, vector<16xi32>,
    %swap3A_277 = arith.constant 64 : index
    %swap3A_278 = tpu.vector_load %arg7[%swap3A_277] {strides = array<i32>} : memref<80xi32, #tpu.memory_space<vmem>>, vector<16xi32>,
    tpu.vector_store %arg7[%swap3A_277], %get3A_276 {strides = array<i32>} : memref<80xi32, #tpu.memory_space<vmem>>, vector<16xi32>,
    %dma_start3A_279 = arith.constant 0 : i32
    %dma_start3A_280 = arith.constant 0 : i32
    %dma_start3A_281 = tpu.memref_slice %arg14[%dma_start3A_279, %dma_start3A_280] : memref<10240x128xf32, #tpu.memory_space<vmem_shared>> -> memref<10240x128xf32, #tpu.memory_space<vmem_shared>>
    tpu.enqueue_indirect_dma source(%arg11 : memref<80x128xf32, #tpu.memory_space<vmem>>) target(%dma_start3A_281 : memref<10240x128xf32, #tpu.memory_space<vmem_shared>>) offsets(%arg7 : memref<80xi32, #tpu.memory_space<vmem>>) semaphore(%arg19 : memref<!tpu.dma_semaphore, #tpu.memory_space<semaphore_mem>>) {add = true}
    %dma_wait3A_282 = arith.constant 0 : i32
    %dma_wait3A_283 = arith.constant 0 : i32
    %dma_wait3A_284 = tpu.memref_slice %arg14[%dma_wait3A_282, %dma_wait3A_283] : memref<10240x128xf32, #tpu.memory_space<vmem_shared>> -> memref<10240x128xf32, #tpu.memory_space<vmem_shared>>
    tpu.wait_indirect_dma semaphore(%arg20 : memref<!tpu.dma_semaphore, #tpu.memory_space<semaphore_mem>>) src(%arg12 : memref<80x128xf32, #tpu.memory_space<vmem>>) dst(%dma_wait3A_284 : memref<10240x128xf32, #tpu.memory_space<vmem_shared>>)
    %dma_wait3A_285 = arith.constant 0 : i32
    %dma_wait3A_286 = arith.constant 0 : i32
    %dma_wait3A_287 = tpu.memref_slice %arg14[%dma_wait3A_285, %dma_wait3A_286] : memref<10240x128xf32, #tpu.memory_space<vmem_shared>> -> memref<10240x128xf32, #tpu.memory_space<vmem_shared>>
    tpu.wait_indirect_dma semaphore(%arg19 : memref<!tpu.dma_semaphore, #tpu.memory_space<semaphore_mem>>) src(%arg11 : memref<80x128xf32, #tpu.memory_space<vmem>>) dst(%dma_wait3A_287 : memref<10240x128xf32, #tpu.memory_space<vmem_shared>>)
    %barrier3A_288 = arith.constant 0 : index
    tpu.barrier barrier_id(%barrier3A_288)
    %mul3A_289 = arith.constant 640 : i32
    %mul3A_290 = arith.muli %arg1, %mul3A_289 : i32
    %mul3A_291 = arith.constant 640 : i32
    %mul3A_292 = arith.muli %arg1, %mul3A_291 : i32
    "tpu.region"() ({
      %run_scoped3A = tpu.sem_alloc : memref<!tpu.dma_semaphore, #tpu.memory_space<semaphore_mem>>
      %dma_start3A_293 = arith.constant 0 : i32
      %dma_start3A_294 = tpu.memref_slice %arg4[%arg0, %mul3A_292, %dma_start3A_293] : memref<2x10240x128xf32, #tpu.memory_space<hbm>> -> memref<1x640x128xf32, #tpu.memory_space<hbm>>
      %dma_start3A_295 = tpu.memref_squeeze %dma_start3A_294 : memref<1x640x128xf32, #tpu.memory_space<hbm>> -> memref<640x128xf32, #tpu.memory_space<hbm>>
      %dma_start3A_296 = arith.constant 0 : i32
      %dma_start3A_297 = tpu.memref_slice %arg14[%mul3A_290, %dma_start3A_296] : memref<10240x128xf32, #tpu.memory_space<vmem_shared>> -> memref<640x128xf32, #tpu.memory_space<vmem_shared>>
      tpu.enqueue_dma source(%dma_start3A_297 : memref<640x128xf32, #tpu.memory_space<vmem_shared>>) target(%dma_start3A_295 : memref<640x128xf32, #tpu.memory_space<hbm>>) target_semaphore(%run_scoped3A : memref<!tpu.dma_semaphore, #tpu.memory_space<semaphore_mem>>)
      %dma_wait3A_298 = arith.constant 0 : i32
      %dma_wait3A_299 = tpu.memref_slice %arg4[%arg0, %mul3A_292, %dma_wait3A_298] : memref<2x10240x128xf32, #tpu.memory_space<hbm>> -> memref<1x640x128xf32, #tpu.memory_space<hbm>>
      %dma_wait3A_300 = tpu.memref_squeeze %dma_wait3A_299 : memref<1x640x128xf32, #tpu.memory_space<hbm>> -> memref<640x128xf32, #tpu.memory_space<hbm>>
      %dma_wait3A_301 = arith.constant 0 : i32
      %dma_wait3A_302 = tpu.memref_slice %arg14[%mul3A_290, %dma_wait3A_301] : memref<10240x128xf32, #tpu.memory_space<vmem_shared>> -> memref<640x128xf32, #tpu.memory_space<vmem_shared>>
      tpu.wait_dma2 semaphore(%run_scoped3A : memref<!tpu.dma_semaphore, #tpu.memory_space<semaphore_mem>>) src(%dma_wait3A_302 : memref<640x128xf32, #tpu.memory_space<vmem_shared>>) dst(%dma_wait3A_300 : memref<640x128xf32, #tpu.memory_space<hbm>>)
      tpu.yield
    }) : () -> ()
    return
  }
}

#map = affine_map<(d0, d1) -> (0, 0)>
#map1 = affine_map<(d0, d1) -> (0)>
#map2 = affine_map<(d0, d1) -> (0, 0, 0)>
module attributes {stable_mosaic.version = 14 : i64} {
  func.func @_scatter_body(%arg0: i32, %arg1: i32, %arg2: memref<76800x128xi32, #tpu.memory_space<hbm>>, %arg3: memref<320000xi32, #tpu.memory_space<hbm>>, %arg4: memref<2x10240x128xf32, #tpu.memory_space<hbm>>, %arg5: memref<80xi32, #tpu.memory_space<vmem>>, %arg6: memref<80xi32, #tpu.memory_space<vmem>>, %arg7: memref<80xi32, #tpu.memory_space<vmem>>, %arg8: memref<80xi32, #tpu.memory_space<vmem>>, %arg9: memref<40x128xi32, #tpu.memory_space<vmem>>, %arg10: memref<40x128xi32, #tpu.memory_space<vmem>>, %arg11: memref<80x128xf32, #tpu.memory_space<vmem>>, %arg12: memref<80x128xf32, #tpu.memory_space<vmem>>, %arg13: memref<40x128xf32, #tpu.memory_space<vmem>>, %arg14: memref<10240x128xf32, #tpu.memory_space<vmem_shared>>, %arg15: memref<!tpu.dma_semaphore, #tpu.memory_space<semaphore_mem>>, %arg16: memref<!tpu.dma_semaphore, #tpu.memory_space<semaphore_mem>>, %arg17: memref<!tpu.dma_semaphore, #tpu.memory_space<semaphore_mem>>, %arg18: memref<!tpu.dma_semaphore, #tpu.memory_space<semaphore_mem>>, %arg19: memref<!tpu.dma_semaphore, #tpu.memory_space<semaphore_mem>>, %arg20: memref<!tpu.dma_semaphore, #tpu.memory_space<semaphore_mem>>) attributes {dimension_semantics = [#tpu.dimension_semantics<core_parallel>, #tpu.dimension_semantics<subcore_parallel>], iteration_bounds = array<i64: 2, 16>, scalar_prefetch = 0 : i64, scratch_operands = 16 : i64, tpu.core_type = #tpu.core_type<sc_vector_subcore>, window_params = [{transform_indices = #map}, {transform_indices = #map1}, {transform_indices = #map2}]} {
    %mul3A = arith.constant 2 : i32
    %mul3A_0 = arith.muli %arg1, %mul3A : i32
    %add3A = arith.addi %mul3A_0, %arg0 : i32
    %mul3A_1 = arith.constant 4800 : i32
    %mul3A_2 = arith.muli %add3A, %mul3A_1 : i32
    %add3A_3 = arith.constant 0 : i32
    %add3A_4 = arith.addi %add3A_3, %mul3A_2 : i32
    %mul3A_5 = arith.constant 2400 : i32
    %mul3A_6 = arith.muli %add3A, %mul3A_5 : i32
    %scan3A = arith.constant 0 : i32
    %scan3A_7 = arith.constant 0 : i32
    %scan3A_8 = arith.constant 320 : i32
    %scan3A_9 = arith.addi %scan3A_7, %scan3A_8 : i32
    %scan3A_10 = arith.constant 1 : i32
    %scan3A_11 = scf.for %scan3A_240 = %scan3A_7 to %scan3A_9 step %scan3A_10 iter_args(%scan3A_241 = %scan3A) -> (i32)  : i32 {
      %jit3A = arith.constant 8 : i32
      %div3A = arith.divsi %scan3A_240, %jit3A : i32
      %sign3A = arith.constant 0 : i32
      %sign3A_242 = arith.cmpi sgt, %scan3A_240, %sign3A : i32
      %sign3A_243 = arith.extui %sign3A_242 : i1 to i32
      %sign3A_244 = arith.constant 0 : i32
      %sign3A_245 = arith.cmpi slt, %scan3A_240, %sign3A_244 : i32
      %sign3A_246 = arith.extui %sign3A_245 : i1 to i32
      %sign3A_247 = arith.subi %sign3A_243, %sign3A_246 : i32
      %sign3A_248 = arith.constant 0 : i32
      %sign3A_249 = arith.cmpi sgt, %jit3A, %sign3A_248 : i32
      %sign3A_250 = arith.extui %sign3A_249 : i1 to i32
      %sign3A_251 = arith.constant 0 : i32
      %sign3A_252 = arith.cmpi slt, %jit3A, %sign3A_251 : i32
      %sign3A_253 = arith.extui %sign3A_252 : i1 to i32
      %sign3A_254 = arith.subi %sign3A_250, %sign3A_253 : i32
      %ne3A = arith.cmpi ne, %sign3A_247, %sign3A_254 : i32
      %rem3A = arith.remsi %scan3A_240, %jit3A : i32
      %ne3A_255 = arith.constant 0 : i32
      %ne3A_256 = arith.cmpi ne, %rem3A, %ne3A_255 : i32
      %and3A = arith.andi %ne3A, %ne3A_256 : i1
      %sub3A = arith.constant 1 : i32
      %sub3A_257 = arith.subi %div3A, %sub3A : i32
      %select_n3A = arith.select %and3A, %sub3A_257, %div3A : i32
      %rem3A_258 = arith.constant 8 : i32
      %rem3A_259 = arith.remsi %scan3A_240, %rem3A_258 : i32
      %broadcast_in_dim3A = arith.constant 0.000000e+00 : f32
      %broadcast_in_dim3A_260 = vector.broadcast %broadcast_in_dim3A : f32 to vector<16xf32>
      %mul3A_261 = arith.constant 16 : i32
      %mul3A_262 = arith.muli %rem3A_259, %mul3A_261 : i32
      %swap3A_263 = arith.index_cast %select_n3A : i32 to index
      %swap3A_264 = arith.index_cast %mul3A_262 : i32 to index
      %swap3A_265 = tpu.vector_load %arg13[%swap3A_263, %swap3A_264] {strides = array<i32>} : memref<40x128xf32, #tpu.memory_space<vmem>>, vector<16xf32>,
      tpu.vector_store %arg13[%swap3A_263, %swap3A_264], %broadcast_in_dim3A_260 {strides = array<i32>} : memref<40x128xf32, #tpu.memory_space<vmem>>, vector<16xf32>,
      %scan3A_266 = arith.constant 0 : i32
      scf.yield %scan3A_266 : i32
    }
    %scan3A_12 = arith.constant 320 : i32
    %scan3A_13 = arith.constant 0 : i32
    %scan3A_14 = arith.constant 0 : i32
    %scan3A_15 = arith.constant 16 : i32
    %scan3A_16 = arith.addi %scan3A_14, %scan3A_15 : i32
    %scan3A_17 = arith.constant 1 : i32
    %scan3A_18 = scf.for %scan3A_240 = %scan3A_14 to %scan3A_16 step %scan3A_17 iter_args(%scan3A_241 = %scan3A_13) -> (i32)  : i32 {
      %mul3A_242 = arith.constant 640 : i32
      %mul3A_243 = arith.muli %arg1, %mul3A_242 : i32
      %mul3A_244 = arith.constant 40 : i32
      %mul3A_245 = arith.muli %scan3A_240, %mul3A_244 : i32
      %add3A_246 = arith.addi %mul3A_243, %mul3A_245 : i32
      "tpu.region"() ({
        %run_scoped3A = tpu.sem_alloc : memref<!tpu.dma_semaphore, #tpu.memory_space<semaphore_mem>>
        %dma_start3A_248 = arith.constant 0 : i32
        %dma_start3A_249 = tpu.memref_slice %arg14[%add3A_246, %dma_start3A_248] : memref<10240x128xf32, #tpu.memory_space<vmem_shared>> -> memref<40x128xf32, #tpu.memory_space<vmem_shared>>
        %dma_start3A_250 = arith.constant 0 : i32
        %dma_start3A_251 = tpu.memref_slice %arg14[%add3A_246, %dma_start3A_250] : memref<10240x128xf32, #tpu.memory_space<vmem_shared>> -> memref<40x128xf32, #tpu.memory_space<vmem_shared>>
        tpu.enqueue_dma source(%arg13 : memref<40x128xf32, #tpu.memory_space<vmem>>) target(%dma_start3A_251 : memref<40x128xf32, #tpu.memory_space<vmem_shared>>) target_semaphore(%run_scoped3A : memref<!tpu.dma_semaphore, #tpu.memory_space<semaphore_mem>>)
        %dma_wait3A_252 = arith.constant 0 : i32
        %dma_wait3A_253 = tpu.memref_slice %arg14[%add3A_246, %dma_wait3A_252] : memref<10240x128xf32, #tpu.memory_space<vmem_shared>> -> memref<40x128xf32, #tpu.memory_space<vmem_shared>>
        %dma_wait3A_254 = arith.constant 0 : i32
        %dma_wait3A_255 = tpu.memref_slice %arg14[%add3A_246, %dma_wait3A_254] : memref<10240x128xf32, #tpu.memory_space<vmem_shared>> -> memref<40x128xf32, #tpu.memory_space<vmem_shared>>
        tpu.wait_dma2 semaphore(%run_scoped3A : memref<!tpu.dma_semaphore, #tpu.memory_space<semaphore_mem>>) src(%arg13 : memref<40x128xf32, #tpu.memory_space<vmem>>) dst(%dma_wait3A_255 : memref<40x128xf32, #tpu.memory_space<vmem_shared>>)
        tpu.yield
      }) : () -> ()
      %scan3A_247 = arith.constant 0 : i32
      scf.yield %scan3A_247 : i32
    }
    %scan3A_19 = arith.constant 16 : i32
    %barrier3A = arith.constant 0 : index
    tpu.barrier barrier_id(%barrier3A)
    %add3A_20 = arith.constant 0 : i32
    %add3A_21 = arith.addi %add3A_4, %add3A_20 : i32
    %add3A_22 = arith.constant 0 : i32
    %add3A_23 = arith.addi %mul3A_6, %add3A_22 : i32
    %dma_start3A = tpu.memref_slice %arg3[%add3A_21] : memref<320000xi32, #tpu.memory_space<hbm>> -> memref<80xi32, #tpu.memory_space<hbm>>
    %dma_start3A_24 = tpu.memref_slice %arg3[%add3A_21] : memref<320000xi32, #tpu.memory_space<hbm>> -> memref<80xi32, #tpu.memory_space<hbm>>
    tpu.enqueue_dma source(%dma_start3A_24 : memref<80xi32, #tpu.memory_space<hbm>>) target(%arg5 : memref<80xi32, #tpu.memory_space<vmem>>) target_semaphore(%arg15 : memref<!tpu.dma_semaphore, #tpu.memory_space<semaphore_mem>>)
    %dma_start3A_25 = arith.constant 0 : i32
    %dma_start3A_26 = tpu.memref_slice %arg2[%add3A_23, %dma_start3A_25] : memref<76800x128xi32, #tpu.memory_space<hbm>> -> memref<40x128xi32, #tpu.memory_space<hbm>>
    %dma_start3A_27 = arith.constant 0 : i32
    %dma_start3A_28 = tpu.memref_slice %arg2[%add3A_23, %dma_start3A_27] : memref<76800x128xi32, #tpu.memory_space<hbm>> -> memref<40x128xi32, #tpu.memory_space<hbm>>
    tpu.enqueue_dma source(%dma_start3A_28 : memref<40x128xi32, #tpu.memory_space<hbm>>) target(%arg9 : memref<40x128xi32, #tpu.memory_space<vmem>>) target_semaphore(%arg17 : memref<!tpu.dma_semaphore, #tpu.memory_space<semaphore_mem>>)
    %add3A_29 = arith.constant 80 : i32
    %add3A_30 = arith.addi %add3A_4, %add3A_29 : i32
    %add3A_31 = arith.constant 40 : i32
    %add3A_32 = arith.addi %mul3A_6, %add3A_31 : i32
    %dma_start3A_33 = tpu.memref_slice %arg3[%add3A_30] : memref<320000xi32, #tpu.memory_space<hbm>> -> memref<80xi32, #tpu.memory_space<hbm>>
    %dma_start3A_34 = tpu.memref_slice %arg3[%add3A_30] : memref<320000xi32, #tpu.memory_space<hbm>> -> memref<80xi32, #tpu.memory_space<hbm>>
    tpu.enqueue_dma source(%dma_start3A_34 : memref<80xi32, #tpu.memory_space<hbm>>) target(%arg6 : memref<80xi32, #tpu.memory_space<vmem>>) target_semaphore(%arg16 : memref<!tpu.dma_semaphore, #tpu.memory_space<semaphore_mem>>)
    %dma_start3A_35 = arith.constant 0 : i32
    %dma_start3A_36 = tpu.memref_slice %arg2[%add3A_32, %dma_start3A_35] : memref<76800x128xi32, #tpu.memory_space<hbm>> -> memref<40x128xi32, #tpu.memory_space<hbm>>
    %dma_start3A_37 = arith.constant 0 : i32
    %dma_start3A_38 = tpu.memref_slice %arg2[%add3A_32, %dma_start3A_37] : memref<76800x128xi32, #tpu.memory_space<hbm>> -> memref<40x128xi32, #tpu.memory_space<hbm>>
    tpu.enqueue_dma source(%dma_start3A_38 : memref<40x128xi32, #tpu.memory_space<hbm>>) target(%arg10 : memref<40x128xi32, #tpu.memory_space<vmem>>) target_semaphore(%arg18 : memref<!tpu.dma_semaphore, #tpu.memory_space<semaphore_mem>>)
    %add3A_39 = arith.constant 0 : i32
    %add3A_40 = arith.addi %add3A_4, %add3A_39 : i32
    %add3A_41 = arith.constant 0 : i32
    %add3A_42 = arith.addi %mul3A_6, %add3A_41 : i32
    %dma_wait3A = tpu.memref_slice %arg3[%add3A_40] : memref<320000xi32, #tpu.memory_space<hbm>> -> memref<80xi32, #tpu.memory_space<hbm>>
    %dma_wait3A_43 = tpu.memref_slice %arg3[%add3A_40] : memref<320000xi32, #tpu.memory_space<hbm>> -> memref<80xi32, #tpu.memory_space<hbm>>
    tpu.wait_dma2 semaphore(%arg15 : memref<!tpu.dma_semaphore, #tpu.memory_space<semaphore_mem>>) src(%dma_wait3A_43 : memref<80xi32, #tpu.memory_space<hbm>>) dst(%arg5 : memref<80xi32, #tpu.memory_space<vmem>>)
    %dma_wait3A_44 = arith.constant 0 : i32
    %dma_wait3A_45 = tpu.memref_slice %arg2[%add3A_42, %dma_wait3A_44] : memref<76800x128xi32, #tpu.memory_space<hbm>> -> memref<40x128xi32, #tpu.memory_space<hbm>>
    %dma_wait3A_46 = arith.constant 0 : i32
    %dma_wait3A_47 = tpu.memref_slice %arg2[%add3A_42, %dma_wait3A_46] : memref<76800x128xi32, #tpu.memory_space<hbm>> -> memref<40x128xi32, #tpu.memory_space<hbm>>
    tpu.wait_dma2 semaphore(%arg17 : memref<!tpu.dma_semaphore, #tpu.memory_space<semaphore_mem>>) src(%dma_wait3A_47 : memref<40x128xi32, #tpu.memory_space<hbm>>) dst(%arg9 : memref<40x128xi32, #tpu.memory_space<vmem>>)
    %scan3A_48 = arith.constant 0 : i32
    %scan3A_49 = arith.constant 0 : i32
    %scan3A_50 = arith.constant 40 : i32
    %scan3A_51 = arith.addi %scan3A_49, %scan3A_50 : i32
    %scan3A_52 = arith.constant 1 : i32
    %scan3A_53 = scf.for %scan3A_240 = %scan3A_49 to %scan3A_51 step %scan3A_52 iter_args(%scan3A_241 = %scan3A_48) -> (i32)  : i32 {
      %get3A_242 = arith.index_cast %scan3A_240 : i32 to index
      %get3A_243 = arith.constant 0 : index
      %get3A_244 = tpu.vector_load %arg9[%get3A_242, %get3A_243] {strides = array<i32>} : memref<40x128xi32, #tpu.memory_space<vmem>>, vector<16xi32>,
      %bitcast3A = vector.bitcast %get3A_244 : vector<16xi32> to vector<32xbf16>
      %unpack3A = tpu.unpack_subelements %bitcast3A, 0 {pack_format = #tpu.pack_format<interleaved>} : vector<32xbf16> -> vector<16xf32>
      %unpack3A_245 = tpu.unpack_subelements %bitcast3A, 1 {pack_format = #tpu.pack_format<interleaved>} : vector<32xbf16> -> vector<16xf32>
      %swap3A_246 = arith.index_cast %scan3A_240 : i32 to index
      %swap3A_247 = arith.constant 0 : index
      %swap3A_248 = tpu.vector_load %arg11[%swap3A_246, %swap3A_247] {strides = array<i32>} : memref<80x128xf32, #tpu.memory_space<vmem>>, vector<16xf32>,
      tpu.vector_store %arg11[%swap3A_246, %swap3A_247], %unpack3A {strides = array<i32>} : memref<80x128xf32, #tpu.memory_space<vmem>>, vector<16xf32>,
      %add3A_249 = arith.constant 40 : i32
      %add3A_250 = arith.addi %scan3A_240, %add3A_249 : i32
      %swap3A_251 = arith.index_cast %add3A_250 : i32 to index
      %swap3A_252 = arith.constant 0 : index
      %swap3A_253 = tpu.vector_load %arg11[%swap3A_251, %swap3A_252] {strides = array<i32>} : memref<80x128xf32, #tpu.memory_space<vmem>>, vector<16xf32>,
      tpu.vector_store %arg11[%swap3A_251, %swap3A_252], %unpack3A_245 {strides = array<i32>} : memref<80x128xf32, #tpu.memory_space<vmem>>, vector<16xf32>,
      %get3A_254 = arith.index_cast %scan3A_240 : i32 to index
      %get3A_255 = arith.constant 16 : index
      %get3A_256 = tpu.vector_load %arg9[%get3A_254, %get3A_255] {strides = array<i32>} : memref<40x128xi32, #tpu.memory_space<vmem>>, vector<16xi32>,
      %bitcast3A_257 = vector.bitcast %get3A_256 : vector<16xi32> to vector<32xbf16>
      %unpack3A_258 = tpu.unpack_subelements %bitcast3A_257, 0 {pack_format = #tpu.pack_format<interleaved>} : vector<32xbf16> -> vector<16xf32>
      %unpack3A_259 = tpu.unpack_subelements %bitcast3A_257, 1 {pack_format = #tpu.pack_format<interleaved>} : vector<32xbf16> -> vector<16xf32>
      %swap3A_260 = arith.index_cast %scan3A_240 : i32 to index
      %swap3A_261 = arith.constant 16 : index
      %swap3A_262 = tpu.vector_load %arg11[%swap3A_260, %swap3A_261] {strides = array<i32>} : memref<80x128xf32, #tpu.memory_space<vmem>>, vector<16xf32>,
      tpu.vector_store %arg11[%swap3A_260, %swap3A_261], %unpack3A_258 {strides = array<i32>} : memref<80x128xf32, #tpu.memory_space<vmem>>, vector<16xf32>,
      %add3A_263 = arith.constant 40 : i32
      %add3A_264 = arith.addi %scan3A_240, %add3A_263 : i32
      %swap3A_265 = arith.index_cast %add3A_264 : i32 to index
      %swap3A_266 = arith.constant 16 : index
      %swap3A_267 = tpu.vector_load %arg11[%swap3A_265, %swap3A_266] {strides = array<i32>} : memref<80x128xf32, #tpu.memory_space<vmem>>, vector<16xf32>,
      tpu.vector_store %arg11[%swap3A_265, %swap3A_266], %unpack3A_259 {strides = array<i32>} : memref<80x128xf32, #tpu.memory_space<vmem>>, vector<16xf32>,
      %get3A_268 = arith.index_cast %scan3A_240 : i32 to index
      %get3A_269 = arith.constant 32 : index
      %get3A_270 = tpu.vector_load %arg9[%get3A_268, %get3A_269] {strides = array<i32>} : memref<40x128xi32, #tpu.memory_space<vmem>>, vector<16xi32>,
      %bitcast3A_271 = vector.bitcast %get3A_270 : vector<16xi32> to vector<32xbf16>
      %unpack3A_272 = tpu.unpack_subelements %bitcast3A_271, 0 {pack_format = #tpu.pack_format<interleaved>} : vector<32xbf16> -> vector<16xf32>
      %unpack3A_273 = tpu.unpack_subelements %bitcast3A_271, 1 {pack_format = #tpu.pack_format<interleaved>} : vector<32xbf16> -> vector<16xf32>
      %swap3A_274 = arith.index_cast %scan3A_240 : i32 to index
      %swap3A_275 = arith.constant 32 : index
      %swap3A_276 = tpu.vector_load %arg11[%swap3A_274, %swap3A_275] {strides = array<i32>} : memref<80x128xf32, #tpu.memory_space<vmem>>, vector<16xf32>,
      tpu.vector_store %arg11[%swap3A_274, %swap3A_275], %unpack3A_272 {strides = array<i32>} : memref<80x128xf32, #tpu.memory_space<vmem>>, vector<16xf32>,
      %add3A_277 = arith.constant 40 : i32
      %add3A_278 = arith.addi %scan3A_240, %add3A_277 : i32
      %swap3A_279 = arith.index_cast %add3A_278 : i32 to index
      %swap3A_280 = arith.constant 32 : index
      %swap3A_281 = tpu.vector_load %arg11[%swap3A_279, %swap3A_280] {strides = array<i32>} : memref<80x128xf32, #tpu.memory_space<vmem>>, vector<16xf32>,
      tpu.vector_store %arg11[%swap3A_279, %swap3A_280], %unpack3A_273 {strides = array<i32>} : memref<80x128xf32, #tpu.memory_space<vmem>>, vector<16xf32>,
      %get3A_282 = arith.index_cast %scan3A_240 : i32 to index
      %get3A_283 = arith.constant 48 : index
      %get3A_284 = tpu.vector_load %arg9[%get3A_282, %get3A_283] {strides = array<i32>} : memref<40x128xi32, #tpu.memory_space<vmem>>, vector<16xi32>,
      %bitcast3A_285 = vector.bitcast %get3A_284 : vector<16xi32> to vector<32xbf16>
      %unpack3A_286 = tpu.unpack_subelements %bitcast3A_285, 0 {pack_format = #tpu.pack_format<interleaved>} : vector<32xbf16> -> vector<16xf32>
      %unpack3A_287 = tpu.unpack_subelements %bitcast3A_285, 1 {pack_format = #tpu.pack_format<interleaved>} : vector<32xbf16> -> vector<16xf32>
      %swap3A_288 = arith.index_cast %scan3A_240 : i32 to index
      %swap3A_289 = arith.constant 48 : index
      %swap3A_290 = tpu.vector_load %arg11[%swap3A_288, %swap3A_289] {strides = array<i32>} : memref<80x128xf32, #tpu.memory_space<vmem>>, vector<16xf32>,
      tpu.vector_store %arg11[%swap3A_288, %swap3A_289], %unpack3A_286 {strides = array<i32>} : memref<80x128xf32, #tpu.memory_space<vmem>>, vector<16xf32>,
      %add3A_291 = arith.constant 40 : i32
      %add3A_292 = arith.addi %scan3A_240, %add3A_291 : i32
      %swap3A_293 = arith.index_cast %add3A_292 : i32 to index
      %swap3A_294 = arith.constant 48 : index
      %swap3A_295 = tpu.vector_load %arg11[%swap3A_293, %swap3A_294] {strides = array<i32>} : memref<80x128xf32, #tpu.memory_space<vmem>>, vector<16xf32>,
      tpu.vector_store %arg11[%swap3A_293, %swap3A_294], %unpack3A_287 {strides = array<i32>} : memref<80x128xf32, #tpu.memory_space<vmem>>, vector<16xf32>,
      %get3A_296 = arith.index_cast %scan3A_240 : i32 to index
      %get3A_297 = arith.constant 64 : index
      %get3A_298 = tpu.vector_load %arg9[%get3A_296, %get3A_297] {strides = array<i32>} : memref<40x128xi32, #tpu.memory_space<vmem>>, vector<16xi32>,
      %bitcast3A_299 = vector.bitcast %get3A_298 : vector<16xi32> to vector<32xbf16>
      %unpack3A_300 = tpu.unpack_subelements %bitcast3A_299, 0 {pack_format = #tpu.pack_format<interleaved>} : vector<32xbf16> -> vector<16xf32>
      %unpack3A_301 = tpu.unpack_subelements %bitcast3A_299, 1 {pack_format = #tpu.pack_format<interleaved>} : vector<32xbf16> -> vector<16xf32>
      %swap3A_302 = arith.index_cast %scan3A_240 : i32 to index
      %swap3A_303 = arith.constant 64 : index
      %swap3A_304 = tpu.vector_load %arg11[%swap3A_302, %swap3A_303] {strides = array<i32>} : memref<80x128xf32, #tpu.memory_space<vmem>>, vector<16xf32>,
      tpu.vector_store %arg11[%swap3A_302, %swap3A_303], %unpack3A_300 {strides = array<i32>} : memref<80x128xf32, #tpu.memory_space<vmem>>, vector<16xf32>,
      %add3A_305 = arith.constant 40 : i32
      %add3A_306 = arith.addi %scan3A_240, %add3A_305 : i32
      %swap3A_307 = arith.index_cast %add3A_306 : i32 to index
      %swap3A_308 = arith.constant 64 : index
      %swap3A_309 = tpu.vector_load %arg11[%swap3A_307, %swap3A_308] {strides = array<i32>} : memref<80x128xf32, #tpu.memory_space<vmem>>, vector<16xf32>,
      tpu.vector_store %arg11[%swap3A_307, %swap3A_308], %unpack3A_301 {strides = array<i32>} : memref<80x128xf32, #tpu.memory_space<vmem>>, vector<16xf32>,
      %get3A_310 = arith.index_cast %scan3A_240 : i32 to index
      %get3A_311 = arith.constant 80 : index
      %get3A_312 = tpu.vector_load %arg9[%get3A_310, %get3A_311] {strides = array<i32>} : memref<40x128xi32, #tpu.memory_space<vmem>>, vector<16xi32>,
      %bitcast3A_313 = vector.bitcast %get3A_312 : vector<16xi32> to vector<32xbf16>
      %unpack3A_314 = tpu.unpack_subelements %bitcast3A_313, 0 {pack_format = #tpu.pack_format<interleaved>} : vector<32xbf16> -> vector<16xf32>
      %unpack3A_315 = tpu.unpack_subelements %bitcast3A_313, 1 {pack_format = #tpu.pack_format<interleaved>} : vector<32xbf16> -> vector<16xf32>
      %swap3A_316 = arith.index_cast %scan3A_240 : i32 to index
      %swap3A_317 = arith.constant 80 : index
      %swap3A_318 = tpu.vector_load %arg11[%swap3A_316, %swap3A_317] {strides = array<i32>} : memref<80x128xf32, #tpu.memory_space<vmem>>, vector<16xf32>,
      tpu.vector_store %arg11[%swap3A_316, %swap3A_317], %unpack3A_314 {strides = array<i32>} : memref<80x128xf32, #tpu.memory_space<vmem>>, vector<16xf32>,
      %add3A_319 = arith.constant 40 : i32
      %add3A_320 = arith.addi %scan3A_240, %add3A_319 : i32
      %swap3A_321 = arith.index_cast %add3A_320 : i32 to index
      %swap3A_322 = arith.constant 80 : index
      %swap3A_323 = tpu.vector_load %arg11[%swap3A_321, %swap3A_322] {strides = array<i32>} : memref<80x128xf32, #tpu.memory_space<vmem>>, vector<16xf32>,
      tpu.vector_store %arg11[%swap3A_321, %swap3A_322], %unpack3A_315 {strides = array<i32>} : memref<80x128xf32, #tpu.memory_space<vmem>>, vector<16xf32>,
      %get3A_324 = arith.index_cast %scan3A_240 : i32 to index
      %get3A_325 = arith.constant 96 : index
      %get3A_326 = tpu.vector_load %arg9[%get3A_324, %get3A_325] {strides = array<i32>} : memref<40x128xi32, #tpu.memory_space<vmem>>, vector<16xi32>,
      %bitcast3A_327 = vector.bitcast %get3A_326 : vector<16xi32> to vector<32xbf16>
      %unpack3A_328 = tpu.unpack_subelements %bitcast3A_327, 0 {pack_format = #tpu.pack_format<interleaved>} : vector<32xbf16> -> vector<16xf32>
      %unpack3A_329 = tpu.unpack_subelements %bitcast3A_327, 1 {pack_format = #tpu.pack_format<interleaved>} : vector<32xbf16> -> vector<16xf32>
      %swap3A_330 = arith.index_cast %scan3A_240 : i32 to index
      %swap3A_331 = arith.constant 96 : index
      %swap3A_332 = tpu.vector_load %arg11[%swap3A_330, %swap3A_331] {strides = array<i32>} : memref<80x128xf32, #tpu.memory_space<vmem>>, vector<16xf32>,
      tpu.vector_store %arg11[%swap3A_330, %swap3A_331], %unpack3A_328 {strides = array<i32>} : memref<80x128xf32, #tpu.memory_space<vmem>>, vector<16xf32>,
      %add3A_333 = arith.constant 40 : i32
      %add3A_334 = arith.addi %scan3A_240, %add3A_333 : i32
      %swap3A_335 = arith.index_cast %add3A_334 : i32 to index
      %swap3A_336 = arith.constant 96 : index
      %swap3A_337 = tpu.vector_load %arg11[%swap3A_335, %swap3A_336] {strides = array<i32>} : memref<80x128xf32, #tpu.memory_space<vmem>>, vector<16xf32>,
      tpu.vector_store %arg11[%swap3A_335, %swap3A_336], %unpack3A_329 {strides = array<i32>} : memref<80x128xf32, #tpu.memory_space<vmem>>, vector<16xf32>,
      %get3A_338 = arith.index_cast %scan3A_240 : i32 to index
      %get3A_339 = arith.constant 112 : index
      %get3A_340 = tpu.vector_load %arg9[%get3A_338, %get3A_339] {strides = array<i32>} : memref<40x128xi32, #tpu.memory_space<vmem>>, vector<16xi32>,
      %bitcast3A_341 = vector.bitcast %get3A_340 : vector<16xi32> to vector<32xbf16>
      %unpack3A_342 = tpu.unpack_subelements %bitcast3A_341, 0 {pack_format = #tpu.pack_format<interleaved>} : vector<32xbf16> -> vector<16xf32>
      %unpack3A_343 = tpu.unpack_subelements %bitcast3A_341, 1 {pack_format = #tpu.pack_format<interleaved>} : vector<32xbf16> -> vector<16xf32>
      %swap3A_344 = arith.index_cast %scan3A_240 : i32 to index
      %swap3A_345 = arith.constant 112 : index
      %swap3A_346 = tpu.vector_load %arg11[%swap3A_344, %swap3A_345] {strides = array<i32>} : memref<80x128xf32, #tpu.memory_space<vmem>>, vector<16xf32>,
      tpu.vector_store %arg11[%swap3A_344, %swap3A_345], %unpack3A_342 {strides = array<i32>} : memref<80x128xf32, #tpu.memory_space<vmem>>, vector<16xf32>,
      %add3A_347 = arith.constant 40 : i32
      %add3A_348 = arith.addi %scan3A_240, %add3A_347 : i32
      %swap3A_349 = arith.index_cast %add3A_348 : i32 to index
      %swap3A_350 = arith.constant 112 : index
      %swap3A_351 = tpu.vector_load %arg11[%swap3A_349, %swap3A_350] {strides = array<i32>} : memref<80x128xf32, #tpu.memory_space<vmem>>, vector<16xf32>,
      tpu.vector_store %arg11[%swap3A_349, %swap3A_350], %unpack3A_343 {strides = array<i32>} : memref<80x128xf32, #tpu.memory_space<vmem>>, vector<16xf32>,
      %scan3A_352 = arith.constant 0 : i32
      scf.yield %scan3A_352 : i32
    }
    %scan3A_54 = arith.constant 40 : i32
    %get3A = arith.constant 0 : index
    %get3A_55 = tpu.vector_load %arg5[%get3A] {strides = array<i32>} : memref<80xi32, #tpu.memory_space<vmem>>, vector<16xi32>,
    %swap3A = arith.constant 0 : index
    %swap3A_56 = tpu.vector_load %arg7[%swap3A] {strides = array<i32>} : memref<80xi32, #tpu.memory_space<vmem>>, vector<16xi32>,
    tpu.vector_store %arg7[%swap3A], %get3A_55 {strides = array<i32>} : memref<80xi32, #tpu.memory_space<vmem>>, vector<16xi32>,
    %get3A_57 = arith.constant 16 : index
    %get3A_58 = tpu.vector_load %arg5[%get3A_57] {strides = array<i32>} : memref<80xi32, #tpu.memory_space<vmem>>, vector<16xi32>,
    %swap3A_59 = arith.constant 16 : index
    %swap3A_60 = tpu.vector_load %arg7[%swap3A_59] {strides = array<i32>} : memref<80xi32, #tpu.memory_space<vmem>>, vector<16xi32>,
    tpu.vector_store %arg7[%swap3A_59], %get3A_58 {strides = array<i32>} : memref<80xi32, #tpu.memory_space<vmem>>, vector<16xi32>,
    %get3A_61 = arith.constant 32 : index
    %get3A_62 = tpu.vector_load %arg5[%get3A_61] {strides = array<i32>} : memref<80xi32, #tpu.memory_space<vmem>>, vector<16xi32>,
    %swap3A_63 = arith.constant 32 : index
    %swap3A_64 = tpu.vector_load %arg7[%swap3A_63] {strides = array<i32>} : memref<80xi32, #tpu.memory_space<vmem>>, vector<16xi32>,
    tpu.vector_store %arg7[%swap3A_63], %get3A_62 {strides = array<i32>} : memref<80xi32, #tpu.memory_space<vmem>>, vector<16xi32>,
    %get3A_65 = arith.constant 48 : index
    %get3A_66 = tpu.vector_load %arg5[%get3A_65] {strides = array<i32>} : memref<80xi32, #tpu.memory_space<vmem>>, vector<16xi32>,
    %swap3A_67 = arith.constant 48 : index
    %swap3A_68 = tpu.vector_load %arg7[%swap3A_67] {strides = array<i32>} : memref<80xi32, #tpu.memory_space<vmem>>, vector<16xi32>,
    tpu.vector_store %arg7[%swap3A_67], %get3A_66 {strides = array<i32>} : memref<80xi32, #tpu.memory_space<vmem>>, vector<16xi32>,
    %get3A_69 = arith.constant 64 : index
    %get3A_70 = tpu.vector_load %arg5[%get3A_69] {strides = array<i32>} : memref<80xi32, #tpu.memory_space<vmem>>, vector<16xi32>,
    %swap3A_71 = arith.constant 64 : index
    %swap3A_72 = tpu.vector_load %arg7[%swap3A_71] {strides = array<i32>} : memref<80xi32, #tpu.memory_space<vmem>>, vector<16xi32>,
    tpu.vector_store %arg7[%swap3A_71], %get3A_70 {strides = array<i32>} : memref<80xi32, #tpu.memory_space<vmem>>, vector<16xi32>,
    %add3A_73 = arith.constant 160 : i32
    %add3A_74 = arith.addi %add3A_4, %add3A_73 : i32
    %add3A_75 = arith.constant 80 : i32
    %add3A_76 = arith.addi %mul3A_6, %add3A_75 : i32
    %dma_start3A_77 = tpu.memref_slice %arg3[%add3A_74] : memref<320000xi32, #tpu.memory_space<hbm>> -> memref<80xi32, #tpu.memory_space<hbm>>
    %dma_start3A_78 = tpu.memref_slice %arg3[%add3A_74] : memref<320000xi32, #tpu.memory_space<hbm>> -> memref<80xi32, #tpu.memory_space<hbm>>
    tpu.enqueue_dma source(%dma_start3A_78 : memref<80xi32, #tpu.memory_space<hbm>>) target(%arg5 : memref<80xi32, #tpu.memory_space<vmem>>) target_semaphore(%arg15 : memref<!tpu.dma_semaphore, #tpu.memory_space<semaphore_mem>>)
    %dma_start3A_79 = arith.constant 0 : i32
    %dma_start3A_80 = tpu.memref_slice %arg2[%add3A_76, %dma_start3A_79] : memref<76800x128xi32, #tpu.memory_space<hbm>> -> memref<40x128xi32, #tpu.memory_space<hbm>>
    %dma_start3A_81 = arith.constant 0 : i32
    %dma_start3A_82 = tpu.memref_slice %arg2[%add3A_76, %dma_start3A_81] : memref<76800x128xi32, #tpu.memory_space<hbm>> -> memref<40x128xi32, #tpu.memory_space<hbm>>
    tpu.enqueue_dma source(%dma_start3A_82 : memref<40x128xi32, #tpu.memory_space<hbm>>) target(%arg9 : memref<40x128xi32, #tpu.memory_space<vmem>>) target_semaphore(%arg17 : memref<!tpu.dma_semaphore, #tpu.memory_space<semaphore_mem>>)
    %dma_start3A_83 = arith.constant 0 : i32
    %dma_start3A_84 = arith.constant 0 : i32
    %dma_start3A_85 = tpu.memref_slice %arg14[%dma_start3A_83, %dma_start3A_84] : memref<10240x128xf32, #tpu.memory_space<vmem_shared>> -> memref<10240x128xf32, #tpu.memory_space<vmem_shared>>
    tpu.enqueue_indirect_dma source(%arg11 : memref<80x128xf32, #tpu.memory_space<vmem>>) target(%dma_start3A_85 : memref<10240x128xf32, #tpu.memory_space<vmem_shared>>) offsets(%arg7 : memref<80xi32, #tpu.memory_space<vmem>>) semaphore(%arg19 : memref<!tpu.dma_semaphore, #tpu.memory_space<semaphore_mem>>) {add = true}
    %add3A_86 = arith.constant 80 : i32
    %add3A_87 = arith.addi %add3A_4, %add3A_86 : i32
    %add3A_88 = arith.constant 40 : i32
    %add3A_89 = arith.addi %mul3A_6, %add3A_88 : i32
    %dma_wait3A_90 = tpu.memref_slice %arg3[%add3A_87] : memref<320000xi32, #tpu.memory_space<hbm>> -> memref<80xi32, #tpu.memory_space<hbm>>
    %dma_wait3A_91 = tpu.memref_slice %arg3[%add3A_87] : memref<320000xi32, #tpu.memory_space<hbm>> -> memref<80xi32, #tpu.memory_space<hbm>>
    tpu.wait_dma2 semaphore(%arg16 : memref<!tpu.dma_semaphore, #tpu.memory_space<semaphore_mem>>) src(%dma_wait3A_91 : memref<80xi32, #tpu.memory_space<hbm>>) dst(%arg6 : memref<80xi32, #tpu.memory_space<vmem>>)
    %dma_wait3A_92 = arith.constant 0 : i32
    %dma_wait3A_93 = tpu.memref_slice %arg2[%add3A_89, %dma_wait3A_92] : memref<76800x128xi32, #tpu.memory_space<hbm>> -> memref<40x128xi32, #tpu.memory_space<hbm>>
    %dma_wait3A_94 = arith.constant 0 : i32
    %dma_wait3A_95 = tpu.memref_slice %arg2[%add3A_89, %dma_wait3A_94] : memref<76800x128xi32, #tpu.memory_space<hbm>> -> memref<40x128xi32, #tpu.memory_space<hbm>>
    tpu.wait_dma2 semaphore(%arg18 : memref<!tpu.dma_semaphore, #tpu.memory_space<semaphore_mem>>) src(%dma_wait3A_95 : memref<40x128xi32, #tpu.memory_space<hbm>>) dst(%arg10 : memref<40x128xi32, #tpu.memory_space<vmem>>)
    %scan3A_96 = arith.constant 0 : i32
    %scan3A_97 = arith.constant 0 : i32
    %scan3A_98 = arith.constant 40 : i32
    %scan3A_99 = arith.addi %scan3A_97, %scan3A_98 : i32
    %scan3A_100 = arith.constant 1 : i32
    %scan3A_101 = scf.for %scan3A_240 = %scan3A_97 to %scan3A_99 step %scan3A_100 iter_args(%scan3A_241 = %scan3A_96) -> (i32)  : i32 {
      %get3A_242 = arith.index_cast %scan3A_240 : i32 to index
      %get3A_243 = arith.constant 0 : index
      %get3A_244 = tpu.vector_load %arg10[%get3A_242, %get3A_243] {strides = array<i32>} : memref<40x128xi32, #tpu.memory_space<vmem>>, vector<16xi32>,
      %bitcast3A = vector.bitcast %get3A_244 : vector<16xi32> to vector<32xbf16>
      %unpack3A = tpu.unpack_subelements %bitcast3A, 0 {pack_format = #tpu.pack_format<interleaved>} : vector<32xbf16> -> vector<16xf32>
      %unpack3A_245 = tpu.unpack_subelements %bitcast3A, 1 {pack_format = #tpu.pack_format<interleaved>} : vector<32xbf16> -> vector<16xf32>
      %swap3A_246 = arith.index_cast %scan3A_240 : i32 to index
      %swap3A_247 = arith.constant 0 : index
      %swap3A_248 = tpu.vector_load %arg12[%swap3A_246, %swap3A_247] {strides = array<i32>} : memref<80x128xf32, #tpu.memory_space<vmem>>, vector<16xf32>,
      tpu.vector_store %arg12[%swap3A_246, %swap3A_247], %unpack3A {strides = array<i32>} : memref<80x128xf32, #tpu.memory_space<vmem>>, vector<16xf32>,
      %add3A_249 = arith.constant 40 : i32
      %add3A_250 = arith.addi %scan3A_240, %add3A_249 : i32
      %swap3A_251 = arith.index_cast %add3A_250 : i32 to index
      %swap3A_252 = arith.constant 0 : index
      %swap3A_253 = tpu.vector_load %arg12[%swap3A_251, %swap3A_252] {strides = array<i32>} : memref<80x128xf32, #tpu.memory_space<vmem>>, vector<16xf32>,
      tpu.vector_store %arg12[%swap3A_251, %swap3A_252], %unpack3A_245 {strides = array<i32>} : memref<80x128xf32, #tpu.memory_space<vmem>>, vector<16xf32>,
      %get3A_254 = arith.index_cast %scan3A_240 : i32 to index
      %get3A_255 = arith.constant 16 : index
      %get3A_256 = tpu.vector_load %arg10[%get3A_254, %get3A_255] {strides = array<i32>} : memref<40x128xi32, #tpu.memory_space<vmem>>, vector<16xi32>,
      %bitcast3A_257 = vector.bitcast %get3A_256 : vector<16xi32> to vector<32xbf16>
      %unpack3A_258 = tpu.unpack_subelements %bitcast3A_257, 0 {pack_format = #tpu.pack_format<interleaved>} : vector<32xbf16> -> vector<16xf32>
      %unpack3A_259 = tpu.unpack_subelements %bitcast3A_257, 1 {pack_format = #tpu.pack_format<interleaved>} : vector<32xbf16> -> vector<16xf32>
      %swap3A_260 = arith.index_cast %scan3A_240 : i32 to index
      %swap3A_261 = arith.constant 16 : index
      %swap3A_262 = tpu.vector_load %arg12[%swap3A_260, %swap3A_261] {strides = array<i32>} : memref<80x128xf32, #tpu.memory_space<vmem>>, vector<16xf32>,
      tpu.vector_store %arg12[%swap3A_260, %swap3A_261], %unpack3A_258 {strides = array<i32>} : memref<80x128xf32, #tpu.memory_space<vmem>>, vector<16xf32>,
      %add3A_263 = arith.constant 40 : i32
      %add3A_264 = arith.addi %scan3A_240, %add3A_263 : i32
      %swap3A_265 = arith.index_cast %add3A_264 : i32 to index
      %swap3A_266 = arith.constant 16 : index
      %swap3A_267 = tpu.vector_load %arg12[%swap3A_265, %swap3A_266] {strides = array<i32>} : memref<80x128xf32, #tpu.memory_space<vmem>>, vector<16xf32>,
      tpu.vector_store %arg12[%swap3A_265, %swap3A_266], %unpack3A_259 {strides = array<i32>} : memref<80x128xf32, #tpu.memory_space<vmem>>, vector<16xf32>,
      %get3A_268 = arith.index_cast %scan3A_240 : i32 to index
      %get3A_269 = arith.constant 32 : index
      %get3A_270 = tpu.vector_load %arg10[%get3A_268, %get3A_269] {strides = array<i32>} : memref<40x128xi32, #tpu.memory_space<vmem>>, vector<16xi32>,
      %bitcast3A_271 = vector.bitcast %get3A_270 : vector<16xi32> to vector<32xbf16>
      %unpack3A_272 = tpu.unpack_subelements %bitcast3A_271, 0 {pack_format = #tpu.pack_format<interleaved>} : vector<32xbf16> -> vector<16xf32>
      %unpack3A_273 = tpu.unpack_subelements %bitcast3A_271, 1 {pack_format = #tpu.pack_format<interleaved>} : vector<32xbf16> -> vector<16xf32>
      %swap3A_274 = arith.index_cast %scan3A_240 : i32 to index
      %swap3A_275 = arith.constant 32 : index
      %swap3A_276 = tpu.vector_load %arg12[%swap3A_274, %swap3A_275] {strides = array<i32>} : memref<80x128xf32, #tpu.memory_space<vmem>>, vector<16xf32>,
      tpu.vector_store %arg12[%swap3A_274, %swap3A_275], %unpack3A_272 {strides = array<i32>} : memref<80x128xf32, #tpu.memory_space<vmem>>, vector<16xf32>,
      %add3A_277 = arith.constant 40 : i32
      %add3A_278 = arith.addi %scan3A_240, %add3A_277 : i32
      %swap3A_279 = arith.index_cast %add3A_278 : i32 to index
      %swap3A_280 = arith.constant 32 : index
      %swap3A_281 = tpu.vector_load %arg12[%swap3A_279, %swap3A_280] {strides = array<i32>} : memref<80x128xf32, #tpu.memory_space<vmem>>, vector<16xf32>,
      tpu.vector_store %arg12[%swap3A_279, %swap3A_280], %unpack3A_273 {strides = array<i32>} : memref<80x128xf32, #tpu.memory_space<vmem>>, vector<16xf32>,
      %get3A_282 = arith.index_cast %scan3A_240 : i32 to index
      %get3A_283 = arith.constant 48 : index
      %get3A_284 = tpu.vector_load %arg10[%get3A_282, %get3A_283] {strides = array<i32>} : memref<40x128xi32, #tpu.memory_space<vmem>>, vector<16xi32>,
      %bitcast3A_285 = vector.bitcast %get3A_284 : vector<16xi32> to vector<32xbf16>
      %unpack3A_286 = tpu.unpack_subelements %bitcast3A_285, 0 {pack_format = #tpu.pack_format<interleaved>} : vector<32xbf16> -> vector<16xf32>
      %unpack3A_287 = tpu.unpack_subelements %bitcast3A_285, 1 {pack_format = #tpu.pack_format<interleaved>} : vector<32xbf16> -> vector<16xf32>
      %swap3A_288 = arith.index_cast %scan3A_240 : i32 to index
      %swap3A_289 = arith.constant 48 : index
      %swap3A_290 = tpu.vector_load %arg12[%swap3A_288, %swap3A_289] {strides = array<i32>} : memref<80x128xf32, #tpu.memory_space<vmem>>, vector<16xf32>,
      tpu.vector_store %arg12[%swap3A_288, %swap3A_289], %unpack3A_286 {strides = array<i32>} : memref<80x128xf32, #tpu.memory_space<vmem>>, vector<16xf32>,
      %add3A_291 = arith.constant 40 : i32
      %add3A_292 = arith.addi %scan3A_240, %add3A_291 : i32
      %swap3A_293 = arith.index_cast %add3A_292 : i32 to index
      %swap3A_294 = arith.constant 48 : index
      %swap3A_295 = tpu.vector_load %arg12[%swap3A_293, %swap3A_294] {strides = array<i32>} : memref<80x128xf32, #tpu.memory_space<vmem>>, vector<16xf32>,
      tpu.vector_store %arg12[%swap3A_293, %swap3A_294], %unpack3A_287 {strides = array<i32>} : memref<80x128xf32, #tpu.memory_space<vmem>>, vector<16xf32>,
      %get3A_296 = arith.index_cast %scan3A_240 : i32 to index
      %get3A_297 = arith.constant 64 : index
      %get3A_298 = tpu.vector_load %arg10[%get3A_296, %get3A_297] {strides = array<i32>} : memref<40x128xi32, #tpu.memory_space<vmem>>, vector<16xi32>,
      %bitcast3A_299 = vector.bitcast %get3A_298 : vector<16xi32> to vector<32xbf16>
      %unpack3A_300 = tpu.unpack_subelements %bitcast3A_299, 0 {pack_format = #tpu.pack_format<interleaved>} : vector<32xbf16> -> vector<16xf32>
      %unpack3A_301 = tpu.unpack_subelements %bitcast3A_299, 1 {pack_format = #tpu.pack_format<interleaved>} : vector<32xbf16> -> vector<16xf32>
      %swap3A_302 = arith.index_cast %scan3A_240 : i32 to index
      %swap3A_303 = arith.constant 64 : index
      %swap3A_304 = tpu.vector_load %arg12[%swap3A_302, %swap3A_303] {strides = array<i32>} : memref<80x128xf32, #tpu.memory_space<vmem>>, vector<16xf32>,
      tpu.vector_store %arg12[%swap3A_302, %swap3A_303], %unpack3A_300 {strides = array<i32>} : memref<80x128xf32, #tpu.memory_space<vmem>>, vector<16xf32>,
      %add3A_305 = arith.constant 40 : i32
      %add3A_306 = arith.addi %scan3A_240, %add3A_305 : i32
      %swap3A_307 = arith.index_cast %add3A_306 : i32 to index
      %swap3A_308 = arith.constant 64 : index
      %swap3A_309 = tpu.vector_load %arg12[%swap3A_307, %swap3A_308] {strides = array<i32>} : memref<80x128xf32, #tpu.memory_space<vmem>>, vector<16xf32>,
      tpu.vector_store %arg12[%swap3A_307, %swap3A_308], %unpack3A_301 {strides = array<i32>} : memref<80x128xf32, #tpu.memory_space<vmem>>, vector<16xf32>,
      %get3A_310 = arith.index_cast %scan3A_240 : i32 to index
      %get3A_311 = arith.constant 80 : index
      %get3A_312 = tpu.vector_load %arg10[%get3A_310, %get3A_311] {strides = array<i32>} : memref<40x128xi32, #tpu.memory_space<vmem>>, vector<16xi32>,
      %bitcast3A_313 = vector.bitcast %get3A_312 : vector<16xi32> to vector<32xbf16>
      %unpack3A_314 = tpu.unpack_subelements %bitcast3A_313, 0 {pack_format = #tpu.pack_format<interleaved>} : vector<32xbf16> -> vector<16xf32>
      %unpack3A_315 = tpu.unpack_subelements %bitcast3A_313, 1 {pack_format = #tpu.pack_format<interleaved>} : vector<32xbf16> -> vector<16xf32>
      %swap3A_316 = arith.index_cast %scan3A_240 : i32 to index
      %swap3A_317 = arith.constant 80 : index
      %swap3A_318 = tpu.vector_load %arg12[%swap3A_316, %swap3A_317] {strides = array<i32>} : memref<80x128xf32, #tpu.memory_space<vmem>>, vector<16xf32>,
      tpu.vector_store %arg12[%swap3A_316, %swap3A_317], %unpack3A_314 {strides = array<i32>} : memref<80x128xf32, #tpu.memory_space<vmem>>, vector<16xf32>,
      %add3A_319 = arith.constant 40 : i32
      %add3A_320 = arith.addi %scan3A_240, %add3A_319 : i32
      %swap3A_321 = arith.index_cast %add3A_320 : i32 to index
      %swap3A_322 = arith.constant 80 : index
      %swap3A_323 = tpu.vector_load %arg12[%swap3A_321, %swap3A_322] {strides = array<i32>} : memref<80x128xf32, #tpu.memory_space<vmem>>, vector<16xf32>,
      tpu.vector_store %arg12[%swap3A_321, %swap3A_322], %unpack3A_315 {strides = array<i32>} : memref<80x128xf32, #tpu.memory_space<vmem>>, vector<16xf32>,
      %get3A_324 = arith.index_cast %scan3A_240 : i32 to index
      %get3A_325 = arith.constant 96 : index
      %get3A_326 = tpu.vector_load %arg10[%get3A_324, %get3A_325] {strides = array<i32>} : memref<40x128xi32, #tpu.memory_space<vmem>>, vector<16xi32>,
      %bitcast3A_327 = vector.bitcast %get3A_326 : vector<16xi32> to vector<32xbf16>
      %unpack3A_328 = tpu.unpack_subelements %bitcast3A_327, 0 {pack_format = #tpu.pack_format<interleaved>} : vector<32xbf16> -> vector<16xf32>
      %unpack3A_329 = tpu.unpack_subelements %bitcast3A_327, 1 {pack_format = #tpu.pack_format<interleaved>} : vector<32xbf16> -> vector<16xf32>
      %swap3A_330 = arith.index_cast %scan3A_240 : i32 to index
      %swap3A_331 = arith.constant 96 : index
      %swap3A_332 = tpu.vector_load %arg12[%swap3A_330, %swap3A_331] {strides = array<i32>} : memref<80x128xf32, #tpu.memory_space<vmem>>, vector<16xf32>,
      tpu.vector_store %arg12[%swap3A_330, %swap3A_331], %unpack3A_328 {strides = array<i32>} : memref<80x128xf32, #tpu.memory_space<vmem>>, vector<16xf32>,
      %add3A_333 = arith.constant 40 : i32
      %add3A_334 = arith.addi %scan3A_240, %add3A_333 : i32
      %swap3A_335 = arith.index_cast %add3A_334 : i32 to index
      %swap3A_336 = arith.constant 96 : index
      %swap3A_337 = tpu.vector_load %arg12[%swap3A_335, %swap3A_336] {strides = array<i32>} : memref<80x128xf32, #tpu.memory_space<vmem>>, vector<16xf32>,
      tpu.vector_store %arg12[%swap3A_335, %swap3A_336], %unpack3A_329 {strides = array<i32>} : memref<80x128xf32, #tpu.memory_space<vmem>>, vector<16xf32>,
      %get3A_338 = arith.index_cast %scan3A_240 : i32 to index
      %get3A_339 = arith.constant 112 : index
      %get3A_340 = tpu.vector_load %arg10[%get3A_338, %get3A_339] {strides = array<i32>} : memref<40x128xi32, #tpu.memory_space<vmem>>, vector<16xi32>,
      %bitcast3A_341 = vector.bitcast %get3A_340 : vector<16xi32> to vector<32xbf16>
      %unpack3A_342 = tpu.unpack_subelements %bitcast3A_341, 0 {pack_format = #tpu.pack_format<interleaved>} : vector<32xbf16> -> vector<16xf32>
      %unpack3A_343 = tpu.unpack_subelements %bitcast3A_341, 1 {pack_format = #tpu.pack_format<interleaved>} : vector<32xbf16> -> vector<16xf32>
      %swap3A_344 = arith.index_cast %scan3A_240 : i32 to index
      %swap3A_345 = arith.constant 112 : index
      %swap3A_346 = tpu.vector_load %arg12[%swap3A_344, %swap3A_345] {strides = array<i32>} : memref<80x128xf32, #tpu.memory_space<vmem>>, vector<16xf32>,
      tpu.vector_store %arg12[%swap3A_344, %swap3A_345], %unpack3A_342 {strides = array<i32>} : memref<80x128xf32, #tpu.memory_space<vmem>>, vector<16xf32>,
      %add3A_347 = arith.constant 40 : i32
      %add3A_348 = arith.addi %scan3A_240, %add3A_347 : i32
      %swap3A_349 = arith.index_cast %add3A_348 : i32 to index
      %swap3A_350 = arith.constant 112 : index
      %swap3A_351 = tpu.vector_load %arg12[%swap3A_349, %swap3A_350] {strides = array<i32>} : memref<80x128xf32, #tpu.memory_space<vmem>>, vector<16xf32>,
      tpu.vector_store %arg12[%swap3A_349, %swap3A_350], %unpack3A_343 {strides = array<i32>} : memref<80x128xf32, #tpu.memory_space<vmem>>, vector<16xf32>,
      %scan3A_352 = arith.constant 0 : i32
      scf.yield %scan3A_352 : i32
    }
    %scan3A_102 = arith.constant 40 : i32
    %get3A_103 = arith.constant 0 : index
    %get3A_104 = tpu.vector_load %arg6[%get3A_103] {strides = array<i32>} : memref<80xi32, #tpu.memory_space<vmem>>, vector<16xi32>,
    %swap3A_105 = arith.constant 0 : index
    %swap3A_106 = tpu.vector_load %arg8[%swap3A_105] {strides = array<i32>} : memref<80xi32, #tpu.memory_space<vmem>>, vector<16xi32>,
    tpu.vector_store %arg8[%swap3A_105], %get3A_104 {strides = array<i32>} : memref<80xi32, #tpu.memory_space<vmem>>, vector<16xi32>,
    %get3A_107 = arith.constant 16 : index
    %get3A_108 = tpu.vector_load %arg6[%get3A_107] {strides = array<i32>} : memref<80xi32, #tpu.memory_space<vmem>>, vector<16xi32>,
    %swap3A_109 = arith.constant 16 : index
    %swap3A_110 = tpu.vector_load %arg8[%swap3A_109] {strides = array<i32>} : memref<80xi32, #tpu.memory_space<vmem>>, vector<16xi32>,
    tpu.vector_store %arg8[%swap3A_109], %get3A_108 {strides = array<i32>} : memref<80xi32, #tpu.memory_space<vmem>>, vector<16xi32>,
    %get3A_111 = arith.constant 32 : index
    %get3A_112 = tpu.vector_load %arg6[%get3A_111] {strides = array<i32>} : memref<80xi32, #tpu.memory_space<vmem>>, vector<16xi32>,
    %swap3A_113 = arith.constant 32 : index
    %swap3A_114 = tpu.vector_load %arg8[%swap3A_113] {strides = array<i32>} : memref<80xi32, #tpu.memory_space<vmem>>, vector<16xi32>,
    tpu.vector_store %arg8[%swap3A_113], %get3A_112 {strides = array<i32>} : memref<80xi32, #tpu.memory_space<vmem>>, vector<16xi32>,
    %get3A_115 = arith.constant 48 : index
    %get3A_116 = tpu.vector_load %arg6[%get3A_115] {strides = array<i32>} : memref<80xi32, #tpu.memory_space<vmem>>, vector<16xi32>,
    %swap3A_117 = arith.constant 48 : index
    %swap3A_118 = tpu.vector_load %arg8[%swap3A_117] {strides = array<i32>} : memref<80xi32, #tpu.memory_space<vmem>>, vector<16xi32>,
    tpu.vector_store %arg8[%swap3A_117], %get3A_116 {strides = array<i32>} : memref<80xi32, #tpu.memory_space<vmem>>, vector<16xi32>,
    %get3A_119 = arith.constant 64 : index
    %get3A_120 = tpu.vector_load %arg6[%get3A_119] {strides = array<i32>} : memref<80xi32, #tpu.memory_space<vmem>>, vector<16xi32>,
    %swap3A_121 = arith.constant 64 : index
    %swap3A_122 = tpu.vector_load %arg8[%swap3A_121] {strides = array<i32>} : memref<80xi32, #tpu.memory_space<vmem>>, vector<16xi32>,
    tpu.vector_store %arg8[%swap3A_121], %get3A_120 {strides = array<i32>} : memref<80xi32, #tpu.memory_space<vmem>>, vector<16xi32>,
    %add3A_123 = arith.constant 240 : i32
    %add3A_124 = arith.addi %add3A_4, %add3A_123 : i32
    %add3A_125 = arith.constant 120 : i32
    %add3A_126 = arith.addi %mul3A_6, %add3A_125 : i32
    %dma_start3A_127 = tpu.memref_slice %arg3[%add3A_124] : memref<320000xi32, #tpu.memory_space<hbm>> -> memref<80xi32, #tpu.memory_space<hbm>>
    %dma_start3A_128 = tpu.memref_slice %arg3[%add3A_124] : memref<320000xi32, #tpu.memory_space<hbm>> -> memref<80xi32, #tpu.memory_space<hbm>>
    tpu.enqueue_dma source(%dma_start3A_128 : memref<80xi32, #tpu.memory_space<hbm>>) target(%arg6 : memref<80xi32, #tpu.memory_space<vmem>>) target_semaphore(%arg16 : memref<!tpu.dma_semaphore, #tpu.memory_space<semaphore_mem>>)
    %dma_start3A_129 = arith.constant 0 : i32
    %dma_start3A_130 = tpu.memref_slice %arg2[%add3A_126, %dma_start3A_129] : memref<76800x128xi32, #tpu.memory_space<hbm>> -> memref<40x128xi32, #tpu.memory_space<hbm>>
    %dma_start3A_131 = arith.constant 0 : i32
    %dma_start3A_132 = tpu.memref_slice %arg2[%add3A_126, %dma_start3A_131] : memref<76800x128xi32, #tpu.memory_space<hbm>> -> memref<40x128xi32, #tpu.memory_space<hbm>>
    tpu.enqueue_dma source(%dma_start3A_132 : memref<40x128xi32, #tpu.memory_space<hbm>>) target(%arg10 : memref<40x128xi32, #tpu.memory_space<vmem>>) target_semaphore(%arg18 : memref<!tpu.dma_semaphore, #tpu.memory_space<semaphore_mem>>)
    %dma_start3A_133 = arith.constant 0 : i32
    %dma_start3A_134 = arith.constant 0 : i32
    %dma_start3A_135 = tpu.memref_slice %arg14[%dma_start3A_133, %dma_start3A_134] : memref<10240x128xf32, #tpu.memory_space<vmem_shared>> -> memref<10240x128xf32, #tpu.memory_space<vmem_shared>>
    tpu.enqueue_indirect_dma source(%arg12 : memref<80x128xf32, #tpu.memory_space<vmem>>) target(%dma_start3A_135 : memref<10240x128xf32, #tpu.memory_space<vmem_shared>>) offsets(%arg8 : memref<80xi32, #tpu.memory_space<vmem>>) semaphore(%arg20 : memref<!tpu.dma_semaphore, #tpu.memory_space<semaphore_mem>>) {add = true}
    %scan3A_136 = arith.constant 0 : i32
    %scan3A_137 = arith.constant 1 : i32
    %scan3A_138 = arith.constant 28 : i32
    %scan3A_139 = arith.addi %scan3A_137, %scan3A_138 : i32
    %scan3A_140 = arith.constant 1 : i32
    %scan3A_141 = scf.for %scan3A_240 = %scan3A_137 to %scan3A_139 step %scan3A_140 iter_args(%scan3A_241 = %scan3A_136) -> (i32)  : i32 {
      %mul3A_242 = arith.constant 2 : i32
      %mul3A_243 = arith.muli %mul3A_242, %scan3A_240 : i32
      %mul3A_244 = arith.constant 2 : i32
      %mul3A_245 = arith.muli %mul3A_244, %scan3A_240 : i32
      %add3A_246 = arith.constant 1 : i32
      %add3A_247 = arith.addi %mul3A_245, %add3A_246 : i32
      %mul3A_248 = arith.constant 80 : i32
      %mul3A_249 = arith.muli %mul3A_243, %mul3A_248 : i32
      %add3A_250 = arith.addi %add3A_4, %mul3A_249 : i32
      %mul3A_251 = arith.constant 40 : i32
      %mul3A_252 = arith.muli %mul3A_243, %mul3A_251 : i32
      %add3A_253 = arith.addi %mul3A_6, %mul3A_252 : i32
      %dma_wait3A_254 = tpu.memref_slice %arg3[%add3A_250] : memref<320000xi32, #tpu.memory_space<hbm>> -> memref<80xi32, #tpu.memory_space<hbm>>
      %dma_wait3A_255 = tpu.memref_slice %arg3[%add3A_250] : memref<320000xi32, #tpu.memory_space<hbm>> -> memref<80xi32, #tpu.memory_space<hbm>>
      tpu.wait_dma2 semaphore(%arg15 : memref<!tpu.dma_semaphore, #tpu.memory_space<semaphore_mem>>) src(%dma_wait3A_255 : memref<80xi32, #tpu.memory_space<hbm>>) dst(%arg5 : memref<80xi32, #tpu.memory_space<vmem>>)
      %dma_wait3A_256 = arith.constant 0 : i32
      %dma_wait3A_257 = tpu.memref_slice %arg2[%add3A_253, %dma_wait3A_256] : memref<76800x128xi32, #tpu.memory_space<hbm>> -> memref<40x128xi32, #tpu.memory_space<hbm>>
      %dma_wait3A_258 = arith.constant 0 : i32
      %dma_wait3A_259 = tpu.memref_slice %arg2[%add3A_253, %dma_wait3A_258] : memref<76800x128xi32, #tpu.memory_space<hbm>> -> memref<40x128xi32, #tpu.memory_space<hbm>>
      tpu.wait_dma2 semaphore(%arg17 : memref<!tpu.dma_semaphore, #tpu.memory_space<semaphore_mem>>) src(%dma_wait3A_259 : memref<40x128xi32, #tpu.memory_space<hbm>>) dst(%arg9 : memref<40x128xi32, #tpu.memory_space<vmem>>)
      %dma_wait3A_260 = arith.constant 0 : i32
      %dma_wait3A_261 = arith.constant 0 : i32
      %dma_wait3A_262 = tpu.memref_slice %arg14[%dma_wait3A_260, %dma_wait3A_261] : memref<10240x128xf32, #tpu.memory_space<vmem_shared>> -> memref<10240x128xf32, #tpu.memory_space<vmem_shared>>
      tpu.wait_indirect_dma semaphore(%arg19 : memref<!tpu.dma_semaphore, #tpu.memory_space<semaphore_mem>>) src(%arg11 : memref<80x128xf32, #tpu.memory_space<vmem>>) dst(%dma_wait3A_262 : memref<10240x128xf32, #tpu.memory_space<vmem_shared>>)
      %scan3A_263 = arith.constant 0 : i32
      %scan3A_264 = arith.constant 0 : i32
      %scan3A_265 = arith.constant 40 : i32
      %scan3A_266 = arith.addi %scan3A_264, %scan3A_265 : i32
      %scan3A_267 = arith.constant 1 : i32
      %scan3A_268 = scf.for %scan3A_367 = %scan3A_264 to %scan3A_266 step %scan3A_267 iter_args(%scan3A_368 = %scan3A_263) -> (i32)  : i32 {
        %get3A_369 = arith.index_cast %scan3A_367 : i32 to index
        %get3A_370 = arith.constant 0 : index
        %get3A_371 = tpu.vector_load %arg9[%get3A_369, %get3A_370] {strides = array<i32>} : memref<40x128xi32, #tpu.memory_space<vmem>>, vector<16xi32>,
        %bitcast3A = vector.bitcast %get3A_371 : vector<16xi32> to vector<32xbf16>
        %unpack3A = tpu.unpack_subelements %bitcast3A, 0 {pack_format = #tpu.pack_format<interleaved>} : vector<32xbf16> -> vector<16xf32>
        %unpack3A_372 = tpu.unpack_subelements %bitcast3A, 1 {pack_format = #tpu.pack_format<interleaved>} : vector<32xbf16> -> vector<16xf32>
        %swap3A_373 = arith.index_cast %scan3A_367 : i32 to index
        %swap3A_374 = arith.constant 0 : index
        %swap3A_375 = tpu.vector_load %arg11[%swap3A_373, %swap3A_374] {strides = array<i32>} : memref<80x128xf32, #tpu.memory_space<vmem>>, vector<16xf32>,
        tpu.vector_store %arg11[%swap3A_373, %swap3A_374], %unpack3A {strides = array<i32>} : memref<80x128xf32, #tpu.memory_space<vmem>>, vector<16xf32>,
        %add3A_376 = arith.constant 40 : i32
        %add3A_377 = arith.addi %scan3A_367, %add3A_376 : i32
        %swap3A_378 = arith.index_cast %add3A_377 : i32 to index
        %swap3A_379 = arith.constant 0 : index
        %swap3A_380 = tpu.vector_load %arg11[%swap3A_378, %swap3A_379] {strides = array<i32>} : memref<80x128xf32, #tpu.memory_space<vmem>>, vector<16xf32>,
        tpu.vector_store %arg11[%swap3A_378, %swap3A_379], %unpack3A_372 {strides = array<i32>} : memref<80x128xf32, #tpu.memory_space<vmem>>, vector<16xf32>,
        %get3A_381 = arith.index_cast %scan3A_367 : i32 to index
        %get3A_382 = arith.constant 16 : index
        %get3A_383 = tpu.vector_load %arg9[%get3A_381, %get3A_382] {strides = array<i32>} : memref<40x128xi32, #tpu.memory_space<vmem>>, vector<16xi32>,
        %bitcast3A_384 = vector.bitcast %get3A_383 : vector<16xi32> to vector<32xbf16>
        %unpack3A_385 = tpu.unpack_subelements %bitcast3A_384, 0 {pack_format = #tpu.pack_format<interleaved>} : vector<32xbf16> -> vector<16xf32>
        %unpack3A_386 = tpu.unpack_subelements %bitcast3A_384, 1 {pack_format = #tpu.pack_format<interleaved>} : vector<32xbf16> -> vector<16xf32>
        %swap3A_387 = arith.index_cast %scan3A_367 : i32 to index
        %swap3A_388 = arith.constant 16 : index
        %swap3A_389 = tpu.vector_load %arg11[%swap3A_387, %swap3A_388] {strides = array<i32>} : memref<80x128xf32, #tpu.memory_space<vmem>>, vector<16xf32>,
        tpu.vector_store %arg11[%swap3A_387, %swap3A_388], %unpack3A_385 {strides = array<i32>} : memref<80x128xf32, #tpu.memory_space<vmem>>, vector<16xf32>,
        %add3A_390 = arith.constant 40 : i32
        %add3A_391 = arith.addi %scan3A_367, %add3A_390 : i32
        %swap3A_392 = arith.index_cast %add3A_391 : i32 to index
        %swap3A_393 = arith.constant 16 : index
        %swap3A_394 = tpu.vector_load %arg11[%swap3A_392, %swap3A_393] {strides = array<i32>} : memref<80x128xf32, #tpu.memory_space<vmem>>, vector<16xf32>,
        tpu.vector_store %arg11[%swap3A_392, %swap3A_393], %unpack3A_386 {strides = array<i32>} : memref<80x128xf32, #tpu.memory_space<vmem>>, vector<16xf32>,
        %get3A_395 = arith.index_cast %scan3A_367 : i32 to index
        %get3A_396 = arith.constant 32 : index
        %get3A_397 = tpu.vector_load %arg9[%get3A_395, %get3A_396] {strides = array<i32>} : memref<40x128xi32, #tpu.memory_space<vmem>>, vector<16xi32>,
        %bitcast3A_398 = vector.bitcast %get3A_397 : vector<16xi32> to vector<32xbf16>
        %unpack3A_399 = tpu.unpack_subelements %bitcast3A_398, 0 {pack_format = #tpu.pack_format<interleaved>} : vector<32xbf16> -> vector<16xf32>
        %unpack3A_400 = tpu.unpack_subelements %bitcast3A_398, 1 {pack_format = #tpu.pack_format<interleaved>} : vector<32xbf16> -> vector<16xf32>
        %swap3A_401 = arith.index_cast %scan3A_367 : i32 to index
        %swap3A_402 = arith.constant 32 : index
        %swap3A_403 = tpu.vector_load %arg11[%swap3A_401, %swap3A_402] {strides = array<i32>} : memref<80x128xf32, #tpu.memory_space<vmem>>, vector<16xf32>,
        tpu.vector_store %arg11[%swap3A_401, %swap3A_402], %unpack3A_399 {strides = array<i32>} : memref<80x128xf32, #tpu.memory_space<vmem>>, vector<16xf32>,
        %add3A_404 = arith.constant 40 : i32
        %add3A_405 = arith.addi %scan3A_367, %add3A_404 : i32
        %swap3A_406 = arith.index_cast %add3A_405 : i32 to index
        %swap3A_407 = arith.constant 32 : index
        %swap3A_408 = tpu.vector_load %arg11[%swap3A_406, %swap3A_407] {strides = array<i32>} : memref<80x128xf32, #tpu.memory_space<vmem>>, vector<16xf32>,
        tpu.vector_store %arg11[%swap3A_406, %swap3A_407], %unpack3A_400 {strides = array<i32>} : memref<80x128xf32, #tpu.memory_space<vmem>>, vector<16xf32>,
        %get3A_409 = arith.index_cast %scan3A_367 : i32 to index
        %get3A_410 = arith.constant 48 : index
        %get3A_411 = tpu.vector_load %arg9[%get3A_409, %get3A_410] {strides = array<i32>} : memref<40x128xi32, #tpu.memory_space<vmem>>, vector<16xi32>,
        %bitcast3A_412 = vector.bitcast %get3A_411 : vector<16xi32> to vector<32xbf16>
        %unpack3A_413 = tpu.unpack_subelements %bitcast3A_412, 0 {pack_format = #tpu.pack_format<interleaved>} : vector<32xbf16> -> vector<16xf32>
        %unpack3A_414 = tpu.unpack_subelements %bitcast3A_412, 1 {pack_format = #tpu.pack_format<interleaved>} : vector<32xbf16> -> vector<16xf32>
        %swap3A_415 = arith.index_cast %scan3A_367 : i32 to index
        %swap3A_416 = arith.constant 48 : index
        %swap3A_417 = tpu.vector_load %arg11[%swap3A_415, %swap3A_416] {strides = array<i32>} : memref<80x128xf32, #tpu.memory_space<vmem>>, vector<16xf32>,
        tpu.vector_store %arg11[%swap3A_415, %swap3A_416], %unpack3A_413 {strides = array<i32>} : memref<80x128xf32, #tpu.memory_space<vmem>>, vector<16xf32>,
        %add3A_418 = arith.constant 40 : i32
        %add3A_419 = arith.addi %scan3A_367, %add3A_418 : i32
        %swap3A_420 = arith.index_cast %add3A_419 : i32 to index
        %swap3A_421 = arith.constant 48 : index
        %swap3A_422 = tpu.vector_load %arg11[%swap3A_420, %swap3A_421] {strides = array<i32>} : memref<80x128xf32, #tpu.memory_space<vmem>>, vector<16xf32>,
        tpu.vector_store %arg11[%swap3A_420, %swap3A_421], %unpack3A_414 {strides = array<i32>} : memref<80x128xf32, #tpu.memory_space<vmem>>, vector<16xf32>,
        %get3A_423 = arith.index_cast %scan3A_367 : i32 to index
        %get3A_424 = arith.constant 64 : index
        %get3A_425 = tpu.vector_load %arg9[%get3A_423, %get3A_424] {strides = array<i32>} : memref<40x128xi32, #tpu.memory_space<vmem>>, vector<16xi32>,
        %bitcast3A_426 = vector.bitcast %get3A_425 : vector<16xi32> to vector<32xbf16>
        %unpack3A_427 = tpu.unpack_subelements %bitcast3A_426, 0 {pack_format = #tpu.pack_format<interleaved>} : vector<32xbf16> -> vector<16xf32>
        %unpack3A_428 = tpu.unpack_subelements %bitcast3A_426, 1 {pack_format = #tpu.pack_format<interleaved>} : vector<32xbf16> -> vector<16xf32>
        %swap3A_429 = arith.index_cast %scan3A_367 : i32 to index
        %swap3A_430 = arith.constant 64 : index
        %swap3A_431 = tpu.vector_load %arg11[%swap3A_429, %swap3A_430] {strides = array<i32>} : memref<80x128xf32, #tpu.memory_space<vmem>>, vector<16xf32>,
        tpu.vector_store %arg11[%swap3A_429, %swap3A_430], %unpack3A_427 {strides = array<i32>} : memref<80x128xf32, #tpu.memory_space<vmem>>, vector<16xf32>,
        %add3A_432 = arith.constant 40 : i32
        %add3A_433 = arith.addi %scan3A_367, %add3A_432 : i32
        %swap3A_434 = arith.index_cast %add3A_433 : i32 to index
        %swap3A_435 = arith.constant 64 : index
        %swap3A_436 = tpu.vector_load %arg11[%swap3A_434, %swap3A_435] {strides = array<i32>} : memref<80x128xf32, #tpu.memory_space<vmem>>, vector<16xf32>,
        tpu.vector_store %arg11[%swap3A_434, %swap3A_435], %unpack3A_428 {strides = array<i32>} : memref<80x128xf32, #tpu.memory_space<vmem>>, vector<16xf32>,
        %get3A_437 = arith.index_cast %scan3A_367 : i32 to index
        %get3A_438 = arith.constant 80 : index
        %get3A_439 = tpu.vector_load %arg9[%get3A_437, %get3A_438] {strides = array<i32>} : memref<40x128xi32, #tpu.memory_space<vmem>>, vector<16xi32>,
        %bitcast3A_440 = vector.bitcast %get3A_439 : vector<16xi32> to vector<32xbf16>
        %unpack3A_441 = tpu.unpack_subelements %bitcast3A_440, 0 {pack_format = #tpu.pack_format<interleaved>} : vector<32xbf16> -> vector<16xf32>
        %unpack3A_442 = tpu.unpack_subelements %bitcast3A_440, 1 {pack_format = #tpu.pack_format<interleaved>} : vector<32xbf16> -> vector<16xf32>
        %swap3A_443 = arith.index_cast %scan3A_367 : i32 to index
        %swap3A_444 = arith.constant 80 : index
        %swap3A_445 = tpu.vector_load %arg11[%swap3A_443, %swap3A_444] {strides = array<i32>} : memref<80x128xf32, #tpu.memory_space<vmem>>, vector<16xf32>,
        tpu.vector_store %arg11[%swap3A_443, %swap3A_444], %unpack3A_441 {strides = array<i32>} : memref<80x128xf32, #tpu.memory_space<vmem>>, vector<16xf32>,
        %add3A_446 = arith.constant 40 : i32
        %add3A_447 = arith.addi %scan3A_367, %add3A_446 : i32
        %swap3A_448 = arith.index_cast %add3A_447 : i32 to index
        %swap3A_449 = arith.constant 80 : index
        %swap3A_450 = tpu.vector_load %arg11[%swap3A_448, %swap3A_449] {strides = array<i32>} : memref<80x128xf32, #tpu.memory_space<vmem>>, vector<16xf32>,
        tpu.vector_store %arg11[%swap3A_448, %swap3A_449], %unpack3A_442 {strides = array<i32>} : memref<80x128xf32, #tpu.memory_space<vmem>>, vector<16xf32>,
        %get3A_451 = arith.index_cast %scan3A_367 : i32 to index
        %get3A_452 = arith.constant 96 : index
        %get3A_453 = tpu.vector_load %arg9[%get3A_451, %get3A_452] {strides = array<i32>} : memref<40x128xi32, #tpu.memory_space<vmem>>, vector<16xi32>,
        %bitcast3A_454 = vector.bitcast %get3A_453 : vector<16xi32> to vector<32xbf16>
        %unpack3A_455 = tpu.unpack_subelements %bitcast3A_454, 0 {pack_format = #tpu.pack_format<interleaved>} : vector<32xbf16> -> vector<16xf32>
        %unpack3A_456 = tpu.unpack_subelements %bitcast3A_454, 1 {pack_format = #tpu.pack_format<interleaved>} : vector<32xbf16> -> vector<16xf32>
        %swap3A_457 = arith.index_cast %scan3A_367 : i32 to index
        %swap3A_458 = arith.constant 96 : index
        %swap3A_459 = tpu.vector_load %arg11[%swap3A_457, %swap3A_458] {strides = array<i32>} : memref<80x128xf32, #tpu.memory_space<vmem>>, vector<16xf32>,
        tpu.vector_store %arg11[%swap3A_457, %swap3A_458], %unpack3A_455 {strides = array<i32>} : memref<80x128xf32, #tpu.memory_space<vmem>>, vector<16xf32>,
        %add3A_460 = arith.constant 40 : i32
        %add3A_461 = arith.addi %scan3A_367, %add3A_460 : i32
        %swap3A_462 = arith.index_cast %add3A_461 : i32 to index
        %swap3A_463 = arith.constant 96 : index
        %swap3A_464 = tpu.vector_load %arg11[%swap3A_462, %swap3A_463] {strides = array<i32>} : memref<80x128xf32, #tpu.memory_space<vmem>>, vector<16xf32>,
        tpu.vector_store %arg11[%swap3A_462, %swap3A_463], %unpack3A_456 {strides = array<i32>} : memref<80x128xf32, #tpu.memory_space<vmem>>, vector<16xf32>,
        %get3A_465 = arith.index_cast %scan3A_367 : i32 to index
        %get3A_466 = arith.constant 112 : index
        %get3A_467 = tpu.vector_load %arg9[%get3A_465, %get3A_466] {strides = array<i32>} : memref<40x128xi32, #tpu.memory_space<vmem>>, vector<16xi32>,
        %bitcast3A_468 = vector.bitcast %get3A_467 : vector<16xi32> to vector<32xbf16>
        %unpack3A_469 = tpu.unpack_subelements %bitcast3A_468, 0 {pack_format = #tpu.pack_format<interleaved>} : vector<32xbf16> -> vector<16xf32>
        %unpack3A_470 = tpu.unpack_subelements %bitcast3A_468, 1 {pack_format = #tpu.pack_format<interleaved>} : vector<32xbf16> -> vector<16xf32>
        %swap3A_471 = arith.index_cast %scan3A_367 : i32 to index
        %swap3A_472 = arith.constant 112 : index
        %swap3A_473 = tpu.vector_load %arg11[%swap3A_471, %swap3A_472] {strides = array<i32>} : memref<80x128xf32, #tpu.memory_space<vmem>>, vector<16xf32>,
        tpu.vector_store %arg11[%swap3A_471, %swap3A_472], %unpack3A_469 {strides = array<i32>} : memref<80x128xf32, #tpu.memory_space<vmem>>, vector<16xf32>,
        %add3A_474 = arith.constant 40 : i32
        %add3A_475 = arith.addi %scan3A_367, %add3A_474 : i32
        %swap3A_476 = arith.index_cast %add3A_475 : i32 to index
        %swap3A_477 = arith.constant 112 : index
        %swap3A_478 = tpu.vector_load %arg11[%swap3A_476, %swap3A_477] {strides = array<i32>} : memref<80x128xf32, #tpu.memory_space<vmem>>, vector<16xf32>,
        tpu.vector_store %arg11[%swap3A_476, %swap3A_477], %unpack3A_470 {strides = array<i32>} : memref<80x128xf32, #tpu.memory_space<vmem>>, vector<16xf32>,
        %scan3A_479 = arith.constant 0 : i32
        scf.yield %scan3A_479 : i32
      }
      %scan3A_269 = arith.constant 40 : i32
      %get3A_270 = arith.constant 0 : index
      %get3A_271 = tpu.vector_load %arg5[%get3A_270] {strides = array<i32>} : memref<80xi32, #tpu.memory_space<vmem>>, vector<16xi32>,
      %swap3A_272 = arith.constant 0 : index
      %swap3A_273 = tpu.vector_load %arg7[%swap3A_272] {strides = array<i32>} : memref<80xi32, #tpu.memory_space<vmem>>, vector<16xi32>,
      tpu.vector_store %arg7[%swap3A_272], %get3A_271 {strides = array<i32>} : memref<80xi32, #tpu.memory_space<vmem>>, vector<16xi32>,
      %get3A_274 = arith.constant 16 : index
      %get3A_275 = tpu.vector_load %arg5[%get3A_274] {strides = array<i32>} : memref<80xi32, #tpu.memory_space<vmem>>, vector<16xi32>,
      %swap3A_276 = arith.constant 16 : index
      %swap3A_277 = tpu.vector_load %arg7[%swap3A_276] {strides = array<i32>} : memref<80xi32, #tpu.memory_space<vmem>>, vector<16xi32>,
      tpu.vector_store %arg7[%swap3A_276], %get3A_275 {strides = array<i32>} : memref<80xi32, #tpu.memory_space<vmem>>, vector<16xi32>,
      %get3A_278 = arith.constant 32 : index
      %get3A_279 = tpu.vector_load %arg5[%get3A_278] {strides = array<i32>} : memref<80xi32, #tpu.memory_space<vmem>>, vector<16xi32>,
      %swap3A_280 = arith.constant 32 : index
      %swap3A_281 = tpu.vector_load %arg7[%swap3A_280] {strides = array<i32>} : memref<80xi32, #tpu.memory_space<vmem>>, vector<16xi32>,
      tpu.vector_store %arg7[%swap3A_280], %get3A_279 {strides = array<i32>} : memref<80xi32, #tpu.memory_space<vmem>>, vector<16xi32>,
      %get3A_282 = arith.constant 48 : index
      %get3A_283 = tpu.vector_load %arg5[%get3A_282] {strides = array<i32>} : memref<80xi32, #tpu.memory_space<vmem>>, vector<16xi32>,
      %swap3A_284 = arith.constant 48 : index
      %swap3A_285 = tpu.vector_load %arg7[%swap3A_284] {strides = array<i32>} : memref<80xi32, #tpu.memory_space<vmem>>, vector<16xi32>,
      tpu.vector_store %arg7[%swap3A_284], %get3A_283 {strides = array<i32>} : memref<80xi32, #tpu.memory_space<vmem>>, vector<16xi32>,
      %get3A_286 = arith.constant 64 : index
      %get3A_287 = tpu.vector_load %arg5[%get3A_286] {strides = array<i32>} : memref<80xi32, #tpu.memory_space<vmem>>, vector<16xi32>,
      %swap3A_288 = arith.constant 64 : index
      %swap3A_289 = tpu.vector_load %arg7[%swap3A_288] {strides = array<i32>} : memref<80xi32, #tpu.memory_space<vmem>>, vector<16xi32>,
      tpu.vector_store %arg7[%swap3A_288], %get3A_287 {strides = array<i32>} : memref<80xi32, #tpu.memory_space<vmem>>, vector<16xi32>,
      %add3A_290 = arith.constant 2 : i32
      %add3A_291 = arith.addi %mul3A_243, %add3A_290 : i32
      %mul3A_292 = arith.constant 80 : i32
      %mul3A_293 = arith.muli %add3A_291, %mul3A_292 : i32
      %add3A_294 = arith.addi %add3A_4, %mul3A_293 : i32
      %mul3A_295 = arith.constant 40 : i32
      %mul3A_296 = arith.muli %add3A_291, %mul3A_295 : i32
      %add3A_297 = arith.addi %mul3A_6, %mul3A_296 : i32
      %dma_start3A_298 = tpu.memref_slice %arg3[%add3A_294] : memref<320000xi32, #tpu.memory_space<hbm>> -> memref<80xi32, #tpu.memory_space<hbm>>
      %dma_start3A_299 = tpu.memref_slice %arg3[%add3A_294] : memref<320000xi32, #tpu.memory_space<hbm>> -> memref<80xi32, #tpu.memory_space<hbm>>
      tpu.enqueue_dma source(%dma_start3A_299 : memref<80xi32, #tpu.memory_space<hbm>>) target(%arg5 : memref<80xi32, #tpu.memory_space<vmem>>) target_semaphore(%arg15 : memref<!tpu.dma_semaphore, #tpu.memory_space<semaphore_mem>>)
      %dma_start3A_300 = arith.constant 0 : i32
      %dma_start3A_301 = tpu.memref_slice %arg2[%add3A_297, %dma_start3A_300] : memref<76800x128xi32, #tpu.memory_space<hbm>> -> memref<40x128xi32, #tpu.memory_space<hbm>>
      %dma_start3A_302 = arith.constant 0 : i32
      %dma_start3A_303 = tpu.memref_slice %arg2[%add3A_297, %dma_start3A_302] : memref<76800x128xi32, #tpu.memory_space<hbm>> -> memref<40x128xi32, #tpu.memory_space<hbm>>
      tpu.enqueue_dma source(%dma_start3A_303 : memref<40x128xi32, #tpu.memory_space<hbm>>) target(%arg9 : memref<40x128xi32, #tpu.memory_space<vmem>>) target_semaphore(%arg17 : memref<!tpu.dma_semaphore, #tpu.memory_space<semaphore_mem>>)
      %dma_start3A_304 = arith.constant 0 : i32
      %dma_start3A_305 = arith.constant 0 : i32
      %dma_start3A_306 = tpu.memref_slice %arg14[%dma_start3A_304, %dma_start3A_305] : memref<10240x128xf32, #tpu.memory_space<vmem_shared>> -> memref<10240x128xf32, #tpu.memory_space<vmem_shared>>
      tpu.enqueue_indirect_dma source(%arg11 : memref<80x128xf32, #tpu.memory_space<vmem>>) target(%dma_start3A_306 : memref<10240x128xf32, #tpu.memory_space<vmem_shared>>) offsets(%arg7 : memref<80xi32, #tpu.memory_space<vmem>>) semaphore(%arg19 : memref<!tpu.dma_semaphore, #tpu.memory_space<semaphore_mem>>) {add = true}
      %mul3A_307 = arith.constant 80 : i32
      %mul3A_308 = arith.muli %add3A_247, %mul3A_307 : i32
      %add3A_309 = arith.addi %add3A_4, %mul3A_308 : i32
      %mul3A_310 = arith.constant 40 : i32
      %mul3A_311 = arith.muli %add3A_247, %mul3A_310 : i32
      %add3A_312 = arith.addi %mul3A_6, %mul3A_311 : i32
      %dma_wait3A_313 = tpu.memref_slice %arg3[%add3A_309] : memref<320000xi32, #tpu.memory_space<hbm>> -> memref<80xi32, #tpu.memory_space<hbm>>
      %dma_wait3A_314 = tpu.memref_slice %arg3[%add3A_309] : memref<320000xi32, #tpu.memory_space<hbm>> -> memref<80xi32, #tpu.memory_space<hbm>>
      tpu.wait_dma2 semaphore(%arg16 : memref<!tpu.dma_semaphore, #tpu.memory_space<semaphore_mem>>) src(%dma_wait3A_314 : memref<80xi32, #tpu.memory_space<hbm>>) dst(%arg6 : memref<80xi32, #tpu.memory_space<vmem>>)
      %dma_wait3A_315 = arith.constant 0 : i32
      %dma_wait3A_316 = tpu.memref_slice %arg2[%add3A_312, %dma_wait3A_315] : memref<76800x128xi32, #tpu.memory_space<hbm>> -> memref<40x128xi32, #tpu.memory_space<hbm>>
      %dma_wait3A_317 = arith.constant 0 : i32
      %dma_wait3A_318 = tpu.memref_slice %arg2[%add3A_312, %dma_wait3A_317] : memref<76800x128xi32, #tpu.memory_space<hbm>> -> memref<40x128xi32, #tpu.memory_space<hbm>>
      tpu.wait_dma2 semaphore(%arg18 : memref<!tpu.dma_semaphore, #tpu.memory_space<semaphore_mem>>) src(%dma_wait3A_318 : memref<40x128xi32, #tpu.memory_space<hbm>>) dst(%arg10 : memref<40x128xi32, #tpu.memory_space<vmem>>)
      %dma_wait3A_319 = arith.constant 0 : i32
      %dma_wait3A_320 = arith.constant 0 : i32
      %dma_wait3A_321 = tpu.memref_slice %arg14[%dma_wait3A_319, %dma_wait3A_320] : memref<10240x128xf32, #tpu.memory_space<vmem_shared>> -> memref<10240x128xf32, #tpu.memory_space<vmem_shared>>
      tpu.wait_indirect_dma semaphore(%arg20 : memref<!tpu.dma_semaphore, #tpu.memory_space<semaphore_mem>>) src(%arg12 : memref<80x128xf32, #tpu.memory_space<vmem>>) dst(%dma_wait3A_321 : memref<10240x128xf32, #tpu.memory_space<vmem_shared>>)
      %scan3A_322 = arith.constant 0 : i32
      %scan3A_323 = arith.constant 0 : i32
      %scan3A_324 = arith.constant 40 : i32
      %scan3A_325 = arith.addi %scan3A_323, %scan3A_324 : i32
      %scan3A_326 = arith.constant 1 : i32
      %scan3A_327 = scf.for %scan3A_367 = %scan3A_323 to %scan3A_325 step %scan3A_326 iter_args(%scan3A_368 = %scan3A_322) -> (i32)  : i32 {
        %get3A_369 = arith.index_cast %scan3A_367 : i32 to index
        %get3A_370 = arith.constant 0 : index
        %get3A_371 = tpu.vector_load %arg10[%get3A_369, %get3A_370] {strides = array<i32>} : memref<40x128xi32, #tpu.memory_space<vmem>>, vector<16xi32>,
        %bitcast3A = vector.bitcast %get3A_371 : vector<16xi32> to vector<32xbf16>
        %unpack3A = tpu.unpack_subelements %bitcast3A, 0 {pack_format = #tpu.pack_format<interleaved>} : vector<32xbf16> -> vector<16xf32>
        %unpack3A_372 = tpu.unpack_subelements %bitcast3A, 1 {pack_format = #tpu.pack_format<interleaved>} : vector<32xbf16> -> vector<16xf32>
        %swap3A_373 = arith.index_cast %scan3A_367 : i32 to index
        %swap3A_374 = arith.constant 0 : index
        %swap3A_375 = tpu.vector_load %arg12[%swap3A_373, %swap3A_374] {strides = array<i32>} : memref<80x128xf32, #tpu.memory_space<vmem>>, vector<16xf32>,
        tpu.vector_store %arg12[%swap3A_373, %swap3A_374], %unpack3A {strides = array<i32>} : memref<80x128xf32, #tpu.memory_space<vmem>>, vector<16xf32>,
        %add3A_376 = arith.constant 40 : i32
        %add3A_377 = arith.addi %scan3A_367, %add3A_376 : i32
        %swap3A_378 = arith.index_cast %add3A_377 : i32 to index
        %swap3A_379 = arith.constant 0 : index
        %swap3A_380 = tpu.vector_load %arg12[%swap3A_378, %swap3A_379] {strides = array<i32>} : memref<80x128xf32, #tpu.memory_space<vmem>>, vector<16xf32>,
        tpu.vector_store %arg12[%swap3A_378, %swap3A_379], %unpack3A_372 {strides = array<i32>} : memref<80x128xf32, #tpu.memory_space<vmem>>, vector<16xf32>,
        %get3A_381 = arith.index_cast %scan3A_367 : i32 to index
        %get3A_382 = arith.constant 16 : index
        %get3A_383 = tpu.vector_load %arg10[%get3A_381, %get3A_382] {strides = array<i32>} : memref<40x128xi32, #tpu.memory_space<vmem>>, vector<16xi32>,
        %bitcast3A_384 = vector.bitcast %get3A_383 : vector<16xi32> to vector<32xbf16>
        %unpack3A_385 = tpu.unpack_subelements %bitcast3A_384, 0 {pack_format = #tpu.pack_format<interleaved>} : vector<32xbf16> -> vector<16xf32>
        %unpack3A_386 = tpu.unpack_subelements %bitcast3A_384, 1 {pack_format = #tpu.pack_format<interleaved>} : vector<32xbf16> -> vector<16xf32>
        %swap3A_387 = arith.index_cast %scan3A_367 : i32 to index
        %swap3A_388 = arith.constant 16 : index
        %swap3A_389 = tpu.vector_load %arg12[%swap3A_387, %swap3A_388] {strides = array<i32>} : memref<80x128xf32, #tpu.memory_space<vmem>>, vector<16xf32>,
        tpu.vector_store %arg12[%swap3A_387, %swap3A_388], %unpack3A_385 {strides = array<i32>} : memref<80x128xf32, #tpu.memory_space<vmem>>, vector<16xf32>,
        %add3A_390 = arith.constant 40 : i32
        %add3A_391 = arith.addi %scan3A_367, %add3A_390 : i32
        %swap3A_392 = arith.index_cast %add3A_391 : i32 to index
        %swap3A_393 = arith.constant 16 : index
        %swap3A_394 = tpu.vector_load %arg12[%swap3A_392, %swap3A_393] {strides = array<i32>} : memref<80x128xf32, #tpu.memory_space<vmem>>, vector<16xf32>,
        tpu.vector_store %arg12[%swap3A_392, %swap3A_393], %unpack3A_386 {strides = array<i32>} : memref<80x128xf32, #tpu.memory_space<vmem>>, vector<16xf32>,
        %get3A_395 = arith.index_cast %scan3A_367 : i32 to index
        %get3A_396 = arith.constant 32 : index
        %get3A_397 = tpu.vector_load %arg10[%get3A_395, %get3A_396] {strides = array<i32>} : memref<40x128xi32, #tpu.memory_space<vmem>>, vector<16xi32>,
        %bitcast3A_398 = vector.bitcast %get3A_397 : vector<16xi32> to vector<32xbf16>
        %unpack3A_399 = tpu.unpack_subelements %bitcast3A_398, 0 {pack_format = #tpu.pack_format<interleaved>} : vector<32xbf16> -> vector<16xf32>
        %unpack3A_400 = tpu.unpack_subelements %bitcast3A_398, 1 {pack_format = #tpu.pack_format<interleaved>} : vector<32xbf16> -> vector<16xf32>
        %swap3A_401 = arith.index_cast %scan3A_367 : i32 to index
        %swap3A_402 = arith.constant 32 : index
        %swap3A_403 = tpu.vector_load %arg12[%swap3A_401, %swap3A_402] {strides = array<i32>} : memref<80x128xf32, #tpu.memory_space<vmem>>, vector<16xf32>,
        tpu.vector_store %arg12[%swap3A_401, %swap3A_402], %unpack3A_399 {strides = array<i32>} : memref<80x128xf32, #tpu.memory_space<vmem>>, vector<16xf32>,
        %add3A_404 = arith.constant 40 : i32
        %add3A_405 = arith.addi %scan3A_367, %add3A_404 : i32
        %swap3A_406 = arith.index_cast %add3A_405 : i32 to index
        %swap3A_407 = arith.constant 32 : index
        %swap3A_408 = tpu.vector_load %arg12[%swap3A_406, %swap3A_407] {strides = array<i32>} : memref<80x128xf32, #tpu.memory_space<vmem>>, vector<16xf32>,
        tpu.vector_store %arg12[%swap3A_406, %swap3A_407], %unpack3A_400 {strides = array<i32>} : memref<80x128xf32, #tpu.memory_space<vmem>>, vector<16xf32>,
        %get3A_409 = arith.index_cast %scan3A_367 : i32 to index
        %get3A_410 = arith.constant 48 : index
        %get3A_411 = tpu.vector_load %arg10[%get3A_409, %get3A_410] {strides = array<i32>} : memref<40x128xi32, #tpu.memory_space<vmem>>, vector<16xi32>,
        %bitcast3A_412 = vector.bitcast %get3A_411 : vector<16xi32> to vector<32xbf16>
        %unpack3A_413 = tpu.unpack_subelements %bitcast3A_412, 0 {pack_format = #tpu.pack_format<interleaved>} : vector<32xbf16> -> vector<16xf32>
        %unpack3A_414 = tpu.unpack_subelements %bitcast3A_412, 1 {pack_format = #tpu.pack_format<interleaved>} : vector<32xbf16> -> vector<16xf32>
        %swap3A_415 = arith.index_cast %scan3A_367 : i32 to index
        %swap3A_416 = arith.constant 48 : index
        %swap3A_417 = tpu.vector_load %arg12[%swap3A_415, %swap3A_416] {strides = array<i32>} : memref<80x128xf32, #tpu.memory_space<vmem>>, vector<16xf32>,
        tpu.vector_store %arg12[%swap3A_415, %swap3A_416], %unpack3A_413 {strides = array<i32>} : memref<80x128xf32, #tpu.memory_space<vmem>>, vector<16xf32>,
        %add3A_418 = arith.constant 40 : i32
        %add3A_419 = arith.addi %scan3A_367, %add3A_418 : i32
        %swap3A_420 = arith.index_cast %add3A_419 : i32 to index
        %swap3A_421 = arith.constant 48 : index
        %swap3A_422 = tpu.vector_load %arg12[%swap3A_420, %swap3A_421] {strides = array<i32>} : memref<80x128xf32, #tpu.memory_space<vmem>>, vector<16xf32>,
        tpu.vector_store %arg12[%swap3A_420, %swap3A_421], %unpack3A_414 {strides = array<i32>} : memref<80x128xf32, #tpu.memory_space<vmem>>, vector<16xf32>,
        %get3A_423 = arith.index_cast %scan3A_367 : i32 to index
        %get3A_424 = arith.constant 64 : index
        %get3A_425 = tpu.vector_load %arg10[%get3A_423, %get3A_424] {strides = array<i32>} : memref<40x128xi32, #tpu.memory_space<vmem>>, vector<16xi32>,
        %bitcast3A_426 = vector.bitcast %get3A_425 : vector<16xi32> to vector<32xbf16>
        %unpack3A_427 = tpu.unpack_subelements %bitcast3A_426, 0 {pack_format = #tpu.pack_format<interleaved>} : vector<32xbf16> -> vector<16xf32>
        %unpack3A_428 = tpu.unpack_subelements %bitcast3A_426, 1 {pack_format = #tpu.pack_format<interleaved>} : vector<32xbf16> -> vector<16xf32>
        %swap3A_429 = arith.index_cast %scan3A_367 : i32 to index
        %swap3A_430 = arith.constant 64 : index
        %swap3A_431 = tpu.vector_load %arg12[%swap3A_429, %swap3A_430] {strides = array<i32>} : memref<80x128xf32, #tpu.memory_space<vmem>>, vector<16xf32>,
        tpu.vector_store %arg12[%swap3A_429, %swap3A_430], %unpack3A_427 {strides = array<i32>} : memref<80x128xf32, #tpu.memory_space<vmem>>, vector<16xf32>,
        %add3A_432 = arith.constant 40 : i32
        %add3A_433 = arith.addi %scan3A_367, %add3A_432 : i32
        %swap3A_434 = arith.index_cast %add3A_433 : i32 to index
        %swap3A_435 = arith.constant 64 : index
        %swap3A_436 = tpu.vector_load %arg12[%swap3A_434, %swap3A_435] {strides = array<i32>} : memref<80x128xf32, #tpu.memory_space<vmem>>, vector<16xf32>,
        tpu.vector_store %arg12[%swap3A_434, %swap3A_435], %unpack3A_428 {strides = array<i32>} : memref<80x128xf32, #tpu.memory_space<vmem>>, vector<16xf32>,
        %get3A_437 = arith.index_cast %scan3A_367 : i32 to index
        %get3A_438 = arith.constant 80 : index
        %get3A_439 = tpu.vector_load %arg10[%get3A_437, %get3A_438] {strides = array<i32>} : memref<40x128xi32, #tpu.memory_space<vmem>>, vector<16xi32>,
        %bitcast3A_440 = vector.bitcast %get3A_439 : vector<16xi32> to vector<32xbf16>
        %unpack3A_441 = tpu.unpack_subelements %bitcast3A_440, 0 {pack_format = #tpu.pack_format<interleaved>} : vector<32xbf16> -> vector<16xf32>
        %unpack3A_442 = tpu.unpack_subelements %bitcast3A_440, 1 {pack_format = #tpu.pack_format<interleaved>} : vector<32xbf16> -> vector<16xf32>
        %swap3A_443 = arith.index_cast %scan3A_367 : i32 to index
        %swap3A_444 = arith.constant 80 : index
        %swap3A_445 = tpu.vector_load %arg12[%swap3A_443, %swap3A_444] {strides = array<i32>} : memref<80x128xf32, #tpu.memory_space<vmem>>, vector<16xf32>,
        tpu.vector_store %arg12[%swap3A_443, %swap3A_444], %unpack3A_441 {strides = array<i32>} : memref<80x128xf32, #tpu.memory_space<vmem>>, vector<16xf32>,
        %add3A_446 = arith.constant 40 : i32
        %add3A_447 = arith.addi %scan3A_367, %add3A_446 : i32
        %swap3A_448 = arith.index_cast %add3A_447 : i32 to index
        %swap3A_449 = arith.constant 80 : index
        %swap3A_450 = tpu.vector_load %arg12[%swap3A_448, %swap3A_449] {strides = array<i32>} : memref<80x128xf32, #tpu.memory_space<vmem>>, vector<16xf32>,
        tpu.vector_store %arg12[%swap3A_448, %swap3A_449], %unpack3A_442 {strides = array<i32>} : memref<80x128xf32, #tpu.memory_space<vmem>>, vector<16xf32>,
        %get3A_451 = arith.index_cast %scan3A_367 : i32 to index
        %get3A_452 = arith.constant 96 : index
        %get3A_453 = tpu.vector_load %arg10[%get3A_451, %get3A_452] {strides = array<i32>} : memref<40x128xi32, #tpu.memory_space<vmem>>, vector<16xi32>,
        %bitcast3A_454 = vector.bitcast %get3A_453 : vector<16xi32> to vector<32xbf16>
        %unpack3A_455 = tpu.unpack_subelements %bitcast3A_454, 0 {pack_format = #tpu.pack_format<interleaved>} : vector<32xbf16> -> vector<16xf32>
        %unpack3A_456 = tpu.unpack_subelements %bitcast3A_454, 1 {pack_format = #tpu.pack_format<interleaved>} : vector<32xbf16> -> vector<16xf32>
        %swap3A_457 = arith.index_cast %scan3A_367 : i32 to index
        %swap3A_458 = arith.constant 96 : index
        %swap3A_459 = tpu.vector_load %arg12[%swap3A_457, %swap3A_458] {strides = array<i32>} : memref<80x128xf32, #tpu.memory_space<vmem>>, vector<16xf32>,
        tpu.vector_store %arg12[%swap3A_457, %swap3A_458], %unpack3A_455 {strides = array<i32>} : memref<80x128xf32, #tpu.memory_space<vmem>>, vector<16xf32>,
        %add3A_460 = arith.constant 40 : i32
        %add3A_461 = arith.addi %scan3A_367, %add3A_460 : i32
        %swap3A_462 = arith.index_cast %add3A_461 : i32 to index
        %swap3A_463 = arith.constant 96 : index
        %swap3A_464 = tpu.vector_load %arg12[%swap3A_462, %swap3A_463] {strides = array<i32>} : memref<80x128xf32, #tpu.memory_space<vmem>>, vector<16xf32>,
        tpu.vector_store %arg12[%swap3A_462, %swap3A_463], %unpack3A_456 {strides = array<i32>} : memref<80x128xf32, #tpu.memory_space<vmem>>, vector<16xf32>,
        %get3A_465 = arith.index_cast %scan3A_367 : i32 to index
        %get3A_466 = arith.constant 112 : index
        %get3A_467 = tpu.vector_load %arg10[%get3A_465, %get3A_466] {strides = array<i32>} : memref<40x128xi32, #tpu.memory_space<vmem>>, vector<16xi32>,
        %bitcast3A_468 = vector.bitcast %get3A_467 : vector<16xi32> to vector<32xbf16>
        %unpack3A_469 = tpu.unpack_subelements %bitcast3A_468, 0 {pack_format = #tpu.pack_format<interleaved>} : vector<32xbf16> -> vector<16xf32>
        %unpack3A_470 = tpu.unpack_subelements %bitcast3A_468, 1 {pack_format = #tpu.pack_format<interleaved>} : vector<32xbf16> -> vector<16xf32>
        %swap3A_471 = arith.index_cast %scan3A_367 : i32 to index
        %swap3A_472 = arith.constant 112 : index
        %swap3A_473 = tpu.vector_load %arg12[%swap3A_471, %swap3A_472] {strides = array<i32>} : memref<80x128xf32, #tpu.memory_space<vmem>>, vector<16xf32>,
        tpu.vector_store %arg12[%swap3A_471, %swap3A_472], %unpack3A_469 {strides = array<i32>} : memref<80x128xf32, #tpu.memory_space<vmem>>, vector<16xf32>,
        %add3A_474 = arith.constant 40 : i32
        %add3A_475 = arith.addi %scan3A_367, %add3A_474 : i32
        %swap3A_476 = arith.index_cast %add3A_475 : i32 to index
        %swap3A_477 = arith.constant 112 : index
        %swap3A_478 = tpu.vector_load %arg12[%swap3A_476, %swap3A_477] {strides = array<i32>} : memref<80x128xf32, #tpu.memory_space<vmem>>, vector<16xf32>,
        tpu.vector_store %arg12[%swap3A_476, %swap3A_477], %unpack3A_470 {strides = array<i32>} : memref<80x128xf32, #tpu.memory_space<vmem>>, vector<16xf32>,
        %scan3A_479 = arith.constant 0 : i32
        scf.yield %scan3A_479 : i32
      }
      %scan3A_328 = arith.constant 40 : i32
      %get3A_329 = arith.constant 0 : index
      %get3A_330 = tpu.vector_load %arg6[%get3A_329] {strides = array<i32>} : memref<80xi32, #tpu.memory_space<vmem>>, vector<16xi32>,
      %swap3A_331 = arith.constant 0 : index
      %swap3A_332 = tpu.vector_load %arg8[%swap3A_331] {strides = array<i32>} : memref<80xi32, #tpu.memory_space<vmem>>, vector<16xi32>,
      tpu.vector_store %arg8[%swap3A_331], %get3A_330 {strides = array<i32>} : memref<80xi32, #tpu.memory_space<vmem>>, vector<16xi32>,
      %get3A_333 = arith.constant 16 : index
      %get3A_334 = tpu.vector_load %arg6[%get3A_333] {strides = array<i32>} : memref<80xi32, #tpu.memory_space<vmem>>, vector<16xi32>,
      %swap3A_335 = arith.constant 16 : index
      %swap3A_336 = tpu.vector_load %arg8[%swap3A_335] {strides = array<i32>} : memref<80xi32, #tpu.memory_space<vmem>>, vector<16xi32>,
      tpu.vector_store %arg8[%swap3A_335], %get3A_334 {strides = array<i32>} : memref<80xi32, #tpu.memory_space<vmem>>, vector<16xi32>,
      %get3A_337 = arith.constant 32 : index
      %get3A_338 = tpu.vector_load %arg6[%get3A_337] {strides = array<i32>} : memref<80xi32, #tpu.memory_space<vmem>>, vector<16xi32>,
      %swap3A_339 = arith.constant 32 : index
      %swap3A_340 = tpu.vector_load %arg8[%swap3A_339] {strides = array<i32>} : memref<80xi32, #tpu.memory_space<vmem>>, vector<16xi32>,
      tpu.vector_store %arg8[%swap3A_339], %get3A_338 {strides = array<i32>} : memref<80xi32, #tpu.memory_space<vmem>>, vector<16xi32>,
      %get3A_341 = arith.constant 48 : index
      %get3A_342 = tpu.vector_load %arg6[%get3A_341] {strides = array<i32>} : memref<80xi32, #tpu.memory_space<vmem>>, vector<16xi32>,
      %swap3A_343 = arith.constant 48 : index
      %swap3A_344 = tpu.vector_load %arg8[%swap3A_343] {strides = array<i32>} : memref<80xi32, #tpu.memory_space<vmem>>, vector<16xi32>,
      tpu.vector_store %arg8[%swap3A_343], %get3A_342 {strides = array<i32>} : memref<80xi32, #tpu.memory_space<vmem>>, vector<16xi32>,
      %get3A_345 = arith.constant 64 : index
      %get3A_346 = tpu.vector_load %arg6[%get3A_345] {strides = array<i32>} : memref<80xi32, #tpu.memory_space<vmem>>, vector<16xi32>,
      %swap3A_347 = arith.constant 64 : index
      %swap3A_348 = tpu.vector_load %arg8[%swap3A_347] {strides = array<i32>} : memref<80xi32, #tpu.memory_space<vmem>>, vector<16xi32>,
      tpu.vector_store %arg8[%swap3A_347], %get3A_346 {strides = array<i32>} : memref<80xi32, #tpu.memory_space<vmem>>, vector<16xi32>,
      %add3A_349 = arith.constant 2 : i32
      %add3A_350 = arith.addi %add3A_247, %add3A_349 : i32
      %mul3A_351 = arith.constant 80 : i32
      %mul3A_352 = arith.muli %add3A_350, %mul3A_351 : i32
      %add3A_353 = arith.addi %add3A_4, %mul3A_352 : i32
      %mul3A_354 = arith.constant 40 : i32
      %mul3A_355 = arith.muli %add3A_350, %mul3A_354 : i32
      %add3A_356 = arith.addi %mul3A_6, %mul3A_355 : i32
      %dma_start3A_357 = tpu.memref_slice %arg3[%add3A_353] : memref<320000xi32, #tpu.memory_space<hbm>> -> memref<80xi32, #tpu.memory_space<hbm>>
      %dma_start3A_358 = tpu.memref_slice %arg3[%add3A_353] : memref<320000xi32, #tpu.memory_space<hbm>> -> memref<80xi32, #tpu.memory_space<hbm>>
      tpu.enqueue_dma source(%dma_start3A_358 : memref<80xi32, #tpu.memory_space<hbm>>) target(%arg6 : memref<80xi32, #tpu.memory_space<vmem>>) target_semaphore(%arg16 : memref<!tpu.dma_semaphore, #tpu.memory_space<semaphore_mem>>)
      %dma_start3A_359 = arith.constant 0 : i32
      %dma_start3A_360 = tpu.memref_slice %arg2[%add3A_356, %dma_start3A_359] : memref<76800x128xi32, #tpu.memory_space<hbm>> -> memref<40x128xi32, #tpu.memory_space<hbm>>
      %dma_start3A_361 = arith.constant 0 : i32
      %dma_start3A_362 = tpu.memref_slice %arg2[%add3A_356, %dma_start3A_361] : memref<76800x128xi32, #tpu.memory_space<hbm>> -> memref<40x128xi32, #tpu.memory_space<hbm>>
      tpu.enqueue_dma source(%dma_start3A_362 : memref<40x128xi32, #tpu.memory_space<hbm>>) target(%arg10 : memref<40x128xi32, #tpu.memory_space<vmem>>) target_semaphore(%arg18 : memref<!tpu.dma_semaphore, #tpu.memory_space<semaphore_mem>>)
      %dma_start3A_363 = arith.constant 0 : i32
      %dma_start3A_364 = arith.constant 0 : i32
      %dma_start3A_365 = tpu.memref_slice %arg14[%dma_start3A_363, %dma_start3A_364] : memref<10240x128xf32, #tpu.memory_space<vmem_shared>> -> memref<10240x128xf32, #tpu.memory_space<vmem_shared>>
      tpu.enqueue_indirect_dma source(%arg12 : memref<80x128xf32, #tpu.memory_space<vmem>>) target(%dma_start3A_365 : memref<10240x128xf32, #tpu.memory_space<vmem_shared>>) offsets(%arg8 : memref<80xi32, #tpu.memory_space<vmem>>) semaphore(%arg20 : memref<!tpu.dma_semaphore, #tpu.memory_space<semaphore_mem>>) {add = true}
      %scan3A_366 = arith.constant 0 : i32
      scf.yield %scan3A_366 : i32
    }
    %scan3A_142 = arith.constant 28 : i32
    %add3A_143 = arith.constant 4640 : i32
    %add3A_144 = arith.addi %add3A_4, %add3A_143 : i32
    %add3A_145 = arith.constant 2320 : i32
    %add3A_146 = arith.addi %mul3A_6, %add3A_145 : i32
    %dma_wait3A_147 = tpu.memref_slice %arg3[%add3A_144] : memref<320000xi32, #tpu.memory_space<hbm>> -> memref<80xi32, #tpu.memory_space<hbm>>
    %dma_wait3A_148 = tpu.memref_slice %arg3[%add3A_144] : memref<320000xi32, #tpu.memory_space<hbm>> -> memref<80xi32, #tpu.memory_space<hbm>>
    tpu.wait_dma2 semaphore(%arg15 : memref<!tpu.dma_semaphore, #tpu.memory_space<semaphore_mem>>) src(%dma_wait3A_148 : memref<80xi32, #tpu.memory_space<hbm>>) dst(%arg5 : memref<80xi32, #tpu.memory_space<vmem>>)
    %dma_wait3A_149 = arith.constant 0 : i32
    %dma_wait3A_150 = tpu.memref_slice %arg2[%add3A_146, %dma_wait3A_149] : memref<76800x128xi32, #tpu.memory_space<hbm>> -> memref<40x128xi32, #tpu.memory_space<hbm>>
    %dma_wait3A_151 = arith.constant 0 : i32
    %dma_wait3A_152 = tpu.memref_slice %arg2[%add3A_146, %dma_wait3A_151] : memref<76800x128xi32, #tpu.memory_space<hbm>> -> memref<40x128xi32, #tpu.memory_space<hbm>>
    tpu.wait_dma2 semaphore(%arg17 : memref<!tpu.dma_semaphore, #tpu.memory_space<semaphore_mem>>) src(%dma_wait3A_152 : memref<40x128xi32, #tpu.memory_space<hbm>>) dst(%arg9 : memref<40x128xi32, #tpu.memory_space<vmem>>)
    %dma_wait3A_153 = arith.constant 0 : i32
    %dma_wait3A_154 = arith.constant 0 : i32
    %dma_wait3A_155 = tpu.memref_slice %arg14[%dma_wait3A_153, %dma_wait3A_154] : memref<10240x128xf32, #tpu.memory_space<vmem_shared>> -> memref<10240x128xf32, #tpu.memory_space<vmem_shared>>
    tpu.wait_indirect_dma semaphore(%arg19 : memref<!tpu.dma_semaphore, #tpu.memory_space<semaphore_mem>>) src(%arg11 : memref<80x128xf32, #tpu.memory_space<vmem>>) dst(%dma_wait3A_155 : memref<10240x128xf32, #tpu.memory_space<vmem_shared>>)
    %scan3A_156 = arith.constant 0 : i32
    %scan3A_157 = arith.constant 0 : i32
    %scan3A_158 = arith.constant 40 : i32
    %scan3A_159 = arith.addi %scan3A_157, %scan3A_158 : i32
    %scan3A_160 = arith.constant 1 : i32
    %scan3A_161 = scf.for %scan3A_240 = %scan3A_157 to %scan3A_159 step %scan3A_160 iter_args(%scan3A_241 = %scan3A_156) -> (i32)  : i32 {
      %get3A_242 = arith.index_cast %scan3A_240 : i32 to index
      %get3A_243 = arith.constant 0 : index
      %get3A_244 = tpu.vector_load %arg9[%get3A_242, %get3A_243] {strides = array<i32>} : memref<40x128xi32, #tpu.memory_space<vmem>>, vector<16xi32>,
      %bitcast3A = vector.bitcast %get3A_244 : vector<16xi32> to vector<32xbf16>
      %unpack3A = tpu.unpack_subelements %bitcast3A, 0 {pack_format = #tpu.pack_format<interleaved>} : vector<32xbf16> -> vector<16xf32>
      %unpack3A_245 = tpu.unpack_subelements %bitcast3A, 1 {pack_format = #tpu.pack_format<interleaved>} : vector<32xbf16> -> vector<16xf32>
      %swap3A_246 = arith.index_cast %scan3A_240 : i32 to index
      %swap3A_247 = arith.constant 0 : index
      %swap3A_248 = tpu.vector_load %arg11[%swap3A_246, %swap3A_247] {strides = array<i32>} : memref<80x128xf32, #tpu.memory_space<vmem>>, vector<16xf32>,
      tpu.vector_store %arg11[%swap3A_246, %swap3A_247], %unpack3A {strides = array<i32>} : memref<80x128xf32, #tpu.memory_space<vmem>>, vector<16xf32>,
      %add3A_249 = arith.constant 40 : i32
      %add3A_250 = arith.addi %scan3A_240, %add3A_249 : i32
      %swap3A_251 = arith.index_cast %add3A_250 : i32 to index
      %swap3A_252 = arith.constant 0 : index
      %swap3A_253 = tpu.vector_load %arg11[%swap3A_251, %swap3A_252] {strides = array<i32>} : memref<80x128xf32, #tpu.memory_space<vmem>>, vector<16xf32>,
      tpu.vector_store %arg11[%swap3A_251, %swap3A_252], %unpack3A_245 {strides = array<i32>} : memref<80x128xf32, #tpu.memory_space<vmem>>, vector<16xf32>,
      %get3A_254 = arith.index_cast %scan3A_240 : i32 to index
      %get3A_255 = arith.constant 16 : index
      %get3A_256 = tpu.vector_load %arg9[%get3A_254, %get3A_255] {strides = array<i32>} : memref<40x128xi32, #tpu.memory_space<vmem>>, vector<16xi32>,
      %bitcast3A_257 = vector.bitcast %get3A_256 : vector<16xi32> to vector<32xbf16>
      %unpack3A_258 = tpu.unpack_subelements %bitcast3A_257, 0 {pack_format = #tpu.pack_format<interleaved>} : vector<32xbf16> -> vector<16xf32>
      %unpack3A_259 = tpu.unpack_subelements %bitcast3A_257, 1 {pack_format = #tpu.pack_format<interleaved>} : vector<32xbf16> -> vector<16xf32>
      %swap3A_260 = arith.index_cast %scan3A_240 : i32 to index
      %swap3A_261 = arith.constant 16 : index
      %swap3A_262 = tpu.vector_load %arg11[%swap3A_260, %swap3A_261] {strides = array<i32>} : memref<80x128xf32, #tpu.memory_space<vmem>>, vector<16xf32>,
      tpu.vector_store %arg11[%swap3A_260, %swap3A_261], %unpack3A_258 {strides = array<i32>} : memref<80x128xf32, #tpu.memory_space<vmem>>, vector<16xf32>,
      %add3A_263 = arith.constant 40 : i32
      %add3A_264 = arith.addi %scan3A_240, %add3A_263 : i32
      %swap3A_265 = arith.index_cast %add3A_264 : i32 to index
      %swap3A_266 = arith.constant 16 : index
      %swap3A_267 = tpu.vector_load %arg11[%swap3A_265, %swap3A_266] {strides = array<i32>} : memref<80x128xf32, #tpu.memory_space<vmem>>, vector<16xf32>,
      tpu.vector_store %arg11[%swap3A_265, %swap3A_266], %unpack3A_259 {strides = array<i32>} : memref<80x128xf32, #tpu.memory_space<vmem>>, vector<16xf32>,
      %get3A_268 = arith.index_cast %scan3A_240 : i32 to index
      %get3A_269 = arith.constant 32 : index
      %get3A_270 = tpu.vector_load %arg9[%get3A_268, %get3A_269] {strides = array<i32>} : memref<40x128xi32, #tpu.memory_space<vmem>>, vector<16xi32>,
      %bitcast3A_271 = vector.bitcast %get3A_270 : vector<16xi32> to vector<32xbf16>
      %unpack3A_272 = tpu.unpack_subelements %bitcast3A_271, 0 {pack_format = #tpu.pack_format<interleaved>} : vector<32xbf16> -> vector<16xf32>
      %unpack3A_273 = tpu.unpack_subelements %bitcast3A_271, 1 {pack_format = #tpu.pack_format<interleaved>} : vector<32xbf16> -> vector<16xf32>
      %swap3A_274 = arith.index_cast %scan3A_240 : i32 to index
      %swap3A_275 = arith.constant 32 : index
      %swap3A_276 = tpu.vector_load %arg11[%swap3A_274, %swap3A_275] {strides = array<i32>} : memref<80x128xf32, #tpu.memory_space<vmem>>, vector<16xf32>,
      tpu.vector_store %arg11[%swap3A_274, %swap3A_275], %unpack3A_272 {strides = array<i32>} : memref<80x128xf32, #tpu.memory_space<vmem>>, vector<16xf32>,
      %add3A_277 = arith.constant 40 : i32
      %add3A_278 = arith.addi %scan3A_240, %add3A_277 : i32
      %swap3A_279 = arith.index_cast %add3A_278 : i32 to index
      %swap3A_280 = arith.constant 32 : index
      %swap3A_281 = tpu.vector_load %arg11[%swap3A_279, %swap3A_280] {strides = array<i32>} : memref<80x128xf32, #tpu.memory_space<vmem>>, vector<16xf32>,
      tpu.vector_store %arg11[%swap3A_279, %swap3A_280], %unpack3A_273 {strides = array<i32>} : memref<80x128xf32, #tpu.memory_space<vmem>>, vector<16xf32>,
      %get3A_282 = arith.index_cast %scan3A_240 : i32 to index
      %get3A_283 = arith.constant 48 : index
      %get3A_284 = tpu.vector_load %arg9[%get3A_282, %get3A_283] {strides = array<i32>} : memref<40x128xi32, #tpu.memory_space<vmem>>, vector<16xi32>,
      %bitcast3A_285 = vector.bitcast %get3A_284 : vector<16xi32> to vector<32xbf16>
      %unpack3A_286 = tpu.unpack_subelements %bitcast3A_285, 0 {pack_format = #tpu.pack_format<interleaved>} : vector<32xbf16> -> vector<16xf32>
      %unpack3A_287 = tpu.unpack_subelements %bitcast3A_285, 1 {pack_format = #tpu.pack_format<interleaved>} : vector<32xbf16> -> vector<16xf32>
      %swap3A_288 = arith.index_cast %scan3A_240 : i32 to index
      %swap3A_289 = arith.constant 48 : index
      %swap3A_290 = tpu.vector_load %arg11[%swap3A_288, %swap3A_289] {strides = array<i32>} : memref<80x128xf32, #tpu.memory_space<vmem>>, vector<16xf32>,
      tpu.vector_store %arg11[%swap3A_288, %swap3A_289], %unpack3A_286 {strides = array<i32>} : memref<80x128xf32, #tpu.memory_space<vmem>>, vector<16xf32>,
      %add3A_291 = arith.constant 40 : i32
      %add3A_292 = arith.addi %scan3A_240, %add3A_291 : i32
      %swap3A_293 = arith.index_cast %add3A_292 : i32 to index
      %swap3A_294 = arith.constant 48 : index
      %swap3A_295 = tpu.vector_load %arg11[%swap3A_293, %swap3A_294] {strides = array<i32>} : memref<80x128xf32, #tpu.memory_space<vmem>>, vector<16xf32>,
      tpu.vector_store %arg11[%swap3A_293, %swap3A_294], %unpack3A_287 {strides = array<i32>} : memref<80x128xf32, #tpu.memory_space<vmem>>, vector<16xf32>,
      %get3A_296 = arith.index_cast %scan3A_240 : i32 to index
      %get3A_297 = arith.constant 64 : index
      %get3A_298 = tpu.vector_load %arg9[%get3A_296, %get3A_297] {strides = array<i32>} : memref<40x128xi32, #tpu.memory_space<vmem>>, vector<16xi32>,
      %bitcast3A_299 = vector.bitcast %get3A_298 : vector<16xi32> to vector<32xbf16>
      %unpack3A_300 = tpu.unpack_subelements %bitcast3A_299, 0 {pack_format = #tpu.pack_format<interleaved>} : vector<32xbf16> -> vector<16xf32>
      %unpack3A_301 = tpu.unpack_subelements %bitcast3A_299, 1 {pack_format = #tpu.pack_format<interleaved>} : vector<32xbf16> -> vector<16xf32>
      %swap3A_302 = arith.index_cast %scan3A_240 : i32 to index
      %swap3A_303 = arith.constant 64 : index
      %swap3A_304 = tpu.vector_load %arg11[%swap3A_302, %swap3A_303] {strides = array<i32>} : memref<80x128xf32, #tpu.memory_space<vmem>>, vector<16xf32>,
      tpu.vector_store %arg11[%swap3A_302, %swap3A_303], %unpack3A_300 {strides = array<i32>} : memref<80x128xf32, #tpu.memory_space<vmem>>, vector<16xf32>,
      %add3A_305 = arith.constant 40 : i32
      %add3A_306 = arith.addi %scan3A_240, %add3A_305 : i32
      %swap3A_307 = arith.index_cast %add3A_306 : i32 to index
      %swap3A_308 = arith.constant 64 : index
      %swap3A_309 = tpu.vector_load %arg11[%swap3A_307, %swap3A_308] {strides = array<i32>} : memref<80x128xf32, #tpu.memory_space<vmem>>, vector<16xf32>,
      tpu.vector_store %arg11[%swap3A_307, %swap3A_308], %unpack3A_301 {strides = array<i32>} : memref<80x128xf32, #tpu.memory_space<vmem>>, vector<16xf32>,
      %get3A_310 = arith.index_cast %scan3A_240 : i32 to index
      %get3A_311 = arith.constant 80 : index
      %get3A_312 = tpu.vector_load %arg9[%get3A_310, %get3A_311] {strides = array<i32>} : memref<40x128xi32, #tpu.memory_space<vmem>>, vector<16xi32>,
      %bitcast3A_313 = vector.bitcast %get3A_312 : vector<16xi32> to vector<32xbf16>
      %unpack3A_314 = tpu.unpack_subelements %bitcast3A_313, 0 {pack_format = #tpu.pack_format<interleaved>} : vector<32xbf16> -> vector<16xf32>
      %unpack3A_315 = tpu.unpack_subelements %bitcast3A_313, 1 {pack_format = #tpu.pack_format<interleaved>} : vector<32xbf16> -> vector<16xf32>
      %swap3A_316 = arith.index_cast %scan3A_240 : i32 to index
      %swap3A_317 = arith.constant 80 : index
      %swap3A_318 = tpu.vector_load %arg11[%swap3A_316, %swap3A_317] {strides = array<i32>} : memref<80x128xf32, #tpu.memory_space<vmem>>, vector<16xf32>,
      tpu.vector_store %arg11[%swap3A_316, %swap3A_317], %unpack3A_314 {strides = array<i32>} : memref<80x128xf32, #tpu.memory_space<vmem>>, vector<16xf32>,
      %add3A_319 = arith.constant 40 : i32
      %add3A_320 = arith.addi %scan3A_240, %add3A_319 : i32
      %swap3A_321 = arith.index_cast %add3A_320 : i32 to index
      %swap3A_322 = arith.constant 80 : index
      %swap3A_323 = tpu.vector_load %arg11[%swap3A_321, %swap3A_322] {strides = array<i32>} : memref<80x128xf32, #tpu.memory_space<vmem>>, vector<16xf32>,
      tpu.vector_store %arg11[%swap3A_321, %swap3A_322], %unpack3A_315 {strides = array<i32>} : memref<80x128xf32, #tpu.memory_space<vmem>>, vector<16xf32>,
      %get3A_324 = arith.index_cast %scan3A_240 : i32 to index
      %get3A_325 = arith.constant 96 : index
      %get3A_326 = tpu.vector_load %arg9[%get3A_324, %get3A_325] {strides = array<i32>} : memref<40x128xi32, #tpu.memory_space<vmem>>, vector<16xi32>,
      %bitcast3A_327 = vector.bitcast %get3A_326 : vector<16xi32> to vector<32xbf16>
      %unpack3A_328 = tpu.unpack_subelements %bitcast3A_327, 0 {pack_format = #tpu.pack_format<interleaved>} : vector<32xbf16> -> vector<16xf32>
      %unpack3A_329 = tpu.unpack_subelements %bitcast3A_327, 1 {pack_format = #tpu.pack_format<interleaved>} : vector<32xbf16> -> vector<16xf32>
      %swap3A_330 = arith.index_cast %scan3A_240 : i32 to index
      %swap3A_331 = arith.constant 96 : index
      %swap3A_332 = tpu.vector_load %arg11[%swap3A_330, %swap3A_331] {strides = array<i32>} : memref<80x128xf32, #tpu.memory_space<vmem>>, vector<16xf32>,
      tpu.vector_store %arg11[%swap3A_330, %swap3A_331], %unpack3A_328 {strides = array<i32>} : memref<80x128xf32, #tpu.memory_space<vmem>>, vector<16xf32>,
      %add3A_333 = arith.constant 40 : i32
      %add3A_334 = arith.addi %scan3A_240, %add3A_333 : i32
      %swap3A_335 = arith.index_cast %add3A_334 : i32 to index
      %swap3A_336 = arith.constant 96 : index
      %swap3A_337 = tpu.vector_load %arg11[%swap3A_335, %swap3A_336] {strides = array<i32>} : memref<80x128xf32, #tpu.memory_space<vmem>>, vector<16xf32>,
      tpu.vector_store %arg11[%swap3A_335, %swap3A_336], %unpack3A_329 {strides = array<i32>} : memref<80x128xf32, #tpu.memory_space<vmem>>, vector<16xf32>,
      %get3A_338 = arith.index_cast %scan3A_240 : i32 to index
      %get3A_339 = arith.constant 112 : index
      %get3A_340 = tpu.vector_load %arg9[%get3A_338, %get3A_339] {strides = array<i32>} : memref<40x128xi32, #tpu.memory_space<vmem>>, vector<16xi32>,
      %bitcast3A_341 = vector.bitcast %get3A_340 : vector<16xi32> to vector<32xbf16>
      %unpack3A_342 = tpu.unpack_subelements %bitcast3A_341, 0 {pack_format = #tpu.pack_format<interleaved>} : vector<32xbf16> -> vector<16xf32>
      %unpack3A_343 = tpu.unpack_subelements %bitcast3A_341, 1 {pack_format = #tpu.pack_format<interleaved>} : vector<32xbf16> -> vector<16xf32>
      %swap3A_344 = arith.index_cast %scan3A_240 : i32 to index
      %swap3A_345 = arith.constant 112 : index
      %swap3A_346 = tpu.vector_load %arg11[%swap3A_344, %swap3A_345] {strides = array<i32>} : memref<80x128xf32, #tpu.memory_space<vmem>>, vector<16xf32>,
      tpu.vector_store %arg11[%swap3A_344, %swap3A_345], %unpack3A_342 {strides = array<i32>} : memref<80x128xf32, #tpu.memory_space<vmem>>, vector<16xf32>,
      %add3A_347 = arith.constant 40 : i32
      %add3A_348 = arith.addi %scan3A_240, %add3A_347 : i32
      %swap3A_349 = arith.index_cast %add3A_348 : i32 to index
      %swap3A_350 = arith.constant 112 : index
      %swap3A_351 = tpu.vector_load %arg11[%swap3A_349, %swap3A_350] {strides = array<i32>} : memref<80x128xf32, #tpu.memory_space<vmem>>, vector<16xf32>,
      tpu.vector_store %arg11[%swap3A_349, %swap3A_350], %unpack3A_343 {strides = array<i32>} : memref<80x128xf32, #tpu.memory_space<vmem>>, vector<16xf32>,
      %scan3A_352 = arith.constant 0 : i32
      scf.yield %scan3A_352 : i32
    }
    %scan3A_162 = arith.constant 40 : i32
    %get3A_163 = arith.constant 0 : index
    %get3A_164 = tpu.vector_load %arg5[%get3A_163] {strides = array<i32>} : memref<80xi32, #tpu.memory_space<vmem>>, vector<16xi32>,
    %swap3A_165 = arith.constant 0 : index
    %swap3A_166 = tpu.vector_load %arg7[%swap3A_165] {strides = array<i32>} : memref<80xi32, #tpu.memory_space<vmem>>, vector<16xi32>,
    tpu.vector_store %arg7[%swap3A_165], %get3A_164 {strides = array<i32>} : memref<80xi32, #tpu.memory_space<vmem>>, vector<16xi32>,
    %get3A_167 = arith.constant 16 : index
    %get3A_168 = tpu.vector_load %arg5[%get3A_167] {strides = array<i32>} : memref<80xi32, #tpu.memory_space<vmem>>, vector<16xi32>,
    %swap3A_169 = arith.constant 16 : index
    %swap3A_170 = tpu.vector_load %arg7[%swap3A_169] {strides = array<i32>} : memref<80xi32, #tpu.memory_space<vmem>>, vector<16xi32>,
    tpu.vector_store %arg7[%swap3A_169], %get3A_168 {strides = array<i32>} : memref<80xi32, #tpu.memory_space<vmem>>, vector<16xi32>,
    %get3A_171 = arith.constant 32 : index
    %get3A_172 = tpu.vector_load %arg5[%get3A_171] {strides = array<i32>} : memref<80xi32, #tpu.memory_space<vmem>>, vector<16xi32>,
    %swap3A_173 = arith.constant 32 : index
    %swap3A_174 = tpu.vector_load %arg7[%swap3A_173] {strides = array<i32>} : memref<80xi32, #tpu.memory_space<vmem>>, vector<16xi32>,
    tpu.vector_store %arg7[%swap3A_173], %get3A_172 {strides = array<i32>} : memref<80xi32, #tpu.memory_space<vmem>>, vector<16xi32>,
    %get3A_175 = arith.constant 48 : index
    %get3A_176 = tpu.vector_load %arg5[%get3A_175] {strides = array<i32>} : memref<80xi32, #tpu.memory_space<vmem>>, vector<16xi32>,
    %swap3A_177 = arith.constant 48 : index
    %swap3A_178 = tpu.vector_load %arg7[%swap3A_177] {strides = array<i32>} : memref<80xi32, #tpu.memory_space<vmem>>, vector<16xi32>,
    tpu.vector_store %arg7[%swap3A_177], %get3A_176 {strides = array<i32>} : memref<80xi32, #tpu.memory_space<vmem>>, vector<16xi32>,
    %get3A_179 = arith.constant 64 : index
    %get3A_180 = tpu.vector_load %arg5[%get3A_179] {strides = array<i32>} : memref<80xi32, #tpu.memory_space<vmem>>, vector<16xi32>,
    %swap3A_181 = arith.constant 64 : index
    %swap3A_182 = tpu.vector_load %arg7[%swap3A_181] {strides = array<i32>} : memref<80xi32, #tpu.memory_space<vmem>>, vector<16xi32>,
    tpu.vector_store %arg7[%swap3A_181], %get3A_180 {strides = array<i32>} : memref<80xi32, #tpu.memory_space<vmem>>, vector<16xi32>,
    %dma_start3A_183 = arith.constant 0 : i32
    %dma_start3A_184 = arith.constant 0 : i32
    %dma_start3A_185 = tpu.memref_slice %arg14[%dma_start3A_183, %dma_start3A_184] : memref<10240x128xf32, #tpu.memory_space<vmem_shared>> -> memref<10240x128xf32, #tpu.memory_space<vmem_shared>>
    tpu.enqueue_indirect_dma source(%arg11 : memref<80x128xf32, #tpu.memory_space<vmem>>) target(%dma_start3A_185 : memref<10240x128xf32, #tpu.memory_space<vmem_shared>>) offsets(%arg7 : memref<80xi32, #tpu.memory_space<vmem>>) semaphore(%arg19 : memref<!tpu.dma_semaphore, #tpu.memory_space<semaphore_mem>>) {add = true}
    %add3A_186 = arith.constant 4720 : i32
    %add3A_187 = arith.addi %add3A_4, %add3A_186 : i32
    %add3A_188 = arith.constant 2360 : i32
    %add3A_189 = arith.addi %mul3A_6, %add3A_188 : i32
    %dma_wait3A_190 = tpu.memref_slice %arg3[%add3A_187] : memref<320000xi32, #tpu.memory_space<hbm>> -> memref<80xi32, #tpu.memory_space<hbm>>
    %dma_wait3A_191 = tpu.memref_slice %arg3[%add3A_187] : memref<320000xi32, #tpu.memory_space<hbm>> -> memref<80xi32, #tpu.memory_space<hbm>>
    tpu.wait_dma2 semaphore(%arg16 : memref<!tpu.dma_semaphore, #tpu.memory_space<semaphore_mem>>) src(%dma_wait3A_191 : memref<80xi32, #tpu.memory_space<hbm>>) dst(%arg6 : memref<80xi32, #tpu.memory_space<vmem>>)
    %dma_wait3A_192 = arith.constant 0 : i32
    %dma_wait3A_193 = tpu.memref_slice %arg2[%add3A_189, %dma_wait3A_192] : memref<76800x128xi32, #tpu.memory_space<hbm>> -> memref<40x128xi32, #tpu.memory_space<hbm>>
    %dma_wait3A_194 = arith.constant 0 : i32
    %dma_wait3A_195 = tpu.memref_slice %arg2[%add3A_189, %dma_wait3A_194] : memref<76800x128xi32, #tpu.memory_space<hbm>> -> memref<40x128xi32, #tpu.memory_space<hbm>>
    tpu.wait_dma2 semaphore(%arg18 : memref<!tpu.dma_semaphore, #tpu.memory_space<semaphore_mem>>) src(%dma_wait3A_195 : memref<40x128xi32, #tpu.memory_space<hbm>>) dst(%arg10 : memref<40x128xi32, #tpu.memory_space<vmem>>)
    %dma_wait3A_196 = arith.constant 0 : i32
    %dma_wait3A_197 = arith.constant 0 : i32
    %dma_wait3A_198 = tpu.memref_slice %arg14[%dma_wait3A_196, %dma_wait3A_197] : memref<10240x128xf32, #tpu.memory_space<vmem_shared>> -> memref<10240x128xf32, #tpu.memory_space<vmem_shared>>
    tpu.wait_indirect_dma semaphore(%arg20 : memref<!tpu.dma_semaphore, #tpu.memory_space<semaphore_mem>>) src(%arg12 : memref<80x128xf32, #tpu.memory_space<vmem>>) dst(%dma_wait3A_198 : memref<10240x128xf32, #tpu.memory_space<vmem_shared>>)
    %scan3A_199 = arith.constant 0 : i32
    %scan3A_200 = arith.constant 0 : i32
    %scan3A_201 = arith.constant 40 : i32
    %scan3A_202 = arith.addi %scan3A_200, %scan3A_201 : i32
    %scan3A_203 = arith.constant 1 : i32
    %scan3A_204 = scf.for %scan3A_240 = %scan3A_200 to %scan3A_202 step %scan3A_203 iter_args(%scan3A_241 = %scan3A_199) -> (i32)  : i32 {
      %get3A_242 = arith.index_cast %scan3A_240 : i32 to index
      %get3A_243 = arith.constant 0 : index
      %get3A_244 = tpu.vector_load %arg10[%get3A_242, %get3A_243] {strides = array<i32>} : memref<40x128xi32, #tpu.memory_space<vmem>>, vector<16xi32>,
      %bitcast3A = vector.bitcast %get3A_244 : vector<16xi32> to vector<32xbf16>
      %unpack3A = tpu.unpack_subelements %bitcast3A, 0 {pack_format = #tpu.pack_format<interleaved>} : vector<32xbf16> -> vector<16xf32>
      %unpack3A_245 = tpu.unpack_subelements %bitcast3A, 1 {pack_format = #tpu.pack_format<interleaved>} : vector<32xbf16> -> vector<16xf32>
      %swap3A_246 = arith.index_cast %scan3A_240 : i32 to index
      %swap3A_247 = arith.constant 0 : index
      %swap3A_248 = tpu.vector_load %arg12[%swap3A_246, %swap3A_247] {strides = array<i32>} : memref<80x128xf32, #tpu.memory_space<vmem>>, vector<16xf32>,
      tpu.vector_store %arg12[%swap3A_246, %swap3A_247], %unpack3A {strides = array<i32>} : memref<80x128xf32, #tpu.memory_space<vmem>>, vector<16xf32>,
      %add3A_249 = arith.constant 40 : i32
      %add3A_250 = arith.addi %scan3A_240, %add3A_249 : i32
      %swap3A_251 = arith.index_cast %add3A_250 : i32 to index
      %swap3A_252 = arith.constant 0 : index
      %swap3A_253 = tpu.vector_load %arg12[%swap3A_251, %swap3A_252] {strides = array<i32>} : memref<80x128xf32, #tpu.memory_space<vmem>>, vector<16xf32>,
      tpu.vector_store %arg12[%swap3A_251, %swap3A_252], %unpack3A_245 {strides = array<i32>} : memref<80x128xf32, #tpu.memory_space<vmem>>, vector<16xf32>,
      %get3A_254 = arith.index_cast %scan3A_240 : i32 to index
      %get3A_255 = arith.constant 16 : index
      %get3A_256 = tpu.vector_load %arg10[%get3A_254, %get3A_255] {strides = array<i32>} : memref<40x128xi32, #tpu.memory_space<vmem>>, vector<16xi32>,
      %bitcast3A_257 = vector.bitcast %get3A_256 : vector<16xi32> to vector<32xbf16>
      %unpack3A_258 = tpu.unpack_subelements %bitcast3A_257, 0 {pack_format = #tpu.pack_format<interleaved>} : vector<32xbf16> -> vector<16xf32>
      %unpack3A_259 = tpu.unpack_subelements %bitcast3A_257, 1 {pack_format = #tpu.pack_format<interleaved>} : vector<32xbf16> -> vector<16xf32>
      %swap3A_260 = arith.index_cast %scan3A_240 : i32 to index
      %swap3A_261 = arith.constant 16 : index
      %swap3A_262 = tpu.vector_load %arg12[%swap3A_260, %swap3A_261] {strides = array<i32>} : memref<80x128xf32, #tpu.memory_space<vmem>>, vector<16xf32>,
      tpu.vector_store %arg12[%swap3A_260, %swap3A_261], %unpack3A_258 {strides = array<i32>} : memref<80x128xf32, #tpu.memory_space<vmem>>, vector<16xf32>,
      %add3A_263 = arith.constant 40 : i32
      %add3A_264 = arith.addi %scan3A_240, %add3A_263 : i32
      %swap3A_265 = arith.index_cast %add3A_264 : i32 to index
      %swap3A_266 = arith.constant 16 : index
      %swap3A_267 = tpu.vector_load %arg12[%swap3A_265, %swap3A_266] {strides = array<i32>} : memref<80x128xf32, #tpu.memory_space<vmem>>, vector<16xf32>,
      tpu.vector_store %arg12[%swap3A_265, %swap3A_266], %unpack3A_259 {strides = array<i32>} : memref<80x128xf32, #tpu.memory_space<vmem>>, vector<16xf32>,
      %get3A_268 = arith.index_cast %scan3A_240 : i32 to index
      %get3A_269 = arith.constant 32 : index
      %get3A_270 = tpu.vector_load %arg10[%get3A_268, %get3A_269] {strides = array<i32>} : memref<40x128xi32, #tpu.memory_space<vmem>>, vector<16xi32>,
      %bitcast3A_271 = vector.bitcast %get3A_270 : vector<16xi32> to vector<32xbf16>
      %unpack3A_272 = tpu.unpack_subelements %bitcast3A_271, 0 {pack_format = #tpu.pack_format<interleaved>} : vector<32xbf16> -> vector<16xf32>
      %unpack3A_273 = tpu.unpack_subelements %bitcast3A_271, 1 {pack_format = #tpu.pack_format<interleaved>} : vector<32xbf16> -> vector<16xf32>
      %swap3A_274 = arith.index_cast %scan3A_240 : i32 to index
      %swap3A_275 = arith.constant 32 : index
      %swap3A_276 = tpu.vector_load %arg12[%swap3A_274, %swap3A_275] {strides = array<i32>} : memref<80x128xf32, #tpu.memory_space<vmem>>, vector<16xf32>,
      tpu.vector_store %arg12[%swap3A_274, %swap3A_275], %unpack3A_272 {strides = array<i32>} : memref<80x128xf32, #tpu.memory_space<vmem>>, vector<16xf32>,
      %add3A_277 = arith.constant 40 : i32
      %add3A_278 = arith.addi %scan3A_240, %add3A_277 : i32
      %swap3A_279 = arith.index_cast %add3A_278 : i32 to index
      %swap3A_280 = arith.constant 32 : index
      %swap3A_281 = tpu.vector_load %arg12[%swap3A_279, %swap3A_280] {strides = array<i32>} : memref<80x128xf32, #tpu.memory_space<vmem>>, vector<16xf32>,
      tpu.vector_store %arg12[%swap3A_279, %swap3A_280], %unpack3A_273 {strides = array<i32>} : memref<80x128xf32, #tpu.memory_space<vmem>>, vector<16xf32>,
      %get3A_282 = arith.index_cast %scan3A_240 : i32 to index
      %get3A_283 = arith.constant 48 : index
      %get3A_284 = tpu.vector_load %arg10[%get3A_282, %get3A_283] {strides = array<i32>} : memref<40x128xi32, #tpu.memory_space<vmem>>, vector<16xi32>,
      %bitcast3A_285 = vector.bitcast %get3A_284 : vector<16xi32> to vector<32xbf16>
      %unpack3A_286 = tpu.unpack_subelements %bitcast3A_285, 0 {pack_format = #tpu.pack_format<interleaved>} : vector<32xbf16> -> vector<16xf32>
      %unpack3A_287 = tpu.unpack_subelements %bitcast3A_285, 1 {pack_format = #tpu.pack_format<interleaved>} : vector<32xbf16> -> vector<16xf32>
      %swap3A_288 = arith.index_cast %scan3A_240 : i32 to index
      %swap3A_289 = arith.constant 48 : index
      %swap3A_290 = tpu.vector_load %arg12[%swap3A_288, %swap3A_289] {strides = array<i32>} : memref<80x128xf32, #tpu.memory_space<vmem>>, vector<16xf32>,
      tpu.vector_store %arg12[%swap3A_288, %swap3A_289], %unpack3A_286 {strides = array<i32>} : memref<80x128xf32, #tpu.memory_space<vmem>>, vector<16xf32>,
      %add3A_291 = arith.constant 40 : i32
      %add3A_292 = arith.addi %scan3A_240, %add3A_291 : i32
      %swap3A_293 = arith.index_cast %add3A_292 : i32 to index
      %swap3A_294 = arith.constant 48 : index
      %swap3A_295 = tpu.vector_load %arg12[%swap3A_293, %swap3A_294] {strides = array<i32>} : memref<80x128xf32, #tpu.memory_space<vmem>>, vector<16xf32>,
      tpu.vector_store %arg12[%swap3A_293, %swap3A_294], %unpack3A_287 {strides = array<i32>} : memref<80x128xf32, #tpu.memory_space<vmem>>, vector<16xf32>,
      %get3A_296 = arith.index_cast %scan3A_240 : i32 to index
      %get3A_297 = arith.constant 64 : index
      %get3A_298 = tpu.vector_load %arg10[%get3A_296, %get3A_297] {strides = array<i32>} : memref<40x128xi32, #tpu.memory_space<vmem>>, vector<16xi32>,
      %bitcast3A_299 = vector.bitcast %get3A_298 : vector<16xi32> to vector<32xbf16>
      %unpack3A_300 = tpu.unpack_subelements %bitcast3A_299, 0 {pack_format = #tpu.pack_format<interleaved>} : vector<32xbf16> -> vector<16xf32>
      %unpack3A_301 = tpu.unpack_subelements %bitcast3A_299, 1 {pack_format = #tpu.pack_format<interleaved>} : vector<32xbf16> -> vector<16xf32>
      %swap3A_302 = arith.index_cast %scan3A_240 : i32 to index
      %swap3A_303 = arith.constant 64 : index
      %swap3A_304 = tpu.vector_load %arg12[%swap3A_302, %swap3A_303] {strides = array<i32>} : memref<80x128xf32, #tpu.memory_space<vmem>>, vector<16xf32>,
      tpu.vector_store %arg12[%swap3A_302, %swap3A_303], %unpack3A_300 {strides = array<i32>} : memref<80x128xf32, #tpu.memory_space<vmem>>, vector<16xf32>,
      %add3A_305 = arith.constant 40 : i32
      %add3A_306 = arith.addi %scan3A_240, %add3A_305 : i32
      %swap3A_307 = arith.index_cast %add3A_306 : i32 to index
      %swap3A_308 = arith.constant 64 : index
      %swap3A_309 = tpu.vector_load %arg12[%swap3A_307, %swap3A_308] {strides = array<i32>} : memref<80x128xf32, #tpu.memory_space<vmem>>, vector<16xf32>,
      tpu.vector_store %arg12[%swap3A_307, %swap3A_308], %unpack3A_301 {strides = array<i32>} : memref<80x128xf32, #tpu.memory_space<vmem>>, vector<16xf32>,
      %get3A_310 = arith.index_cast %scan3A_240 : i32 to index
      %get3A_311 = arith.constant 80 : index
      %get3A_312 = tpu.vector_load %arg10[%get3A_310, %get3A_311] {strides = array<i32>} : memref<40x128xi32, #tpu.memory_space<vmem>>, vector<16xi32>,
      %bitcast3A_313 = vector.bitcast %get3A_312 : vector<16xi32> to vector<32xbf16>
      %unpack3A_314 = tpu.unpack_subelements %bitcast3A_313, 0 {pack_format = #tpu.pack_format<interleaved>} : vector<32xbf16> -> vector<16xf32>
      %unpack3A_315 = tpu.unpack_subelements %bitcast3A_313, 1 {pack_format = #tpu.pack_format<interleaved>} : vector<32xbf16> -> vector<16xf32>
      %swap3A_316 = arith.index_cast %scan3A_240 : i32 to index
      %swap3A_317 = arith.constant 80 : index
      %swap3A_318 = tpu.vector_load %arg12[%swap3A_316, %swap3A_317] {strides = array<i32>} : memref<80x128xf32, #tpu.memory_space<vmem>>, vector<16xf32>,
      tpu.vector_store %arg12[%swap3A_316, %swap3A_317], %unpack3A_314 {strides = array<i32>} : memref<80x128xf32, #tpu.memory_space<vmem>>, vector<16xf32>,
      %add3A_319 = arith.constant 40 : i32
      %add3A_320 = arith.addi %scan3A_240, %add3A_319 : i32
      %swap3A_321 = arith.index_cast %add3A_320 : i32 to index
      %swap3A_322 = arith.constant 80 : index
      %swap3A_323 = tpu.vector_load %arg12[%swap3A_321, %swap3A_322] {strides = array<i32>} : memref<80x128xf32, #tpu.memory_space<vmem>>, vector<16xf32>,
      tpu.vector_store %arg12[%swap3A_321, %swap3A_322], %unpack3A_315 {strides = array<i32>} : memref<80x128xf32, #tpu.memory_space<vmem>>, vector<16xf32>,
      %get3A_324 = arith.index_cast %scan3A_240 : i32 to index
      %get3A_325 = arith.constant 96 : index
      %get3A_326 = tpu.vector_load %arg10[%get3A_324, %get3A_325] {strides = array<i32>} : memref<40x128xi32, #tpu.memory_space<vmem>>, vector<16xi32>,
      %bitcast3A_327 = vector.bitcast %get3A_326 : vector<16xi32> to vector<32xbf16>
      %unpack3A_328 = tpu.unpack_subelements %bitcast3A_327, 0 {pack_format = #tpu.pack_format<interleaved>} : vector<32xbf16> -> vector<16xf32>
      %unpack3A_329 = tpu.unpack_subelements %bitcast3A_327, 1 {pack_format = #tpu.pack_format<interleaved>} : vector<32xbf16> -> vector<16xf32>
      %swap3A_330 = arith.index_cast %scan3A_240 : i32 to index
      %swap3A_331 = arith.constant 96 : index
      %swap3A_332 = tpu.vector_load %arg12[%swap3A_330, %swap3A_331] {strides = array<i32>} : memref<80x128xf32, #tpu.memory_space<vmem>>, vector<16xf32>,
      tpu.vector_store %arg12[%swap3A_330, %swap3A_331], %unpack3A_328 {strides = array<i32>} : memref<80x128xf32, #tpu.memory_space<vmem>>, vector<16xf32>,
      %add3A_333 = arith.constant 40 : i32
      %add3A_334 = arith.addi %scan3A_240, %add3A_333 : i32
      %swap3A_335 = arith.index_cast %add3A_334 : i32 to index
      %swap3A_336 = arith.constant 96 : index
      %swap3A_337 = tpu.vector_load %arg12[%swap3A_335, %swap3A_336] {strides = array<i32>} : memref<80x128xf32, #tpu.memory_space<vmem>>, vector<16xf32>,
      tpu.vector_store %arg12[%swap3A_335, %swap3A_336], %unpack3A_329 {strides = array<i32>} : memref<80x128xf32, #tpu.memory_space<vmem>>, vector<16xf32>,
      %get3A_338 = arith.index_cast %scan3A_240 : i32 to index
      %get3A_339 = arith.constant 112 : index
      %get3A_340 = tpu.vector_load %arg10[%get3A_338, %get3A_339] {strides = array<i32>} : memref<40x128xi32, #tpu.memory_space<vmem>>, vector<16xi32>,
      %bitcast3A_341 = vector.bitcast %get3A_340 : vector<16xi32> to vector<32xbf16>
      %unpack3A_342 = tpu.unpack_subelements %bitcast3A_341, 0 {pack_format = #tpu.pack_format<interleaved>} : vector<32xbf16> -> vector<16xf32>
      %unpack3A_343 = tpu.unpack_subelements %bitcast3A_341, 1 {pack_format = #tpu.pack_format<interleaved>} : vector<32xbf16> -> vector<16xf32>
      %swap3A_344 = arith.index_cast %scan3A_240 : i32 to index
      %swap3A_345 = arith.constant 112 : index
      %swap3A_346 = tpu.vector_load %arg12[%swap3A_344, %swap3A_345] {strides = array<i32>} : memref<80x128xf32, #tpu.memory_space<vmem>>, vector<16xf32>,
      tpu.vector_store %arg12[%swap3A_344, %swap3A_345], %unpack3A_342 {strides = array<i32>} : memref<80x128xf32, #tpu.memory_space<vmem>>, vector<16xf32>,
      %add3A_347 = arith.constant 40 : i32
      %add3A_348 = arith.addi %scan3A_240, %add3A_347 : i32
      %swap3A_349 = arith.index_cast %add3A_348 : i32 to index
      %swap3A_350 = arith.constant 112 : index
      %swap3A_351 = tpu.vector_load %arg12[%swap3A_349, %swap3A_350] {strides = array<i32>} : memref<80x128xf32, #tpu.memory_space<vmem>>, vector<16xf32>,
      tpu.vector_store %arg12[%swap3A_349, %swap3A_350], %unpack3A_343 {strides = array<i32>} : memref<80x128xf32, #tpu.memory_space<vmem>>, vector<16xf32>,
      %scan3A_352 = arith.constant 0 : i32
      scf.yield %scan3A_352 : i32
    }
    %scan3A_205 = arith.constant 40 : i32
    %get3A_206 = arith.constant 0 : index
    %get3A_207 = tpu.vector_load %arg6[%get3A_206] {strides = array<i32>} : memref<80xi32, #tpu.memory_space<vmem>>, vector<16xi32>,
    %swap3A_208 = arith.constant 0 : index
    %swap3A_209 = tpu.vector_load %arg8[%swap3A_208] {strides = array<i32>} : memref<80xi32, #tpu.memory_space<vmem>>, vector<16xi32>,
    tpu.vector_store %arg8[%swap3A_208], %get3A_207 {strides = array<i32>} : memref<80xi32, #tpu.memory_space<vmem>>, vector<16xi32>,
    %get3A_210 = arith.constant 16 : index
    %get3A_211 = tpu.vector_load %arg6[%get3A_210] {strides = array<i32>} : memref<80xi32, #tpu.memory_space<vmem>>, vector<16xi32>,
    %swap3A_212 = arith.constant 16 : index
    %swap3A_213 = tpu.vector_load %arg8[%swap3A_212] {strides = array<i32>} : memref<80xi32, #tpu.memory_space<vmem>>, vector<16xi32>,
    tpu.vector_store %arg8[%swap3A_212], %get3A_211 {strides = array<i32>} : memref<80xi32, #tpu.memory_space<vmem>>, vector<16xi32>,
    %get3A_214 = arith.constant 32 : index
    %get3A_215 = tpu.vector_load %arg6[%get3A_214] {strides = array<i32>} : memref<80xi32, #tpu.memory_space<vmem>>, vector<16xi32>,
    %swap3A_216 = arith.constant 32 : index
    %swap3A_217 = tpu.vector_load %arg8[%swap3A_216] {strides = array<i32>} : memref<80xi32, #tpu.memory_space<vmem>>, vector<16xi32>,
    tpu.vector_store %arg8[%swap3A_216], %get3A_215 {strides = array<i32>} : memref<80xi32, #tpu.memory_space<vmem>>, vector<16xi32>,
    %get3A_218 = arith.constant 48 : index
    %get3A_219 = tpu.vector_load %arg6[%get3A_218] {strides = array<i32>} : memref<80xi32, #tpu.memory_space<vmem>>, vector<16xi32>,
    %swap3A_220 = arith.constant 48 : index
    %swap3A_221 = tpu.vector_load %arg8[%swap3A_220] {strides = array<i32>} : memref<80xi32, #tpu.memory_space<vmem>>, vector<16xi32>,
    tpu.vector_store %arg8[%swap3A_220], %get3A_219 {strides = array<i32>} : memref<80xi32, #tpu.memory_space<vmem>>, vector<16xi32>,
    %get3A_222 = arith.constant 64 : index
    %get3A_223 = tpu.vector_load %arg6[%get3A_222] {strides = array<i32>} : memref<80xi32, #tpu.memory_space<vmem>>, vector<16xi32>,
    %swap3A_224 = arith.constant 64 : index
    %swap3A_225 = tpu.vector_load %arg8[%swap3A_224] {strides = array<i32>} : memref<80xi32, #tpu.memory_space<vmem>>, vector<16xi32>,
    tpu.vector_store %arg8[%swap3A_224], %get3A_223 {strides = array<i32>} : memref<80xi32, #tpu.memory_space<vmem>>, vector<16xi32>,
    %dma_start3A_226 = arith.constant 0 : i32
    %dma_start3A_227 = arith.constant 0 : i32
    %dma_start3A_228 = tpu.memref_slice %arg14[%dma_start3A_226, %dma_start3A_227] : memref<10240x128xf32, #tpu.memory_space<vmem_shared>> -> memref<10240x128xf32, #tpu.memory_space<vmem_shared>>
    tpu.enqueue_indirect_dma source(%arg12 : memref<80x128xf32, #tpu.memory_space<vmem>>) target(%dma_start3A_228 : memref<10240x128xf32, #tpu.memory_space<vmem_shared>>) offsets(%arg8 : memref<80xi32, #tpu.memory_space<vmem>>) semaphore(%arg20 : memref<!tpu.dma_semaphore, #tpu.memory_space<semaphore_mem>>) {add = true}
    %dma_wait3A_229 = arith.constant 0 : i32
    %dma_wait3A_230 = arith.constant 0 : i32
    %dma_wait3A_231 = tpu.memref_slice %arg14[%dma_wait3A_229, %dma_wait3A_230] : memref<10240x128xf32, #tpu.memory_space<vmem_shared>> -> memref<10240x128xf32, #tpu.memory_space<vmem_shared>>
    tpu.wait_indirect_dma semaphore(%arg19 : memref<!tpu.dma_semaphore, #tpu.memory_space<semaphore_mem>>) src(%arg11 : memref<80x128xf32, #tpu.memory_space<vmem>>) dst(%dma_wait3A_231 : memref<10240x128xf32, #tpu.memory_space<vmem_shared>>)
    %dma_wait3A_232 = arith.constant 0 : i32
    %dma_wait3A_233 = arith.constant 0 : i32
    %dma_wait3A_234 = tpu.memref_slice %arg14[%dma_wait3A_232, %dma_wait3A_233] : memref<10240x128xf32, #tpu.memory_space<vmem_shared>> -> memref<10240x128xf32, #tpu.memory_space<vmem_shared>>
    tpu.wait_indirect_dma semaphore(%arg20 : memref<!tpu.dma_semaphore, #tpu.memory_space<semaphore_mem>>) src(%arg12 : memref<80x128xf32, #tpu.memory_space<vmem>>) dst(%dma_wait3A_234 : memref<10240x128xf32, #tpu.memory_space<vmem_shared>>)
    %barrier3A_235 = arith.constant 0 : index
    tpu.barrier barrier_id(%barrier3A_235)
    %mul3A_236 = arith.constant 640 : i32
    %mul3A_237 = arith.muli %arg1, %mul3A_236 : i32
    %mul3A_238 = arith.constant 640 : i32
    %mul3A_239 = arith.muli %arg1, %mul3A_238 : i32
    "tpu.region"() ({
      %run_scoped3A = tpu.sem_alloc : memref<!tpu.dma_semaphore, #tpu.memory_space<semaphore_mem>>
      %dma_start3A_240 = arith.constant 0 : i32
      %dma_start3A_241 = tpu.memref_slice %arg4[%arg0, %mul3A_239, %dma_start3A_240] : memref<2x10240x128xf32, #tpu.memory_space<hbm>> -> memref<1x640x128xf32, #tpu.memory_space<hbm>>
      %dma_start3A_242 = tpu.memref_squeeze %dma_start3A_241 : memref<1x640x128xf32, #tpu.memory_space<hbm>> -> memref<640x128xf32, #tpu.memory_space<hbm>>
      %dma_start3A_243 = arith.constant 0 : i32
      %dma_start3A_244 = tpu.memref_slice %arg14[%mul3A_237, %dma_start3A_243] : memref<10240x128xf32, #tpu.memory_space<vmem_shared>> -> memref<640x128xf32, #tpu.memory_space<vmem_shared>>
      tpu.enqueue_dma source(%dma_start3A_244 : memref<640x128xf32, #tpu.memory_space<vmem_shared>>) target(%dma_start3A_242 : memref<640x128xf32, #tpu.memory_space<hbm>>) target_semaphore(%run_scoped3A : memref<!tpu.dma_semaphore, #tpu.memory_space<semaphore_mem>>)
      %dma_wait3A_245 = arith.constant 0 : i32
      %dma_wait3A_246 = tpu.memref_slice %arg4[%arg0, %mul3A_239, %dma_wait3A_245] : memref<2x10240x128xf32, #tpu.memory_space<hbm>> -> memref<1x640x128xf32, #tpu.memory_space<hbm>>
      %dma_wait3A_247 = tpu.memref_squeeze %dma_wait3A_246 : memref<1x640x128xf32, #tpu.memory_space<hbm>> -> memref<640x128xf32, #tpu.memory_space<hbm>>
      %dma_wait3A_248 = arith.constant 0 : i32
      %dma_wait3A_249 = tpu.memref_slice %arg14[%mul3A_237, %dma_wait3A_248] : memref<10240x128xf32, #tpu.memory_space<vmem_shared>> -> memref<640x128xf32, #tpu.memory_space<vmem_shared>>
      tpu.wait_dma2 semaphore(%run_scoped3A : memref<!tpu.dma_semaphore, #tpu.memory_space<semaphore_mem>>) src(%dma_wait3A_249 : memref<640x128xf32, #tpu.memory_space<vmem_shared>>) dst(%dma_wait3A_247 : memref<640x128xf32, #tpu.memory_space<hbm>>)
      tpu.yield
    }) : () -> ()
    return
  }
}

module attributes {stable_mosaic.version = 14 : i64} {
  func.func @_edge_msg_body(%arg0: i32, %arg1: memref<12800x16xf32, #tpu.memory_space<vmem>>, %arg2: memref<12800x128xf32, #tpu.memory_space<vmem>>, %arg3: memref<16x128xf32, #tpu.memory_space<vmem>>, %arg4: memref<6400x128xi32, #tpu.memory_space<vmem>>) attributes {dimension_semantics = [#tpu.dimension_semantics<arbitrary>], iteration_bounds = array<i64: 12>, scalar_prefetch = 0 : i64, scratch_operands = 0 : i64, tpu.core_type = #tpu.core_type<tc>, window_params = [{transform_indices = @transform_0, window_bounds = array<i64: 12800, 16>}, {transform_indices = @transform_1, window_bounds = array<i64: 12800, 128>}, {pipeline_mode = #tpu.pipeline_mode<synchronous>, transform_indices = @transform_2, window_bounds = array<i64: 16, 128>}, {transform_indices = @transform_3, window_bounds = array<i64: 6400, 128>}]} {
    %get3A = arith.constant 0 : index
    %get3A_0 = arith.constant 0 : index
    %get3A_1 = vector.load %arg1[%get3A, %get3A_0] : memref<12800x16xf32, #tpu.memory_space<vmem>>, vector<12800x16xf32>
    %get3A_2 = arith.constant 0 : index
    %get3A_3 = arith.constant 0 : index
    %get3A_4 = vector.load %arg3[%get3A_2, %get3A_3] : memref<16x128xf32, #tpu.memory_space<vmem>>, vector<16x128xf32>
    %dot_general3A = arith.constant dense<0.000000e+00> : vector<12800x128xf32>
    %dot_general3A_5 = tpu.matmul %get3A_1, %get3A_4, %dot_general3A {dimension_numbers = #tpu.dot_dimension_numbers<[1], [0], [0], [1], [0, 0, 1, 1], [], []>, transpose_lhs_hint = false} : vector<12800x16xf32>, vector<16x128xf32>, vector<12800x128xf32> -> vector<12800x128xf32>
    %get3A_6 = arith.constant 0 : index
    %get3A_7 = arith.constant 0 : index
    %get3A_8 = vector.load %arg2[%get3A_6, %get3A_7] : memref<12800x128xf32, #tpu.memory_space<vmem>>, vector<12800x128xf32>
    %mul3A = arith.mulf %get3A_8, %dot_general3A_5 : vector<12800x128xf32>
    %convert_element_type3A = arith.truncf %mul3A : vector<12800x128xf32> to vector<12800x128xbf16>
    %bitcast_convert_type3A = tpu.bitcast %convert_element_type3A : vector<12800x128xbf16> -> vector<12800x128xi16>
    %convert_element_type3A_9 = arith.extui %bitcast_convert_type3A : vector<12800x128xi16> to vector<12800x128xi32>
    %reshape3A = vector.shape_cast %convert_element_type3A_9 : vector<12800x128xi32> to vector<160x80x128xi32>
    %slice3A = vector.extract_strided_slice %reshape3A {offsets = [0, 0, 0], sizes = [160, 40, 128], strides = [1, 1, 1]} : vector<160x80x128xi32> to vector<160x40x128xi32>
    %slice3A_10 = vector.extract_strided_slice %reshape3A {offsets = [0, 40, 0], sizes = [160, 40, 128], strides = [1, 1, 1]} : vector<160x80x128xi32> to vector<160x40x128xi32>
    %shift_left3A = arith.constant 16 : i32
    %shift_left3A_11 = vector.broadcast %shift_left3A : i32 to vector<160x40x128xi32>
    %shift_left3A_12 = arith.shli %slice3A_10, %shift_left3A_11 : vector<160x40x128xi32>
    %or3A = arith.ori %slice3A, %shift_left3A_12 : vector<160x40x128xi32>
    %reshape3A_13 = vector.shape_cast %or3A : vector<160x40x128xi32> to vector<6400x128xi32>
    %swap3A = arith.constant 0 : index
    %swap3A_14 = arith.constant 0 : index
    %swap3A_15 = vector.load %arg4[%swap3A, %swap3A_14] : memref<6400x128xi32, #tpu.memory_space<vmem>>, vector<6400x128xi32>
    tpu.vector_store %arg4[%swap3A, %swap3A_14], %reshape3A_13 {strides = array<i32>} : memref<6400x128xi32, #tpu.memory_space<vmem>>, vector<6400x128xi32>,
    return
  }
  func.func @transform_0(%arg0: i32) -> (i32, i32) {
    %add3A = arith.constant 0 : i32
    %add3A_0 = arith.addi %arg0, %add3A : i32
    %c0_i32 = arith.constant 0 : i32
    %c0_i32_1 = arith.constant 0 : i32
    return %add3A_0, %c0_i32 : i32, i32
  }
  func.func @transform_1(%arg0: i32) -> (i32, i32) {
    %add3A = arith.constant 0 : i32
    %add3A_0 = arith.addi %arg0, %add3A : i32
    %c0_i32 = arith.constant 0 : i32
    %c0_i32_1 = arith.constant 0 : i32
    return %add3A_0, %c0_i32 : i32, i32
  }
  func.func @transform_2(%arg0: i32) -> (i32, i32) {
    %c0_i32 = arith.constant 0 : i32
    %c0_i32_0 = arith.constant 0 : i32
    %c0_i32_1 = arith.constant 0 : i32
    return %c0_i32, %c0_i32_0 : i32, i32
  }
  func.func @transform_3(%arg0: i32) -> (i32, i32) {
    %c0_i32 = arith.constant 0 : i32
    %c0_i32_0 = arith.constant 0 : i32
    return %arg0, %c0_i32 : i32, i32
  }
}

module attributes {stable_mosaic.version = 14 : i64} {
  func.func @_edge_msg_body(%arg0: i32, %arg1: memref<12800x16xf32, #tpu.memory_space<vmem>>, %arg2: memref<12800x128xf32, #tpu.memory_space<vmem>>, %arg3: memref<16x128xf32, #tpu.memory_space<vmem>>, %arg4: memref<6400x128xi32, #tpu.memory_space<vmem>>) attributes {dimension_semantics = [#tpu.dimension_semantics<arbitrary>], iteration_bounds = array<i64: 13>, scalar_prefetch = 0 : i64, scratch_operands = 0 : i64, tpu.core_type = #tpu.core_type<tc>, window_params = [{transform_indices = @transform_0, window_bounds = array<i64: 12800, 16>}, {transform_indices = @transform_1, window_bounds = array<i64: 12800, 128>}, {pipeline_mode = #tpu.pipeline_mode<synchronous>, transform_indices = @transform_2, window_bounds = array<i64: 16, 128>}, {transform_indices = @transform_3, window_bounds = array<i64: 6400, 128>}]} {
    %get3A = arith.constant 0 : index
    %get3A_0 = arith.constant 0 : index
    %get3A_1 = vector.load %arg1[%get3A, %get3A_0] : memref<12800x16xf32, #tpu.memory_space<vmem>>, vector<12800x16xf32>
    %get3A_2 = arith.constant 0 : index
    %get3A_3 = arith.constant 0 : index
    %get3A_4 = vector.load %arg3[%get3A_2, %get3A_3] : memref<16x128xf32, #tpu.memory_space<vmem>>, vector<16x128xf32>
    %dot_general3A = arith.constant dense<0.000000e+00> : vector<12800x128xf32>
    %dot_general3A_5 = tpu.matmul %get3A_1, %get3A_4, %dot_general3A {dimension_numbers = #tpu.dot_dimension_numbers<[1], [0], [0], [1], [0, 0, 1, 1], [], []>, transpose_lhs_hint = false} : vector<12800x16xf32>, vector<16x128xf32>, vector<12800x128xf32> -> vector<12800x128xf32>
    %get3A_6 = arith.constant 0 : index
    %get3A_7 = arith.constant 0 : index
    %get3A_8 = vector.load %arg2[%get3A_6, %get3A_7] : memref<12800x128xf32, #tpu.memory_space<vmem>>, vector<12800x128xf32>
    %mul3A = arith.mulf %get3A_8, %dot_general3A_5 : vector<12800x128xf32>
    %convert_element_type3A = arith.truncf %mul3A : vector<12800x128xf32> to vector<12800x128xbf16>
    %bitcast_convert_type3A = tpu.bitcast %convert_element_type3A : vector<12800x128xbf16> -> vector<12800x128xi16>
    %convert_element_type3A_9 = arith.extui %bitcast_convert_type3A : vector<12800x128xi16> to vector<12800x128xi32>
    %reshape3A = vector.shape_cast %convert_element_type3A_9 : vector<12800x128xi32> to vector<160x80x128xi32>
    %slice3A = vector.extract_strided_slice %reshape3A {offsets = [0, 0, 0], sizes = [160, 40, 128], strides = [1, 1, 1]} : vector<160x80x128xi32> to vector<160x40x128xi32>
    %slice3A_10 = vector.extract_strided_slice %reshape3A {offsets = [0, 40, 0], sizes = [160, 40, 128], strides = [1, 1, 1]} : vector<160x80x128xi32> to vector<160x40x128xi32>
    %shift_left3A = arith.constant 16 : i32
    %shift_left3A_11 = vector.broadcast %shift_left3A : i32 to vector<160x40x128xi32>
    %shift_left3A_12 = arith.shli %slice3A_10, %shift_left3A_11 : vector<160x40x128xi32>
    %or3A = arith.ori %slice3A, %shift_left3A_12 : vector<160x40x128xi32>
    %reshape3A_13 = vector.shape_cast %or3A : vector<160x40x128xi32> to vector<6400x128xi32>
    %swap3A = arith.constant 0 : index
    %swap3A_14 = arith.constant 0 : index
    %swap3A_15 = vector.load %arg4[%swap3A, %swap3A_14] : memref<6400x128xi32, #tpu.memory_space<vmem>>, vector<6400x128xi32>
    tpu.vector_store %arg4[%swap3A, %swap3A_14], %reshape3A_13 {strides = array<i32>} : memref<6400x128xi32, #tpu.memory_space<vmem>>, vector<6400x128xi32>,
    return
  }
  func.func @transform_0(%arg0: i32) -> (i32, i32) {
    %add3A = arith.constant 12 : i32
    %add3A_0 = arith.addi %arg0, %add3A : i32
    %c0_i32 = arith.constant 0 : i32
    %c0_i32_1 = arith.constant 0 : i32
    return %add3A_0, %c0_i32 : i32, i32
  }
  func.func @transform_1(%arg0: i32) -> (i32, i32) {
    %add3A = arith.constant 12 : i32
    %add3A_0 = arith.addi %arg0, %add3A : i32
    %c0_i32 = arith.constant 0 : i32
    %c0_i32_1 = arith.constant 0 : i32
    return %add3A_0, %c0_i32 : i32, i32
  }
  func.func @transform_2(%arg0: i32) -> (i32, i32) {
    %c0_i32 = arith.constant 0 : i32
    %c0_i32_0 = arith.constant 0 : i32
    %c0_i32_1 = arith.constant 0 : i32
    return %c0_i32, %c0_i32_0 : i32, i32
  }
  func.func @transform_3(%arg0: i32) -> (i32, i32) {
    %c0_i32 = arith.constant 0 : i32
    %c0_i32_0 = arith.constant 0 : i32
    return %arg0, %c0_i32 : i32, i32
  }
}

module attributes {stable_mosaic.version = 14 : i64} {
  func.func @_mlp_body(%arg0: i32, %arg1: memref<1xf32, #tpu.memory_space<smem>>, %arg2: memref<2x2000x128xf32, #tpu.memory_space<vmem>>, %arg3: memref<2x2000x128xf32, #tpu.memory_space<vmem>>, %arg4: memref<128x128xf32, #tpu.memory_space<vmem>>, %arg5: memref<128x128xf32, #tpu.memory_space<vmem>>, %arg6: memref<128x128xf32, #tpu.memory_space<vmem>>, %arg7: memref<128x128xf32, #tpu.memory_space<vmem>>, %arg8: memref<2000x128xf32, #tpu.memory_space<vmem>>) attributes {dimension_semantics = [#tpu.dimension_semantics<arbitrary>], iteration_bounds = array<i64: 5>, scalar_prefetch = 0 : i64, scratch_operands = 0 : i64, tpu.core_type = #tpu.core_type<tc>, window_params = [{transform_indices = @transform_0, window_bounds = array<i64: 1>}, {transform_indices = @transform_1, window_bounds = array<i64: 2, 2000, 128>}, {transform_indices = @transform_2, window_bounds = array<i64: 2, 2000, 128>}, {pipeline_mode = #tpu.pipeline_mode<synchronous>, transform_indices = @transform_3, window_bounds = array<i64: 128, 128>}, {pipeline_mode = #tpu.pipeline_mode<synchronous>, transform_indices = @transform_4, window_bounds = array<i64: 128, 128>}, {pipeline_mode = #tpu.pipeline_mode<synchronous>, transform_indices = @transform_5, window_bounds = array<i64: 128, 128>}, {pipeline_mode = #tpu.pipeline_mode<synchronous>, transform_indices = @transform_6, window_bounds = array<i64: 128, 128>}, {transform_indices = @transform_7, window_bounds = array<i64: 2000, 128>}]} {
    %get3A = arith.constant 0 : index
    %get3A_0 = arith.constant 0 : index
    %get3A_1 = arith.constant 0 : index
    %get3A_2 = vector.load %arg2[%get3A, %get3A_0, %get3A_1] : memref<2x2000x128xf32, #tpu.memory_space<vmem>>, vector<1x2000x128xf32>
    %get3A_3 = vector.shape_cast %get3A_2 : vector<1x2000x128xf32> to vector<2000x128xf32>
    %get3A_4 = arith.constant 1 : index
    %get3A_5 = arith.constant 0 : index
    %get3A_6 = arith.constant 0 : index
    %get3A_7 = vector.load %arg2[%get3A_4, %get3A_5, %get3A_6] : memref<2x2000x128xf32, #tpu.memory_space<vmem>>, vector<1x2000x128xf32>
    %get3A_8 = vector.shape_cast %get3A_7 : vector<1x2000x128xf32> to vector<2000x128xf32>
    %add3A = arith.addf %get3A_3, %get3A_8 : vector<2000x128xf32>
    %get3A_9 = arith.constant 0 : index
    %get3A_10 = arith.constant 0 : index
    %get3A_11 = arith.constant 0 : index
    %get3A_12 = vector.load %arg3[%get3A_9, %get3A_10, %get3A_11] : memref<2x2000x128xf32, #tpu.memory_space<vmem>>, vector<1x2000x128xf32>
    %get3A_13 = vector.shape_cast %get3A_12 : vector<1x2000x128xf32> to vector<2000x128xf32>
    %add3A_14 = arith.addf %add3A, %get3A_13 : vector<2000x128xf32>
    %get3A_15 = arith.constant 1 : index
    %get3A_16 = arith.constant 0 : index
    %get3A_17 = arith.constant 0 : index
    %get3A_18 = vector.load %arg3[%get3A_15, %get3A_16, %get3A_17] : memref<2x2000x128xf32, #tpu.memory_space<vmem>>, vector<1x2000x128xf32>
    %get3A_19 = vector.shape_cast %get3A_18 : vector<1x2000x128xf32> to vector<2000x128xf32>
    %add3A_20 = arith.addf %add3A_14, %get3A_19 : vector<2000x128xf32>
    %get3A_21 = arith.constant 0 : index
    %get3A_22 = memref.load %arg1[%get3A_21] : memref<1xf32, #tpu.memory_space<smem>>
    %mul3A = vector.broadcast %get3A_22 : f32 to vector<2000x128xf32>
    %mul3A_23 = arith.mulf %add3A_20, %mul3A : vector<2000x128xf32>
    %get3A_24 = arith.constant 0 : index
    %get3A_25 = arith.constant 0 : index
    %get3A_26 = vector.load %arg4[%get3A_24, %get3A_25] : memref<128x128xf32, #tpu.memory_space<vmem>>, vector<128x128xf32>
    %dot_general3A = arith.constant dense<0.000000e+00> : vector<2000x128xf32>
    %dot_general3A_27 = tpu.matmul %mul3A_23, %get3A_26, %dot_general3A {dimension_numbers = #tpu.dot_dimension_numbers<[1], [0], [0], [1], [0, 0, 1, 1], [], []>, transpose_lhs_hint = false} : vector<2000x128xf32>, vector<128x128xf32>, vector<2000x128xf32> -> vector<2000x128xf32>
    %logistic3A = arith.negf %dot_general3A_27 : vector<2000x128xf32>
    %logistic3A_28 = math.exp %logistic3A : vector<2000x128xf32>
    %logistic3A_29 = arith.constant 1.000000e+00 : f32
    %logistic3A_30 = vector.broadcast %logistic3A_29 : f32 to vector<2000x128xf32>
    %logistic3A_31 = arith.addf %logistic3A_30, %logistic3A_28 : vector<2000x128xf32>
    %logistic3A_32 = arith.divf %logistic3A_30, %logistic3A_31 : vector<2000x128xf32>
    %mul3A_33 = arith.mulf %dot_general3A_27, %logistic3A_32 : vector<2000x128xf32>
    %mul3A_34 = arith.constant 1.66666663 : f32
    %mul3A_35 = vector.broadcast %mul3A_34 : f32 to vector<2000x128xf32>
    %mul3A_36 = arith.mulf %mul3A_33, %mul3A_35 : vector<2000x128xf32>
    %get3A_37 = arith.constant 0 : index
    %get3A_38 = arith.constant 0 : index
    %get3A_39 = vector.load %arg5[%get3A_37, %get3A_38] : memref<128x128xf32, #tpu.memory_space<vmem>>, vector<128x128xf32>
    %dot_general3A_40 = arith.constant dense<0.000000e+00> : vector<2000x128xf32>
    %dot_general3A_41 = tpu.matmul %mul3A_36, %get3A_39, %dot_general3A_40 {dimension_numbers = #tpu.dot_dimension_numbers<[1], [0], [0], [1], [0, 0, 1, 1], [], []>, transpose_lhs_hint = false} : vector<2000x128xf32>, vector<128x128xf32>, vector<2000x128xf32> -> vector<2000x128xf32>
    %logistic3A_42 = arith.negf %dot_general3A_41 : vector<2000x128xf32>
    %logistic3A_43 = math.exp %logistic3A_42 : vector<2000x128xf32>
    %logistic3A_44 = arith.constant 1.000000e+00 : f32
    %logistic3A_45 = vector.broadcast %logistic3A_44 : f32 to vector<2000x128xf32>
    %logistic3A_46 = arith.addf %logistic3A_45, %logistic3A_43 : vector<2000x128xf32>
    %logistic3A_47 = arith.divf %logistic3A_45, %logistic3A_46 : vector<2000x128xf32>
    %mul3A_48 = arith.mulf %dot_general3A_41, %logistic3A_47 : vector<2000x128xf32>
    %mul3A_49 = arith.constant 1.66666663 : f32
    %mul3A_50 = vector.broadcast %mul3A_49 : f32 to vector<2000x128xf32>
    %mul3A_51 = arith.mulf %mul3A_48, %mul3A_50 : vector<2000x128xf32>
    %add3A_52 = arith.addf %mul3A_23, %mul3A_51 : vector<2000x128xf32>
    %mul3A_53 = arith.constant 0.707106769 : f32
    %mul3A_54 = vector.broadcast %mul3A_53 : f32 to vector<2000x128xf32>
    %mul3A_55 = arith.mulf %add3A_52, %mul3A_54 : vector<2000x128xf32>
    %get3A_56 = arith.constant 0 : index
    %get3A_57 = arith.constant 0 : index
    %get3A_58 = vector.load %arg6[%get3A_56, %get3A_57] : memref<128x128xf32, #tpu.memory_space<vmem>>, vector<128x128xf32>
    %dot_general3A_59 = arith.constant dense<0.000000e+00> : vector<2000x128xf32>
    %dot_general3A_60 = tpu.matmul %mul3A_55, %get3A_58, %dot_general3A_59 {dimension_numbers = #tpu.dot_dimension_numbers<[1], [0], [0], [1], [0, 0, 1, 1], [], []>, transpose_lhs_hint = false} : vector<2000x128xf32>, vector<128x128xf32>, vector<2000x128xf32> -> vector<2000x128xf32>
    %logistic3A_61 = arith.negf %dot_general3A_60 : vector<2000x128xf32>
    %logistic3A_62 = math.exp %logistic3A_61 : vector<2000x128xf32>
    %logistic3A_63 = arith.constant 1.000000e+00 : f32
    %logistic3A_64 = vector.broadcast %logistic3A_63 : f32 to vector<2000x128xf32>
    %logistic3A_65 = arith.addf %logistic3A_64, %logistic3A_62 : vector<2000x128xf32>
    %logistic3A_66 = arith.divf %logistic3A_64, %logistic3A_65 : vector<2000x128xf32>
    %mul3A_67 = arith.mulf %dot_general3A_60, %logistic3A_66 : vector<2000x128xf32>
    %mul3A_68 = arith.constant 1.66666663 : f32
    %mul3A_69 = vector.broadcast %mul3A_68 : f32 to vector<2000x128xf32>
    %mul3A_70 = arith.mulf %mul3A_67, %mul3A_69 : vector<2000x128xf32>
    %get3A_71 = arith.constant 0 : index
    %get3A_72 = arith.constant 0 : index
    %get3A_73 = vector.load %arg7[%get3A_71, %get3A_72] : memref<128x128xf32, #tpu.memory_space<vmem>>, vector<128x128xf32>
    %dot_general3A_74 = arith.constant dense<0.000000e+00> : vector<2000x128xf32>
    %dot_general3A_75 = tpu.matmul %mul3A_70, %get3A_73, %dot_general3A_74 {dimension_numbers = #tpu.dot_dimension_numbers<[1], [0], [0], [1], [0, 0, 1, 1], [], []>, transpose_lhs_hint = false} : vector<2000x128xf32>, vector<128x128xf32>, vector<2000x128xf32> -> vector<2000x128xf32>
    %logistic3A_76 = arith.negf %dot_general3A_75 : vector<2000x128xf32>
    %logistic3A_77 = math.exp %logistic3A_76 : vector<2000x128xf32>
    %logistic3A_78 = arith.constant 1.000000e+00 : f32
    %logistic3A_79 = vector.broadcast %logistic3A_78 : f32 to vector<2000x128xf32>
    %logistic3A_80 = arith.addf %logistic3A_79, %logistic3A_77 : vector<2000x128xf32>
    %logistic3A_81 = arith.divf %logistic3A_79, %logistic3A_80 : vector<2000x128xf32>
    %mul3A_82 = arith.mulf %dot_general3A_75, %logistic3A_81 : vector<2000x128xf32>
    %mul3A_83 = arith.constant 1.66666663 : f32
    %mul3A_84 = vector.broadcast %mul3A_83 : f32 to vector<2000x128xf32>
    %mul3A_85 = arith.mulf %mul3A_82, %mul3A_84 : vector<2000x128xf32>
    %add3A_86 = arith.addf %mul3A_55, %mul3A_85 : vector<2000x128xf32>
    %mul3A_87 = arith.constant 0.707106769 : f32
    %mul3A_88 = vector.broadcast %mul3A_87 : f32 to vector<2000x128xf32>
    %mul3A_89 = arith.mulf %add3A_86, %mul3A_88 : vector<2000x128xf32>
    %swap3A = arith.constant 0 : index
    %swap3A_90 = arith.constant 0 : index
    %swap3A_91 = vector.load %arg8[%swap3A, %swap3A_90] : memref<2000x128xf32, #tpu.memory_space<vmem>>, vector<2000x128xf32>
    tpu.vector_store %arg8[%swap3A, %swap3A_90], %mul3A_89 {strides = array<i32>} : memref<2000x128xf32, #tpu.memory_space<vmem>>, vector<2000x128xf32>,
    return
  }
  func.func @transform_0(%arg0: i32) -> i32 {
    %c0_i32 = arith.constant 0 : i32
    %c0_i32_0 = arith.constant 0 : i32
    return %c0_i32 : i32
  }
  func.func @transform_1(%arg0: i32) -> (i32, i32, i32) {
    %c0_i32 = arith.constant 0 : i32
    %c0_i32_0 = arith.constant 0 : i32
    %c0_i32_1 = arith.constant 0 : i32
    return %c0_i32, %arg0, %c0_i32_0 : i32, i32, i32
  }
  func.func @transform_2(%arg0: i32) -> (i32, i32, i32) {
    %c0_i32 = arith.constant 0 : i32
    %c0_i32_0 = arith.constant 0 : i32
    %c0_i32_1 = arith.constant 0 : i32
    return %c0_i32, %arg0, %c0_i32_0 : i32, i32, i32
  }
  func.func @transform_3(%arg0: i32) -> (i32, i32) {
    %c0_i32 = arith.constant 0 : i32
    %c0_i32_0 = arith.constant 0 : i32
    %c0_i32_1 = arith.constant 0 : i32
    return %c0_i32, %c0_i32_0 : i32, i32
  }
  func.func @transform_4(%arg0: i32) -> (i32, i32) {
    %c0_i32 = arith.constant 0 : i32
    %c0_i32_0 = arith.constant 0 : i32
    %c0_i32_1 = arith.constant 0 : i32
    return %c0_i32, %c0_i32_0 : i32, i32
  }
  func.func @transform_5(%arg0: i32) -> (i32, i32) {
    %c0_i32 = arith.constant 0 : i32
    %c0_i32_0 = arith.constant 0 : i32
    %c0_i32_1 = arith.constant 0 : i32
    return %c0_i32, %c0_i32_0 : i32, i32
  }
  func.func @transform_6(%arg0: i32) -> (i32, i32) {
    %c0_i32 = arith.constant 0 : i32
    %c0_i32_0 = arith.constant 0 : i32
    %c0_i32_1 = arith.constant 0 : i32
    return %c0_i32, %c0_i32_0 : i32, i32
  }
  func.func @transform_7(%arg0: i32) -> (i32, i32) {
    %c0_i32 = arith.constant 0 : i32
    %c0_i32_0 = arith.constant 0 : i32
    return %arg0, %c0_i32 : i32, i32
  }
}

</mosaic_0001>

<sc_bundles>
// kernel: kernel.10.cloned.1.call-start
scs
__scs_entry_jumppad:
0x0: {  	(pc) =	sbr.rel $0x88, $3  }
0x1: {  	(tag) =	ssettag $0x0;
	lr =	simm.s32 $0x1  }
0x2: {  	[smem:$0x3F98] =	sst lr;
	_ =	strace $0xD0000000  }
0x3: {  	_ = 	snop  }
0x4: {  	_ = 	snop  }
0x5: {  	_ = 	snop  }
0x6: {  	_ = 	snop  }
0x7: {  	_ = 	snop  }
__scs_overlays_trampoline_lowered:
0x8: {  	[smem:$0x3FA7] =	sst s0  }
0x9: {  	[smem:$0x3FA8] =	sst s1  }
0xa: {  	[smem:$0x3FA9] =	sst s2  }
0xb: {  	[smem:$0x3FAA] =	sst s3  }
0xc: {  	[smem:$0x3FAB] =	sst s4  }
0xd: {  	[smem:$0x3FAC] =	sst s5  }
0xe: {  	[smem:$0x3FAD] =	sst s6  }
0xf: {  	[smem:$0x3FAE] =	sst s7  }
0x10: {  	[smem:$0x3FAF] =	sst s8  }
0x11: {  	[smem:$0x3FB0] =	sst s9;
	s0 =	simm.s32 @!p0 $0x0  }
0x12: {  	s1 =	sld [smem:$0x3F96];
	s0 =	simm.s32 @p0 $0x1  }
0x13: {  	[smem:$0x3FB1] =	sst s0;
	s0 =	simm.s32 @!p1 $0x0  }
0x14: {  	s2 =	sld [smem:$0x3F95];
	s0 =	simm.s32 @p1 $0x1  }
0x15: {  	[smem:$0x3FB2] =	sst s0;
	s0 =	simm.s32 @!p2 $0x0  }
0x16: {  	s3 =	sld [smem:$0x3FDB];
	s0 =	simm.s32 @p2 $0x1  }
0x17: {  	s4 =	simm.s32 $0x1BF5;
	[smem:$0x3FB4] =	sst s0  }
0x18: {  	s0 =	sld [smem:$0x3F97];
	_ =	swait.ge [sflag:s4], $0x0  }
0x19: {  	s7 =	sld [smem:$0x3F98]  }
0x1a: {  	s8 =	sadd.s32 $0xFFFFE003, lr  }
0x1b: {  	s9 =	sadd.s32 $0xFFFFFEF7, lr;
	s5 =	simm.s32 $0xFFFFFFFF;
	p2 =	slt.u32 s8, $0xFFFFF086  }
0x1c: {  	p1 =	slt.u32 s9, $0xF7A;
	s5 =	simm.s32 @!p2 $0x0  }
0x1d: {  	s5 =	simm.s32 @p1 $0x1;
	p0 =	seq.s32 s7, s2  }
0x1e: {  	s7 =	smul.u32 @!p0 $0xF7A, s2;
	p2 =	seq.s32 @!p0 s5, $0x0  }
0x1f: {  	s9 =	smul.u32 $0xF7A, s1;
	s8 =	simm.s32 @!p0 $0x1BF5;
	p2 =	por !p2, p0  }
0x20: {  	[sflag:s8] =	ssyncset.s32 @!p0 $0xFFFFF086;
	s6 =	sadd.s32 @!p0 s3, s7;
	s7 =	simm.s32 @!p0 $0x108  }
0x21: {  	s3 =	sadd.s32 s3, s9;
	s6 =	sadd.s32 @!p0 $0x88, s6;
	s7 =	simm.s32 @p2 $0x1082  }
0x22: {  	[simem:s7], [sflag:s8] =	dma.local @!p0 [hbm:s6], $0xF7A  }
0x23: {  	s9 =	sor.u32 $0xD0000000, s2;
	s6 =	simm.s32 $0x108;
	_ =	swait.ge @!p0 [sflag:s8], $0x0  }
0x24: {  	s3 =	sadd.s32 $0x88, s3;
	s6 =	simm.s32 @!p1 $0x1082;
	[sflag:s4] =	ssyncset.s32 $0xFFFFF086  }
0x25: {  	[simem:s6], [sflag:s4] =	dma.local [hbm:s3], $0xF7A  }
0x26: {  	[smem:$0x3F98] =	sst s1;
	(tag) =	ssettag s2;
	_ =	strace s9  }
0x27: {  	s1 =	sld [smem:$0x3FA8]  }
0x28: {  	s2 =	sld [smem:$0x3FA9]  }
0x29: {  	s4 =	sld [smem:$0x3FAB]  }
0x2a: {  	p0 =	seq.s32 s5, $0x0;
	s5 =	sld [smem:$0x3FAC]  }
0x2b: {  	s6 =	sld [smem:$0x3FAD]  }
0x2c: {  	s7 =	sld [smem:$0x3FAE]  }
0x2d: {  	s3 =	simm.s32 $0x108;
	s8 =	sld [smem:$0x3FAF]  }
0x2e: {  	s3 =	simm.s32 @!p0 $0x1082;
	s9 =	sld [smem:$0x3FB0]  }
0x2f: {  	lr =	sadd.s32 s0, s3;
	s0 =	sld [smem:$0x3FA7]  }
0x30: {  	s3 =	sld [smem:$0x3FAA]  }
0x31: {  	[smem:$0x3FB3] =	sst s10  }
0x32: {  	s10 =	sld [smem:$0x3FB1];
	_ =	sdelay $0x3  }
0x33: {  	p0 =	seq.s32 s10, $0x1;
	s10 =	sld [smem:$0x3FB3];
	_ =	sdelay $0x3  }
0x34: {  	[smem:$0x3FB3] =	sst s10  }
0x35: {  	s10 =	sld [smem:$0x3FB2];
	_ =	sdelay $0x3  }
0x36: {  	p1 =	seq.s32 s10, $0x1;
	s10 =	sld [smem:$0x3FB3];
	_ =	sdelay $0x3  }
0x37: {  	[smem:$0x3FB3] =	sst s10  }
0x38: {  	s10 =	sld [smem:$0x3FB4]  }
0x39: {  	_ = 	snop;
	(pc) =	sbr.ind lr, $3  }
0x3a: {  	_ = 	snop  }
0x3b: {  	_ = 	snop  }
0x3c: {  	p2 =	seq.s32 s10, $0x1;
	s10 =	sld [smem:$0x3FB3]  }
0x3d: {  	_ =	shalt  }
0x3e: {  	_ =	shalt  }
0x3f: {  	_ =	shalt  }
0x40: {  	_ =	shalt  }
0x41: {  	_ =	shalt  }
0x42: {  	_ =	shalt  }
0x43: {  	_ =	shalt  }
0x44: {  	_ =	shalt  }
0x45: {  	_ =	shalt  }
0x46: {  	_ =	shalt  }
0x47: {  	_ =	shalt  }
0x48: {  	_ =	shalt  }
0x49: {  	_ =	shalt  }
0x4a: {  	_ =	shalt  }
0x4b: {  	_ =	shalt  }
0x4c: {  	_ =	shalt  }
0x4d: {  	_ =	shalt  }
0x4e: {  	_ =	shalt  }
0x4f: {  	_ =	shalt  }
0x50: {  	_ =	shalt  }
0x51: {  	_ =	shalt  }
0x52: {  	_ =	shalt  }
0x53: {  	_ =	shalt  }
0x54: {  	_ =	shalt  }
0x55: {  	_ =	shalt  }
0x56: {  	_ =	shalt  }
0x57: {  	_ =	shalt  }
0x58: {  	_ =	shalt  }
0x59: {  	_ =	shalt  }
0x5a: {  	_ =	shalt  }
0x5b: {  	_ =	shalt  }
0x5c: {  	_ =	shalt  }
0x5d: {  	_ =	shalt  }
0x5e: {  	_ =	shalt  }
0x5f: {  	_ =	shalt  }
0x60: {  	_ =	shalt  }
0x61: {  	_ =	shalt  }
0x62: {  	_ =	shalt  }
0x63: {  	_ =	shalt  }
0x64: {  	_ =	shalt  }
0x65: {  	_ =	shalt  }
0x66: {  	_ =	shalt  }
0x67: {  	_ =	shalt  }
0x68: {  	_ =	shalt  }
0x69: {  	_ =	shalt  }
0x6a: {  	_ =	shalt  }
0x6b: {  	_ =	shalt  }
0x6c: {  	_ =	shalt  }
0x6d: {  	_ =	shalt  }
0x6e: {  	_ =	shalt  }
0x6f: {  	_ =	shalt  }
0x70: {  	_ =	shalt  }
0x71: {  	_ =	shalt  }
0x72: {  	_ =	shalt  }
0x73: {  	_ =	shalt  }
0x74: {  	_ =	shalt  }
0x75: {  	_ =	shalt  }
0x76: {  	_ =	shalt  }
0x77: {  	_ =	shalt  }
0x78: {  	_ =	shalt  }
0x79: {  	_ =	shalt  }
0x7a: {  	_ =	shalt  }
0x7b: {  	_ =	shalt  }
0x7c: {  	_ =	shalt  }
0x7d: {  	_ =	shalt  }
0x7e: {  	_ =	shalt  }
0x7f: {  	_ =	shalt  }
0x80: {  	_ =	shalt  }
0x81: {  	_ =	shalt  }
0x82: {  	_ =	shalt  }
0x83: {  	_ =	shalt  }
0x84: {  	_ =	shalt  }
0x85: {  	_ =	shalt  }
0x86: {  	_ =	shalt  }
0x87: {  	_ =	shalt  }
.Lfunc_end0:
.L_simem_size_0:
called_computation.1_lowered:
.L_overlay_start_0:
0x88: {  	s2 =	sld [smem:$0x3FD9]  }
0x89: {  	s3 =	sld [smem:$0x3FFE];
	_ =	sdelay $0x1  }
0x8a: {  	s1 =	srdreg.scid  }
0x8b: {  	s0 =	sand.u32 $0x1, s1  }
0x8c: {  	s17 =	sshll.u32 s0, $0xA;
	s2 =	sadd.s32 s3, s2  }
0x8d: {  	s2 =	sadd.s32 s2, s17  }
0x8e: {  	[smem:$0x3FBF] =	sst s2  }
0x8f: {  	_ = 	snop  }
0x90: {  	s18 =	sld [smem:$0x3FC7];
	(tm) =	ssettm $0x1  }
0x91: {  	s19 =	sld [smem:$0x3FFB];
	_ =	sdelay $0x3  }
0x92: {  	_ =	strace s19  }
0x93: {  	s2 =	sld [smem:$0x3FFC];
	_ =	sdelay $0x3  }
0x94: {  	_ =	strace s2  }
0x95: {  	s2 =	sld [smem:$0x3FFD];
	_ =	sdelay $0x3  }
0x96: {  	_ =	strace s2  }
0x97: {  	_ =	strace $0x8FFFFFFF  }
0x98: {  	s20 =	sld [smem:$0x3FDB];
	_ =	sdelay $0x1  }
0x99: {  	s4 =	simm.s32 $_scs_section_size  }
0x9a: {  	s5 =	simm.s32 $_size__tile_overlayer_lowered;
	s6 =	simm.s32 $_tile_overlayer_lowered  }
0x9b: {  	s7 =	simm.s32 $0x1BFF;
	s21 =	sshll.u32 s6, $0x1;
	s4 =	sadd.s32 s4, s20  }
0x9c: {  	s22 =	simm.s32 $0x0;
	s5 =	sshll.u32 s5, $0x1;
	s6 =	sadd.s32 s21, s4  }
0x9d: {  	[timem:s22], [sflag:s7] =	dma.local [hbm:s6], s5  }
0x9e: {  	_ =	swait.ge [sflag:s7], s5  }
0x9f: {  	s5 =	ssub.s32 $0x0, s5;
	[sflag:s7] =	ssyncset.done $0x0  }
0xa0: {  	[sflag:s7] =	ssyncadd.s32 s5;
	_ =	sdelay $0x1  }
0xa1: {  	s23 =	simm.s32 $0x1B8B  }
0xa2: {  	_ =	swait.ge [sflag:s23], $0x1  }
0xa3: {  	[sflag:s23] =	ssyncset.done $0x0  }
0xa4: {  	[sflag:s23] =	ssyncadd.s32 $0xFFFFFFFF  }
0xa5: {  	s5 =	sld [smem:$0x0]  }
0xa6: {  	s6 =	sand.u32 $0xFFFFFFFE, s1  }
0xa7: {  	p0 =	sne.s32 s1, s6  }
0xa8: {  	s6 =	sshll.u32 @p0 s6, $0xE  }
0xa9: {  	s6 =	sadd.s32 @p0 $0x11B8D, s6;
	s7 =	sshll.u32 @p0 s5, $0x11  }
0xaa: {  	s6 =	sor.u32 @p0 s7, s6  }
0xab: {  	[sflag:s6] =	ssyncadd.remote.s32 @p0 $0x1;
	_ =	sdelay $0x1  }
0xac: {  	s6 =	simm.s32 @p0 $0x1B8D  }
0xad: {  	_ =	swait.eq @p0 [sflag:s6], $0x1  }
0xae: {  	[sflag:s6] =	ssyncadd.s32 @p0 $0xFFFFFFFF  }
0xaf: {  	s7 =	sshll.u32 @!p0 s1, $0xE  }
0xb0: {  	s7 =	sor.u32 @!p0 $0x4000, s7;
	s6 =	simm.s32 @!p0 $0x1B8D  }
0xb1: {  	s5 =	sshll.u32 @!p0 s5, $0x11;
	s7 =	sadd.s32 @!p0 $0x11B8D, s7;
	_ =	swait.eq @!p0 [sflag:s6], $0x1  }
0xb2: {  	s5 =	sor.u32 @!p0 s5, s7;
	[sflag:s6] =	ssyncadd.s32 @!p0 $0xFFFFFFFF  }
0xb3: {  	s25 =	simm.s32 $0x1B8E;
	s24 =	sld [smem:$0x3FFE];
	[sflag:s5] =	ssyncadd.remote.s32 @!p0 $0x1  }
0xb4: {  	s26 =	simm.s32 $execute0_lowered;
	[smem:$0x3FD2] =	sst s25  }
0xb5: {  	s6 =	sshll.u32 s26, $0x1;
	_ =	strace $0x80000049;
	[dreg:$0x1] =	wrdreg $0xFFFFFFFF  }
0xb6: {  	s28 =	simm.s32 $_size_execute0_lowered;
	s4 =	sadd.s32 s4, s6;
	[dreg:$0x0] =	wrdreg $0x0  }
0xb7: {  	s6 =	sshll.u32 s28, $0x1;
	[dreg:$0x2] =	wrdreg s4  }
0xb8: {  	[dreg:$0x3] =	wrdreg s6  }
0xb9: {  	[dreg:$0x4] =	wrdreg $0xC0  }
0xba: {  	_ =	task [dreg:s22], $0x5FFFF  }
0xbb: {  	[dreg:$0x1] =	wrdreg $0xFFFFFFFF  }
0xbc: {  	[dreg:$0x0] =	wrdreg $0x60  }
0xbd: {  	[dreg:$0x2] =	wrdreg s24  }
0xbe: {  	[dreg:$0x3] =	wrdreg s18  }
0xbf: {  	[dreg:$0x4] =	wrdreg $0x8E000  }
0xc0: {  	[dreg:$0x5] =	wrdreg $0xA  }
0xc1: {  	_ =	task.clear_ibuf [dreg:s22], $0x6FFFF;
	_ =	strace $0x90000049  }
0xc2: {  	s29 =	simm.s32 $0xA;
	_ =	strace $0x8000004B  }
0xc3: {  	_ =	swait.ge [sflag:s29], $0x1  }
0xc4: {  	[sflag:s29] =	ssyncadd.s32 $0xFFFFFFFF  }
0xc5: {  	_ =	strace $0x9000004B  }
0xc6: {  	_ =	sfence  }
0xc7: {  	s30 =	sld [smem:$0x0];
	_ =	sdelay $0x2  }
0xc8: {  	s31 =	sshll.u32 s1, $0xD;
	s1 =	sshrl.u32 s1, $0x2  }
0xc9: {  	s4 =	sand.u32 $0x4000, s31;
	s1 =	sadd.s32 s1, s30  }
0xca: {  	s0 =	sor.u32 s4, s0;
	s1 =	sshll.u32 s1, $0x11  }
0xcb: {  	s0 =	sor.u32 s1, s0  }
0xcc: {  	s0 =	sadd.s32 $0x8F2B, s0  }
0xcd: {  	[sflag:s0] =	ssyncadd.remote.s32 $0x1  }
0xce: {  	_ =	sfence.sel $0xFFFF  }
0xcf: {  	[dreg:$0x0] =	wrdreg $0xFFFFFFFF;
	(pc) =	sbr.abs _section_cstart, $3  }
0xd0: {  	[dreg:$0x1] =	wrdreg $0xFFFFFFFF  }
0xd1: {  	_ =	task.clear_ibuf [dreg:s22], $0x2FFFF;
	_ =	strace $0x9FFFFFFF  }
0xd2: {  	(tm) =	ssettm $0x7FFFFFFF  }
0xd3: {  	_ =	shalt  }
tec
execute0_lowered:
.L_overlay_start_1:
0x0: {  	(tag) =	ssettag $0x1  }
0x1: {  	s0 =	rddreg [dreg:$0x0]  }
0x2: {  	s2 =	rddreg [dreg:$0x1]  }
0x3: {  	s1 =	srdreg.scid;
	s3 =	rddreg [dreg:$0x2]  }
0x4: {  	s12 =	stileid.u32;
	s4 =	simm.s32 $0x0;
	s1 =	sand.u32 $0x1, s1  }
0x5: {  	s6 =	smul.u32 $0x14000, s12;
	[smem:$0x7FF] =	sst s4;
	s7 =	sshll.u32 s12, $0x1  }
0x6: {  	s5 =	smul.u32 $0x140000, s1;
	s8 =	sor.u32 s1, s7;
	s1 =	ssub.s32 $0x2, s1  }
0x7: {  	_ =	strace $0x8000004A;
	s9 =	smul.u32 $0x1450, s8;
	s10 =	sshrl.u32 s1, $0x1  }
0x8: {  	s11 =	smul.u32 $0x51400, s8;
	s6 =	sadd.s32 s6, s5;
	s5 =	sadd.s32 $0x65F600, s0  }
0x9: {  	s1 =	ssub.s32 s1, s10;
	s7 =	sadd.s32 $0x25800, s9;
	s9 =	sshrl.u32 s9, $0x3  }
0xa: {  	s20 =	sshrl.u32 s11, $0x3;
	s14 =	smax.u32 s1, $0x1;
	s19 =	sshrl.u32 s7, $0x3  }
0xb: {  	s21 =	sadd.s32 s2, s9;
	[dreg:$0xf] =	wrdreg s14;
	s10 =	sadd.s32 s2, s19  }
0xc: {  	s22 =	sadd.s32 s5, s20;
	s23 =	sadd.s32 $0x4B0A, s21;
	[dreg:$0x4] =	wrdreg s10  }
0xd: {  	s24 =	sadd.s32 $0x280, s22;
	[dreg:$0x6] =	wrdreg s23  }
0xe: {  	s25 =	smul.u32 $0x50000, s12;
	s26 =	sadd.s32 $0x4B14, s21;
	[dreg:$0x7] =	wrdreg s24  }
0xf: {  	s6 =	sshrl.u32 s6, $0x3;
	s30 =	sadd.s32 $0x500, s22;
	[dreg:$0x8] =	wrdreg s26  }
0x10: {  	s0 =	sadd.s32 s6, s0;
	s31 =	sadd.s32 $0x4B1E, s21;
	[dreg:$0x9] =	wrdreg s30  }
0x11: {  	s6 =	smul.u32 $0xA28, s8;
	s12 =	sadd.s32 $0x780, s22;
	[dreg:$0xa] =	wrdreg s31  }
0x12: {  	s8 =	smul.u32 $0xA280, s8;
	s9 =	sadd.s32 $0xA000, s22;
	[dreg:$0xb] =	wrdreg s12  }
0x13: {  	s13 =	sshrl.u32 s25, $0x2;
	s0 =	sadd.s32 $0x1600, s0;
	[dreg:$0xd] =	wrdreg s9  }
0x14: {  	s19 =	sadd.s32 s13, s3;
	s8 =	sadd.s32 s5, s8;
	[dreg:$0xe] =	wrdreg s0  }
0x15: {  	s15 =	sadd.s32 $0x1400, s19;
	[dreg:$0x5] =	wrdreg s8  }
0x16: {  	s16 =	sadd.s32 $0x2800, s19;
	[dreg:$0x10] =	wrdreg s15  }
0x17: {  	s17 =	sadd.s32 $0x3C00, s19;
	[dreg:$0x11] =	wrdreg s16  }
0x18: {  	s28 =	simm.s32 $0x6;
	s18 =	sadd.s32 $0x5000, s19;
	[dreg:$0x12] =	wrdreg s17  }
0x19: {  	s29 =	simm.s32 $0x0;
	s20 =	sadd.s32 $0x6400, s19;
	[dreg:$0x13] =	wrdreg s18  }
0x1a: {  	s11 =	simm.s32 $0x7A00;
	s22 =	sadd.s32 $0x8C00, s19;
	[dreg:$0x14] =	wrdreg s20  }
0x1b: {  	s14 =	simm.s32 $0x80;
	s23 =	sadd.s32 $0xA000, s19;
	[dreg:$0x16] =	wrdreg s22  }
0x1c: {  	s13 =	simm.s32 $0x200;
	s24 =	sadd.s32 $0xB400, s19;
	[dreg:$0x17] =	wrdreg s23  }
0x1d: {  	s25 =	sadd.s32 $0xC800, s19;
	s26 =	sadd.s32 $0xDC00, s19;
	[dreg:$0x18] =	wrdreg s24  }
0x1e: {  	s30 =	sadd.s32 $0xF000, s19;
	s31 =	sadd.s32 $0x10400, s19;
	[dreg:$0x19] =	wrdreg s25  }
0x1f: {  	s9 =	sadd.s32 $0x11800, s19;
	s10 =	sadd.s32 $0x12C00, s19;
	[dreg:$0x1a] =	wrdreg s26  }
0x20: {  	s12 =	simm.s32 $0x7;
	s8 =	sadd.s32 $0x4D80, s21;
	[dreg:$0x1b] =	wrdreg s30  }
0x21: {  	s21 =	sadd.s32 $0x7800, s19;
	[dreg:$0x1c] =	wrdreg s31;
	s15 =	simm.s32 $0x1600  }
0x22: {  	s16 =	simm.s32 $0x1;
	s17 =	simm.s32 $0x3;
	s18 =	simm.s32 $0x50  }
0x23: {  	s20 =	simm.s32 $0x100;
	s22 =	simm.s32 $0x2;
	s23 =	simm.s32 $0x4  }
0x24: {  	s24 =	simm.s32 $0x180;
	s25 =	simm.s32 $0x5200;
	[dreg:$0xc] =	wrdreg s8  }
0x25: {  	v0 =	vimm.f32 $0.0e+00;
	s26 =	simm.s32 $0x5;
	[dreg:$0x15] =	wrdreg s21;
	s21 =	simm.s32 $0x2A00  }
.LBB2_1:
0x26: {  	s0 =	sand.u32 $0x7E00, s4  }
0x27: {  	s1 =	sand.u32 $0x70, s4;
	s8 =	sshrl.u32 s0, $0x2  }
0x28: {  	s0 =	simm.s32 $0x40;
	s8 =	sor.u32 s1, s8;
	s1 =	simm.s32 $0x0  }
.LBB2_2:
0x29: {  	p0 =	sne.s32 s0, $0x4FC0  }
0x2a: {  	[tilespmem:s8+$0x7A00] =	vst v0;
	s1 =	sadd.s32 $0x10, s1;
	s8 =	smov.u32 s0;
	s0 =	sadd.s32 $0x40, s0  }
.Ltmp0:
0x2b: {  	(pc) =	sbr.rel @p0 .LBB2_2-.Ltmp0, $4  }
0x2c: {  	_ = 	snop  }
0x2d: {  	s8 =	sand.u32 $0x7E00, s8  }
0x2e: {  	s30 =	sand.u32 $0x70, s1;
	s8 =	sshrl.u32 s8, $0x2  }
0x2f: {  	s8 =	sor.u32 s30, s8  }
0x30: {  	[tilespmem:s8+$0x7A00] =	vst v0  }
0x31: {  	[spmem:s19] =	stream.linear.scatter [tilespmem:s11], [sflag:$0x7], $0x1400, $0x38;
	[tilespmem:$0x1CE00] =	vst v63  }
0x32: {  	_ =	swait.ge [sflag:s12], $0x1400  }
0x33: {  	[sflag:s12] =	ssyncset.done $0x0  }
0x34: {  	s0 =	rddreg [dreg:$0x10];
	[sflag:s12] =	ssyncadd.s32 $0xFFFFEC00  }
0x35: {  	[spmem:s0] =	stream.linear.scatter [tilespmem:s11], [sflag:$0x7], $0x1400, $0x38;
	[tilespmem:$0x1CE00] =	vst v63  }
0x36: {  	_ =	swait.ge [sflag:s12], $0x1400  }
0x37: {  	[sflag:s12] =	ssyncset.done $0x0  }
0x38: {  	s31 =	rddreg [dreg:$0x11];
	[sflag:s12] =	ssyncadd.s32 $0xFFFFEC00  }
0x39: {  	[spmem:s31] =	stream.linear.scatter [tilespmem:s11], [sflag:$0x7], $0x1400, $0x38;
	[tilespmem:$0x1CE00] =	vst v63  }
0x3a: {  	_ =	swait.ge [sflag:s12], $0x1400  }
0x3b: {  	[sflag:s12] =	ssyncset.done $0x0  }
0x3c: {  	s1 =	rddreg [dreg:$0x12];
	[sflag:s12] =	ssyncadd.s32 $0xFFFFEC00  }
0x3d: {  	[spmem:s1] =	stream.linear.scatter [tilespmem:s11], [sflag:$0x7], $0x1400, $0x38;
	[tilespmem:$0x1CE00] =	vst v63  }
0x3e: {  	_ =	swait.ge [sflag:s12], $0x1400  }
0x3f: {  	[sflag:s12] =	ssyncset.done $0x0  }
0x40: {  	s8 =	rddreg [dreg:$0x13];
	[sflag:s12] =	ssyncadd.s32 $0xFFFFEC00  }
0x41: {  	[spmem:s8] =	stream.linear.scatter [tilespmem:s11], [sflag:$0x7], $0x1400, $0x38;
	[tilespmem:$0x1CE00] =	vst v63  }
0x42: {  	_ =	swait.ge [sflag:s12], $0x1400  }
0x43: {  	[sflag:s12] =	ssyncset.done $0x0  }
0x44: {  	s31 =	rddreg [dreg:$0x14];
	[sflag:s12] =	ssyncadd.s32 $0xFFFFEC00  }
0x45: {  	[spmem:s31] =	stream.linear.scatter [tilespmem:s11], [sflag:$0x7], $0x1400, $0x38;
	[tilespmem:$0x1CE00] =	vst v63  }
0x46: {  	_ =	swait.ge [sflag:s12], $0x1400  }
0x47: {  	[sflag:s12] =	ssyncset.done $0x0  }
0x48: {  	s1 =	rddreg [dreg:$0x15];
	[sflag:s12] =	ssyncadd.s32 $0xFFFFEC00  }
0x49: {  	[spmem:s1] =	stream.linear.scatter [tilespmem:s11], [sflag:$0x7], $0x1400, $0x38;
	[tilespmem:$0x1CE00] =	vst v63  }
0x4a: {  	_ =	swait.ge [sflag:s12], $0x1400  }
0x4b: {  	[sflag:s12] =	ssyncset.done $0x0  }
0x4c: {  	s8 =	rddreg [dreg:$0x16];
	[sflag:s12] =	ssyncadd.s32 $0xFFFFEC00  }
0x4d: {  	[spmem:s8] =	stream.linear.scatter [tilespmem:s11], [sflag:$0x7], $0x1400, $0x38;
	[tilespmem:$0x1CE00] =	vst v63  }
0x4e: {  	_ =	swait.ge [sflag:s12], $0x1400  }
0x4f: {  	[sflag:s12] =	ssyncset.done $0x0  }
0x50: {  	s31 =	rddreg [dreg:$0x17];
	[sflag:s12] =	ssyncadd.s32 $0xFFFFEC00  }
0x51: {  	[spmem:s31] =	stream.linear.scatter [tilespmem:s11], [sflag:$0x7], $0x1400, $0x38;
	[tilespmem:$0x1CE00] =	vst v63  }
0x52: {  	_ =	swait.ge [sflag:s12], $0x1400  }
0x53: {  	[sflag:s12] =	ssyncset.done $0x0  }
0x54: {  	s1 =	rddreg [dreg:$0x18];
	[sflag:s12] =	ssyncadd.s32 $0xFFFFEC00  }
0x55: {  	[spmem:s1] =	stream.linear.scatter [tilespmem:s11], [sflag:$0x7], $0x1400, $0x38;
	[tilespmem:$0x1CE00] =	vst v63  }
0x56: {  	_ =	swait.ge [sflag:s12], $0x1400  }
0x57: {  	[sflag:s12] =	ssyncset.done $0x0  }
0x58: {  	s8 =	rddreg [dreg:$0x19];
	[sflag:s12] =	ssyncadd.s32 $0xFFFFEC00  }
0x59: {  	[spmem:s8] =	stream.linear.scatter [tilespmem:s11], [sflag:$0x7], $0x1400, $0x38;
	[tilespmem:$0x1CE00] =	vst v63  }
0x5a: {  	_ =	swait.ge [sflag:s12], $0x1400  }
0x5b: {  	[sflag:s12] =	ssyncset.done $0x0  }
0x5c: {  	s31 =	rddreg [dreg:$0x1a];
	[sflag:s12] =	ssyncadd.s32 $0xFFFFEC00  }
0x5d: {  	[spmem:s31] =	stream.linear.scatter [tilespmem:s11], [sflag:$0x7], $0x1400, $0x38;
	[tilespmem:$0x1CE00] =	vst v63  }
0x5e: {  	_ =	swait.ge [sflag:s12], $0x1400  }
0x5f: {  	[sflag:s12] =	ssyncset.done $0x0  }
0x60: {  	s1 =	rddreg [dreg:$0x1b];
	[sflag:s12] =	ssyncadd.s32 $0xFFFFEC00  }
0x61: {  	[spmem:s1] =	stream.linear.scatter [tilespmem:s11], [sflag:$0x7], $0x1400, $0x38;
	[tilespmem:$0x1CE00] =	vst v63  }
0x62: {  	_ =	swait.ge [sflag:s12], $0x1400  }
0x63: {  	[sflag:s12] =	ssyncset.done $0x0  }
0x64: {  	s8 =	rddreg [dreg:$0x1c];
	[sflag:s12] =	ssyncadd.s32 $0xFFFFEC00  }
0x65: {  	[spmem:s8] =	stream.linear.scatter [tilespmem:s11], [sflag:$0x7], $0x1400, $0x38;
	[tilespmem:$0x1CE00] =	vst v63  }
0x66: {  	_ =	swait.ge [sflag:s12], $0x1400  }
0x67: {  	[sflag:s12] =	ssyncset.done $0x0  }
0x68: {  	[sflag:s12] =	ssyncadd.s32 $0xFFFFEC00  }
0x69: {  	[spmem:s9] =	stream.linear.scatter [tilespmem:s11], [sflag:$0x7], $0x1400, $0x38;
	[tilespmem:$0x1CE00] =	vst v63  }
0x6a: {  	_ =	swait.ge [sflag:s12], $0x1400  }
0x6b: {  	[sflag:s12] =	ssyncset.done $0x0  }
0x6c: {  	[sflag:s12] =	ssyncadd.s32 $0xFFFFEC00  }
0x6d: {  	[spmem:s10] =	stream.linear.scatter [tilespmem:s11], [sflag:$0x7], $0x1400, $0x38;
	[tilespmem:$0x1CE00] =	vst v63  }
0x6e: {  	_ =	swait.ge [sflag:s12], $0x1400  }
0x6f: {  	[sflag:s12] =	ssyncset.done $0x0  }
0x70: {  	[sflag:s12] =	ssyncadd.s32 $0xFFFFEC00  }
0x71: {  	[bflag:$0x0] =	sbarrier.arrive $0xFFFF  }
0x72: {  	s0 =	simm.s32 $0x0;
	s1 =	rddreg [dreg:$0x4]  }
0x73: {  	[tilespmem:s0], [sflag:$0x1] =	stream.linear.gather [hbm4b:s1+s0], $0x50, $0x38;
	[tilespmem:$0x1CE00] =	vst v63  }
0x74: {  	s31 =	rddreg [dreg:$0x5]  }
0x75: {  	[tilespmem:s13], [sflag:$0x3] =	stream.linear.gather [hbm4b:s31+s0], $0x1400, $0x38;
	[tilespmem:$0x1CE00] =	vst v63  }
0x76: {  	s8 =	rddreg [dreg:$0x6]  }
0x77: {  	[tilespmem:s14], [sflag:$0x2] =	stream.linear.gather [hbm4b:s8+s0], $0x50, $0x38;
	[tilespmem:$0x1CE00] =	vst v63  }
0x78: {  	s31 =	rddreg [dreg:$0x7]  }
0x79: {  	[tilespmem:s15], [sflag:$0x4] =	stream.linear.gather [hbm4b:s31+s0], $0x1400, $0x38;
	[tilespmem:$0x1CE00] =	vst v63  }
0x7a: {  	_ =	swait.ge [sflag:s16], $0x50  }
0x7b: {  	[sflag:s16] =	ssyncset.done $0x0  }
0x7c: {  	[sflag:s16] =	ssyncadd.s32 $0xFFFFFFB0  }
0x7d: {  	_ =	swait.ge [sflag:s17], $0x1400  }
0x7e: {  	[sflag:s17] =	ssyncset.done $0x0  }
0x7f: {  	s30 =	simm.s32 $0x0;
	[sflag:s17] =	ssyncadd.s32 $0xFFFFEC00  }
0x80: {  	v1 =	vld [tilespmem:s30+$0x270]  }
0x81: {  	v2 =	vld [tilespmem:s30+$0x200];
	_ =	sdelay $0x1  }
0x82: {  	v3 =	vld [tilespmem:s30+$0x210]  }
0x83: {  	v6 =	vld [tilespmem:s30+$0x240]  }
0x84: {  	v7 =	vunpack.i.u.bf16.f32 v1  }
0x85: {  	v4 =	vld [tilespmem:s30+$0x220];
	v9 =	vunpack.i.l.bf16.f32 v2;
	[tilespmem:s30+$0x3E70] =	vst v7  }
0x86: {  	v2 =	vunpack.i.u.bf16.f32 v2;
	[tilespmem:s30+$0x2A00] =	vst v9  }
0x87: {  	v5 =	vld [tilespmem:s30+$0x230];
	v62 =	vunpack.i.l.bf16.f32 v3;
	[tilespmem:s30+$0x3E00] =	vst v2  }
0x88: {  	v8 =	vld [tilespmem:s30+$0x250];
	v63 =	vunpack.i.l.bf16.f32 v6;
	[tilespmem:s30+$0x2A10] =	vst v62  }
0x89: {  	v7 =	vld [tilespmem:s30+$0x260];
	v2 =	vunpack.i.u.bf16.f32 v3;
	[tilespmem:s30+$0x2A40] =	vst v63  }
0x8a: {  	v3 =	vunpack.i.l.bf16.f32 v4;
	[tilespmem:s30+$0x3E10] =	vst v2  }
0x8b: {  	v2 =	vunpack.i.u.bf16.f32 v4;
	[tilespmem:s30+$0x2A20] =	vst v3  }
0x8c: {  	v1 =	vunpack.i.l.bf16.f32 v1;
	v3 =	vunpack.i.l.bf16.f32 v5;
	[tilespmem:s30+$0x3E20] =	vst v2  }
0x8d: {  	v4 =	vunpack.i.u.bf16.f32 v6;
	v6 =	vunpack.i.l.bf16.f32 v8;
	v2 =	vunpack.i.u.bf16.f32 v5;
	[tilespmem:s30+$0x2A30] =	vst v3  }
0x8e: {  	s1 =	simm.s32 $0x400;
	s0 =	simm.s32 $0x80;
	v3 =	vunpack.i.u.bf16.f32 v8;
	[tilespmem:s30+$0x3E30] =	vst v2;
	v2 =	vunpack.i.u.bf16.f32 v7;
	v5 =	vunpack.i.l.bf16.f32 v7  }
.LBB2_4:
0x8f: {  	p0 =	sne.s32 s1, $0x4E00;
	v7 =	vld [tilespmem:s0+$0x270];
	[tilespmem:s30+$0x3E40] =	vst v4  }
0x90: {  	v4 =	vld [tilespmem:s0+$0x200];
	[tilespmem:s30+$0x2A50] =	vst v6  }
0x91: {  	v6 =	vld [tilespmem:s0+$0x210];
	[tilespmem:s30+$0x3E50] =	vst v3  }
0x92: {  	v3 =	vld [tilespmem:s0+$0x220];
	[tilespmem:s30+$0x2A60] =	vst v5  }
0x93: {  	v5 =	vld [tilespmem:s0+$0x230];
	[tilespmem:s30+$0x3E60] =	vst v2  }
0x94: {  	v2 =	vld [tilespmem:s0+$0x240];
	v8 =	vunpack.i.u.bf16.f32 v7;
	[tilespmem:s30+$0x2A70] =	vst v1;
	v1 =	vunpack.i.l.bf16.f32 v7;
	s30 =	smov.u32 s0  }
0x95: {  	v7 =	vunpack.i.u.bf16.f32 v4;
	v4 =	vunpack.i.l.bf16.f32 v4;
	v9 =	vld [tilespmem:s30+$0x250];
	[tilespmem:s30+$0x3E70] =	vst v8  }
0x96: {  	[tilespmem:s30+$0x2A00] =	vst v4;
	v4 =	vunpack.i.u.bf16.f32 v6;
	v6 =	vunpack.i.l.bf16.f32 v6;
	v8 =	vld [tilespmem:s30+$0x260]  }
0x97: {  	[tilespmem:s30+$0x3E00] =	vst v7;
	v7 =	vunpack.i.u.bf16.f32 v3;
	v3 =	vunpack.i.l.bf16.f32 v3  }
0x98: {  	[tilespmem:s30+$0x2A10] =	vst v6;
	v10 =	vunpack.i.u.bf16.f32 v5;
	v11 =	vunpack.i.l.bf16.f32 v5  }
0x99: {  	[tilespmem:s30+$0x3E10] =	vst v4;
	v4 =	vunpack.i.u.bf16.f32 v2;
	v12 =	vunpack.i.l.bf16.f32 v2  }
.Ltmp1:
0x9a: {  	[tilespmem:s30+$0x2A20] =	vst v3;
	v3 =	vunpack.i.u.bf16.f32 v9;
	v6 =	vunpack.i.l.bf16.f32 v9;
	(pc) =	sbr.rel @p0 .LBB2_4-.Ltmp1, $4  }
0x9b: {  	[tilespmem:s30+$0x3E20] =	vst v7;
	v2 =	vunpack.i.u.bf16.f32 v8;
	v5 =	vunpack.i.l.bf16.f32 v8  }
0x9c: {  	[tilespmem:s30+$0x2A30] =	vst v11  }
0x9d: {  	[tilespmem:s30+$0x3E30] =	vst v10  }
0x9e: {  	s0 =	sshra.s32 s1, $0x2;
	s1 =	sadd.s32 $0x200, s1;
	[tilespmem:s30+$0x2A40] =	vst v12  }
0x9f: {  	v7 =	vld [tilespmem:s0+$0x270];
	[tilespmem:s30+$0x3E40] =	vst v4  }
0xa0: {  	v4 =	vld [tilespmem:s0+$0x200];
	[tilespmem:s30+$0x2A50] =	vst v6  }
0xa1: {  	v6 =	vld [tilespmem:s0+$0x210];
	[tilespmem:s30+$0x3E50] =	vst v3  }
0xa2: {  	v3 =	vld [tilespmem:s0+$0x220];
	[tilespmem:s30+$0x2A60] =	vst v5  }
0xa3: {  	v5 =	vld [tilespmem:s0+$0x230];
	[tilespmem:s30+$0x3E60] =	vst v2  }
0xa4: {  	v2 =	vld [tilespmem:s0+$0x240];
	[tilespmem:s30+$0x2A70] =	vst v1;
	v1 =	vunpack.i.u.bf16.f32 v7  }
0xa5: {  	v9 =	vunpack.i.l.bf16.f32 v4;
	[tilespmem:s0+$0x3E70] =	vst v1  }
0xa6: {  	v1 =	vunpack.i.u.bf16.f32 v4;
	[tilespmem:s0+$0x2A00] =	vst v9  }
0xa7: {  	v60 =	vunpack.i.l.bf16.f32 v6;
	[tilespmem:s0+$0x3E00] =	vst v1  }
0xa8: {  	v1 =	vunpack.i.u.bf16.f32 v6;
	[tilespmem:s0+$0x2A10] =	vst v60  }
0xa9: {  	v6 =	vunpack.i.l.bf16.f32 v3;
	[tilespmem:s0+$0x3E10] =	vst v1  }
0xaa: {  	v8 =	vld [tilespmem:s0+$0x250];
	v1 =	vunpack.i.u.bf16.f32 v3;
	[tilespmem:s0+$0x2A20] =	vst v6  }
0xab: {  	v3 =	vunpack.i.l.bf16.f32 v5;
	[tilespmem:s0+$0x3E20] =	vst v1  }
0xac: {  	v4 =	vld [tilespmem:s0+$0x260];
	v1 =	vunpack.i.u.bf16.f32 v5;
	[tilespmem:s0+$0x2A30] =	vst v3  }
0xad: {  	v3 =	vunpack.i.l.bf16.f32 v2;
	[tilespmem:s0+$0x3E30] =	vst v1  }
0xae: {  	v1 =	vunpack.i.u.bf16.f32 v2;
	[tilespmem:s0+$0x2A40] =	vst v3  }
0xaf: {  	v2 =	vunpack.i.l.bf16.f32 v8;
	[tilespmem:s0+$0x3E40] =	vst v1  }
0xb0: {  	v1 =	vunpack.i.u.bf16.f32 v8;
	[tilespmem:s0+$0x2A50] =	vst v2  }
0xb1: {  	v2 =	vunpack.i.l.bf16.f32 v4;
	[tilespmem:s0+$0x3E50] =	vst v1  }
0xb2: {  	v1 =	vunpack.i.u.bf16.f32 v4;
	[tilespmem:s0+$0x2A60] =	vst v2  }
0xb3: {  	v2 =	vunpack.i.l.bf16.f32 v7;
	[tilespmem:s0+$0x3E60] =	vst v1  }
0xb4: {  	[tilespmem:s0+$0x2A70] =	vst v2  }
0xb5: {  	v1 =	vld [tilespmem:$0x0]  }
0xb6: {  	v2 =	vld [tilespmem:$0x10]  }
0xb7: {  	v3 =	vld [tilespmem:$0x20]  }
0xb8: {  	v4 =	vld [tilespmem:$0x30]  }
0xb9: {  	v5 =	vld [tilespmem:$0x40]  }
0xba: {  	[tilespmem:$0x100] =	vst v1  }
0xbb: {  	[tilespmem:$0x110] =	vst v2  }
0xbc: {  	[tilespmem:$0x120] =	vst v3  }
0xbd: {  	[tilespmem:$0x130] =	vst v4  }
0xbe: {  	s8 =	simm.s32 $0x0;
	s1 =	rddreg [dreg:$0x8];
	[tilespmem:$0x140] =	vst v5  }
0xbf: {  	[tilespmem:s8], [sflag:$0x1] =	stream.linear.gather [hbm4b:s1+s8], $0x50, $0x38;
	[tilespmem:$0x1CE00] =	vst v63  }
0xc0: {  	s31 =	rddreg [dreg:$0x9]  }
0xc1: {  	[tilespmem:s13], [sflag:$0x3] =	stream.linear.gather [hbm4b:s31+s8], $0x1400, $0x38;
	[tilespmem:$0x1CE00] =	vst v63  }
0xc2: {  	_ = 	snop  }
0xc3: {  	[spmem:s3] =	stream.indirect.scatter.add.f32 [tilespmem:s21], [sflag:$0x5], $0x80, s20, s18, $0xb8;
	[tilespmem:$0x1CE00] =	vst v63  }
0xc4: {  	_ =	swait.ge [sflag:s22], $0x50  }
0xc5: {  	[sflag:s22] =	ssyncset.done $0x0  }
0xc6: {  	[sflag:s22] =	ssyncadd.s32 $0xFFFFFFB0  }
0xc7: {  	_ =	swait.ge [sflag:s23], $0x1400  }
0xc8: {  	[sflag:s23] =	ssyncset.done $0x0  }
0xc9: {  	s30 =	simm.s32 $0x0;
	[sflag:s23] =	ssyncadd.s32 $0xFFFFEC00  }
0xca: {  	v1 =	vld [tilespmem:s30+$0x1670]  }
0xcb: {  	v2 =	vld [tilespmem:s30+$0x1600];
	_ =	sdelay $0x1  }
0xcc: {  	v3 =	vld [tilespmem:s30+$0x1610]  }
0xcd: {  	v6 =	vld [tilespmem:s30+$0x1640]  }
0xce: {  	v7 =	vunpack.i.u.bf16.f32 v1  }
0xcf: {  	v4 =	vld [tilespmem:s30+$0x1620];
	v61 =	vunpack.i.l.bf16.f32 v2;
	[tilespmem:s30+$0x6670] =	vst v7  }
0xd0: {  	v2 =	vunpack.i.u.bf16.f32 v2;
	[tilespmem:s30+$0x5200] =	vst v61  }
0xd1: {  	v5 =	vld [tilespmem:s30+$0x1630];
	v62 =	vunpack.i.l.bf16.f32 v3;
	[tilespmem:s30+$0x6600] =	vst v2  }
0xd2: {  	v8 =	vld [tilespmem:s30+$0x1650];
	v63 =	vunpack.i.l.bf16.f32 v6;
	[tilespmem:s30+$0x5210] =	vst v62  }
0xd3: {  	v7 =	vld [tilespmem:s30+$0x1660];
	v2 =	vunpack.i.u.bf16.f32 v3;
	[tilespmem:s30+$0x5240] =	vst v63  }
0xd4: {  	v3 =	vunpack.i.l.bf16.f32 v4;
	[tilespmem:s30+$0x6610] =	vst v2  }
0xd5: {  	v2 =	vunpack.i.u.bf16.f32 v4;
	[tilespmem:s30+$0x5220] =	vst v3  }
0xd6: {  	v1 =	vunpack.i.l.bf16.f32 v1;
	v3 =	vunpack.i.l.bf16.f32 v5;
	[tilespmem:s30+$0x6620] =	vst v2  }
0xd7: {  	v4 =	vunpack.i.u.bf16.f32 v6;
	v6 =	vunpack.i.l.bf16.f32 v8;
	v2 =	vunpack.i.u.bf16.f32 v5;
	[tilespmem:s30+$0x5230] =	vst v3  }
0xd8: {  	s0 =	simm.s32 $0x80;
	s1 =	simm.s32 $0x400;
	v3 =	vunpack.i.u.bf16.f32 v8;
	[tilespmem:s30+$0x6630] =	vst v2;
	v2 =	vunpack.i.u.bf16.f32 v7;
	v5 =	vunpack.i.l.bf16.f32 v7  }
.LBB2_6:
0xd9: {  	p0 =	sne.s32 s1, $0x4E00;
	v7 =	vld [tilespmem:s0+$0x1670];
	[tilespmem:s30+$0x6640] =	vst v4  }
0xda: {  	v4 =	vld [tilespmem:s0+$0x1600];
	[tilespmem:s30+$0x5250] =	vst v6  }
0xdb: {  	v6 =	vld [tilespmem:s0+$0x1610];
	[tilespmem:s30+$0x6650] =	vst v3  }
0xdc: {  	v3 =	vld [tilespmem:s0+$0x1620];
	[tilespmem:s30+$0x5260] =	vst v5  }
0xdd: {  	v5 =	vld [tilespmem:s0+$0x1630];
	[tilespmem:s30+$0x6660] =	vst v2  }
0xde: {  	v2 =	vld [tilespmem:s0+$0x1640];
	v8 =	vunpack.i.u.bf16.f32 v7;
	[tilespmem:s30+$0x5270] =	vst v1;
	v1 =	vunpack.i.l.bf16.f32 v7;
	s30 =	smov.u32 s0  }
0xdf: {  	v7 =	vunpack.i.u.bf16.f32 v4;
	v4 =	vunpack.i.l.bf16.f32 v4;
	v9 =	vld [tilespmem:s30+$0x1650];
	[tilespmem:s30+$0x6670] =	vst v8  }
0xe0: {  	[tilespmem:s30+$0x5200] =	vst v4;
	v4 =	vunpack.i.u.bf16.f32 v6;
	v6 =	vunpack.i.l.bf16.f32 v6;
	v8 =	vld [tilespmem:s30+$0x1660]  }
0xe1: {  	[tilespmem:s30+$0x6600] =	vst v7;
	v7 =	vunpack.i.u.bf16.f32 v3;
	v3 =	vunpack.i.l.bf16.f32 v3  }
0xe2: {  	[tilespmem:s30+$0x5210] =	vst v6;
	v10 =	vunpack.i.u.bf16.f32 v5;
	v11 =	vunpack.i.l.bf16.f32 v5  }
0xe3: {  	[tilespmem:s30+$0x6610] =	vst v4;
	v4 =	vunpack.i.u.bf16.f32 v2;
	v12 =	vunpack.i.l.bf16.f32 v2  }
.Ltmp2:
0xe4: {  	[tilespmem:s30+$0x5220] =	vst v3;
	v3 =	vunpack.i.u.bf16.f32 v9;
	v6 =	vunpack.i.l.bf16.f32 v9;
	(pc) =	sbr.rel @p0 .LBB2_6-.Ltmp2, $4  }
0xe5: {  	[tilespmem:s30+$0x6620] =	vst v7;
	v2 =	vunpack.i.u.bf16.f32 v8;
	v5 =	vunpack.i.l.bf16.f32 v8  }
0xe6: {  	[tilespmem:s30+$0x5230] =	vst v11  }
0xe7: {  	[tilespmem:s30+$0x6630] =	vst v10  }
0xe8: {  	s0 =	sshra.s32 s1, $0x2;
	s1 =	sadd.s32 $0x200, s1;
	[tilespmem:s30+$0x5240] =	vst v12  }
0xe9: {  	v7 =	vld [tilespmem:s0+$0x1670];
	[tilespmem:s30+$0x6640] =	vst v4  }
0xea: {  	v4 =	vld [tilespmem:s0+$0x1600];
	[tilespmem:s30+$0x5250] =	vst v6  }
0xeb: {  	v6 =	vld [tilespmem:s0+$0x1610];
	[tilespmem:s30+$0x6650] =	vst v3  }
0xec: {  	v3 =	vld [tilespmem:s0+$0x1620];
	[tilespmem:s30+$0x5260] =	vst v5  }
0xed: {  	v5 =	vld [tilespmem:s0+$0x1630];
	[tilespmem:s30+$0x6660] =	vst v2  }
0xee: {  	v2 =	vld [tilespmem:s0+$0x1640];
	[tilespmem:s30+$0x5270] =	vst v1;
	v1 =	vunpack.i.u.bf16.f32 v7  }
0xef: {  	v9 =	vunpack.i.l.bf16.f32 v4;
	[tilespmem:s0+$0x6670] =	vst v1  }
0xf0: {  	v1 =	vunpack.i.u.bf16.f32 v4;
	[tilespmem:s0+$0x5200] =	vst v9  }
0xf1: {  	v60 =	vunpack.i.l.bf16.f32 v6;
	[tilespmem:s0+$0x6600] =	vst v1  }
0xf2: {  	v1 =	vunpack.i.u.bf16.f32 v6;
	[tilespmem:s0+$0x5210] =	vst v60  }
0xf3: {  	v61 =	vunpack.i.l.bf16.f32 v3;
	[tilespmem:s0+$0x6610] =	vst v1  }
0xf4: {  	v8 =	vld [tilespmem:s0+$0x1650];
	v1 =	vunpack.i.u.bf16.f32 v3;
	[tilespmem:s0+$0x5220] =	vst v61  }
0xf5: {  	v3 =	vunpack.i.l.bf16.f32 v5;
	[tilespmem:s0+$0x6620] =	vst v1  }
0xf6: {  	v59 =	vld [tilespmem:s0+$0x1660];
	v1 =	vunpack.i.u.bf16.f32 v5;
	[tilespmem:s0+$0x5230] =	vst v3  }
0xf7: {  	v3 =	vunpack.i.l.bf16.f32 v2;
	[tilespmem:s0+$0x6630] =	vst v1  }
0xf8: {  	v1 =	vunpack.i.u.bf16.f32 v2;
	[tilespmem:s0+$0x5240] =	vst v3  }
0xf9: {  	v2 =	vunpack.i.l.bf16.f32 v8;
	[tilespmem:s0+$0x6640] =	vst v1  }
0xfa: {  	v1 =	vunpack.i.u.bf16.f32 v8;
	[tilespmem:s0+$0x5250] =	vst v2  }
0xfb: {  	v2 =	vunpack.i.l.bf16.f32 v59;
	[tilespmem:s0+$0x6650] =	vst v1  }
0xfc: {  	v1 =	vunpack.i.u.bf16.f32 v59;
	[tilespmem:s0+$0x5260] =	vst v2  }
0xfd: {  	v2 =	vunpack.i.l.bf16.f32 v7;
	[tilespmem:s0+$0x6660] =	vst v1  }
0xfe: {  	[tilespmem:s0+$0x5270] =	vst v2  }
0xff: {  	v1 =	vld [tilespmem:$0x80]  }
0x100: {  	v2 =	vld [tilespmem:$0x90]  }
0x101: {  	v3 =	vld [tilespmem:$0xA0]  }
0x102: {  	v62 =	vld [tilespmem:$0xB0]  }
0x103: {  	v63 =	vld [tilespmem:$0xC0]  }
0x104: {  	[tilespmem:$0x180] =	vst v1  }
0x105: {  	[tilespmem:$0x190] =	vst v2  }
0x106: {  	[tilespmem:$0x1A0] =	vst v3  }
0x107: {  	[tilespmem:$0x1B0] =	vst v62  }
0x108: {  	s8 =	rddreg [dreg:$0xa];
	[tilespmem:$0x1C0] =	vst v63  }
0x109: {  	[tilespmem:s14], [sflag:$0x2] =	stream.linear.gather [hbm4b:s8+s4], $0x50, $0x38;
	[tilespmem:$0x1CE00] =	vst v63  }
0x10a: {  	s31 =	rddreg [dreg:$0xb]  }
0x10b: {  	[tilespmem:s15], [sflag:$0x4] =	stream.linear.gather [hbm4b:s31+s4], $0x1400, $0x38;
	[tilespmem:$0x1CE00] =	vst v63  }
0x10c: {  	s30 =	simm.s32 $0x1  }
0x10d: {  	[spmem:s3] =	stream.indirect.scatter.add.f32 [tilespmem:s25], [sflag:$0x6], $0x80, s24, s18, $0xb8;
	[tilespmem:$0x1CE00] =	vst v63  }
.LBB2_8:
0x10e: {  	_ =	swait.ge [sflag:s16], $0x50  }
0x10f: {  	[sflag:s16] =	ssyncset.done $0x0  }
0x110: {  	[sflag:s16] =	ssyncadd.s32 $0xFFFFFFB0  }
0x111: {  	_ =	swait.ge [sflag:s17], $0x1400  }
0x112: {  	[sflag:s17] =	ssyncset.done $0x0  }
0x113: {  	[sflag:s17] =	ssyncadd.s32 $0xFFFFEC00  }
0x114: {  	_ =	swait.ge [sflag:s26], $0x2800  }
0x115: {  	[sflag:s26] =	ssyncset.done $0x0  }
0x116: {  	s31 =	simm.s32 $0x0;
	[sflag:s26] =	ssyncadd.s32 $0xFFFFD800  }
0x117: {  	v1 =	vld [tilespmem:s31+$0x270]  }
0x118: {  	v2 =	vld [tilespmem:s31+$0x200];
	_ =	sdelay $0x1  }
0x119: {  	v3 =	vld [tilespmem:s31+$0x210]  }
0x11a: {  	v6 =	vld [tilespmem:s31+$0x240]  }
0x11b: {  	v7 =	vunpack.i.u.bf16.f32 v1  }
0x11c: {  	v4 =	vld [tilespmem:s31+$0x220];
	v9 =	vunpack.i.l.bf16.f32 v2;
	[tilespmem:s31+$0x3E70] =	vst v7  }
0x11d: {  	v2 =	vunpack.i.u.bf16.f32 v2;
	[tilespmem:s31+$0x2A00] =	vst v9  }
0x11e: {  	v5 =	vld [tilespmem:s31+$0x230];
	v62 =	vunpack.i.l.bf16.f32 v3;
	[tilespmem:s31+$0x3E00] =	vst v2  }
0x11f: {  	v8 =	vld [tilespmem:s31+$0x250];
	v63 =	vunpack.i.l.bf16.f32 v6;
	[tilespmem:s31+$0x2A10] =	vst v62  }
0x120: {  	v7 =	vld [tilespmem:s31+$0x260];
	v2 =	vunpack.i.u.bf16.f32 v3;
	[tilespmem:s31+$0x2A40] =	vst v63  }
0x121: {  	v3 =	vunpack.i.l.bf16.f32 v4;
	[tilespmem:s31+$0x3E10] =	vst v2  }
0x122: {  	v2 =	vunpack.i.u.bf16.f32 v4;
	[tilespmem:s31+$0x2A20] =	vst v3  }
0x123: {  	v1 =	vunpack.i.l.bf16.f32 v1;
	v3 =	vunpack.i.l.bf16.f32 v5;
	[tilespmem:s31+$0x3E20] =	vst v2  }
0x124: {  	v4 =	vunpack.i.u.bf16.f32 v6;
	v6 =	vunpack.i.l.bf16.f32 v8;
	v2 =	vunpack.i.u.bf16.f32 v5;
	[tilespmem:s31+$0x2A30] =	vst v3  }
0x125: {  	s0 =	simm.s32 $0x80;
	s1 =	simm.s32 $0x400;
	v3 =	vunpack.i.u.bf16.f32 v8;
	[tilespmem:s31+$0x3E30] =	vst v2;
	v2 =	vunpack.i.u.bf16.f32 v7;
	v5 =	vunpack.i.l.bf16.f32 v7  }
.LBB2_9:
0x126: {  	p0 =	sne.s32 s1, $0x4E00;
	v7 =	vld [tilespmem:s0+$0x270];
	[tilespmem:s31+$0x3E40] =	vst v4  }
0x127: {  	v4 =	vld [tilespmem:s0+$0x200];
	[tilespmem:s31+$0x2A50] =	vst v6  }
0x128: {  	v6 =	vld [tilespmem:s0+$0x210];
	[tilespmem:s31+$0x3E50] =	vst v3  }
0x129: {  	v3 =	vld [tilespmem:s0+$0x220];
	[tilespmem:s31+$0x2A60] =	vst v5  }
0x12a: {  	v5 =	vld [tilespmem:s0+$0x230];
	[tilespmem:s31+$0x3E60] =	vst v2  }
0x12b: {  	v2 =	vld [tilespmem:s0+$0x240];
	v8 =	vunpack.i.u.bf16.f32 v7;
	[tilespmem:s31+$0x2A70] =	vst v1;
	v1 =	vunpack.i.l.bf16.f32 v7;
	s31 =	smov.u32 s0  }
0x12c: {  	v7 =	vunpack.i.u.bf16.f32 v4;
	v4 =	vunpack.i.l.bf16.f32 v4;
	v9 =	vld [tilespmem:s31+$0x250];
	[tilespmem:s31+$0x3E70] =	vst v8  }
0x12d: {  	[tilespmem:s31+$0x2A00] =	vst v4;
	v4 =	vunpack.i.u.bf16.f32 v6;
	v6 =	vunpack.i.l.bf16.f32 v6;
	v8 =	vld [tilespmem:s31+$0x260]  }
0x12e: {  	[tilespmem:s31+$0x3E00] =	vst v7;
	v7 =	vunpack.i.u.bf16.f32 v3;
	v3 =	vunpack.i.l.bf16.f32 v3  }
0x12f: {  	[tilespmem:s31+$0x2A10] =	vst v6;
	v10 =	vunpack.i.u.bf16.f32 v5;
	v11 =	vunpack.i.l.bf16.f32 v5  }
0x130: {  	[tilespmem:s31+$0x3E10] =	vst v4;
	v4 =	vunpack.i.u.bf16.f32 v2;
	v12 =	vunpack.i.l.bf16.f32 v2  }
.Ltmp3:
0x131: {  	[tilespmem:s31+$0x2A20] =	vst v3;
	v3 =	vunpack.i.u.bf16.f32 v9;
	v6 =	vunpack.i.l.bf16.f32 v9;
	(pc) =	sbr.rel @p0 .LBB2_9-.Ltmp3, $4  }
0x132: {  	[tilespmem:s31+$0x3E20] =	vst v7;
	v2 =	vunpack.i.u.bf16.f32 v8;
	v5 =	vunpack.i.l.bf16.f32 v8  }
0x133: {  	[tilespmem:s31+$0x2A30] =	vst v11  }
0x134: {  	[tilespmem:s31+$0x3E30] =	vst v10  }
0x135: {  	s0 =	sshra.s32 s1, $0x2;
	s1 =	sadd.s32 $0x200, s1;
	[tilespmem:s31+$0x2A40] =	vst v12  }
0x136: {  	v7 =	vld [tilespmem:s0+$0x270];
	[tilespmem:s31+$0x3E40] =	vst v4  }
0x137: {  	v4 =	vld [tilespmem:s0+$0x200];
	[tilespmem:s31+$0x2A50] =	vst v6  }
0x138: {  	v6 =	vld [tilespmem:s0+$0x210];
	[tilespmem:s31+$0x3E50] =	vst v3  }
0x139: {  	v3 =	vld [tilespmem:s0+$0x220];
	[tilespmem:s31+$0x2A60] =	vst v5  }
0x13a: {  	v5 =	vld [tilespmem:s0+$0x230];
	[tilespmem:s31+$0x3E60] =	vst v2  }
0x13b: {  	v2 =	vld [tilespmem:s0+$0x240];
	[tilespmem:s31+$0x2A70] =	vst v1;
	v1 =	vunpack.i.u.bf16.f32 v7  }
0x13c: {  	v9 =	vunpack.i.l.bf16.f32 v4;
	[tilespmem:s0+$0x3E70] =	vst v1  }
0x13d: {  	v1 =	vunpack.i.u.bf16.f32 v4;
	[tilespmem:s0+$0x2A00] =	vst v9  }
0x13e: {  	v60 =	vunpack.i.l.bf16.f32 v6;
	[tilespmem:s0+$0x3E00] =	vst v1  }
0x13f: {  	v1 =	vunpack.i.u.bf16.f32 v6;
	[tilespmem:s0+$0x2A10] =	vst v60  }
0x140: {  	v6 =	vunpack.i.l.bf16.f32 v3;
	[tilespmem:s0+$0x3E10] =	vst v1  }
0x141: {  	v8 =	vld [tilespmem:s0+$0x250];
	v1 =	vunpack.i.u.bf16.f32 v3;
	[tilespmem:s0+$0x2A20] =	vst v6  }
0x142: {  	v3 =	vunpack.i.l.bf16.f32 v5;
	[tilespmem:s0+$0x3E20] =	vst v1  }
0x143: {  	v4 =	vld [tilespmem:s0+$0x260];
	v1 =	vunpack.i.u.bf16.f32 v5;
	[tilespmem:s0+$0x2A30] =	vst v3  }
0x144: {  	v3 =	vunpack.i.l.bf16.f32 v2;
	[tilespmem:s0+$0x3E30] =	vst v1  }
0x145: {  	v1 =	vunpack.i.u.bf16.f32 v2;
	[tilespmem:s0+$0x2A40] =	vst v3  }
0x146: {  	v2 =	vunpack.i.l.bf16.f32 v8;
	[tilespmem:s0+$0x3E40] =	vst v1  }
0x147: {  	v1 =	vunpack.i.u.bf16.f32 v8;
	[tilespmem:s0+$0x2A50] =	vst v2  }
0x148: {  	v2 =	vunpack.i.l.bf16.f32 v4;
	[tilespmem:s0+$0x3E50] =	vst v1  }
0x149: {  	v1 =	vunpack.i.u.bf16.f32 v4;
	[tilespmem:s0+$0x2A60] =	vst v2  }
0x14a: {  	v2 =	vunpack.i.l.bf16.f32 v7;
	[tilespmem:s0+$0x3E60] =	vst v1  }
0x14b: {  	[tilespmem:s0+$0x2A70] =	vst v2  }
0x14c: {  	v1 =	vld [tilespmem:$0x0]  }
0x14d: {  	v2 =	vld [tilespmem:$0x10]  }
0x14e: {  	v3 =	vld [tilespmem:$0x20]  }
0x14f: {  	s31 =	sshll.u32 s30, $0x1;
	v4 =	vld [tilespmem:$0x30]  }
0x150: {  	s8 =	sadd.s32 $0x2, s31;
	v5 =	vld [tilespmem:$0x40]  }
0x151: {  	s1 =	smul.u32 $0x50, s8;
	[tilespmem:$0x100] =	vst v1  }
0x152: {  	s0 =	smul.u32 $0x28, s8;
	[tilespmem:$0x110] =	vst v2  }
0x153: {  	s1 =	sadd.s32 s7, s1;
	[tilespmem:$0x120] =	vst v3  }
0x154: {  	s1 =	sshrl.u32 s1, $0x3;
	s0 =	sadd.s32 s6, s0;
	[tilespmem:$0x130] =	vst v4  }
0x155: {  	s1 =	sadd.s32 s2, s1;
	s8 =	simm.s32 $0x0;
	s0 =	sshll.u32 s0, $0x4;
	[tilespmem:$0x140] =	vst v5  }
0x156: {  	[tilespmem:s8], [sflag:$0x1] =	stream.linear.gather [hbm4b:s1+s8], $0x50, $0x38;
	[tilespmem:$0x1CE00] =	vst v63  }
0x157: {  	s0 =	sadd.s32 s5, s0  }
0x158: {  	[tilespmem:s13], [sflag:$0x3] =	stream.linear.gather [hbm4b:s0+s8], $0x1400, $0x38;
	[tilespmem:$0x1CE00] =	vst v63  }
0x159: {  	_ = 	snop  }
0x15a: {  	[spmem:s3] =	stream.indirect.scatter.add.f32 [tilespmem:s21], [sflag:$0x5], $0x80, s20, s18, $0xb8;
	[tilespmem:$0x1CE00] =	vst v63  }
0x15b: {  	_ =	swait.ge [sflag:s22], $0x50  }
0x15c: {  	[sflag:s22] =	ssyncset.done $0x0  }
0x15d: {  	[sflag:s22] =	ssyncadd.s32 $0xFFFFFFB0  }
0x15e: {  	_ =	swait.ge [sflag:s23], $0x1400  }
0x15f: {  	[sflag:s23] =	ssyncset.done $0x0  }
0x160: {  	[sflag:s23] =	ssyncadd.s32 $0xFFFFEC00  }
0x161: {  	_ =	swait.ge [sflag:s28], $0x2800  }
0x162: {  	[sflag:s28] =	ssyncset.done $0x0  }
0x163: {  	s0 =	simm.s32 $0x0;
	[sflag:s28] =	ssyncadd.s32 $0xFFFFD800  }
0x164: {  	v1 =	vld [tilespmem:s0+$0x1670]  }
0x165: {  	v2 =	vld [tilespmem:s0+$0x1600];
	_ =	sdelay $0x1  }
0x166: {  	v3 =	vld [tilespmem:s0+$0x1610]  }
0x167: {  	v6 =	vld [tilespmem:s0+$0x1640]  }
0x168: {  	v7 =	vunpack.i.u.bf16.f32 v1  }
0x169: {  	v4 =	vld [tilespmem:s0+$0x1620];
	v61 =	vunpack.i.l.bf16.f32 v2;
	[tilespmem:s0+$0x6670] =	vst v7  }
0x16a: {  	v2 =	vunpack.i.u.bf16.f32 v2;
	[tilespmem:s0+$0x5200] =	vst v61  }
0x16b: {  	v5 =	vld [tilespmem:s0+$0x1630];
	v62 =	vunpack.i.l.bf16.f32 v3;
	[tilespmem:s0+$0x6600] =	vst v2  }
0x16c: {  	v8 =	vld [tilespmem:s0+$0x1650];
	v63 =	vunpack.i.l.bf16.f32 v6;
	[tilespmem:s0+$0x5210] =	vst v62  }
0x16d: {  	v7 =	vld [tilespmem:s0+$0x1660];
	v2 =	vunpack.i.u.bf16.f32 v3;
	[tilespmem:s0+$0x5240] =	vst v63  }
0x16e: {  	v3 =	vunpack.i.l.bf16.f32 v4;
	[tilespmem:s0+$0x6610] =	vst v2  }
0x16f: {  	v2 =	vunpack.i.u.bf16.f32 v4;
	[tilespmem:s0+$0x5220] =	vst v3  }
0x170: {  	v1 =	vunpack.i.l.bf16.f32 v1;
	v3 =	vunpack.i.l.bf16.f32 v5;
	[tilespmem:s0+$0x6620] =	vst v2  }
0x171: {  	v4 =	vunpack.i.u.bf16.f32 v6;
	v6 =	vunpack.i.l.bf16.f32 v8;
	v2 =	vunpack.i.u.bf16.f32 v5;
	[tilespmem:s0+$0x5230] =	vst v3  }
0x172: {  	s1 =	simm.s32 $0x80;
	s8 =	simm.s32 $0x400;
	v3 =	vunpack.i.u.bf16.f32 v8;
	[tilespmem:s0+$0x6630] =	vst v2;
	v2 =	vunpack.i.u.bf16.f32 v7;
	v5 =	vunpack.i.l.bf16.f32 v7  }
.LBB2_11:
0x173: {  	p0 =	sne.s32 s8, $0x4E00;
	v7 =	vld [tilespmem:s1+$0x1670];
	[tilespmem:s0+$0x6640] =	vst v4  }
0x174: {  	v4 =	vld [tilespmem:s1+$0x1600];
	[tilespmem:s0+$0x5250] =	vst v6  }
0x175: {  	v6 =	vld [tilespmem:s1+$0x1610];
	[tilespmem:s0+$0x6650] =	vst v3  }
0x176: {  	v3 =	vld [tilespmem:s1+$0x1620];
	[tilespmem:s0+$0x5260] =	vst v5  }
0x177: {  	v5 =	vld [tilespmem:s1+$0x1630];
	[tilespmem:s0+$0x6660] =	vst v2  }
0x178: {  	v2 =	vld [tilespmem:s1+$0x1640];
	v8 =	vunpack.i.u.bf16.f32 v7;
	[tilespmem:s0+$0x5270] =	vst v1;
	v1 =	vunpack.i.l.bf16.f32 v7;
	s0 =	smov.u32 s1  }
0x179: {  	v7 =	vunpack.i.u.bf16.f32 v4;
	v4 =	vunpack.i.l.bf16.f32 v4;
	v9 =	vld [tilespmem:s0+$0x1650];
	[tilespmem:s0+$0x6670] =	vst v8  }
0x17a: {  	[tilespmem:s0+$0x5200] =	vst v4;
	v4 =	vunpack.i.u.bf16.f32 v6;
	v6 =	vunpack.i.l.bf16.f32 v6;
	v8 =	vld [tilespmem:s0+$0x1660]  }
0x17b: {  	[tilespmem:s0+$0x6600] =	vst v7;
	v7 =	vunpack.i.u.bf16.f32 v3;
	v3 =	vunpack.i.l.bf16.f32 v3  }
0x17c: {  	[tilespmem:s0+$0x5210] =	vst v6;
	v10 =	vunpack.i.u.bf16.f32 v5;
	v11 =	vunpack.i.l.bf16.f32 v5  }
0x17d: {  	[tilespmem:s0+$0x6610] =	vst v4;
	v4 =	vunpack.i.u.bf16.f32 v2;
	v12 =	vunpack.i.l.bf16.f32 v2  }
.Ltmp4:
0x17e: {  	[tilespmem:s0+$0x5220] =	vst v3;
	v3 =	vunpack.i.u.bf16.f32 v9;
	v6 =	vunpack.i.l.bf16.f32 v9;
	(pc) =	sbr.rel @p0 .LBB2_11-.Ltmp4, $4  }
0x17f: {  	[tilespmem:s0+$0x6620] =	vst v7;
	v2 =	vunpack.i.u.bf16.f32 v8;
	v5 =	vunpack.i.l.bf16.f32 v8  }
0x180: {  	[tilespmem:s0+$0x5230] =	vst v11  }
0x181: {  	[tilespmem:s0+$0x6630] =	vst v10  }
0x182: {  	s1 =	sshra.s32 s8, $0x2;
	s8 =	sadd.s32 $0x200, s8;
	[tilespmem:s0+$0x5240] =	vst v12  }
0x183: {  	v7 =	vld [tilespmem:s1+$0x1670];
	[tilespmem:s0+$0x6640] =	vst v4  }
0x184: {  	v4 =	vld [tilespmem:s1+$0x1600];
	[tilespmem:s0+$0x5250] =	vst v6  }
0x185: {  	v6 =	vld [tilespmem:s1+$0x1610];
	[tilespmem:s0+$0x6650] =	vst v3  }
0x186: {  	v3 =	vld [tilespmem:s1+$0x1620];
	[tilespmem:s0+$0x5260] =	vst v5  }
0x187: {  	v5 =	vld [tilespmem:s1+$0x1630];
	[tilespmem:s0+$0x6660] =	vst v2  }
0x188: {  	v2 =	vld [tilespmem:s1+$0x1640];
	[tilespmem:s0+$0x5270] =	vst v1;
	v1 =	vunpack.i.u.bf16.f32 v7  }
0x189: {  	v9 =	vunpack.i.l.bf16.f32 v4;
	[tilespmem:s1+$0x6670] =	vst v1  }
0x18a: {  	v1 =	vunpack.i.u.bf16.f32 v4;
	[tilespmem:s1+$0x5200] =	vst v9  }
0x18b: {  	v60 =	vunpack.i.l.bf16.f32 v6;
	[tilespmem:s1+$0x6600] =	vst v1  }
0x18c: {  	v1 =	vunpack.i.u.bf16.f32 v6;
	[tilespmem:s1+$0x5210] =	vst v60  }
0x18d: {  	v61 =	vunpack.i.l.bf16.f32 v3;
	[tilespmem:s1+$0x6610] =	vst v1  }
0x18e: {  	v8 =	vld [tilespmem:s1+$0x1650];
	v1 =	vunpack.i.u.bf16.f32 v3;
	[tilespmem:s1+$0x5220] =	vst v61  }
0x18f: {  	v3 =	vunpack.i.l.bf16.f32 v5;
	[tilespmem:s1+$0x6620] =	vst v1  }
0x190: {  	v59 =	vld [tilespmem:s1+$0x1660];
	v1 =	vunpack.i.u.bf16.f32 v5;
	[tilespmem:s1+$0x5230] =	vst v3  }
0x191: {  	v3 =	vunpack.i.l.bf16.f32 v2;
	[tilespmem:s1+$0x6630] =	vst v1  }
0x192: {  	v1 =	vunpack.i.u.bf16.f32 v2;
	[tilespmem:s1+$0x5240] =	vst v3  }
0x193: {  	v2 =	vunpack.i.l.bf16.f32 v8;
	[tilespmem:s1+$0x6640] =	vst v1  }
0x194: {  	v1 =	vunpack.i.u.bf16.f32 v8;
	[tilespmem:s1+$0x5250] =	vst v2  }
0x195: {  	v2 =	vunpack.i.l.bf16.f32 v59;
	[tilespmem:s1+$0x6650] =	vst v1  }
0x196: {  	v1 =	vunpack.i.u.bf16.f32 v59;
	[tilespmem:s1+$0x5260] =	vst v2  }
0x197: {  	v2 =	vunpack.i.l.bf16.f32 v7;
	[tilespmem:s1+$0x6660] =	vst v1  }
0x198: {  	[tilespmem:s1+$0x5270] =	vst v2  }
0x199: {  	v1 =	vld [tilespmem:$0x80]  }
0x19a: {  	v2 =	vld [tilespmem:$0x90]  }
0x19b: {  	v3 =	vld [tilespmem:$0xA0]  }
0x19c: {  	v62 =	vld [tilespmem:$0xB0]  }
0x19d: {  	s8 =	sadd.s32 $0x3, s31;
	v63 =	vld [tilespmem:$0xC0]  }
0x19e: {  	s31 =	smul.u32 $0x50, s8;
	[tilespmem:$0x180] =	vst v1  }
0x19f: {  	[tilespmem:$0x190] =	vst v2  }
0x1a0: {  	s0 =	smul.u32 $0x28, s8;
	s1 =	sadd.s32 s7, s31;
	[tilespmem:$0x1A0] =	vst v3  }
0x1a1: {  	s30 =	sadd.s32 $0x1, s30;
	s1 =	sshrl.u32 s1, $0x3;
	[tilespmem:$0x1B0] =	vst v62  }
0x1a2: {  	p0 =	sne.s32 s30, $0x1F;
	s0 =	sadd.s32 s6, s0;
	s1 =	sadd.s32 s2, s1;
	[tilespmem:$0x1C0] =	vst v63  }
0x1a3: {  	[tilespmem:s14], [sflag:$0x2] =	stream.linear.gather [hbm4b:s1+s4], $0x50, $0x38;
	[tilespmem:$0x1CE00] =	vst v63  }
.Ltmp5:
0x1a4: {  	s0 =	sshll.u32 s0, $0x4;
	(pc) =	sbr.rel @p0 .LBB2_8-.Ltmp5, $4  }
0x1a5: {  	s0 =	sadd.s32 s5, s0  }
0x1a6: {  	[tilespmem:s15], [sflag:$0x4] =	stream.linear.gather [hbm4b:s0+s4], $0x1400, $0x38;
	[tilespmem:$0x1CE00] =	vst v63  }
0x1a7: {  	_ = 	snop  }
0x1a8: {  	[spmem:s3] =	stream.indirect.scatter.add.f32 [tilespmem:s25], [sflag:$0x6], $0x80, s24, s18, $0xb8;
	[tilespmem:$0x1CE00] =	vst v63  }
0x1a9: {  	_ =	swait.ge [sflag:s16], $0x50  }
0x1aa: {  	[sflag:s16] =	ssyncset.done $0x0  }
0x1ab: {  	[sflag:s16] =	ssyncadd.s32 $0xFFFFFFB0  }
0x1ac: {  	_ =	swait.ge [sflag:s17], $0x1400  }
0x1ad: {  	[sflag:s17] =	ssyncset.done $0x0  }
0x1ae: {  	[sflag:s17] =	ssyncadd.s32 $0xFFFFEC00  }
0x1af: {  	_ =	swait.ge [sflag:s26], $0x2800  }
0x1b0: {  	[sflag:s26] =	ssyncset.done $0x0  }
0x1b1: {  	s0 =	simm.s32 $0x0;
	[sflag:s26] =	ssyncadd.s32 $0xFFFFD800  }
0x1b2: {  	v1 =	vld [tilespmem:s0+$0x270]  }
0x1b3: {  	v2 =	vld [tilespmem:s0+$0x200];
	_ =	sdelay $0x1  }
0x1b4: {  	v3 =	vld [tilespmem:s0+$0x210]  }
0x1b5: {  	v6 =	vld [tilespmem:s0+$0x240]  }
0x1b6: {  	v7 =	vunpack.i.u.bf16.f32 v1  }
0x1b7: {  	v4 =	vld [tilespmem:s0+$0x220];
	v9 =	vunpack.i.l.bf16.f32 v2;
	[tilespmem:s0+$0x3E70] =	vst v7  }
0x1b8: {  	v2 =	vunpack.i.u.bf16.f32 v2;
	[tilespmem:s0+$0x2A00] =	vst v9  }
0x1b9: {  	v5 =	vld [tilespmem:s0+$0x230];
	v62 =	vunpack.i.l.bf16.f32 v3;
	[tilespmem:s0+$0x3E00] =	vst v2  }
0x1ba: {  	v8 =	vld [tilespmem:s0+$0x250];
	v63 =	vunpack.i.l.bf16.f32 v6;
	[tilespmem:s0+$0x2A10] =	vst v62  }
0x1bb: {  	v7 =	vld [tilespmem:s0+$0x260];
	v2 =	vunpack.i.u.bf16.f32 v3;
	[tilespmem:s0+$0x2A40] =	vst v63  }
0x1bc: {  	v3 =	vunpack.i.l.bf16.f32 v4;
	[tilespmem:s0+$0x3E10] =	vst v2  }
0x1bd: {  	v2 =	vunpack.i.u.bf16.f32 v4;
	[tilespmem:s0+$0x2A20] =	vst v3  }
0x1be: {  	v1 =	vunpack.i.l.bf16.f32 v1;
	v3 =	vunpack.i.l.bf16.f32 v5;
	[tilespmem:s0+$0x3E20] =	vst v2  }
0x1bf: {  	v4 =	vunpack.i.u.bf16.f32 v6;
	v6 =	vunpack.i.l.bf16.f32 v8;
	v2 =	vunpack.i.u.bf16.f32 v5;
	[tilespmem:s0+$0x2A30] =	vst v3  }
0x1c0: {  	s1 =	simm.s32 $0x80;
	s8 =	simm.s32 $0x400;
	v3 =	vunpack.i.u.bf16.f32 v8;
	[tilespmem:s0+$0x3E30] =	vst v2;
	v2 =	vunpack.i.u.bf16.f32 v7;
	v5 =	vunpack.i.l.bf16.f32 v7  }
.LBB2_14:
0x1c1: {  	p0 =	sne.s32 s8, $0x4E00;
	v7 =	vld [tilespmem:s1+$0x270];
	[tilespmem:s0+$0x3E40] =	vst v4  }
0x1c2: {  	v4 =	vld [tilespmem:s1+$0x200];
	[tilespmem:s0+$0x2A50] =	vst v6  }
0x1c3: {  	v6 =	vld [tilespmem:s1+$0x210];
	[tilespmem:s0+$0x3E50] =	vst v3  }
0x1c4: {  	v3 =	vld [tilespmem:s1+$0x220];
	[tilespmem:s0+$0x2A60] =	vst v5  }
0x1c5: {  	v5 =	vld [tilespmem:s1+$0x230];
	[tilespmem:s0+$0x3E60] =	vst v2  }
0x1c6: {  	v2 =	vld [tilespmem:s1+$0x240];
	v8 =	vunpack.i.u.bf16.f32 v7;
	[tilespmem:s0+$0x2A70] =	vst v1;
	v1 =	vunpack.i.l.bf16.f32 v7;
	s0 =	smov.u32 s1  }
0x1c7: {  	v7 =	vunpack.i.u.bf16.f32 v4;
	v4 =	vunpack.i.l.bf16.f32 v4;
	v9 =	vld [tilespmem:s0+$0x250];
	[tilespmem:s0+$0x3E70] =	vst v8  }
0x1c8: {  	[tilespmem:s0+$0x2A00] =	vst v4;
	v4 =	vunpack.i.u.bf16.f32 v6;
	v6 =	vunpack.i.l.bf16.f32 v6;
	v8 =	vld [tilespmem:s0+$0x260]  }
0x1c9: {  	[tilespmem:s0+$0x3E00] =	vst v7;
	v7 =	vunpack.i.u.bf16.f32 v3;
	v3 =	vunpack.i.l.bf16.f32 v3  }
0x1ca: {  	[tilespmem:s0+$0x2A10] =	vst v6;
	v10 =	vunpack.i.u.bf16.f32 v5;
	v11 =	vunpack.i.l.bf16.f32 v5  }
0x1cb: {  	[tilespmem:s0+$0x3E10] =	vst v4;
	v4 =	vunpack.i.u.bf16.f32 v2;
	v12 =	vunpack.i.l.bf16.f32 v2  }
.Ltmp6:
0x1cc: {  	[tilespmem:s0+$0x2A20] =	vst v3;
	v3 =	vunpack.i.u.bf16.f32 v9;
	v6 =	vunpack.i.l.bf16.f32 v9;
	(pc) =	sbr.rel @p0 .LBB2_14-.Ltmp6, $4  }
0x1cd: {  	[tilespmem:s0+$0x3E20] =	vst v7;
	v2 =	vunpack.i.u.bf16.f32 v8;
	v5 =	vunpack.i.l.bf16.f32 v8  }
0x1ce: {  	[tilespmem:s0+$0x2A30] =	vst v11  }
0x1cf: {  	[tilespmem:s0+$0x3E30] =	vst v10  }
0x1d0: {  	s1 =	sshra.s32 s8, $0x2;
	s8 =	sadd.s32 $0x200, s8;
	[tilespmem:s0+$0x2A40] =	vst v12  }
0x1d1: {  	v7 =	vld [tilespmem:s1+$0x270];
	[tilespmem:s0+$0x3E40] =	vst v4  }
0x1d2: {  	v4 =	vld [tilespmem:s1+$0x200];
	[tilespmem:s0+$0x2A50] =	vst v6  }
0x1d3: {  	v6 =	vld [tilespmem:s1+$0x210];
	[tilespmem:s0+$0x3E50] =	vst v3  }
0x1d4: {  	v3 =	vld [tilespmem:s1+$0x220];
	[tilespmem:s0+$0x2A60] =	vst v5  }
0x1d5: {  	v5 =	vld [tilespmem:s1+$0x230];
	[tilespmem:s0+$0x3E60] =	vst v2  }
0x1d6: {  	v2 =	vld [tilespmem:s1+$0x240];
	[tilespmem:s0+$0x2A70] =	vst v1;
	v1 =	vunpack.i.u.bf16.f32 v7  }
0x1d7: {  	v9 =	vunpack.i.l.bf16.f32 v4;
	[tilespmem:s1+$0x3E70] =	vst v1  }
0x1d8: {  	v1 =	vunpack.i.u.bf16.f32 v4;
	[tilespmem:s1+$0x2A00] =	vst v9  }
0x1d9: {  	v60 =	vunpack.i.l.bf16.f32 v6;
	[tilespmem:s1+$0x3E00] =	vst v1  }
0x1da: {  	v1 =	vunpack.i.u.bf16.f32 v6;
	[tilespmem:s1+$0x2A10] =	vst v60  }
0x1db: {  	v6 =	vunpack.i.l.bf16.f32 v3;
	[tilespmem:s1+$0x3E10] =	vst v1  }
0x1dc: {  	v8 =	vld [tilespmem:s1+$0x250];
	v1 =	vunpack.i.u.bf16.f32 v3;
	[tilespmem:s1+$0x2A20] =	vst v6  }
0x1dd: {  	v3 =	vunpack.i.l.bf16.f32 v5;
	[tilespmem:s1+$0x3E20] =	vst v1  }
0x1de: {  	v4 =	vld [tilespmem:s1+$0x260];
	v1 =	vunpack.i.u.bf16.f32 v5;
	[tilespmem:s1+$0x2A30] =	vst v3  }
0x1df: {  	v3 =	vunpack.i.l.bf16.f32 v2;
	[tilespmem:s1+$0x3E30] =	vst v1  }
0x1e0: {  	v1 =	vunpack.i.u.bf16.f32 v2;
	[tilespmem:s1+$0x2A40] =	vst v3  }
0x1e1: {  	v2 =	vunpack.i.l.bf16.f32 v8;
	[tilespmem:s1+$0x3E40] =	vst v1  }
0x1e2: {  	v1 =	vunpack.i.u.bf16.f32 v8;
	[tilespmem:s1+$0x2A50] =	vst v2  }
0x1e3: {  	v2 =	vunpack.i.l.bf16.f32 v4;
	[tilespmem:s1+$0x3E50] =	vst v1  }
0x1e4: {  	v1 =	vunpack.i.u.bf16.f32 v4;
	[tilespmem:s1+$0x2A60] =	vst v2  }
0x1e5: {  	v2 =	vunpack.i.l.bf16.f32 v7;
	[tilespmem:s1+$0x3E60] =	vst v1  }
0x1e6: {  	[tilespmem:s1+$0x2A70] =	vst v2  }
0x1e7: {  	v1 =	vld [tilespmem:$0x0]  }
0x1e8: {  	v2 =	vld [tilespmem:$0x10]  }
0x1e9: {  	v3 =	vld [tilespmem:$0x20]  }
0x1ea: {  	v4 =	vld [tilespmem:$0x30]  }
0x1eb: {  	v5 =	vld [tilespmem:$0x40]  }
0x1ec: {  	[tilespmem:$0x100] =	vst v1  }
0x1ed: {  	[tilespmem:$0x110] =	vst v2  }
0x1ee: {  	[tilespmem:$0x120] =	vst v3  }
0x1ef: {  	[tilespmem:$0x130] =	vst v4  }
0x1f0: {  	s8 =	simm.s32 $0x0;
	s30 =	rddreg [dreg:$0xc];
	[tilespmem:$0x140] =	vst v5  }
0x1f1: {  	[tilespmem:s8], [sflag:$0x1] =	stream.linear.gather [hbm4b:s30+s8], $0x50, $0x38;
	[tilespmem:$0x1CE00] =	vst v63  }
0x1f2: {  	s31 =	rddreg [dreg:$0xd]  }
0x1f3: {  	[tilespmem:s13], [sflag:$0x3] =	stream.linear.gather [hbm4b:s31+s8], $0x1400, $0x38;
	[tilespmem:$0x1CE00] =	vst v63  }
0x1f4: {  	_ = 	snop  }
0x1f5: {  	[spmem:s3] =	stream.indirect.scatter.add.f32 [tilespmem:s21], [sflag:$0x5], $0x80, s20, s18, $0xb8;
	[tilespmem:$0x1CE00] =	vst v63  }
0x1f6: {  	_ =	swait.ge [sflag:s22], $0x50  }
0x1f7: {  	[sflag:s22] =	ssyncset.done $0x0  }
0x1f8: {  	[sflag:s22] =	ssyncadd.s32 $0xFFFFFFB0  }
0x1f9: {  	_ =	swait.ge [sflag:s23], $0x1400  }
0x1fa: {  	[sflag:s23] =	ssyncset.done $0x0  }
0x1fb: {  	[sflag:s23] =	ssyncadd.s32 $0xFFFFEC00  }
0x1fc: {  	_ =	swait.ge [sflag:s28], $0x2800  }
0x1fd: {  	[sflag:s28] =	ssyncset.done $0x0  }
0x1fe: {  	s0 =	simm.s32 $0x0;
	[sflag:s28] =	ssyncadd.s32 $0xFFFFD800  }
0x1ff: {  	v1 =	vld [tilespmem:s0+$0x1670]  }
0x200: {  	v2 =	vld [tilespmem:s0+$0x1600];
	_ =	sdelay $0x1  }
0x201: {  	v3 =	vld [tilespmem:s0+$0x1610]  }
0x202: {  	v6 =	vld [tilespmem:s0+$0x1640]  }
0x203: {  	v7 =	vunpack.i.u.bf16.f32 v1  }
0x204: {  	v4 =	vld [tilespmem:s0+$0x1620];
	v61 =	vunpack.i.l.bf16.f32 v2;
	[tilespmem:s0+$0x6670] =	vst v7  }
0x205: {  	v2 =	vunpack.i.u.bf16.f32 v2;
	[tilespmem:s0+$0x5200] =	vst v61  }
0x206: {  	v5 =	vld [tilespmem:s0+$0x1630];
	v62 =	vunpack.i.l.bf16.f32 v3;
	[tilespmem:s0+$0x6600] =	vst v2  }
0x207: {  	v8 =	vld [tilespmem:s0+$0x1650];
	v63 =	vunpack.i.l.bf16.f32 v6;
	[tilespmem:s0+$0x5210] =	vst v62  }
0x208: {  	v7 =	vld [tilespmem:s0+$0x1660];
	v2 =	vunpack.i.u.bf16.f32 v3;
	[tilespmem:s0+$0x5240] =	vst v63  }
0x209: {  	v3 =	vunpack.i.l.bf16.f32 v4;
	[tilespmem:s0+$0x6610] =	vst v2  }
0x20a: {  	v2 =	vunpack.i.u.bf16.f32 v4;
	[tilespmem:s0+$0x5220] =	vst v3  }
0x20b: {  	v1 =	vunpack.i.l.bf16.f32 v1;
	v3 =	vunpack.i.l.bf16.f32 v5;
	[tilespmem:s0+$0x6620] =	vst v2  }
0x20c: {  	v4 =	vunpack.i.u.bf16.f32 v6;
	v6 =	vunpack.i.l.bf16.f32 v8;
	v2 =	vunpack.i.u.bf16.f32 v5;
	[tilespmem:s0+$0x5230] =	vst v3  }
0x20d: {  	s1 =	simm.s32 $0x80;
	s8 =	simm.s32 $0x400;
	v3 =	vunpack.i.u.bf16.f32 v8;
	[tilespmem:s0+$0x6630] =	vst v2;
	v2 =	vunpack.i.u.bf16.f32 v7;
	v5 =	vunpack.i.l.bf16.f32 v7  }
.LBB2_16:
0x20e: {  	p0 =	sne.s32 s8, $0x4E00;
	v7 =	vld [tilespmem:s1+$0x1670];
	[tilespmem:s0+$0x6640] =	vst v4  }
0x20f: {  	v4 =	vld [tilespmem:s1+$0x1600];
	[tilespmem:s0+$0x5250] =	vst v6  }
0x210: {  	v6 =	vld [tilespmem:s1+$0x1610];
	[tilespmem:s0+$0x6650] =	vst v3  }
0x211: {  	v3 =	vld [tilespmem:s1+$0x1620];
	[tilespmem:s0+$0x5260] =	vst v5  }
0x212: {  	v5 =	vld [tilespmem:s1+$0x1630];
	[tilespmem:s0+$0x6660] =	vst v2  }
0x213: {  	v2 =	vld [tilespmem:s1+$0x1640];
	v8 =	vunpack.i.u.bf16.f32 v7;
	[tilespmem:s0+$0x5270] =	vst v1;
	v1 =	vunpack.i.l.bf16.f32 v7;
	s0 =	smov.u32 s1  }
0x214: {  	v7 =	vunpack.i.u.bf16.f32 v4;
	v4 =	vunpack.i.l.bf16.f32 v4;
	v9 =	vld [tilespmem:s0+$0x1650];
	[tilespmem:s0+$0x6670] =	vst v8  }
0x215: {  	[tilespmem:s0+$0x5200] =	vst v4;
	v4 =	vunpack.i.u.bf16.f32 v6;
	v6 =	vunpack.i.l.bf16.f32 v6;
	v8 =	vld [tilespmem:s0+$0x1660]  }
0x216: {  	[tilespmem:s0+$0x6600] =	vst v7;
	v7 =	vunpack.i.u.bf16.f32 v3;
	v3 =	vunpack.i.l.bf16.f32 v3  }
0x217: {  	[tilespmem:s0+$0x5210] =	vst v6;
	v10 =	vunpack.i.u.bf16.f32 v5;
	v11 =	vunpack.i.l.bf16.f32 v5  }
0x218: {  	[tilespmem:s0+$0x6610] =	vst v4;
	v4 =	vunpack.i.u.bf16.f32 v2;
	v12 =	vunpack.i.l.bf16.f32 v2  }
.Ltmp7:
0x219: {  	[tilespmem:s0+$0x5220] =	vst v3;
	v3 =	vunpack.i.u.bf16.f32 v9;
	v6 =	vunpack.i.l.bf16.f32 v9;
	(pc) =	sbr.rel @p0 .LBB2_16-.Ltmp7, $4  }
0x21a: {  	[tilespmem:s0+$0x6620] =	vst v7;
	v2 =	vunpack.i.u.bf16.f32 v8;
	v5 =	vunpack.i.l.bf16.f32 v8  }
0x21b: {  	[tilespmem:s0+$0x5230] =	vst v11  }
0x21c: {  	[tilespmem:s0+$0x6630] =	vst v10  }
0x21d: {  	s1 =	sshra.s32 s8, $0x2;
	s8 =	sadd.s32 $0x200, s8;
	[tilespmem:s0+$0x5240] =	vst v12  }
0x21e: {  	v7 =	vld [tilespmem:s1+$0x1670];
	[tilespmem:s0+$0x6640] =	vst v4  }
0x21f: {  	v4 =	vld [tilespmem:s1+$0x1600];
	[tilespmem:s0+$0x5250] =	vst v6  }
0x220: {  	v6 =	vld [tilespmem:s1+$0x1610];
	[tilespmem:s0+$0x6650] =	vst v3  }
0x221: {  	v3 =	vld [tilespmem:s1+$0x1620];
	[tilespmem:s0+$0x5260] =	vst v5  }
0x222: {  	v5 =	vld [tilespmem:s1+$0x1630];
	[tilespmem:s0+$0x6660] =	vst v2  }
0x223: {  	v2 =	vld [tilespmem:s1+$0x1640];
	[tilespmem:s0+$0x5270] =	vst v1;
	v1 =	vunpack.i.u.bf16.f32 v7  }
0x224: {  	v9 =	vunpack.i.l.bf16.f32 v4;
	[tilespmem:s1+$0x6670] =	vst v1  }
0x225: {  	v1 =	vunpack.i.u.bf16.f32 v4;
	[tilespmem:s1+$0x5200] =	vst v9  }
0x226: {  	v60 =	vunpack.i.l.bf16.f32 v6;
	[tilespmem:s1+$0x6600] =	vst v1  }
0x227: {  	v1 =	vunpack.i.u.bf16.f32 v6;
	[tilespmem:s1+$0x5210] =	vst v60  }
0x228: {  	v6 =	vunpack.i.l.bf16.f32 v3;
	[tilespmem:s1+$0x6610] =	vst v1  }
0x229: {  	v8 =	vld [tilespmem:s1+$0x1650];
	v1 =	vunpack.i.u.bf16.f32 v3;
	[tilespmem:s1+$0x5220] =	vst v6  }
0x22a: {  	v3 =	vunpack.i.l.bf16.f32 v5;
	[tilespmem:s1+$0x6620] =	vst v1  }
0x22b: {  	v4 =	vld [tilespmem:s1+$0x1660];
	v1 =	vunpack.i.u.bf16.f32 v5;
	[tilespmem:s1+$0x5230] =	vst v3  }
0x22c: {  	v3 =	vunpack.i.l.bf16.f32 v2;
	[tilespmem:s1+$0x6630] =	vst v1  }
0x22d: {  	v1 =	vunpack.i.u.bf16.f32 v2;
	[tilespmem:s1+$0x5240] =	vst v3  }
0x22e: {  	v2 =	vunpack.i.l.bf16.f32 v8;
	[tilespmem:s1+$0x6640] =	vst v1  }
0x22f: {  	v1 =	vunpack.i.u.bf16.f32 v8;
	[tilespmem:s1+$0x5250] =	vst v2  }
0x230: {  	v2 =	vunpack.i.l.bf16.f32 v4;
	[tilespmem:s1+$0x6650] =	vst v1  }
0x231: {  	v1 =	vunpack.i.u.bf16.f32 v4;
	[tilespmem:s1+$0x5260] =	vst v2  }
0x232: {  	v2 =	vunpack.i.l.bf16.f32 v7;
	[tilespmem:s1+$0x6660] =	vst v1  }
0x233: {  	[tilespmem:s1+$0x5270] =	vst v2  }
0x234: {  	v1 =	vld [tilespmem:$0x80]  }
0x235: {  	v2 =	vld [tilespmem:$0x90]  }
0x236: {  	v3 =	vld [tilespmem:$0xA0]  }
0x237: {  	v4 =	vld [tilespmem:$0xB0]  }
0x238: {  	v5 =	vld [tilespmem:$0xC0]  }
0x239: {  	[tilespmem:$0x180] =	vst v1  }
0x23a: {  	[tilespmem:$0x190] =	vst v2  }
0x23b: {  	[tilespmem:$0x1A0] =	vst v3  }
0x23c: {  	[tilespmem:$0x1B0] =	vst v4  }
0x23d: {  	[tilespmem:$0x1C0] =	vst v5  }
0x23e: {  	[spmem:s3] =	stream.indirect.scatter.add.f32 [tilespmem:s25], [sflag:$0x6], $0x80, s24, s18, $0xb8;
	[tilespmem:$0x1CE00] =	vst v63  }
0x23f: {  	_ =	swait.ge [sflag:s16], $0x50  }
0x240: {  	[sflag:s16] =	ssyncset.done $0x0  }
0x241: {  	[sflag:s16] =	ssyncadd.s32 $0xFFFFFFB0  }
0x242: {  	_ =	swait.ge [sflag:s17], $0x1400  }
0x243: {  	[sflag:s17] =	ssyncset.done $0x0  }
0x244: {  	[sflag:s17] =	ssyncadd.s32 $0xFFFFEC00  }
0x245: {  	_ =	swait.ge [sflag:s26], $0x2800  }
0x246: {  	[sflag:s26] =	ssyncset.done $0x0  }
0x247: {  	s0 =	simm.s32 $0x0;
	[sflag:s26] =	ssyncadd.s32 $0xFFFFD800  }
0x248: {  	v1 =	vld [tilespmem:s0+$0x270]  }
0x249: {  	v2 =	vld [tilespmem:s0+$0x200];
	_ =	sdelay $0x1  }
0x24a: {  	v3 =	vld [tilespmem:s0+$0x210]  }
0x24b: {  	v6 =	vld [tilespmem:s0+$0x240]  }
0x24c: {  	v7 =	vunpack.i.u.bf16.f32 v1  }
0x24d: {  	v4 =	vld [tilespmem:s0+$0x220];
	v61 =	vunpack.i.l.bf16.f32 v2;
	[tilespmem:s0+$0x3E70] =	vst v7  }
0x24e: {  	v2 =	vunpack.i.u.bf16.f32 v2;
	[tilespmem:s0+$0x2A00] =	vst v61  }
0x24f: {  	v5 =	vld [tilespmem:s0+$0x230];
	v62 =	vunpack.i.l.bf16.f32 v3;
	[tilespmem:s0+$0x3E00] =	vst v2  }
0x250: {  	v8 =	vld [tilespmem:s0+$0x250];
	v63 =	vunpack.i.l.bf16.f32 v6;
	[tilespmem:s0+$0x2A10] =	vst v62  }
0x251: {  	v7 =	vld [tilespmem:s0+$0x260];
	v2 =	vunpack.i.u.bf16.f32 v3;
	[tilespmem:s0+$0x2A40] =	vst v63  }
0x252: {  	v3 =	vunpack.i.l.bf16.f32 v4;
	[tilespmem:s0+$0x3E10] =	vst v2  }
0x253: {  	v2 =	vunpack.i.u.bf16.f32 v4;
	[tilespmem:s0+$0x2A20] =	vst v3  }
0x254: {  	v1 =	vunpack.i.l.bf16.f32 v1;
	v3 =	vunpack.i.l.bf16.f32 v5;
	[tilespmem:s0+$0x3E20] =	vst v2  }
0x255: {  	v4 =	vunpack.i.u.bf16.f32 v6;
	v6 =	vunpack.i.l.bf16.f32 v8;
	v2 =	vunpack.i.u.bf16.f32 v5;
	[tilespmem:s0+$0x2A30] =	vst v3  }
0x256: {  	s8 =	simm.s32 $0x400;
	s1 =	simm.s32 $0x80;
	v3 =	vunpack.i.u.bf16.f32 v8;
	[tilespmem:s0+$0x3E30] =	vst v2;
	v2 =	vunpack.i.u.bf16.f32 v7;
	v5 =	vunpack.i.l.bf16.f32 v7  }
.LBB2_18:
0x257: {  	p0 =	sne.s32 s8, $0x4E00;
	v7 =	vld [tilespmem:s1+$0x270];
	[tilespmem:s0+$0x3E40] =	vst v4  }
0x258: {  	v4 =	vld [tilespmem:s1+$0x200];
	[tilespmem:s0+$0x2A50] =	vst v6  }
0x259: {  	v6 =	vld [tilespmem:s1+$0x210];
	[tilespmem:s0+$0x3E50] =	vst v3  }
0x25a: {  	v3 =	vld [tilespmem:s1+$0x220];
	[tilespmem:s0+$0x2A60] =	vst v5  }
0x25b: {  	v5 =	vld [tilespmem:s1+$0x230];
	[tilespmem:s0+$0x3E60] =	vst v2  }
0x25c: {  	v2 =	vld [tilespmem:s1+$0x240];
	v8 =	vunpack.i.u.bf16.f32 v7;
	[tilespmem:s0+$0x2A70] =	vst v1;
	v1 =	vunpack.i.l.bf16.f32 v7;
	s0 =	smov.u32 s1  }
0x25d: {  	v7 =	vunpack.i.u.bf16.f32 v4;
	v4 =	vunpack.i.l.bf16.f32 v4;
	v9 =	vld [tilespmem:s0+$0x250];
	[tilespmem:s0+$0x3E70] =	vst v8  }
0x25e: {  	[tilespmem:s0+$0x2A00] =	vst v4;
	v4 =	vunpack.i.u.bf16.f32 v6;
	v6 =	vunpack.i.l.bf16.f32 v6;
	v8 =	vld [tilespmem:s0+$0x260]  }
0x25f: {  	[tilespmem:s0+$0x3E00] =	vst v7;
	v7 =	vunpack.i.u.bf16.f32 v3;
	v3 =	vunpack.i.l.bf16.f32 v3  }
0x260: {  	[tilespmem:s0+$0x2A10] =	vst v6;
	v10 =	vunpack.i.u.bf16.f32 v5;
	v11 =	vunpack.i.l.bf16.f32 v5  }
0x261: {  	[tilespmem:s0+$0x3E10] =	vst v4;
	v4 =	vunpack.i.u.bf16.f32 v2;
	v12 =	vunpack.i.l.bf16.f32 v2  }
.Ltmp8:
0x262: {  	[tilespmem:s0+$0x2A20] =	vst v3;
	v3 =	vunpack.i.u.bf16.f32 v9;
	v6 =	vunpack.i.l.bf16.f32 v9;
	(pc) =	sbr.rel @p0 .LBB2_18-.Ltmp8, $4  }
0x263: {  	[tilespmem:s0+$0x3E20] =	vst v7;
	v2 =	vunpack.i.u.bf16.f32 v8;
	v5 =	vunpack.i.l.bf16.f32 v8  }
0x264: {  	[tilespmem:s0+$0x2A30] =	vst v11  }
0x265: {  	[tilespmem:s0+$0x3E30] =	vst v10  }
0x266: {  	s1 =	sshra.s32 s8, $0x2;
	s8 =	sadd.s32 $0x200, s8;
	[tilespmem:s0+$0x2A40] =	vst v12  }
0x267: {  	v7 =	vld [tilespmem:s1+$0x270];
	[tilespmem:s0+$0x3E40] =	vst v4  }
0x268: {  	v4 =	vld [tilespmem:s1+$0x200];
	[tilespmem:s0+$0x2A50] =	vst v6  }
0x269: {  	v6 =	vld [tilespmem:s1+$0x210];
	[tilespmem:s0+$0x3E50] =	vst v3  }
0x26a: {  	v3 =	vld [tilespmem:s1+$0x220];
	[tilespmem:s0+$0x2A60] =	vst v5  }
0x26b: {  	v5 =	vld [tilespmem:s1+$0x230];
	[tilespmem:s0+$0x3E60] =	vst v2  }
0x26c: {  	v2 =	vld [tilespmem:s1+$0x240];
	[tilespmem:s0+$0x2A70] =	vst v1;
	v1 =	vunpack.i.u.bf16.f32 v7  }
0x26d: {  	v9 =	vunpack.i.l.bf16.f32 v4;
	[tilespmem:s1+$0x3E70] =	vst v1  }
0x26e: {  	v1 =	vunpack.i.u.bf16.f32 v4;
	[tilespmem:s1+$0x2A00] =	vst v9  }
0x26f: {  	v60 =	vunpack.i.l.bf16.f32 v6;
	[tilespmem:s1+$0x3E00] =	vst v1  }
0x270: {  	v1 =	vunpack.i.u.bf16.f32 v6;
	[tilespmem:s1+$0x2A10] =	vst v60  }
0x271: {  	v61 =	vunpack.i.l.bf16.f32 v3;
	[tilespmem:s1+$0x3E10] =	vst v1  }
0x272: {  	v8 =	vld [tilespmem:s1+$0x250];
	v1 =	vunpack.i.u.bf16.f32 v3;
	[tilespmem:s1+$0x2A20] =	vst v61  }
0x273: {  	v3 =	vunpack.i.l.bf16.f32 v5;
	[tilespmem:s1+$0x3E20] =	vst v1  }
0x274: {  	v59 =	vld [tilespmem:s1+$0x260];
	v1 =	vunpack.i.u.bf16.f32 v5;
	[tilespmem:s1+$0x2A30] =	vst v3  }
0x275: {  	v3 =	vunpack.i.l.bf16.f32 v2;
	[tilespmem:s1+$0x3E30] =	vst v1  }
0x276: {  	v1 =	vunpack.i.u.bf16.f32 v2;
	[tilespmem:s1+$0x2A40] =	vst v3  }
0x277: {  	v2 =	vunpack.i.l.bf16.f32 v8;
	[tilespmem:s1+$0x3E40] =	vst v1  }
0x278: {  	v1 =	vunpack.i.u.bf16.f32 v8;
	[tilespmem:s1+$0x2A50] =	vst v2  }
0x279: {  	v2 =	vunpack.i.l.bf16.f32 v59;
	[tilespmem:s1+$0x3E50] =	vst v1  }
0x27a: {  	v1 =	vunpack.i.u.bf16.f32 v59;
	[tilespmem:s1+$0x2A60] =	vst v2  }
0x27b: {  	v2 =	vunpack.i.l.bf16.f32 v7;
	[tilespmem:s1+$0x3E60] =	vst v1  }
0x27c: {  	[tilespmem:s1+$0x2A70] =	vst v2  }
0x27d: {  	v1 =	vld [tilespmem:$0x0]  }
0x27e: {  	v2 =	vld [tilespmem:$0x10]  }
0x27f: {  	v3 =	vld [tilespmem:$0x20]  }
0x280: {  	v62 =	vld [tilespmem:$0x30]  }
0x281: {  	v63 =	vld [tilespmem:$0x40]  }
0x282: {  	[tilespmem:$0x100] =	vst v1  }
0x283: {  	[tilespmem:$0x110] =	vst v2  }
0x284: {  	[tilespmem:$0x120] =	vst v3  }
0x285: {  	[tilespmem:$0x130] =	vst v62  }
0x286: {  	[tilespmem:$0x140] =	vst v63  }
0x287: {  	[spmem:s3] =	stream.indirect.scatter.add.f32 [tilespmem:s21], [sflag:$0x5], $0x80, s20, s18, $0xb8;
	[tilespmem:$0x1CE00] =	vst v63  }
0x288: {  	_ =	swait.ge [sflag:s28], $0x2800  }
0x289: {  	[sflag:s28] =	ssyncset.done $0x0  }
0x28a: {  	[sflag:s28] =	ssyncadd.s32 $0xFFFFD800  }
0x28b: {  	_ =	swait.ge [sflag:s26], $0x2800  }
0x28c: {  	[sflag:s26] =	ssyncset.done $0x0  }
0x28d: {  	s8 =	stileid.u32;
	[sflag:s26] =	ssyncadd.s32 $0xFFFFD800  }
0x28e: {  	s0 =	sshll.u32 s8, $0x6;
	[bflag:$0x0] =	sbarrier.arrive $0xFFFF  }
0x28f: {  	s30 =	sshrl.u32 s19, $0x3;
	s0 =	sor.u32 $0x1C07, s0;
	s8 =	rddreg [dreg:$0xe]  }
0x290: {  	[hbm:s8], [sflag:s0] =	dma.local [spmem:s30], $0x2800  }
0x291: {  	_ =	swait.ge [sflag:s12], $0x2800  }
0x292: {  	s29 =	sadd.s32 $0x1, s29;
	s31 =	rddreg [dreg:$0xf]  }
0x293: {  	p0 =	sne.s32 s29, s31  }
.Ltmp9:
0x294: {  	_ = 	snop;
	(pc) =	sbr.rel @p0 .LBB2_1-.Ltmp9, $3  }
0x295: {  	_ =	sdelay $0x1  }
0x296: {  	[sflag:s12] =	ssyncset.done $0x0  }
0x297: {  	[sflag:s12] =	ssyncadd.s32 $0xFFFFD800  }
0x298: {  	_ =	sfence.sel $0x180000  }
0x299: {  	[bflag:$0x0] =	sbarrier.arrive $0xFFFF  }
0x29a: {  	_ =	strace $0x9000004A  }
0x29b: {  	s0 =	stileid.u32;
	[bflag:$0x2] =	sbarrier.arrive $0xFFFF  }
0x29c: {  	p0 =	sne.s32 s0, $0x0;
	s0 =	rddreg [dreg:$0x3]  }
0x29d: {  	s0 =	sadd.s32 @!p0 $0x100000, s0  }
0x29e: {  	[sflag:s0] =	ssyncadd.tile.s32 @!p0 $0x1;
	_ =	shalt  }
.Lfunc_end2:
_tile_overlayer_lowered:
.L_overlay_start_2:
0x29f: {  	(tag) =	ssettag $0x2  }
0x2a0: {  	s0 =	rddreg [dreg:$0x0];
	s2 =	stileid.u32  }
0x2a1: {  	s1 =	rddreg [dreg:$0x1];
	p0 =	sne.s32 s2, $0x0  }
0x2a2: {  	s3 =	rddreg [dreg:$0x2];
	[bflag:$0x3] =	sbarrier.arrive $0xFFFF;
	s2 =	simm.s32 @!p0 $0x1C07  }
0x2a3: {  	[timem:s3], [sflag:s2] =	dma.local @!p0 [hbm:s0], s1  }
0x2a4: {  	s0 =	simm.s32 @!p0 $0x7  }
0x2a5: {  	_ =	swait.ge @!p0 [sflag:s0], s1  }
0x2a6: {  	s1 =	ssub.s32 @!p0 $0x0, s1;
	[sflag:s0] =	ssyncset.done @!p0 $0x0  }
0x2a7: {  	[sflag:s0] =	ssyncadd.s32 @!p0 s1  }
0x2a8: {  	[bflag:$0x3] =	sbarrier.arrive $0xFFFF  }
0x2a9: {  	_ =	shalt  }

// kernel: kernel.7.cloned.1.call-start
scs
__scs_entry_jumppad:
0x0: {  	(pc) =	sbr.rel $0x88, $3  }
0x1: {  	(tag) =	ssettag $0x0;
	lr =	simm.s32 $0x1  }
0x2: {  	[smem:$0x3F98] =	sst lr;
	_ =	strace $0xD0000000  }
0x3: {  	_ = 	snop  }
0x4: {  	_ = 	snop  }
0x5: {  	_ = 	snop  }
0x6: {  	_ = 	snop  }
0x7: {  	_ = 	snop  }
__scs_overlays_trampoline_lowered:
0x8: {  	[smem:$0x3FA7] =	sst s0  }
0x9: {  	[smem:$0x3FA8] =	sst s1  }
0xa: {  	[smem:$0x3FA9] =	sst s2  }
0xb: {  	[smem:$0x3FAA] =	sst s3  }
0xc: {  	[smem:$0x3FAB] =	sst s4  }
0xd: {  	[smem:$0x3FAC] =	sst s5  }
0xe: {  	[smem:$0x3FAD] =	sst s6  }
0xf: {  	[smem:$0x3FAE] =	sst s7  }
0x10: {  	[smem:$0x3FAF] =	sst s8  }
0x11: {  	[smem:$0x3FB0] =	sst s9;
	s0 =	simm.s32 @!p0 $0x0  }
0x12: {  	s1 =	sld [smem:$0x3F96];
	s0 =	simm.s32 @p0 $0x1  }
0x13: {  	[smem:$0x3FB1] =	sst s0;
	s0 =	simm.s32 @!p1 $0x0  }
0x14: {  	s2 =	sld [smem:$0x3F95];
	s0 =	simm.s32 @p1 $0x1  }
0x15: {  	[smem:$0x3FB2] =	sst s0;
	s0 =	simm.s32 @!p2 $0x0  }
0x16: {  	s3 =	sld [smem:$0x3FDB];
	s0 =	simm.s32 @p2 $0x1  }
0x17: {  	s4 =	simm.s32 $0x1BF5;
	[smem:$0x3FB4] =	sst s0  }
0x18: {  	s0 =	sld [smem:$0x3F97];
	_ =	swait.ge [sflag:s4], $0x0  }
0x19: {  	s7 =	sld [smem:$0x3F98]  }
0x1a: {  	s8 =	sadd.s32 $0xFFFFE003, lr  }
0x1b: {  	s9 =	sadd.s32 $0xFFFFFEF7, lr;
	s5 =	simm.s32 $0xFFFFFFFF;
	p2 =	slt.u32 s8, $0xFFFFF086  }
0x1c: {  	p1 =	slt.u32 s9, $0xF7A;
	s5 =	simm.s32 @!p2 $0x0  }
0x1d: {  	s5 =	simm.s32 @p1 $0x1;
	p0 =	seq.s32 s7, s2  }
0x1e: {  	s7 =	smul.u32 @!p0 $0xF7A, s2;
	p2 =	seq.s32 @!p0 s5, $0x0  }
0x1f: {  	s9 =	smul.u32 $0xF7A, s1;
	s8 =	simm.s32 @!p0 $0x1BF5;
	p2 =	por !p2, p0  }
0x20: {  	[sflag:s8] =	ssyncset.s32 @!p0 $0xFFFFF086;
	s6 =	sadd.s32 @!p0 s3, s7;
	s7 =	simm.s32 @!p0 $0x108  }
0x21: {  	s3 =	sadd.s32 s3, s9;
	s6 =	sadd.s32 @!p0 $0x88, s6;
	s7 =	simm.s32 @p2 $0x1082  }
0x22: {  	[simem:s7], [sflag:s8] =	dma.local @!p0 [hbm:s6], $0xF7A  }
0x23: {  	s9 =	sor.u32 $0xD0000000, s2;
	s6 =	simm.s32 $0x108;
	_ =	swait.ge @!p0 [sflag:s8], $0x0  }
0x24: {  	s3 =	sadd.s32 $0x88, s3;
	s6 =	simm.s32 @!p1 $0x1082;
	[sflag:s4] =	ssyncset.s32 $0xFFFFF086  }
0x25: {  	[simem:s6], [sflag:s4] =	dma.local [hbm:s3], $0xF7A  }
0x26: {  	[smem:$0x3F98] =	sst s1;
	(tag) =	ssettag s2;
	_ =	strace s9  }
0x27: {  	s1 =	sld [smem:$0x3FA8]  }
0x28: {  	s2 =	sld [smem:$0x3FA9]  }
0x29: {  	s4 =	sld [smem:$0x3FAB]  }
0x2a: {  	p0 =	seq.s32 s5, $0x0;
	s5 =	sld [smem:$0x3FAC]  }
0x2b: {  	s6 =	sld [smem:$0x3FAD]  }
0x2c: {  	s7 =	sld [smem:$0x3FAE]  }
0x2d: {  	s3 =	simm.s32 $0x108;
	s8 =	sld [smem:$0x3FAF]  }
0x2e: {  	s3 =	simm.s32 @!p0 $0x1082;
	s9 =	sld [smem:$0x3FB0]  }
0x2f: {  	lr =	sadd.s32 s0, s3;
	s0 =	sld [smem:$0x3FA7]  }
0x30: {  	s3 =	sld [smem:$0x3FAA]  }
0x31: {  	[smem:$0x3FB3] =	sst s10  }
0x32: {  	s10 =	sld [smem:$0x3FB1];
	_ =	sdelay $0x3  }
0x33: {  	p0 =	seq.s32 s10, $0x1;
	s10 =	sld [smem:$0x3FB3];
	_ =	sdelay $0x3  }
0x34: {  	[smem:$0x3FB3] =	sst s10  }
0x35: {  	s10 =	sld [smem:$0x3FB2];
	_ =	sdelay $0x3  }
0x36: {  	p1 =	seq.s32 s10, $0x1;
	s10 =	sld [smem:$0x3FB3];
	_ =	sdelay $0x3  }
0x37: {  	[smem:$0x3FB3] =	sst s10  }
0x38: {  	s10 =	sld [smem:$0x3FB4]  }
0x39: {  	_ = 	snop;
	(pc) =	sbr.ind lr, $3  }
0x3a: {  	_ = 	snop  }
0x3b: {  	_ = 	snop  }
0x3c: {  	p2 =	seq.s32 s10, $0x1;
	s10 =	sld [smem:$0x3FB3]  }
0x3d: {  	_ =	shalt  }
0x3e: {  	_ =	shalt  }
0x3f: {  	_ =	shalt  }
0x40: {  	_ =	shalt  }
0x41: {  	_ =	shalt  }
0x42: {  	_ =	shalt  }
0x43: {  	_ =	shalt  }
0x44: {  	_ =	shalt  }
0x45: {  	_ =	shalt  }
0x46: {  	_ =	shalt  }
0x47: {  	_ =	shalt  }
0x48: {  	_ =	shalt  }
0x49: {  	_ =	shalt  }
0x4a: {  	_ =	shalt  }
0x4b: {  	_ =	shalt  }
0x4c: {  	_ =	shalt  }
0x4d: {  	_ =	shalt  }
0x4e: {  	_ =	shalt  }
0x4f: {  	_ =	shalt  }
0x50: {  	_ =	shalt  }
0x51: {  	_ =	shalt  }
0x52: {  	_ =	shalt  }
0x53: {  	_ =	shalt  }
0x54: {  	_ =	shalt  }
0x55: {  	_ =	shalt  }
0x56: {  	_ =	shalt  }
0x57: {  	_ =	shalt  }
0x58: {  	_ =	shalt  }
0x59: {  	_ =	shalt  }
0x5a: {  	_ =	shalt  }
0x5b: {  	_ =	shalt  }
0x5c: {  	_ =	shalt  }
0x5d: {  	_ =	shalt  }
0x5e: {  	_ =	shalt  }
0x5f: {  	_ =	shalt  }
0x60: {  	_ =	shalt  }
0x61: {  	_ =	shalt  }
0x62: {  	_ =	shalt  }
0x63: {  	_ =	shalt  }
0x64: {  	_ =	shalt  }
0x65: {  	_ =	shalt  }
0x66: {  	_ =	shalt  }
0x67: {  	_ =	shalt  }
0x68: {  	_ =	shalt  }
0x69: {  	_ =	shalt  }
0x6a: {  	_ =	shalt  }
0x6b: {  	_ =	shalt  }
0x6c: {  	_ =	shalt  }
0x6d: {  	_ =	shalt  }
0x6e: {  	_ =	shalt  }
0x6f: {  	_ =	shalt  }
0x70: {  	_ =	shalt  }
0x71: {  	_ =	shalt  }
0x72: {  	_ =	shalt  }
0x73: {  	_ =	shalt  }
0x74: {  	_ =	shalt  }
0x75: {  	_ =	shalt  }
0x76: {  	_ =	shalt  }
0x77: {  	_ =	shalt  }
0x78: {  	_ =	shalt  }
0x79: {  	_ =	shalt  }
0x7a: {  	_ =	shalt  }
0x7b: {  	_ =	shalt  }
0x7c: {  	_ =	shalt  }
0x7d: {  	_ =	shalt  }
0x7e: {  	_ =	shalt  }
0x7f: {  	_ =	shalt  }
0x80: {  	_ =	shalt  }
0x81: {  	_ =	shalt  }
0x82: {  	_ =	shalt  }
0x83: {  	_ =	shalt  }
0x84: {  	_ =	shalt  }
0x85: {  	_ =	shalt  }
0x86: {  	_ =	shalt  }
0x87: {  	_ =	shalt  }
.Lfunc_end0:
.L_simem_size_0:
called_computation_lowered:
.L_overlay_start_0:
0x88: {  	s2 =	sld [smem:$0x3FD9]  }
0x89: {  	s3 =	sld [smem:$0x3FFE];
	_ =	sdelay $0x1  }
0x8a: {  	s1 =	srdreg.scid  }
0x8b: {  	s0 =	sand.u32 $0x1, s1  }
0x8c: {  	s17 =	sshll.u32 s0, $0xA;
	s2 =	sadd.s32 s3, s2  }
0x8d: {  	s2 =	sadd.s32 s2, s17  }
0x8e: {  	[smem:$0x3FBF] =	sst s2  }
0x8f: {  	_ = 	snop  }
0x90: {  	s2 =	sld [smem:$0x3FC7];
	(tm) =	ssettm $0x1  }
0x91: {  	s18 =	sld [smem:$0x3FFB];
	_ =	sdelay $0x3  }
0x92: {  	_ =	strace s18  }
0x93: {  	s3 =	sld [smem:$0x3FFC];
	_ =	sdelay $0x3  }
0x94: {  	_ =	strace s3  }
0x95: {  	s3 =	sld [smem:$0x3FFD];
	_ =	sdelay $0x3  }
0x96: {  	_ =	strace s3  }
0x97: {  	_ =	strace $0x8FFFFFFF  }
0x98: {  	s19 =	sld [smem:$0x3FDB];
	_ =	sdelay $0x1  }
0x99: {  	s4 =	simm.s32 $_scs_section_size  }
0x9a: {  	s5 =	simm.s32 $_size__tile_overlayer_lowered;
	s6 =	simm.s32 $_tile_overlayer_lowered  }
0x9b: {  	s22 =	simm.s32 $0x1BFF;
	s21 =	sshll.u32 s6, $0x1;
	s3 =	sadd.s32 s4, s19  }
0x9c: {  	s7 =	simm.s32 $0x0;
	s20 =	sshll.u32 s5, $0x1;
	s5 =	sadd.s32 s21, s3  }
0x9d: {  	[timem:s7], [sflag:s22] =	dma.local [hbm:s5], s20  }
0x9e: {  	_ =	swait.ge [sflag:s22], s20  }
0x9f: {  	s4 =	ssub.s32 $0x0, s20;
	[sflag:s22] =	ssyncset.done $0x0  }
0xa0: {  	[sflag:s22] =	ssyncadd.s32 s4;
	_ =	sdelay $0x1  }
0xa1: {  	s23 =	simm.s32 $0x1B8B  }
0xa2: {  	_ =	swait.ge [sflag:s23], $0x1  }
0xa3: {  	[sflag:s23] =	ssyncset.done $0x0  }
0xa4: {  	s25 =	simm.s32 $0x1B8E;
	s24 =	sld [smem:$0x3FFE];
	[sflag:s23] =	ssyncadd.s32 $0xFFFFFFFF  }
0xa5: {  	s26 =	simm.s32 $execute0_lowered;
	[smem:$0x3FD2] =	sst s25  }
0xa6: {  	s5 =	sshll.u32 s26, $0x1;
	_ =	strace $0x80000046;
	[dreg:$0x1] =	wrdreg $0xFFFFFFFF  }
0xa7: {  	s28 =	simm.s32 $_size_execute0_lowered;
	s3 =	sadd.s32 s3, s5;
	[dreg:$0x0] =	wrdreg $0x0  }
0xa8: {  	s5 =	sshll.u32 s28, $0x1;
	[dreg:$0x2] =	wrdreg s3  }
0xa9: {  	[dreg:$0x3] =	wrdreg s5  }
0xaa: {  	[dreg:$0x4] =	wrdreg $0xC0  }
0xab: {  	_ =	task [dreg:s7], $0x5FFFF  }
0xac: {  	[dreg:$0x1] =	wrdreg $0xFFFFFFFF  }
0xad: {  	[dreg:$0x0] =	wrdreg $0x60  }
0xae: {  	[dreg:$0x2] =	wrdreg s24  }
0xaf: {  	[dreg:$0x3] =	wrdreg s2  }
0xb0: {  	[dreg:$0x4] =	wrdreg $0x8E000  }
0xb1: {  	[dreg:$0x5] =	wrdreg $0x9  }
0xb2: {  	_ =	task.clear_ibuf [dreg:s7], $0x6FFFF;
	_ =	strace $0x90000046  }
0xb3: {  	s29 =	simm.s32 $0x9;
	_ =	strace $0x80000048  }
0xb4: {  	_ =	swait.ge [sflag:s29], $0x1  }
0xb5: {  	[sflag:s29] =	ssyncadd.s32 $0xFFFFFFFF  }
0xb6: {  	_ =	strace $0x90000048  }
0xb7: {  	_ =	sfence  }
0xb8: {  	s30 =	sld [smem:$0x0];
	_ =	sdelay $0x2  }
0xb9: {  	s31 =	sshll.u32 s1, $0xD;
	s1 =	sshrl.u32 s1, $0x2  }
0xba: {  	s3 =	sand.u32 $0x4000, s31;
	s1 =	sadd.s32 s1, s30  }
0xbb: {  	s0 =	sor.u32 s3, s0;
	s1 =	sshll.u32 s1, $0x11  }
0xbc: {  	s0 =	sor.u32 s1, s0  }
0xbd: {  	s0 =	sadd.s32 $0x8F2B, s0  }
0xbe: {  	[sflag:s0] =	ssyncadd.remote.s32 $0x1  }
0xbf: {  	_ =	sfence.sel $0xFFFF  }
0xc0: {  	[dreg:$0x0] =	wrdreg $0xFFFFFFFF;
	(pc) =	sbr.abs _section_cstart, $3  }
0xc1: {  	[dreg:$0x1] =	wrdreg $0xFFFFFFFF  }
0xc2: {  	_ =	task.clear_ibuf [dreg:s7], $0x2FFFF;
	_ =	strace $0x9FFFFFFF  }
0xc3: {  	(tm) =	ssettm $0x7FFFFFFF  }
tec
execute0_lowered:
.L_overlay_start_1:
0x0: {  	(tag) =	ssettag $0x1  }
0x1: {  	s0 =	rddreg [dreg:$0x0]  }
0x2: {  	s1 =	rddreg [dreg:$0x1]  }
0x3: {  	s2 =	rddreg [dreg:$0x2];
	s11 =	stileid.u32  }
0x4: {  	s3 =	srdreg.scid;
	s7 =	smul.u32 $0x14000, s11  }
0x5: {  	s3 =	sand.u32 $0x1, s3;
	s8 =	sshll.u32 s11, $0x1;
	s26 =	smul.u32 $0x50000, s11  }
0x6: {  	s4 =	simm.s32 $0x0;
	s6 =	smul.u32 $0x140000, s3;
	s22 =	sor.u32 s3, s8  }
0x7: {  	[smem:$0x7FF] =	sst s4;
	s9 =	smul.u32 $0x4B000, s22  }
0x8: {  	s5 =	sadd.s32 $0x4E3600, s0;
	s3 =	ssub.s32 $0x2, s3;
	s10 =	smul.u32 $0x9600, s22  }
0x9: {  	_ =	strace $0x80000047;
	s24 =	sshrl.u32 s3, $0x1;
	s6 =	sadd.s32 s7, s6  }
0xa: {  	s3 =	ssub.s32 s3, s24;
	s9 =	sshrl.u32 s9, $0x3;
	s10 =	sadd.s32 s5, s10  }
0xb: {  	s14 =	smax.u32 s3, $0x1;
	[dreg:$0x4] =	wrdreg s10;
	s9 =	sadd.s32 s5, s9  }
0xc: {  	s23 =	sshrl.u32 s6, $0x3;
	[dreg:$0xc] =	wrdreg s14;
	s30 =	sadd.s32 $0x280, s9  }
0xd: {  	s0 =	sadd.s32 s23, s0;
	s12 =	sadd.s32 $0x500, s9;
	[dreg:$0x6] =	wrdreg s30  }
0xe: {  	s10 =	sshrl.u32 s26, $0x2;
	s9 =	sadd.s32 $0x780, s9;
	[dreg:$0x8] =	wrdreg s12  }
0xf: {  	s0 =	sadd.s32 $0x60F600, s0;
	s17 =	sadd.s32 s10, s2;
	[dreg:$0xa] =	wrdreg s9  }
0x10: {  	s28 =	simm.s32 $0x0;
	[dreg:$0xb] =	wrdreg s0;
	s15 =	sadd.s32 $0x1400, s17  }
0x11: {  	s11 =	simm.s32 $0x7;
	s16 =	sadd.s32 $0x2800, s17;
	[dreg:$0xd] =	wrdreg s15  }
0x12: {  	s7 =	smul.u32 $0x960, s22;
	s18 =	sadd.s32 $0x3C00, s17;
	[dreg:$0xe] =	wrdreg s16  }
0x13: {  	s6 =	smul.u32 $0x12C0, s22;
	s19 =	sadd.s32 $0x5000, s17;
	[dreg:$0xf] =	wrdreg s18  }
0x14: {  	s14 =	simm.s32 $0x1600;
	s20 =	sadd.s32 $0x6400, s17;
	[dreg:$0x10] =	wrdreg s19  }
0x15: {  	s25 =	sshrl.u32 s6, $0x3;
	s21 =	sadd.s32 $0x7800, s17;
	[dreg:$0x11] =	wrdreg s20  }
0x16: {  	s10 =	simm.s32 $0x7A00;
	s22 =	sadd.s32 $0x8C00, s17;
	[dreg:$0x12] =	wrdreg s21  }
0x17: {  	s8 =	sadd.s32 s1, s25;
	s23 =	sadd.s32 $0xA000, s17;
	[dreg:$0x13] =	wrdreg s22  }
0x18: {  	s24 =	sadd.s32 $0xB400, s17;
	s25 =	sadd.s32 $0xC800, s17;
	[dreg:$0x14] =	wrdreg s23  }
0x19: {  	s26 =	sadd.s32 $0xDC00, s17;
	s30 =	sadd.s32 $0x10400, s17;
	[dreg:$0x15] =	wrdreg s24  }
0x1a: {  	s9 =	sadd.s32 $0x12C00, s17;
	s12 =	simm.s32 $0x200;
	[dreg:$0x16] =	wrdreg s25  }
0x1b: {  	s29 =	sadd.s32 $0xA, s8;
	s31 =	sadd.s32 $0x14, s8;
	[dreg:$0x17] =	wrdreg s26  }
0x1c: {  	s13 =	sadd.s32 $0x1E, s8;
	[dreg:$0x19] =	wrdreg s30;
	s15 =	simm.s32 $0x1  }
0x1d: {  	s16 =	simm.s32 $0x3;
	s18 =	simm.s32 $0x50;
	s19 =	simm.s32 $0x100  }
0x1e: {  	s20 =	simm.s32 $0x2A00;
	s21 =	simm.s32 $0x2;
	[dreg:$0x5] =	wrdreg s29  }
0x1f: {  	s22 =	simm.s32 $0x4;
	s23 =	simm.s32 $0x180;
	[dreg:$0x7] =	wrdreg s31  }
0x20: {  	s24 =	simm.s32 $0x5200;
	[dreg:$0x9] =	wrdreg s13;
	s29 =	sadd.s32 $0xF000, s17  }
0x21: {  	s25 =	simm.s32 $0x5;
	s31 =	sadd.s32 $0x11800, s17;
	[dreg:$0x18] =	wrdreg s29  }
0x22: {  	v0 =	vimm.f32 $0.0e+00;
	s26 =	simm.s32 $0x6;
	s13 =	simm.s32 $0x80;
	[dreg:$0x1a] =	wrdreg s31  }
.LBB2_1:
0x23: {  	s0 =	sand.u32 $0x7E00, s4  }
0x24: {  	s3 =	sand.u32 $0x70, s4;
	s29 =	sshrl.u32 s0, $0x2  }
0x25: {  	s0 =	simm.s32 $0x40;
	s29 =	sor.u32 s3, s29;
	s3 =	simm.s32 $0x0  }
.LBB2_2:
0x26: {  	p0 =	sne.s32 s0, $0x4FC0  }
0x27: {  	[tilespmem:s29+$0x7A00] =	vst v0;
	s3 =	sadd.s32 $0x10, s3;
	s29 =	smov.u32 s0;
	s0 =	sadd.s32 $0x40, s0  }
.Ltmp0:
0x28: {  	(pc) =	sbr.rel @p0 .LBB2_2-.Ltmp0, $4  }
0x29: {  	_ = 	snop  }
0x2a: {  	s29 =	sand.u32 $0x7E00, s29  }
0x2b: {  	s30 =	sand.u32 $0x70, s3;
	s29 =	sshrl.u32 s29, $0x2  }
0x2c: {  	s29 =	sor.u32 s30, s29  }
0x2d: {  	[tilespmem:s29+$0x7A00] =	vst v0  }
0x2e: {  	[spmem:s17] =	stream.linear.scatter [tilespmem:s10], [sflag:$0x7], $0x1400, $0x38;
	[tilespmem:$0x1CE00] =	vst v63  }
0x2f: {  	_ =	swait.ge [sflag:s11], $0x1400  }
0x30: {  	[sflag:s11] =	ssyncset.done $0x0  }
0x31: {  	s0 =	rddreg [dreg:$0xd];
	[sflag:s11] =	ssyncadd.s32 $0xFFFFEC00  }
0x32: {  	[spmem:s0] =	stream.linear.scatter [tilespmem:s10], [sflag:$0x7], $0x1400, $0x38;
	[tilespmem:$0x1CE00] =	vst v63  }
0x33: {  	_ =	swait.ge [sflag:s11], $0x1400  }
0x34: {  	[sflag:s11] =	ssyncset.done $0x0  }
0x35: {  	s3 =	rddreg [dreg:$0xe];
	[sflag:s11] =	ssyncadd.s32 $0xFFFFEC00  }
0x36: {  	[spmem:s3] =	stream.linear.scatter [tilespmem:s10], [sflag:$0x7], $0x1400, $0x38;
	[tilespmem:$0x1CE00] =	vst v63  }
0x37: {  	_ =	swait.ge [sflag:s11], $0x1400  }
0x38: {  	[sflag:s11] =	ssyncset.done $0x0  }
0x39: {  	s31 =	rddreg [dreg:$0xf];
	[sflag:s11] =	ssyncadd.s32 $0xFFFFEC00  }
0x3a: {  	[spmem:s31] =	stream.linear.scatter [tilespmem:s10], [sflag:$0x7], $0x1400, $0x38;
	[tilespmem:$0x1CE00] =	vst v63  }
0x3b: {  	_ =	swait.ge [sflag:s11], $0x1400  }
0x3c: {  	[sflag:s11] =	ssyncset.done $0x0  }
0x3d: {  	s3 =	rddreg [dreg:$0x10];
	[sflag:s11] =	ssyncadd.s32 $0xFFFFEC00  }
0x3e: {  	[spmem:s3] =	stream.linear.scatter [tilespmem:s10], [sflag:$0x7], $0x1400, $0x38;
	[tilespmem:$0x1CE00] =	vst v63  }
0x3f: {  	_ =	swait.ge [sflag:s11], $0x1400  }
0x40: {  	[sflag:s11] =	ssyncset.done $0x0  }
0x41: {  	s31 =	rddreg [dreg:$0x11];
	[sflag:s11] =	ssyncadd.s32 $0xFFFFEC00  }
0x42: {  	[spmem:s31] =	stream.linear.scatter [tilespmem:s10], [sflag:$0x7], $0x1400, $0x38;
	[tilespmem:$0x1CE00] =	vst v63  }
0x43: {  	_ =	swait.ge [sflag:s11], $0x1400  }
0x44: {  	[sflag:s11] =	ssyncset.done $0x0  }
0x45: {  	s3 =	rddreg [dreg:$0x12];
	[sflag:s11] =	ssyncadd.s32 $0xFFFFEC00  }
0x46: {  	[spmem:s3] =	stream.linear.scatter [tilespmem:s10], [sflag:$0x7], $0x1400, $0x38;
	[tilespmem:$0x1CE00] =	vst v63  }
0x47: {  	_ =	swait.ge [sflag:s11], $0x1400  }
0x48: {  	[sflag:s11] =	ssyncset.done $0x0  }
0x49: {  	s31 =	rddreg [dreg:$0x13];
	[sflag:s11] =	ssyncadd.s32 $0xFFFFEC00  }
0x4a: {  	[spmem:s31] =	stream.linear.scatter [tilespmem:s10], [sflag:$0x7], $0x1400, $0x38;
	[tilespmem:$0x1CE00] =	vst v63  }
0x4b: {  	_ =	swait.ge [sflag:s11], $0x1400  }
0x4c: {  	[sflag:s11] =	ssyncset.done $0x0  }
0x4d: {  	s3 =	rddreg [dreg:$0x14];
	[sflag:s11] =	ssyncadd.s32 $0xFFFFEC00  }
0x4e: {  	[spmem:s3] =	stream.linear.scatter [tilespmem:s10], [sflag:$0x7], $0x1400, $0x38;
	[tilespmem:$0x1CE00] =	vst v63  }
0x4f: {  	_ =	swait.ge [sflag:s11], $0x1400  }
0x50: {  	[sflag:s11] =	ssyncset.done $0x0  }
0x51: {  	s31 =	rddreg [dreg:$0x15];
	[sflag:s11] =	ssyncadd.s32 $0xFFFFEC00  }
0x52: {  	[spmem:s31] =	stream.linear.scatter [tilespmem:s10], [sflag:$0x7], $0x1400, $0x38;
	[tilespmem:$0x1CE00] =	vst v63  }
0x53: {  	_ =	swait.ge [sflag:s11], $0x1400  }
0x54: {  	[sflag:s11] =	ssyncset.done $0x0  }
0x55: {  	s3 =	rddreg [dreg:$0x16];
	[sflag:s11] =	ssyncadd.s32 $0xFFFFEC00  }
0x56: {  	[spmem:s3] =	stream.linear.scatter [tilespmem:s10], [sflag:$0x7], $0x1400, $0x38;
	[tilespmem:$0x1CE00] =	vst v63  }
0x57: {  	_ =	swait.ge [sflag:s11], $0x1400  }
0x58: {  	[sflag:s11] =	ssyncset.done $0x0  }
0x59: {  	s31 =	rddreg [dreg:$0x17];
	[sflag:s11] =	ssyncadd.s32 $0xFFFFEC00  }
0x5a: {  	[spmem:s31] =	stream.linear.scatter [tilespmem:s10], [sflag:$0x7], $0x1400, $0x38;
	[tilespmem:$0x1CE00] =	vst v63  }
0x5b: {  	_ =	swait.ge [sflag:s11], $0x1400  }
0x5c: {  	[sflag:s11] =	ssyncset.done $0x0  }
0x5d: {  	s3 =	rddreg [dreg:$0x18];
	[sflag:s11] =	ssyncadd.s32 $0xFFFFEC00  }
0x5e: {  	[spmem:s3] =	stream.linear.scatter [tilespmem:s10], [sflag:$0x7], $0x1400, $0x38;
	[tilespmem:$0x1CE00] =	vst v63  }
0x5f: {  	_ =	swait.ge [sflag:s11], $0x1400  }
0x60: {  	[sflag:s11] =	ssyncset.done $0x0  }
0x61: {  	s31 =	rddreg [dreg:$0x19];
	[sflag:s11] =	ssyncadd.s32 $0xFFFFEC00  }
0x62: {  	[spmem:s31] =	stream.linear.scatter [tilespmem:s10], [sflag:$0x7], $0x1400, $0x38;
	[tilespmem:$0x1CE00] =	vst v63  }
0x63: {  	_ =	swait.ge [sflag:s11], $0x1400  }
0x64: {  	[sflag:s11] =	ssyncset.done $0x0  }
0x65: {  	s3 =	rddreg [dreg:$0x1a];
	[sflag:s11] =	ssyncadd.s32 $0xFFFFEC00  }
0x66: {  	[spmem:s3] =	stream.linear.scatter [tilespmem:s10], [sflag:$0x7], $0x1400, $0x38;
	[tilespmem:$0x1CE00] =	vst v63  }
0x67: {  	_ =	swait.ge [sflag:s11], $0x1400  }
0x68: {  	[sflag:s11] =	ssyncset.done $0x0  }
0x69: {  	[sflag:s11] =	ssyncadd.s32 $0xFFFFEC00  }
0x6a: {  	[spmem:s9] =	stream.linear.scatter [tilespmem:s10], [sflag:$0x7], $0x1400, $0x38;
	[tilespmem:$0x1CE00] =	vst v63  }
0x6b: {  	_ =	swait.ge [sflag:s11], $0x1400  }
0x6c: {  	[sflag:s11] =	ssyncset.done $0x0  }
0x6d: {  	[sflag:s11] =	ssyncadd.s32 $0xFFFFEC00  }
0x6e: {  	s0 =	simm.s32 $0x0;
	[bflag:$0x0] =	sbarrier.arrive $0xFFFF  }
0x6f: {  	[tilespmem:s0], [sflag:$0x1] =	stream.linear.gather [hbm4b:s8+s0], $0x50, $0x38;
	[tilespmem:$0x1CE00] =	vst v63  }
0x70: {  	s3 =	rddreg [dreg:$0x4]  }
0x71: {  	[tilespmem:s12], [sflag:$0x3] =	stream.linear.gather [hbm4b:s3+s0], $0x1400, $0x38;
	[tilespmem:$0x1CE00] =	vst v63  }
0x72: {  	s31 =	rddreg [dreg:$0x5]  }
0x73: {  	[tilespmem:s13], [sflag:$0x2] =	stream.linear.gather [hbm4b:s31+s0], $0x50, $0x38;
	[tilespmem:$0x1CE00] =	vst v63  }
0x74: {  	s31 =	rddreg [dreg:$0x6]  }
0x75: {  	[tilespmem:s14], [sflag:$0x4] =	stream.linear.gather [hbm4b:s31+s0], $0x1400, $0x38;
	[tilespmem:$0x1CE00] =	vst v63  }
0x76: {  	_ =	swait.ge [sflag:s15], $0x50  }
0x77: {  	[sflag:s15] =	ssyncset.done $0x0  }
0x78: {  	[sflag:s15] =	ssyncadd.s32 $0xFFFFFFB0  }
0x79: {  	_ =	swait.ge [sflag:s16], $0x1400  }
0x7a: {  	[sflag:s16] =	ssyncset.done $0x0  }
0x7b: {  	s29 =	simm.s32 $0x0;
	[sflag:s16] =	ssyncadd.s32 $0xFFFFEC00  }
0x7c: {  	v1 =	vld [tilespmem:s29+$0x270]  }
0x7d: {  	v2 =	vld [tilespmem:s29+$0x200];
	_ =	sdelay $0x1  }
0x7e: {  	v3 =	vld [tilespmem:s29+$0x210]  }
0x7f: {  	v6 =	vld [tilespmem:s29+$0x240]  }
0x80: {  	v7 =	vunpack.i.u.bf16.f32 v1  }
0x81: {  	v4 =	vld [tilespmem:s29+$0x220];
	v9 =	vunpack.i.l.bf16.f32 v2;
	[tilespmem:s29+$0x3E70] =	vst v7  }
0x82: {  	v2 =	vunpack.i.u.bf16.f32 v2;
	[tilespmem:s29+$0x2A00] =	vst v9  }
0x83: {  	v5 =	vld [tilespmem:s29+$0x230];
	v62 =	vunpack.i.l.bf16.f32 v3;
	[tilespmem:s29+$0x3E00] =	vst v2  }
0x84: {  	v8 =	vld [tilespmem:s29+$0x250];
	v63 =	vunpack.i.l.bf16.f32 v6;
	[tilespmem:s29+$0x2A10] =	vst v62  }
0x85: {  	v7 =	vld [tilespmem:s29+$0x260];
	v2 =	vunpack.i.u.bf16.f32 v3;
	[tilespmem:s29+$0x2A40] =	vst v63  }
0x86: {  	v3 =	vunpack.i.l.bf16.f32 v4;
	[tilespmem:s29+$0x3E10] =	vst v2  }
0x87: {  	v2 =	vunpack.i.u.bf16.f32 v4;
	[tilespmem:s29+$0x2A20] =	vst v3  }
0x88: {  	v1 =	vunpack.i.l.bf16.f32 v1;
	v3 =	vunpack.i.l.bf16.f32 v5;
	[tilespmem:s29+$0x3E20] =	vst v2  }
0x89: {  	v4 =	vunpack.i.u.bf16.f32 v6;
	v6 =	vunpack.i.l.bf16.f32 v8;
	v2 =	vunpack.i.u.bf16.f32 v5;
	[tilespmem:s29+$0x2A30] =	vst v3  }
0x8a: {  	s30 =	simm.s32 $0x80;
	s0 =	simm.s32 $0x400;
	v3 =	vunpack.i.u.bf16.f32 v8;
	[tilespmem:s29+$0x3E30] =	vst v2;
	v2 =	vunpack.i.u.bf16.f32 v7;
	v5 =	vunpack.i.l.bf16.f32 v7  }
.LBB2_4:
0x8b: {  	p0 =	sne.s32 s0, $0x4E00;
	v7 =	vld [tilespmem:s30+$0x270];
	[tilespmem:s29+$0x3E40] =	vst v4  }
0x8c: {  	v4 =	vld [tilespmem:s30+$0x200];
	[tilespmem:s29+$0x2A50] =	vst v6  }
0x8d: {  	v6 =	vld [tilespmem:s30+$0x210];
	[tilespmem:s29+$0x3E50] =	vst v3  }
0x8e: {  	v3 =	vld [tilespmem:s30+$0x220];
	[tilespmem:s29+$0x2A60] =	vst v5  }
0x8f: {  	v5 =	vld [tilespmem:s30+$0x230];
	[tilespmem:s29+$0x3E60] =	vst v2  }
0x90: {  	v2 =	vld [tilespmem:s30+$0x240];
	v8 =	vunpack.i.u.bf16.f32 v7;
	[tilespmem:s29+$0x2A70] =	vst v1;
	v1 =	vunpack.i.l.bf16.f32 v7;
	s29 =	smov.u32 s30  }
0x91: {  	v7 =	vunpack.i.u.bf16.f32 v4;
	v4 =	vunpack.i.l.bf16.f32 v4;
	v9 =	vld [tilespmem:s29+$0x250];
	[tilespmem:s29+$0x3E70] =	vst v8  }
0x92: {  	[tilespmem:s29+$0x2A00] =	vst v4;
	v4 =	vunpack.i.u.bf16.f32 v6;
	v6 =	vunpack.i.l.bf16.f32 v6;
	v8 =	vld [tilespmem:s29+$0x260]  }
0x93: {  	[tilespmem:s29+$0x3E00] =	vst v7;
	v7 =	vunpack.i.u.bf16.f32 v3;
	v3 =	vunpack.i.l.bf16.f32 v3  }
0x94: {  	[tilespmem:s29+$0x2A10] =	vst v6;
	v10 =	vunpack.i.u.bf16.f32 v5;
	v11 =	vunpack.i.l.bf16.f32 v5  }
0x95: {  	[tilespmem:s29+$0x3E10] =	vst v4;
	v4 =	vunpack.i.u.bf16.f32 v2;
	v12 =	vunpack.i.l.bf16.f32 v2  }
.Ltmp1:
0x96: {  	[tilespmem:s29+$0x2A20] =	vst v3;
	v3 =	vunpack.i.u.bf16.f32 v9;
	v6 =	vunpack.i.l.bf16.f32 v9;
	(pc) =	sbr.rel @p0 .LBB2_4-.Ltmp1, $4  }
0x97: {  	[tilespmem:s29+$0x3E20] =	vst v7;
	v2 =	vunpack.i.u.bf16.f32 v8;
	v5 =	vunpack.i.l.bf16.f32 v8  }
0x98: {  	[tilespmem:s29+$0x2A30] =	vst v11  }
0x99: {  	[tilespmem:s29+$0x3E30] =	vst v10  }
0x9a: {  	s30 =	sshra.s32 s0, $0x2;
	s0 =	sadd.s32 $0x200, s0;
	[tilespmem:s29+$0x2A40] =	vst v12  }
0x9b: {  	v7 =	vld [tilespmem:s30+$0x270];
	[tilespmem:s29+$0x3E40] =	vst v4  }
0x9c: {  	v4 =	vld [tilespmem:s30+$0x200];
	[tilespmem:s29+$0x2A50] =	vst v6  }
0x9d: {  	v6 =	vld [tilespmem:s30+$0x210];
	[tilespmem:s29+$0x3E50] =	vst v3  }
0x9e: {  	v3 =	vld [tilespmem:s30+$0x220];
	[tilespmem:s29+$0x2A60] =	vst v5  }
0x9f: {  	v5 =	vld [tilespmem:s30+$0x230];
	[tilespmem:s29+$0x3E60] =	vst v2  }
0xa0: {  	v2 =	vld [tilespmem:s30+$0x240];
	[tilespmem:s29+$0x2A70] =	vst v1;
	v1 =	vunpack.i.u.bf16.f32 v7  }
0xa1: {  	v9 =	vunpack.i.l.bf16.f32 v4;
	[tilespmem:s30+$0x3E70] =	vst v1  }
0xa2: {  	v1 =	vunpack.i.u.bf16.f32 v4;
	[tilespmem:s30+$0x2A00] =	vst v9  }
0xa3: {  	v60 =	vunpack.i.l.bf16.f32 v6;
	[tilespmem:s30+$0x3E00] =	vst v1  }
0xa4: {  	v1 =	vunpack.i.u.bf16.f32 v6;
	[tilespmem:s30+$0x2A10] =	vst v60  }
0xa5: {  	v6 =	vunpack.i.l.bf16.f32 v3;
	[tilespmem:s30+$0x3E10] =	vst v1  }
0xa6: {  	v8 =	vld [tilespmem:s30+$0x250];
	v1 =	vunpack.i.u.bf16.f32 v3;
	[tilespmem:s30+$0x2A20] =	vst v6  }
0xa7: {  	v3 =	vunpack.i.l.bf16.f32 v5;
	[tilespmem:s30+$0x3E20] =	vst v1  }
0xa8: {  	v4 =	vld [tilespmem:s30+$0x260];
	v1 =	vunpack.i.u.bf16.f32 v5;
	[tilespmem:s30+$0x2A30] =	vst v3  }
0xa9: {  	v3 =	vunpack.i.l.bf16.f32 v2;
	[tilespmem:s30+$0x3E30] =	vst v1  }
0xaa: {  	v1 =	vunpack.i.u.bf16.f32 v2;
	[tilespmem:s30+$0x2A40] =	vst v3  }
0xab: {  	v2 =	vunpack.i.l.bf16.f32 v8;
	[tilespmem:s30+$0x3E40] =	vst v1  }
0xac: {  	v1 =	vunpack.i.u.bf16.f32 v8;
	[tilespmem:s30+$0x2A50] =	vst v2  }
0xad: {  	v2 =	vunpack.i.l.bf16.f32 v4;
	[tilespmem:s30+$0x3E50] =	vst v1  }
0xae: {  	v1 =	vunpack.i.u.bf16.f32 v4;
	[tilespmem:s30+$0x2A60] =	vst v2  }
0xaf: {  	v2 =	vunpack.i.l.bf16.f32 v7;
	[tilespmem:s30+$0x3E60] =	vst v1  }
0xb0: {  	[tilespmem:s30+$0x2A70] =	vst v2  }
0xb1: {  	v1 =	vld [tilespmem:$0x0]  }
0xb2: {  	v2 =	vld [tilespmem:$0x10]  }
0xb3: {  	v3 =	vld [tilespmem:$0x20]  }
0xb4: {  	v4 =	vld [tilespmem:$0x30]  }
0xb5: {  	v5 =	vld [tilespmem:$0x40]  }
0xb6: {  	[tilespmem:$0x100] =	vst v1  }
0xb7: {  	[tilespmem:$0x110] =	vst v2  }
0xb8: {  	[tilespmem:$0x120] =	vst v3  }
0xb9: {  	[tilespmem:$0x130] =	vst v4  }
0xba: {  	s0 =	simm.s32 $0x0;
	s3 =	rddreg [dreg:$0x7];
	[tilespmem:$0x140] =	vst v5  }
0xbb: {  	[tilespmem:s0], [sflag:$0x1] =	stream.linear.gather [hbm4b:s3+s0], $0x50, $0x38;
	[tilespmem:$0x1CE00] =	vst v63  }
0xbc: {  	s31 =	rddreg [dreg:$0x8]  }
0xbd: {  	[tilespmem:s12], [sflag:$0x3] =	stream.linear.gather [hbm4b:s31+s0], $0x1400, $0x38;
	[tilespmem:$0x1CE00] =	vst v63  }
0xbe: {  	_ = 	snop  }
0xbf: {  	[spmem:s2] =	stream.indirect.scatter.add.f32 [tilespmem:s20], [sflag:$0x5], $0x80, s19, s18, $0xb8;
	[tilespmem:$0x1CE00] =	vst v63  }
0xc0: {  	_ =	swait.ge [sflag:s21], $0x50  }
0xc1: {  	[sflag:s21] =	ssyncset.done $0x0  }
0xc2: {  	[sflag:s21] =	ssyncadd.s32 $0xFFFFFFB0  }
0xc3: {  	_ =	swait.ge [sflag:s22], $0x1400  }
0xc4: {  	[sflag:s22] =	ssyncset.done $0x0  }
0xc5: {  	s29 =	simm.s32 $0x0;
	[sflag:s22] =	ssyncadd.s32 $0xFFFFEC00  }
0xc6: {  	v1 =	vld [tilespmem:s29+$0x1670]  }
0xc7: {  	v2 =	vld [tilespmem:s29+$0x1600];
	_ =	sdelay $0x1  }
0xc8: {  	v3 =	vld [tilespmem:s29+$0x1610]  }
0xc9: {  	v6 =	vld [tilespmem:s29+$0x1640]  }
0xca: {  	v7 =	vunpack.i.u.bf16.f32 v1  }
0xcb: {  	v4 =	vld [tilespmem:s29+$0x1620];
	v61 =	vunpack.i.l.bf16.f32 v2;
	[tilespmem:s29+$0x6670] =	vst v7  }
0xcc: {  	v2 =	vunpack.i.u.bf16.f32 v2;
	[tilespmem:s29+$0x5200] =	vst v61  }
0xcd: {  	v5 =	vld [tilespmem:s29+$0x1630];
	v62 =	vunpack.i.l.bf16.f32 v3;
	[tilespmem:s29+$0x6600] =	vst v2  }
0xce: {  	v8 =	vld [tilespmem:s29+$0x1650];
	v63 =	vunpack.i.l.bf16.f32 v6;
	[tilespmem:s29+$0x5210] =	vst v62  }
0xcf: {  	v7 =	vld [tilespmem:s29+$0x1660];
	v2 =	vunpack.i.u.bf16.f32 v3;
	[tilespmem:s29+$0x5240] =	vst v63  }
0xd0: {  	v3 =	vunpack.i.l.bf16.f32 v4;
	[tilespmem:s29+$0x6610] =	vst v2  }
0xd1: {  	v2 =	vunpack.i.u.bf16.f32 v4;
	[tilespmem:s29+$0x5220] =	vst v3  }
0xd2: {  	v1 =	vunpack.i.l.bf16.f32 v1;
	v3 =	vunpack.i.l.bf16.f32 v5;
	[tilespmem:s29+$0x6620] =	vst v2  }
0xd3: {  	v4 =	vunpack.i.u.bf16.f32 v6;
	v6 =	vunpack.i.l.bf16.f32 v8;
	v2 =	vunpack.i.u.bf16.f32 v5;
	[tilespmem:s29+$0x5230] =	vst v3  }
0xd4: {  	s30 =	simm.s32 $0x80;
	s0 =	simm.s32 $0x400;
	v3 =	vunpack.i.u.bf16.f32 v8;
	[tilespmem:s29+$0x6630] =	vst v2;
	v2 =	vunpack.i.u.bf16.f32 v7;
	v5 =	vunpack.i.l.bf16.f32 v7  }
.LBB2_6:
0xd5: {  	p0 =	sne.s32 s0, $0x4E00;
	v7 =	vld [tilespmem:s30+$0x1670];
	[tilespmem:s29+$0x6640] =	vst v4  }
0xd6: {  	v4 =	vld [tilespmem:s30+$0x1600];
	[tilespmem:s29+$0x5250] =	vst v6  }
0xd7: {  	v6 =	vld [tilespmem:s30+$0x1610];
	[tilespmem:s29+$0x6650] =	vst v3  }
0xd8: {  	v3 =	vld [tilespmem:s30+$0x1620];
	[tilespmem:s29+$0x5260] =	vst v5  }
0xd9: {  	v5 =	vld [tilespmem:s30+$0x1630];
	[tilespmem:s29+$0x6660] =	vst v2  }
0xda: {  	v2 =	vld [tilespmem:s30+$0x1640];
	v8 =	vunpack.i.u.bf16.f32 v7;
	[tilespmem:s29+$0x5270] =	vst v1;
	v1 =	vunpack.i.l.bf16.f32 v7;
	s29 =	smov.u32 s30  }
0xdb: {  	v7 =	vunpack.i.u.bf16.f32 v4;
	v4 =	vunpack.i.l.bf16.f32 v4;
	v9 =	vld [tilespmem:s29+$0x1650];
	[tilespmem:s29+$0x6670] =	vst v8  }
0xdc: {  	[tilespmem:s29+$0x5200] =	vst v4;
	v4 =	vunpack.i.u.bf16.f32 v6;
	v6 =	vunpack.i.l.bf16.f32 v6;
	v8 =	vld [tilespmem:s29+$0x1660]  }
0xdd: {  	[tilespmem:s29+$0x6600] =	vst v7;
	v7 =	vunpack.i.u.bf16.f32 v3;
	v3 =	vunpack.i.l.bf16.f32 v3  }
0xde: {  	[tilespmem:s29+$0x5210] =	vst v6;
	v10 =	vunpack.i.u.bf16.f32 v5;
	v11 =	vunpack.i.l.bf16.f32 v5  }
0xdf: {  	[tilespmem:s29+$0x6610] =	vst v4;
	v4 =	vunpack.i.u.bf16.f32 v2;
	v12 =	vunpack.i.l.bf16.f32 v2  }
.Ltmp2:
0xe0: {  	[tilespmem:s29+$0x5220] =	vst v3;
	v3 =	vunpack.i.u.bf16.f32 v9;
	v6 =	vunpack.i.l.bf16.f32 v9;
	(pc) =	sbr.rel @p0 .LBB2_6-.Ltmp2, $4  }
0xe1: {  	[tilespmem:s29+$0x6620] =	vst v7;
	v2 =	vunpack.i.u.bf16.f32 v8;
	v5 =	vunpack.i.l.bf16.f32 v8  }
0xe2: {  	[tilespmem:s29+$0x5230] =	vst v11  }
0xe3: {  	[tilespmem:s29+$0x6630] =	vst v10  }
0xe4: {  	s30 =	sshra.s32 s0, $0x2;
	s0 =	sadd.s32 $0x200, s0;
	[tilespmem:s29+$0x5240] =	vst v12  }
0xe5: {  	v7 =	vld [tilespmem:s30+$0x1670];
	[tilespmem:s29+$0x6640] =	vst v4  }
0xe6: {  	v4 =	vld [tilespmem:s30+$0x1600];
	[tilespmem:s29+$0x5250] =	vst v6  }
0xe7: {  	v6 =	vld [tilespmem:s30+$0x1610];
	[tilespmem:s29+$0x6650] =	vst v3  }
0xe8: {  	v3 =	vld [tilespmem:s30+$0x1620];
	[tilespmem:s29+$0x5260] =	vst v5  }
0xe9: {  	v5 =	vld [tilespmem:s30+$0x1630];
	[tilespmem:s29+$0x6660] =	vst v2  }
0xea: {  	v2 =	vld [tilespmem:s30+$0x1640];
	[tilespmem:s29+$0x5270] =	vst v1;
	v1 =	vunpack.i.u.bf16.f32 v7  }
0xeb: {  	v9 =	vunpack.i.l.bf16.f32 v4;
	[tilespmem:s30+$0x6670] =	vst v1  }
0xec: {  	v1 =	vunpack.i.u.bf16.f32 v4;
	[tilespmem:s30+$0x5200] =	vst v9  }
0xed: {  	v60 =	vunpack.i.l.bf16.f32 v6;
	[tilespmem:s30+$0x6600] =	vst v1  }
0xee: {  	v1 =	vunpack.i.u.bf16.f32 v6;
	[tilespmem:s30+$0x5210] =	vst v60  }
0xef: {  	v61 =	vunpack.i.l.bf16.f32 v3;
	[tilespmem:s30+$0x6610] =	vst v1  }
0xf0: {  	v8 =	vld [tilespmem:s30+$0x1650];
	v1 =	vunpack.i.u.bf16.f32 v3;
	[tilespmem:s30+$0x5220] =	vst v61  }
0xf1: {  	v3 =	vunpack.i.l.bf16.f32 v5;
	[tilespmem:s30+$0x6620] =	vst v1  }
0xf2: {  	v59 =	vld [tilespmem:s30+$0x1660];
	v1 =	vunpack.i.u.bf16.f32 v5;
	[tilespmem:s30+$0x5230] =	vst v3  }
0xf3: {  	v3 =	vunpack.i.l.bf16.f32 v2;
	[tilespmem:s30+$0x6630] =	vst v1  }
0xf4: {  	v1 =	vunpack.i.u.bf16.f32 v2;
	[tilespmem:s30+$0x5240] =	vst v3  }
0xf5: {  	v2 =	vunpack.i.l.bf16.f32 v8;
	[tilespmem:s30+$0x6640] =	vst v1  }
0xf6: {  	v1 =	vunpack.i.u.bf16.f32 v8;
	[tilespmem:s30+$0x5250] =	vst v2  }
0xf7: {  	v2 =	vunpack.i.l.bf16.f32 v59;
	[tilespmem:s30+$0x6650] =	vst v1  }
0xf8: {  	v1 =	vunpack.i.u.bf16.f32 v59;
	[tilespmem:s30+$0x5260] =	vst v2  }
0xf9: {  	v2 =	vunpack.i.l.bf16.f32 v7;
	[tilespmem:s30+$0x6660] =	vst v1  }
0xfa: {  	[tilespmem:s30+$0x5270] =	vst v2  }
0xfb: {  	v1 =	vld [tilespmem:$0x80]  }
0xfc: {  	v2 =	vld [tilespmem:$0x90]  }
0xfd: {  	v3 =	vld [tilespmem:$0xA0]  }
0xfe: {  	v62 =	vld [tilespmem:$0xB0]  }
0xff: {  	v63 =	vld [tilespmem:$0xC0]  }
0x100: {  	[tilespmem:$0x180] =	vst v1  }
0x101: {  	[tilespmem:$0x190] =	vst v2  }
0x102: {  	[tilespmem:$0x1A0] =	vst v3  }
0x103: {  	[tilespmem:$0x1B0] =	vst v62  }
0x104: {  	s0 =	rddreg [dreg:$0x9];
	[tilespmem:$0x1C0] =	vst v63  }
0x105: {  	[tilespmem:s13], [sflag:$0x2] =	stream.linear.gather [hbm4b:s0+s4], $0x50, $0x38;
	[tilespmem:$0x1CE00] =	vst v63  }
0x106: {  	s31 =	rddreg [dreg:$0xa]  }
0x107: {  	[tilespmem:s14], [sflag:$0x4] =	stream.linear.gather [hbm4b:s31+s4], $0x1400, $0x38;
	[tilespmem:$0x1CE00] =	vst v63  }
0x108: {  	s29 =	simm.s32 $0x1  }
0x109: {  	[spmem:s2] =	stream.indirect.scatter.add.f32 [tilespmem:s24], [sflag:$0x6], $0x80, s23, s18, $0xb8;
	[tilespmem:$0x1CE00] =	vst v63  }
.LBB2_8:
0x10a: {  	_ =	swait.ge [sflag:s15], $0x50  }
0x10b: {  	[sflag:s15] =	ssyncset.done $0x0  }
0x10c: {  	[sflag:s15] =	ssyncadd.s32 $0xFFFFFFB0  }
0x10d: {  	_ =	swait.ge [sflag:s16], $0x1400  }
0x10e: {  	[sflag:s16] =	ssyncset.done $0x0  }
0x10f: {  	[sflag:s16] =	ssyncadd.s32 $0xFFFFEC00  }
0x110: {  	_ =	swait.ge [sflag:s25], $0x2800  }
0x111: {  	[sflag:s25] =	ssyncset.done $0x0  }
0x112: {  	s30 =	simm.s32 $0x0;
	[sflag:s25] =	ssyncadd.s32 $0xFFFFD800  }
0x113: {  	v1 =	vld [tilespmem:s30+$0x270]  }
0x114: {  	v2 =	vld [tilespmem:s30+$0x200];
	_ =	sdelay $0x1  }
0x115: {  	v3 =	vld [tilespmem:s30+$0x210]  }
0x116: {  	v6 =	vld [tilespmem:s30+$0x240]  }
0x117: {  	v7 =	vunpack.i.u.bf16.f32 v1  }
0x118: {  	v4 =	vld [tilespmem:s30+$0x220];
	v9 =	vunpack.i.l.bf16.f32 v2;
	[tilespmem:s30+$0x3E70] =	vst v7  }
0x119: {  	v2 =	vunpack.i.u.bf16.f32 v2;
	[tilespmem:s30+$0x2A00] =	vst v9  }
0x11a: {  	v5 =	vld [tilespmem:s30+$0x230];
	v62 =	vunpack.i.l.bf16.f32 v3;
	[tilespmem:s30+$0x3E00] =	vst v2  }
0x11b: {  	v8 =	vld [tilespmem:s30+$0x250];
	v63 =	vunpack.i.l.bf16.f32 v6;
	[tilespmem:s30+$0x2A10] =	vst v62  }
0x11c: {  	v7 =	vld [tilespmem:s30+$0x260];
	v2 =	vunpack.i.u.bf16.f32 v3;
	[tilespmem:s30+$0x2A40] =	vst v63  }
0x11d: {  	v3 =	vunpack.i.l.bf16.f32 v4;
	[tilespmem:s30+$0x3E10] =	vst v2  }
0x11e: {  	v2 =	vunpack.i.u.bf16.f32 v4;
	[tilespmem:s30+$0x2A20] =	vst v3  }
0x11f: {  	v1 =	vunpack.i.l.bf16.f32 v1;
	v3 =	vunpack.i.l.bf16.f32 v5;
	[tilespmem:s30+$0x3E20] =	vst v2  }
0x120: {  	v4 =	vunpack.i.u.bf16.f32 v6;
	v6 =	vunpack.i.l.bf16.f32 v8;
	v2 =	vunpack.i.u.bf16.f32 v5;
	[tilespmem:s30+$0x2A30] =	vst v3  }
0x121: {  	s31 =	simm.s32 $0x80;
	s0 =	simm.s32 $0x400;
	v3 =	vunpack.i.u.bf16.f32 v8;
	[tilespmem:s30+$0x3E30] =	vst v2;
	v2 =	vunpack.i.u.bf16.f32 v7;
	v5 =	vunpack.i.l.bf16.f32 v7  }
.LBB2_9:
0x122: {  	p0 =	sne.s32 s0, $0x4E00;
	v7 =	vld [tilespmem:s31+$0x270];
	[tilespmem:s30+$0x3E40] =	vst v4  }
0x123: {  	v4 =	vld [tilespmem:s31+$0x200];
	[tilespmem:s30+$0x2A50] =	vst v6  }
0x124: {  	v6 =	vld [tilespmem:s31+$0x210];
	[tilespmem:s30+$0x3E50] =	vst v3  }
0x125: {  	v3 =	vld [tilespmem:s31+$0x220];
	[tilespmem:s30+$0x2A60] =	vst v5  }
0x126: {  	v5 =	vld [tilespmem:s31+$0x230];
	[tilespmem:s30+$0x3E60] =	vst v2  }
0x127: {  	v2 =	vld [tilespmem:s31+$0x240];
	v8 =	vunpack.i.u.bf16.f32 v7;
	[tilespmem:s30+$0x2A70] =	vst v1;
	v1 =	vunpack.i.l.bf16.f32 v7;
	s30 =	smov.u32 s31  }
0x128: {  	v7 =	vunpack.i.u.bf16.f32 v4;
	v4 =	vunpack.i.l.bf16.f32 v4;
	v9 =	vld [tilespmem:s30+$0x250];
	[tilespmem:s30+$0x3E70] =	vst v8  }
0x129: {  	[tilespmem:s30+$0x2A00] =	vst v4;
	v4 =	vunpack.i.u.bf16.f32 v6;
	v6 =	vunpack.i.l.bf16.f32 v6;
	v8 =	vld [tilespmem:s30+$0x260]  }
0x12a: {  	[tilespmem:s30+$0x3E00] =	vst v7;
	v7 =	vunpack.i.u.bf16.f32 v3;
	v3 =	vunpack.i.l.bf16.f32 v3  }
0x12b: {  	[tilespmem:s30+$0x2A10] =	vst v6;
	v10 =	vunpack.i.u.bf16.f32 v5;
	v11 =	vunpack.i.l.bf16.f32 v5  }
0x12c: {  	[tilespmem:s30+$0x3E10] =	vst v4;
	v4 =	vunpack.i.u.bf16.f32 v2;
	v12 =	vunpack.i.l.bf16.f32 v2  }
.Ltmp3:
0x12d: {  	[tilespmem:s30+$0x2A20] =	vst v3;
	v3 =	vunpack.i.u.bf16.f32 v9;
	v6 =	vunpack.i.l.bf16.f32 v9;
	(pc) =	sbr.rel @p0 .LBB2_9-.Ltmp3, $4  }
0x12e: {  	[tilespmem:s30+$0x3E20] =	vst v7;
	v2 =	vunpack.i.u.bf16.f32 v8;
	v5 =	vunpack.i.l.bf16.f32 v8  }
0x12f: {  	[tilespmem:s30+$0x2A30] =	vst v11  }
0x130: {  	[tilespmem:s30+$0x3E30] =	vst v10  }
0x131: {  	s31 =	sshra.s32 s0, $0x2;
	s0 =	sadd.s32 $0x200, s0;
	[tilespmem:s30+$0x2A40] =	vst v12  }
0x132: {  	v7 =	vld [tilespmem:s31+$0x270];
	[tilespmem:s30+$0x3E40] =	vst v4  }
0x133: {  	v4 =	vld [tilespmem:s31+$0x200];
	[tilespmem:s30+$0x2A50] =	vst v6  }
0x134: {  	v6 =	vld [tilespmem:s31+$0x210];
	[tilespmem:s30+$0x3E50] =	vst v3  }
0x135: {  	v3 =	vld [tilespmem:s31+$0x220];
	[tilespmem:s30+$0x2A60] =	vst v5  }
0x136: {  	v5 =	vld [tilespmem:s31+$0x230];
	[tilespmem:s30+$0x3E60] =	vst v2  }
0x137: {  	v2 =	vld [tilespmem:s31+$0x240];
	[tilespmem:s30+$0x2A70] =	vst v1;
	v1 =	vunpack.i.u.bf16.f32 v7  }
0x138: {  	v9 =	vunpack.i.l.bf16.f32 v4;
	[tilespmem:s31+$0x3E70] =	vst v1  }
0x139: {  	v1 =	vunpack.i.u.bf16.f32 v4;
	[tilespmem:s31+$0x2A00] =	vst v9  }
0x13a: {  	v60 =	vunpack.i.l.bf16.f32 v6;
	[tilespmem:s31+$0x3E00] =	vst v1  }
0x13b: {  	v1 =	vunpack.i.u.bf16.f32 v6;
	[tilespmem:s31+$0x2A10] =	vst v60  }
0x13c: {  	v6 =	vunpack.i.l.bf16.f32 v3;
	[tilespmem:s31+$0x3E10] =	vst v1  }
0x13d: {  	v8 =	vld [tilespmem:s31+$0x250];
	v1 =	vunpack.i.u.bf16.f32 v3;
	[tilespmem:s31+$0x2A20] =	vst v6  }
0x13e: {  	v3 =	vunpack.i.l.bf16.f32 v5;
	[tilespmem:s31+$0x3E20] =	vst v1  }
0x13f: {  	v4 =	vld [tilespmem:s31+$0x260];
	v1 =	vunpack.i.u.bf16.f32 v5;
	[tilespmem:s31+$0x2A30] =	vst v3  }
0x140: {  	v3 =	vunpack.i.l.bf16.f32 v2;
	[tilespmem:s31+$0x3E30] =	vst v1  }
0x141: {  	v1 =	vunpack.i.u.bf16.f32 v2;
	[tilespmem:s31+$0x2A40] =	vst v3  }
0x142: {  	v2 =	vunpack.i.l.bf16.f32 v8;
	[tilespmem:s31+$0x3E40] =	vst v1  }
0x143: {  	v1 =	vunpack.i.u.bf16.f32 v8;
	[tilespmem:s31+$0x2A50] =	vst v2  }
0x144: {  	v2 =	vunpack.i.l.bf16.f32 v4;
	[tilespmem:s31+$0x3E50] =	vst v1  }
0x145: {  	v1 =	vunpack.i.u.bf16.f32 v4;
	[tilespmem:s31+$0x2A60] =	vst v2  }
0x146: {  	v2 =	vunpack.i.l.bf16.f32 v7;
	[tilespmem:s31+$0x3E60] =	vst v1  }
0x147: {  	[tilespmem:s31+$0x2A70] =	vst v2  }
0x148: {  	v1 =	vld [tilespmem:$0x0]  }
0x149: {  	v2 =	vld [tilespmem:$0x10]  }
0x14a: {  	v3 =	vld [tilespmem:$0x20]  }
0x14b: {  	s30 =	sshll.u32 s29, $0x1;
	v4 =	vld [tilespmem:$0x30]  }
0x14c: {  	s0 =	sadd.s32 $0x2, s30;
	v5 =	vld [tilespmem:$0x40]  }
0x14d: {  	s3 =	smul.u32 $0x50, s0;
	[tilespmem:$0x100] =	vst v1  }
0x14e: {  	s0 =	smul.u32 $0x28, s0;
	[tilespmem:$0x110] =	vst v2  }
0x14f: {  	s3 =	sadd.s32 s6, s3;
	[tilespmem:$0x120] =	vst v3  }
0x150: {  	s0 =	sadd.s32 s7, s0;
	s3 =	sshrl.u32 s3, $0x3;
	[tilespmem:$0x130] =	vst v4  }
0x151: {  	s0 =	sshll.u32 s0, $0x4;
	s3 =	sadd.s32 s1, s3;
	s31 =	simm.s32 $0x0;
	[tilespmem:$0x140] =	vst v5  }
0x152: {  	[tilespmem:s31], [sflag:$0x1] =	stream.linear.gather [hbm4b:s3+s31], $0x50, $0x38;
	[tilespmem:$0x1CE00] =	vst v63  }
0x153: {  	s0 =	sadd.s32 s5, s0  }
0x154: {  	[tilespmem:s12], [sflag:$0x3] =	stream.linear.gather [hbm4b:s0+s31], $0x1400, $0x38;
	[tilespmem:$0x1CE00] =	vst v63  }
0x155: {  	_ = 	snop  }
0x156: {  	[spmem:s2] =	stream.indirect.scatter.add.f32 [tilespmem:s20], [sflag:$0x5], $0x80, s19, s18, $0xb8;
	[tilespmem:$0x1CE00] =	vst v63  }
0x157: {  	_ =	swait.ge [sflag:s21], $0x50  }
0x158: {  	[sflag:s21] =	ssyncset.done $0x0  }
0x159: {  	[sflag:s21] =	ssyncadd.s32 $0xFFFFFFB0  }
0x15a: {  	_ =	swait.ge [sflag:s22], $0x1400  }
0x15b: {  	[sflag:s22] =	ssyncset.done $0x0  }
0x15c: {  	[sflag:s22] =	ssyncadd.s32 $0xFFFFEC00  }
0x15d: {  	_ =	swait.ge [sflag:s26], $0x2800  }
0x15e: {  	[sflag:s26] =	ssyncset.done $0x0  }
0x15f: {  	s31 =	simm.s32 $0x0;
	[sflag:s26] =	ssyncadd.s32 $0xFFFFD800  }
0x160: {  	v1 =	vld [tilespmem:s31+$0x1670]  }
0x161: {  	v2 =	vld [tilespmem:s31+$0x1600];
	_ =	sdelay $0x1  }
0x162: {  	v3 =	vld [tilespmem:s31+$0x1610]  }
0x163: {  	v6 =	vld [tilespmem:s31+$0x1640]  }
0x164: {  	v7 =	vunpack.i.u.bf16.f32 v1  }
0x165: {  	v4 =	vld [tilespmem:s31+$0x1620];
	v61 =	vunpack.i.l.bf16.f32 v2;
	[tilespmem:s31+$0x6670] =	vst v7  }
0x166: {  	v2 =	vunpack.i.u.bf16.f32 v2;
	[tilespmem:s31+$0x5200] =	vst v61  }
0x167: {  	v5 =	vld [tilespmem:s31+$0x1630];
	v62 =	vunpack.i.l.bf16.f32 v3;
	[tilespmem:s31+$0x6600] =	vst v2  }
0x168: {  	v8 =	vld [tilespmem:s31+$0x1650];
	v63 =	vunpack.i.l.bf16.f32 v6;
	[tilespmem:s31+$0x5210] =	vst v62  }
0x169: {  	v7 =	vld [tilespmem:s31+$0x1660];
	v2 =	vunpack.i.u.bf16.f32 v3;
	[tilespmem:s31+$0x5240] =	vst v63  }
0x16a: {  	v3 =	vunpack.i.l.bf16.f32 v4;
	[tilespmem:s31+$0x6610] =	vst v2  }
0x16b: {  	v2 =	vunpack.i.u.bf16.f32 v4;
	[tilespmem:s31+$0x5220] =	vst v3  }
0x16c: {  	v1 =	vunpack.i.l.bf16.f32 v1;
	v3 =	vunpack.i.l.bf16.f32 v5;
	[tilespmem:s31+$0x6620] =	vst v2  }
0x16d: {  	v4 =	vunpack.i.u.bf16.f32 v6;
	v6 =	vunpack.i.l.bf16.f32 v8;
	v2 =	vunpack.i.u.bf16.f32 v5;
	[tilespmem:s31+$0x5230] =	vst v3  }
0x16e: {  	s3 =	simm.s32 $0x400;
	s0 =	simm.s32 $0x80;
	v3 =	vunpack.i.u.bf16.f32 v8;
	[tilespmem:s31+$0x6630] =	vst v2;
	v2 =	vunpack.i.u.bf16.f32 v7;
	v5 =	vunpack.i.l.bf16.f32 v7  }
.LBB2_11:
0x16f: {  	p0 =	sne.s32 s3, $0x4E00;
	v7 =	vld [tilespmem:s0+$0x1670];
	[tilespmem:s31+$0x6640] =	vst v4  }
0x170: {  	v4 =	vld [tilespmem:s0+$0x1600];
	[tilespmem:s31+$0x5250] =	vst v6  }
0x171: {  	v6 =	vld [tilespmem:s0+$0x1610];
	[tilespmem:s31+$0x6650] =	vst v3  }
0x172: {  	v3 =	vld [tilespmem:s0+$0x1620];
	[tilespmem:s31+$0x5260] =	vst v5  }
0x173: {  	v5 =	vld [tilespmem:s0+$0x1630];
	[tilespmem:s31+$0x6660] =	vst v2  }
0x174: {  	v2 =	vld [tilespmem:s0+$0x1640];
	v8 =	vunpack.i.u.bf16.f32 v7;
	[tilespmem:s31+$0x5270] =	vst v1;
	v1 =	vunpack.i.l.bf16.f32 v7;
	s31 =	smov.u32 s0  }
0x175: {  	v7 =	vunpack.i.u.bf16.f32 v4;
	v4 =	vunpack.i.l.bf16.f32 v4;
	v9 =	vld [tilespmem:s31+$0x1650];
	[tilespmem:s31+$0x6670] =	vst v8  }
0x176: {  	[tilespmem:s31+$0x5200] =	vst v4;
	v4 =	vunpack.i.u.bf16.f32 v6;
	v6 =	vunpack.i.l.bf16.f32 v6;
	v8 =	vld [tilespmem:s31+$0x1660]  }
0x177: {  	[tilespmem:s31+$0x6600] =	vst v7;
	v7 =	vunpack.i.u.bf16.f32 v3;
	v3 =	vunpack.i.l.bf16.f32 v3  }
0x178: {  	[tilespmem:s31+$0x5210] =	vst v6;
	v10 =	vunpack.i.u.bf16.f32 v5;
	v11 =	vunpack.i.l.bf16.f32 v5  }
0x179: {  	[tilespmem:s31+$0x6610] =	vst v4;
	v4 =	vunpack.i.u.bf16.f32 v2;
	v12 =	vunpack.i.l.bf16.f32 v2  }
.Ltmp4:
0x17a: {  	[tilespmem:s31+$0x5220] =	vst v3;
	v3 =	vunpack.i.u.bf16.f32 v9;
	v6 =	vunpack.i.l.bf16.f32 v9;
	(pc) =	sbr.rel @p0 .LBB2_11-.Ltmp4, $4  }
0x17b: {  	[tilespmem:s31+$0x6620] =	vst v7;
	v2 =	vunpack.i.u.bf16.f32 v8;
	v5 =	vunpack.i.l.bf16.f32 v8  }
0x17c: {  	[tilespmem:s31+$0x5230] =	vst v11  }
0x17d: {  	[tilespmem:s31+$0x6630] =	vst v10  }
0x17e: {  	s0 =	sshra.s32 s3, $0x2;
	s3 =	sadd.s32 $0x200, s3;
	[tilespmem:s31+$0x5240] =	vst v12  }
0x17f: {  	v7 =	vld [tilespmem:s0+$0x1670];
	[tilespmem:s31+$0x6640] =	vst v4  }
0x180: {  	v4 =	vld [tilespmem:s0+$0x1600];
	[tilespmem:s31+$0x5250] =	vst v6  }
0x181: {  	v6 =	vld [tilespmem:s0+$0x1610];
	[tilespmem:s31+$0x6650] =	vst v3  }
0x182: {  	v3 =	vld [tilespmem:s0+$0x1620];
	[tilespmem:s31+$0x5260] =	vst v5  }
0x183: {  	v5 =	vld [tilespmem:s0+$0x1630];
	[tilespmem:s31+$0x6660] =	vst v2  }
0x184: {  	v2 =	vld [tilespmem:s0+$0x1640];
	[tilespmem:s31+$0x5270] =	vst v1;
	v1 =	vunpack.i.u.bf16.f32 v7  }
0x185: {  	v9 =	vunpack.i.l.bf16.f32 v4;
	[tilespmem:s0+$0x6670] =	vst v1  }
0x186: {  	v1 =	vunpack.i.u.bf16.f32 v4;
	[tilespmem:s0+$0x5200] =	vst v9  }
0x187: {  	v60 =	vunpack.i.l.bf16.f32 v6;
	[tilespmem:s0+$0x6600] =	vst v1  }
0x188: {  	v1 =	vunpack.i.u.bf16.f32 v6;
	[tilespmem:s0+$0x5210] =	vst v60  }
0x189: {  	v61 =	vunpack.i.l.bf16.f32 v3;
	[tilespmem:s0+$0x6610] =	vst v1  }
0x18a: {  	v8 =	vld [tilespmem:s0+$0x1650];
	v1 =	vunpack.i.u.bf16.f32 v3;
	[tilespmem:s0+$0x5220] =	vst v61  }
0x18b: {  	v3 =	vunpack.i.l.bf16.f32 v5;
	[tilespmem:s0+$0x6620] =	vst v1  }
0x18c: {  	v59 =	vld [tilespmem:s0+$0x1660];
	v1 =	vunpack.i.u.bf16.f32 v5;
	[tilespmem:s0+$0x5230] =	vst v3  }
0x18d: {  	v3 =	vunpack.i.l.bf16.f32 v2;
	[tilespmem:s0+$0x6630] =	vst v1  }
0x18e: {  	v1 =	vunpack.i.u.bf16.f32 v2;
	[tilespmem:s0+$0x5240] =	vst v3  }
0x18f: {  	v2 =	vunpack.i.l.bf16.f32 v8;
	[tilespmem:s0+$0x6640] =	vst v1  }
0x190: {  	v1 =	vunpack.i.u.bf16.f32 v8;
	[tilespmem:s0+$0x5250] =	vst v2  }
0x191: {  	v2 =	vunpack.i.l.bf16.f32 v59;
	[tilespmem:s0+$0x6650] =	vst v1  }
0x192: {  	v1 =	vunpack.i.u.bf16.f32 v59;
	[tilespmem:s0+$0x5260] =	vst v2  }
0x193: {  	v2 =	vunpack.i.l.bf16.f32 v7;
	[tilespmem:s0+$0x6660] =	vst v1  }
0x194: {  	[tilespmem:s0+$0x5270] =	vst v2  }
0x195: {  	v1 =	vld [tilespmem:$0x80]  }
0x196: {  	v2 =	vld [tilespmem:$0x90]  }
0x197: {  	v3 =	vld [tilespmem:$0xA0]  }
0x198: {  	v62 =	vld [tilespmem:$0xB0]  }
0x199: {  	s31 =	sadd.s32 $0x3, s30;
	v63 =	vld [tilespmem:$0xC0]  }
0x19a: {  	s3 =	smul.u32 $0x50, s31;
	[tilespmem:$0x180] =	vst v1  }
0x19b: {  	[tilespmem:$0x190] =	vst v2  }
0x19c: {  	s3 =	sadd.s32 s6, s3;
	s0 =	smul.u32 $0x28, s31;
	[tilespmem:$0x1A0] =	vst v3  }
0x19d: {  	s29 =	sadd.s32 $0x1, s29;
	s3 =	sshrl.u32 s3, $0x3;
	[tilespmem:$0x1B0] =	vst v62  }
0x19e: {  	p0 =	sne.s32 s29, $0x1D;
	s3 =	sadd.s32 s1, s3;
	s0 =	sadd.s32 s7, s0;
	[tilespmem:$0x1C0] =	vst v63  }
0x19f: {  	[tilespmem:s13], [sflag:$0x2] =	stream.linear.gather [hbm4b:s3+s4], $0x50, $0x38;
	[tilespmem:$0x1CE00] =	vst v63  }
.Ltmp5:
0x1a0: {  	s0 =	sshll.u32 s0, $0x4;
	(pc) =	sbr.rel @p0 .LBB2_8-.Ltmp5, $4  }
0x1a1: {  	s0 =	sadd.s32 s5, s0  }
0x1a2: {  	[tilespmem:s14], [sflag:$0x4] =	stream.linear.gather [hbm4b:s0+s4], $0x1400, $0x38;
	[tilespmem:$0x1CE00] =	vst v63  }
0x1a3: {  	_ = 	snop  }
0x1a4: {  	[spmem:s2] =	stream.indirect.scatter.add.f32 [tilespmem:s24], [sflag:$0x6], $0x80, s23, s18, $0xb8;
	[tilespmem:$0x1CE00] =	vst v63  }
0x1a5: {  	_ =	swait.ge [sflag:s15], $0x50  }
0x1a6: {  	[sflag:s15] =	ssyncset.done $0x0  }
0x1a7: {  	[sflag:s15] =	ssyncadd.s32 $0xFFFFFFB0  }
0x1a8: {  	_ =	swait.ge [sflag:s16], $0x1400  }
0x1a9: {  	[sflag:s16] =	ssyncset.done $0x0  }
0x1aa: {  	[sflag:s16] =	ssyncadd.s32 $0xFFFFEC00  }
0x1ab: {  	_ =	swait.ge [sflag:s25], $0x2800  }
0x1ac: {  	[sflag:s25] =	ssyncset.done $0x0  }
0x1ad: {  	s29 =	simm.s32 $0x0;
	[sflag:s25] =	ssyncadd.s32 $0xFFFFD800  }
0x1ae: {  	v1 =	vld [tilespmem:s29+$0x270]  }
0x1af: {  	v2 =	vld [tilespmem:s29+$0x200];
	_ =	sdelay $0x1  }
0x1b0: {  	v3 =	vld [tilespmem:s29+$0x210]  }
0x1b1: {  	v6 =	vld [tilespmem:s29+$0x240]  }
0x1b2: {  	v7 =	vunpack.i.u.bf16.f32 v1  }
0x1b3: {  	v4 =	vld [tilespmem:s29+$0x220];
	v9 =	vunpack.i.l.bf16.f32 v2;
	[tilespmem:s29+$0x3E70] =	vst v7  }
0x1b4: {  	v2 =	vunpack.i.u.bf16.f32 v2;
	[tilespmem:s29+$0x2A00] =	vst v9  }
0x1b5: {  	v5 =	vld [tilespmem:s29+$0x230];
	v62 =	vunpack.i.l.bf16.f32 v3;
	[tilespmem:s29+$0x3E00] =	vst v2  }
0x1b6: {  	v8 =	vld [tilespmem:s29+$0x250];
	v63 =	vunpack.i.l.bf16.f32 v6;
	[tilespmem:s29+$0x2A10] =	vst v62  }
0x1b7: {  	v7 =	vld [tilespmem:s29+$0x260];
	v2 =	vunpack.i.u.bf16.f32 v3;
	[tilespmem:s29+$0x2A40] =	vst v63  }
0x1b8: {  	v3 =	vunpack.i.l.bf16.f32 v4;
	[tilespmem:s29+$0x3E10] =	vst v2  }
0x1b9: {  	v2 =	vunpack.i.u.bf16.f32 v4;
	[tilespmem:s29+$0x2A20] =	vst v3  }
0x1ba: {  	v1 =	vunpack.i.l.bf16.f32 v1;
	v3 =	vunpack.i.l.bf16.f32 v5;
	[tilespmem:s29+$0x3E20] =	vst v2  }
0x1bb: {  	v4 =	vunpack.i.u.bf16.f32 v6;
	v6 =	vunpack.i.l.bf16.f32 v8;
	v2 =	vunpack.i.u.bf16.f32 v5;
	[tilespmem:s29+$0x2A30] =	vst v3  }
0x1bc: {  	s0 =	simm.s32 $0x80;
	s3 =	simm.s32 $0x400;
	v3 =	vunpack.i.u.bf16.f32 v8;
	[tilespmem:s29+$0x3E30] =	vst v2;
	v2 =	vunpack.i.u.bf16.f32 v7;
	v5 =	vunpack.i.l.bf16.f32 v7  }
.LBB2_14:
0x1bd: {  	p0 =	sne.s32 s3, $0x4E00;
	v7 =	vld [tilespmem:s0+$0x270];
	[tilespmem:s29+$0x3E40] =	vst v4  }
0x1be: {  	v4 =	vld [tilespmem:s0+$0x200];
	[tilespmem:s29+$0x2A50] =	vst v6  }
0x1bf: {  	v6 =	vld [tilespmem:s0+$0x210];
	[tilespmem:s29+$0x3E50] =	vst v3  }
0x1c0: {  	v3 =	vld [tilespmem:s0+$0x220];
	[tilespmem:s29+$0x2A60] =	vst v5  }
0x1c1: {  	v5 =	vld [tilespmem:s0+$0x230];
	[tilespmem:s29+$0x3E60] =	vst v2  }
0x1c2: {  	v2 =	vld [tilespmem:s0+$0x240];
	v8 =	vunpack.i.u.bf16.f32 v7;
	[tilespmem:s29+$0x2A70] =	vst v1;
	v1 =	vunpack.i.l.bf16.f32 v7;
	s29 =	smov.u32 s0  }
0x1c3: {  	v7 =	vunpack.i.u.bf16.f32 v4;
	v4 =	vunpack.i.l.bf16.f32 v4;
	v9 =	vld [tilespmem:s29+$0x250];
	[tilespmem:s29+$0x3E70] =	vst v8  }
0x1c4: {  	[tilespmem:s29+$0x2A00] =	vst v4;
	v4 =	vunpack.i.u.bf16.f32 v6;
	v6 =	vunpack.i.l.bf16.f32 v6;
	v8 =	vld [tilespmem:s29+$0x260]  }
0x1c5: {  	[tilespmem:s29+$0x3E00] =	vst v7;
	v7 =	vunpack.i.u.bf16.f32 v3;
	v3 =	vunpack.i.l.bf16.f32 v3  }
0x1c6: {  	[tilespmem:s29+$0x2A10] =	vst v6;
	v10 =	vunpack.i.u.bf16.f32 v5;
	v11 =	vunpack.i.l.bf16.f32 v5  }
0x1c7: {  	[tilespmem:s29+$0x3E10] =	vst v4;
	v4 =	vunpack.i.u.bf16.f32 v2;
	v12 =	vunpack.i.l.bf16.f32 v2  }
.Ltmp6:
0x1c8: {  	[tilespmem:s29+$0x2A20] =	vst v3;
	v3 =	vunpack.i.u.bf16.f32 v9;
	v6 =	vunpack.i.l.bf16.f32 v9;
	(pc) =	sbr.rel @p0 .LBB2_14-.Ltmp6, $4  }
0x1c9: {  	[tilespmem:s29+$0x3E20] =	vst v7;
	v2 =	vunpack.i.u.bf16.f32 v8;
	v5 =	vunpack.i.l.bf16.f32 v8  }
0x1ca: {  	[tilespmem:s29+$0x2A30] =	vst v11  }
0x1cb: {  	[tilespmem:s29+$0x3E30] =	vst v10  }
0x1cc: {  	s0 =	sshra.s32 s3, $0x2;
	s3 =	sadd.s32 $0x200, s3;
	[tilespmem:s29+$0x2A40] =	vst v12  }
0x1cd: {  	v7 =	vld [tilespmem:s0+$0x270];
	[tilespmem:s29+$0x3E40] =	vst v4  }
0x1ce: {  	v4 =	vld [tilespmem:s0+$0x200];
	[tilespmem:s29+$0x2A50] =	vst v6  }
0x1cf: {  	v6 =	vld [tilespmem:s0+$0x210];
	[tilespmem:s29+$0x3E50] =	vst v3  }
0x1d0: {  	v3 =	vld [tilespmem:s0+$0x220];
	[tilespmem:s29+$0x2A60] =	vst v5  }
0x1d1: {  	v5 =	vld [tilespmem:s0+$0x230];
	[tilespmem:s29+$0x3E60] =	vst v2  }
0x1d2: {  	v2 =	vld [tilespmem:s0+$0x240];
	[tilespmem:s29+$0x2A70] =	vst v1;
	v1 =	vunpack.i.u.bf16.f32 v7  }
0x1d3: {  	v9 =	vunpack.i.l.bf16.f32 v4;
	[tilespmem:s0+$0x3E70] =	vst v1  }
0x1d4: {  	v1 =	vunpack.i.u.bf16.f32 v4;
	[tilespmem:s0+$0x2A00] =	vst v9  }
0x1d5: {  	v60 =	vunpack.i.l.bf16.f32 v6;
	[tilespmem:s0+$0x3E00] =	vst v1  }
0x1d6: {  	v1 =	vunpack.i.u.bf16.f32 v6;
	[tilespmem:s0+$0x2A10] =	vst v60  }
0x1d7: {  	v6 =	vunpack.i.l.bf16.f32 v3;
	[tilespmem:s0+$0x3E10] =	vst v1  }
0x1d8: {  	v8 =	vld [tilespmem:s0+$0x250];
	v1 =	vunpack.i.u.bf16.f32 v3;
	[tilespmem:s0+$0x2A20] =	vst v6  }
0x1d9: {  	v3 =	vunpack.i.l.bf16.f32 v5;
	[tilespmem:s0+$0x3E20] =	vst v1  }
0x1da: {  	v4 =	vld [tilespmem:s0+$0x260];
	v1 =	vunpack.i.u.bf16.f32 v5;
	[tilespmem:s0+$0x2A30] =	vst v3  }
0x1db: {  	v3 =	vunpack.i.l.bf16.f32 v2;
	[tilespmem:s0+$0x3E30] =	vst v1  }
0x1dc: {  	v1 =	vunpack.i.u.bf16.f32 v2;
	[tilespmem:s0+$0x2A40] =	vst v3  }
0x1dd: {  	v2 =	vunpack.i.l.bf16.f32 v8;
	[tilespmem:s0+$0x3E40] =	vst v1  }
0x1de: {  	v1 =	vunpack.i.u.bf16.f32 v8;
	[tilespmem:s0+$0x2A50] =	vst v2  }
0x1df: {  	v2 =	vunpack.i.l.bf16.f32 v4;
	[tilespmem:s0+$0x3E50] =	vst v1  }
0x1e0: {  	v1 =	vunpack.i.u.bf16.f32 v4;
	[tilespmem:s0+$0x2A60] =	vst v2  }
0x1e1: {  	v2 =	vunpack.i.l.bf16.f32 v7;
	[tilespmem:s0+$0x3E60] =	vst v1  }
0x1e2: {  	[tilespmem:s0+$0x2A70] =	vst v2  }
0x1e3: {  	v1 =	vld [tilespmem:$0x0]  }
0x1e4: {  	v2 =	vld [tilespmem:$0x10]  }
0x1e5: {  	v3 =	vld [tilespmem:$0x20]  }
0x1e6: {  	v4 =	vld [tilespmem:$0x30]  }
0x1e7: {  	v5 =	vld [tilespmem:$0x40]  }
0x1e8: {  	[tilespmem:$0x100] =	vst v1  }
0x1e9: {  	[tilespmem:$0x110] =	vst v2  }
0x1ea: {  	[tilespmem:$0x120] =	vst v3  }
0x1eb: {  	[tilespmem:$0x130] =	vst v4  }
0x1ec: {  	[tilespmem:$0x140] =	vst v5  }
0x1ed: {  	[spmem:s2] =	stream.indirect.scatter.add.f32 [tilespmem:s20], [sflag:$0x5], $0x80, s19, s18, $0xb8;
	[tilespmem:$0x1CE00] =	vst v63  }
0x1ee: {  	_ =	swait.ge [sflag:s21], $0x50  }
0x1ef: {  	[sflag:s21] =	ssyncset.done $0x0  }
0x1f0: {  	[sflag:s21] =	ssyncadd.s32 $0xFFFFFFB0  }
0x1f1: {  	_ =	swait.ge [sflag:s22], $0x1400  }
0x1f2: {  	[sflag:s22] =	ssyncset.done $0x0  }
0x1f3: {  	[sflag:s22] =	ssyncadd.s32 $0xFFFFEC00  }
0x1f4: {  	_ =	swait.ge [sflag:s26], $0x2800  }
0x1f5: {  	[sflag:s26] =	ssyncset.done $0x0  }
0x1f6: {  	s29 =	simm.s32 $0x0;
	[sflag:s26] =	ssyncadd.s32 $0xFFFFD800  }
0x1f7: {  	v1 =	vld [tilespmem:s29+$0x1670]  }
0x1f8: {  	v2 =	vld [tilespmem:s29+$0x1600];
	_ =	sdelay $0x1  }
0x1f9: {  	v3 =	vld [tilespmem:s29+$0x1610]  }
0x1fa: {  	v6 =	vld [tilespmem:s29+$0x1640]  }
0x1fb: {  	v7 =	vunpack.i.u.bf16.f32 v1  }
0x1fc: {  	v4 =	vld [tilespmem:s29+$0x1620];
	v61 =	vunpack.i.l.bf16.f32 v2;
	[tilespmem:s29+$0x6670] =	vst v7  }
0x1fd: {  	v2 =	vunpack.i.u.bf16.f32 v2;
	[tilespmem:s29+$0x5200] =	vst v61  }
0x1fe: {  	v5 =	vld [tilespmem:s29+$0x1630];
	v62 =	vunpack.i.l.bf16.f32 v3;
	[tilespmem:s29+$0x6600] =	vst v2  }
0x1ff: {  	v8 =	vld [tilespmem:s29+$0x1650];
	v63 =	vunpack.i.l.bf16.f32 v6;
	[tilespmem:s29+$0x5210] =	vst v62  }
0x200: {  	v7 =	vld [tilespmem:s29+$0x1660];
	v2 =	vunpack.i.u.bf16.f32 v3;
	[tilespmem:s29+$0x5240] =	vst v63  }
0x201: {  	v3 =	vunpack.i.l.bf16.f32 v4;
	[tilespmem:s29+$0x6610] =	vst v2  }
0x202: {  	v2 =	vunpack.i.u.bf16.f32 v4;
	[tilespmem:s29+$0x5220] =	vst v3  }
0x203: {  	v1 =	vunpack.i.l.bf16.f32 v1;
	v3 =	vunpack.i.l.bf16.f32 v5;
	[tilespmem:s29+$0x6620] =	vst v2  }
0x204: {  	v4 =	vunpack.i.u.bf16.f32 v6;
	v6 =	vunpack.i.l.bf16.f32 v8;
	v2 =	vunpack.i.u.bf16.f32 v5;
	[tilespmem:s29+$0x5230] =	vst v3  }
0x205: {  	s3 =	simm.s32 $0x400;
	s0 =	simm.s32 $0x80;
	v3 =	vunpack.i.u.bf16.f32 v8;
	[tilespmem:s29+$0x6630] =	vst v2;
	v2 =	vunpack.i.u.bf16.f32 v7;
	v5 =	vunpack.i.l.bf16.f32 v7  }
.LBB2_16:
0x206: {  	p0 =	sne.s32 s3, $0x4E00;
	v7 =	vld [tilespmem:s0+$0x1670];
	[tilespmem:s29+$0x6640] =	vst v4  }
0x207: {  	v4 =	vld [tilespmem:s0+$0x1600];
	[tilespmem:s29+$0x5250] =	vst v6  }
0x208: {  	v6 =	vld [tilespmem:s0+$0x1610];
	[tilespmem:s29+$0x6650] =	vst v3  }
0x209: {  	v3 =	vld [tilespmem:s0+$0x1620];
	[tilespmem:s29+$0x5260] =	vst v5  }
0x20a: {  	v5 =	vld [tilespmem:s0+$0x1630];
	[tilespmem:s29+$0x6660] =	vst v2  }
0x20b: {  	v2 =	vld [tilespmem:s0+$0x1640];
	v8 =	vunpack.i.u.bf16.f32 v7;
	[tilespmem:s29+$0x5270] =	vst v1;
	v1 =	vunpack.i.l.bf16.f32 v7;
	s29 =	smov.u32 s0  }
0x20c: {  	v7 =	vunpack.i.u.bf16.f32 v4;
	v4 =	vunpack.i.l.bf16.f32 v4;
	v9 =	vld [tilespmem:s29+$0x1650];
	[tilespmem:s29+$0x6670] =	vst v8  }
0x20d: {  	[tilespmem:s29+$0x5200] =	vst v4;
	v4 =	vunpack.i.u.bf16.f32 v6;
	v6 =	vunpack.i.l.bf16.f32 v6;
	v8 =	vld [tilespmem:s29+$0x1660]  }
0x20e: {  	[tilespmem:s29+$0x6600] =	vst v7;
	v7 =	vunpack.i.u.bf16.f32 v3;
	v3 =	vunpack.i.l.bf16.f32 v3  }
0x20f: {  	[tilespmem:s29+$0x5210] =	vst v6;
	v10 =	vunpack.i.u.bf16.f32 v5;
	v11 =	vunpack.i.l.bf16.f32 v5  }
0x210: {  	[tilespmem:s29+$0x6610] =	vst v4;
	v4 =	vunpack.i.u.bf16.f32 v2;
	v12 =	vunpack.i.l.bf16.f32 v2  }
.Ltmp7:
0x211: {  	[tilespmem:s29+$0x5220] =	vst v3;
	v3 =	vunpack.i.u.bf16.f32 v9;
	v6 =	vunpack.i.l.bf16.f32 v9;
	(pc) =	sbr.rel @p0 .LBB2_16-.Ltmp7, $4  }
0x212: {  	[tilespmem:s29+$0x6620] =	vst v7;
	v2 =	vunpack.i.u.bf16.f32 v8;
	v5 =	vunpack.i.l.bf16.f32 v8  }
0x213: {  	[tilespmem:s29+$0x5230] =	vst v11  }
0x214: {  	[tilespmem:s29+$0x6630] =	vst v10  }
0x215: {  	s0 =	sshra.s32 s3, $0x2;
	s3 =	sadd.s32 $0x200, s3;
	[tilespmem:s29+$0x5240] =	vst v12  }
0x216: {  	v7 =	vld [tilespmem:s0+$0x1670];
	[tilespmem:s29+$0x6640] =	vst v4  }
0x217: {  	v4 =	vld [tilespmem:s0+$0x1600];
	[tilespmem:s29+$0x5250] =	vst v6  }
0x218: {  	v6 =	vld [tilespmem:s0+$0x1610];
	[tilespmem:s29+$0x6650] =	vst v3  }
0x219: {  	v3 =	vld [tilespmem:s0+$0x1620];
	[tilespmem:s29+$0x5260] =	vst v5  }
0x21a: {  	v5 =	vld [tilespmem:s0+$0x1630];
	[tilespmem:s29+$0x6660] =	vst v2  }
0x21b: {  	v2 =	vld [tilespmem:s0+$0x1640];
	[tilespmem:s29+$0x5270] =	vst v1;
	v1 =	vunpack.i.u.bf16.f32 v7  }
0x21c: {  	v9 =	vunpack.i.l.bf16.f32 v4;
	[tilespmem:s0+$0x6670] =	vst v1  }
0x21d: {  	v1 =	vunpack.i.u.bf16.f32 v4;
	[tilespmem:s0+$0x5200] =	vst v9  }
0x21e: {  	v60 =	vunpack.i.l.bf16.f32 v6;
	[tilespmem:s0+$0x6600] =	vst v1  }
0x21f: {  	v1 =	vunpack.i.u.bf16.f32 v6;
	[tilespmem:s0+$0x5210] =	vst v60  }
0x220: {  	v61 =	vunpack.i.l.bf16.f32 v3;
	[tilespmem:s0+$0x6610] =	vst v1  }
0x221: {  	v8 =	vld [tilespmem:s0+$0x1650];
	v1 =	vunpack.i.u.bf16.f32 v3;
	[tilespmem:s0+$0x5220] =	vst v61  }
0x222: {  	v3 =	vunpack.i.l.bf16.f32 v5;
	[tilespmem:s0+$0x6620] =	vst v1  }
0x223: {  	v59 =	vld [tilespmem:s0+$0x1660];
	v1 =	vunpack.i.u.bf16.f32 v5;
	[tilespmem:s0+$0x5230] =	vst v3  }
0x224: {  	v3 =	vunpack.i.l.bf16.f32 v2;
	[tilespmem:s0+$0x6630] =	vst v1  }
0x225: {  	v1 =	vunpack.i.u.bf16.f32 v2;
	[tilespmem:s0+$0x5240] =	vst v3  }
0x226: {  	v2 =	vunpack.i.l.bf16.f32 v8;
	[tilespmem:s0+$0x6640] =	vst v1  }
0x227: {  	v1 =	vunpack.i.u.bf16.f32 v8;
	[tilespmem:s0+$0x5250] =	vst v2  }
0x228: {  	v2 =	vunpack.i.l.bf16.f32 v59;
	[tilespmem:s0+$0x6650] =	vst v1  }
0x229: {  	v1 =	vunpack.i.u.bf16.f32 v59;
	[tilespmem:s0+$0x5260] =	vst v2  }
0x22a: {  	v2 =	vunpack.i.l.bf16.f32 v7;
	[tilespmem:s0+$0x6660] =	vst v1  }
0x22b: {  	[tilespmem:s0+$0x5270] =	vst v2  }
0x22c: {  	v1 =	vld [tilespmem:$0x80]  }
0x22d: {  	v2 =	vld [tilespmem:$0x90]  }
0x22e: {  	v3 =	vld [tilespmem:$0xA0]  }
0x22f: {  	v62 =	vld [tilespmem:$0xB0]  }
0x230: {  	v63 =	vld [tilespmem:$0xC0]  }
0x231: {  	[tilespmem:$0x180] =	vst v1  }
0x232: {  	[tilespmem:$0x190] =	vst v2  }
0x233: {  	[tilespmem:$0x1A0] =	vst v3  }
0x234: {  	[tilespmem:$0x1B0] =	vst v62  }
0x235: {  	[tilespmem:$0x1C0] =	vst v63  }
0x236: {  	[spmem:s2] =	stream.indirect.scatter.add.f32 [tilespmem:s24], [sflag:$0x6], $0x80, s23, s18, $0xb8;
	[tilespmem:$0x1CE00] =	vst v63  }
0x237: {  	_ =	swait.ge [sflag:s25], $0x2800  }
0x238: {  	[sflag:s25] =	ssyncset.done $0x0  }
0x239: {  	[sflag:s25] =	ssyncadd.s32 $0xFFFFD800  }
0x23a: {  	_ =	swait.ge [sflag:s26], $0x2800  }
0x23b: {  	[sflag:s26] =	ssyncset.done $0x0  }
0x23c: {  	s29 =	stileid.u32;
	[sflag:s26] =	ssyncadd.s32 $0xFFFFD800  }
0x23d: {  	s0 =	sshll.u32 s29, $0x6;
	[bflag:$0x0] =	sbarrier.arrive $0xFFFF  }
0x23e: {  	s3 =	sshrl.u32 s17, $0x3;
	s0 =	sor.u32 $0x1C07, s0;
	s30 =	rddreg [dreg:$0xb]  }
0x23f: {  	[hbm:s30], [sflag:s0] =	dma.local [spmem:s3], $0x2800  }
0x240: {  	_ =	swait.ge [sflag:s11], $0x2800  }
0x241: {  	s28 =	sadd.s32 $0x1, s28;
	s31 =	rddreg [dreg:$0xc]  }
0x242: {  	p0 =	sne.s32 s28, s31  }
.Ltmp8:
0x243: {  	_ = 	snop;
	(pc) =	sbr.rel @p0 .LBB2_1-.Ltmp8, $3  }
0x244: {  	_ =	sdelay $0x1  }
0x245: {  	[sflag:s11] =	ssyncset.done $0x0  }
0x246: {  	[sflag:s11] =	ssyncadd.s32 $0xFFFFD800  }
0x247: {  	_ =	sfence.sel $0x180000  }
0x248: {  	[bflag:$0x0] =	sbarrier.arrive $0xFFFF  }
0x249: {  	_ =	strace $0x90000047  }
0x24a: {  	s0 =	stileid.u32;
	[bflag:$0x2] =	sbarrier.arrive $0xFFFF  }
0x24b: {  	p0 =	sne.s32 s0, $0x0;
	s0 =	rddreg [dreg:$0x3]  }
0x24c: {  	s0 =	sadd.s32 @!p0 $0x100000, s0  }
0x24d: {  	[sflag:s0] =	ssyncadd.tile.s32 @!p0 $0x1;
	_ =	shalt  }
.Lfunc_end2:
_tile_overlayer_lowered:
.L_overlay_start_2:
0x24e: {  	(tag) =	ssettag $0x2  }
0x24f: {  	s0 =	rddreg [dreg:$0x0];
	s2 =	stileid.u32  }
0x250: {  	s1 =	rddreg [dreg:$0x1];
	p0 =	sne.s32 s2, $0x0  }
0x251: {  	s3 =	rddreg [dreg:$0x2];
	[bflag:$0x3] =	sbarrier.arrive $0xFFFF;
	s2 =	simm.s32 @!p0 $0x1C07  }
0x252: {  	[timem:s3], [sflag:s2] =	dma.local @!p0 [hbm:s0], s1  }
0x253: {  	s0 =	simm.s32 @!p0 $0x7  }
0x254: {  	_ =	swait.ge @!p0 [sflag:s0], s1  }
0x255: {  	s1 =	ssub.s32 @!p0 $0x0, s1;
	[sflag:s0] =	ssyncset.done @!p0 $0x0  }
0x256: {  	[sflag:s0] =	ssyncadd.s32 @!p0 s1  }
0x257: {  	[bflag:$0x3] =	sbarrier.arrive $0xFFFF  }
0x258: {  	_ =	shalt  }

</sc_bundles>
